<compile_context>
chip_gen: v7x
topology: tpu7x:2x2x1
jax: 0.10.2.dev20260603
libtpu: 0.0.44.dev20260713+nightly
codegen_flags: <defaults>
</compile_context>

<pallas_src>
import jax
import jax.numpy as jnp
from jax import lax
from jax.experimental import pallas as pl
from jax.experimental.pallas import tpu as pltpu
from jax.experimental.pallas import tpu_sc as plsc

GRID = 64
G3 = GRID * GRID * GRID
N = 100000
NTILES = 16
PPT = 6272
NPAD = NTILES * PPT
ROWS = PPT // 16
STRIPE = G3 // NTILES
NQ = 8
QB = STRIPE // NQ
THRESH = 0.7569


def _splat(v, dt=jnp.float32):
    return lax.broadcast(jnp.asarray(v, dt), (16,))


def _body(x_hbm, out_hbm, xin0, xin1, xin2, idxb, v0, v1, v2,
          idxc, w0, w1, w2, ones, zbuf,
          na0, na1, na2, na3, no0, no1, no2,
          nb0, nb1, nb2, nb3, np0, np1, np2,
          sema, semb, semz, semx, semn0, semn1, semo0, semo1,
          acc0, acc1, acc2, acc3):
    core = lax.axis_index("c")
    sid = lax.axis_index("s")
    accs = (acc0, acc1, acc2, acc3)
    xins = (xin0, xin1, xin2)
    nas = ((na0, na1, na2, na3), (nb0, nb1, nb2, nb3))
    nos = ((no0, no1, no2), (np0, np1, np2))
    semn = (semn0, semn1)
    semo = (semo0, semo1)

    def zrow(i, _):
        zbuf[pl.ds(i * 16, 16)] = _splat(0.0)
        return 0
    lax.fori_loop(0, QB // 16, zrow, 0)
    for k in range(8):
        ones[pl.ds(k * 16, 16)] = _splat(1.0)
    dumpv = lax.broadcast(G3 + sid * 128, (16,)) + lax.broadcasted_iota(jnp.int32, (16,), 0)

    def zfire(q):
        for accr in accs:
            pltpu.async_copy(zbuf, accr.at[pl.ds(sid * STRIPE + q * QB, QB)],
                             semz)

    def zwait(q):
        for accr in accs:
            pltpu.make_async_copy(
                zbuf, accr.at[pl.ds(sid * STRIPE + q * QB, QB)], semz).wait()

    for rep in range(2):
        b = core * 2 + rep

        if rep == 0:
            base = sid * PPT
            for ax in range(3):
                pltpu.async_copy(
                    x_hbm.at[pl.ds((b * 3 + ax) * NPAD + base, PPT)],
                    xins[ax], semx)
            zfire(0)

            def zplane(q, _):
                zfire(q)
                zwait(q - 1)
                return 0
            lax.fori_loop(1, NQ, zplane, 0)
            zwait(NQ - 1)
            for ax in range(3):
                pltpu.make_async_copy(
                    x_hbm.at[pl.ds((b * 3 + ax) * NPAD + base, PPT)],
                    xins[ax], semx).wait()
        else:
            base = sid * PPT
            for ax in range(3):
                pltpu.make_async_copy(
                    x_hbm.at[pl.ds((b * 3 + ax) * NPAD + base, PPT)],
                    xins[ax], semx).wait()
            zwait(NQ - 1)
        plsc.subcore_barrier()

        def compute_row(j, idxr, vr):
            p = j * 16
            f32 = jnp.float32
            i32 = jnp.int32
            half = _splat(0.5)
            g = _splat(64.0)
            zi = _splat(0, i32)
            mi = _splat(GRID - 1, i32)
            onei = _splat(1, i32)
            i1 = []
            i2 = []
            r1 = []
            r2 = []
            s1 = []
            s2 = []
            for ax in range(3):
                ta = (xins[ax][pl.ds(p, 16)] + half) * g - half
                ia = ta.astype(i32)
                up = jnp.where(ta > ia.astype(f32), onei, zi)
                ib = ia + up
                ia = jnp.minimum(jnp.maximum(ia, zi), mi)
                ib = jnp.minimum(jnp.maximum(ib, zi), mi)
                ra = ta - ia.astype(f32)
                rb = ta - ib.astype(f32)
                i1.append(ia)
                i2.append(ib)
                r1.append(ra)
                r2.append(rb)
                s1.append(ra * ra)
                s2.append(rb * rb)
            s12 = _splat(12, i32)
            s6 = _splat(6, i32)
            X = (lax.shift_left(i1[0], s12), lax.shift_left(i2[0], s12))
            Y = (lax.shift_left(i1[1], s6), lax.shift_left(i2[1], s6))
            Z = (i1[2], i2[2])
            SX = (s1[0], s2[0])
            SY = (s1[1], s2[1])
            SZ = (s1[2], s2[2])
            RX = (r1[0], r2[0])
            RY = (r1[1], r2[1])
            RZ = (r1[2], r2[2])
            th = _splat(THRESH)
            c = 0
            for a in range(2):
                for bb in range(2):
                    for cc in range(2):
                        d2 = (SX[a] + SY[bb]) + SZ[cc]
                        idx = (X[a] + Y[bb]) + Z[cc]
                        idx = jnp.where(d2 < th, idx, dumpv + _splat(c * 16, i32))
                        sl = pl.ds(c * 16, 16)
                        idxr[sl] = idx
                        vr[0][sl] = RX[a]
                        vr[1][sl] = RY[bb]
                        vr[2][sl] = RZ[cc]
                        c += 1

        def fire(idxr, vr, sem):
            for accr, v in zip(accs, vr + (ones,)):
                pltpu.async_copy(v, accr.at[idxr], sem, add=True)

        def drain(idxr, vr, sem):
            for accr, v in zip(accs, vr + (ones,)):
                pltpu.make_async_copy(v, accr.at[idxr], sem).wait()

        vsa = (v0, v1, v2)
        vsb = (w0, w1, w2)
        compute_row(0, idxb, vsa)
        fire(idxb, vsa, sema)
        compute_row(1, idxc, vsb)
        fire(idxc, vsb, semb)

        def pair(m, _):
            drain(idxb, vsa, sema)
            compute_row(2 * m, idxb, vsa)
            fire(idxb, vsa, sema)
            drain(idxc, vsb, semb)
            compute_row(2 * m + 1, idxc, vsb)
            fire(idxc, vsb, semb)
            return 0

        lax.fori_loop(1, ROWS // 2, pair, 0)
        drain(idxb, vsa, sema)
        drain(idxc, vsb, semb)
        plsc.subcore_barrier()
        if rep == 0:
            nbase = sid * PPT
            for ax in range(3):
                pltpu.async_copy(
                    x_hbm.at[pl.ds(((b + 1) * 3 + ax) * NPAD + nbase, PPT)],
                    xins[ax], semx)

        def nfire_in(q, s):
            nb = sid * STRIPE + q * QB
            for ch in range(4):
                pltpu.async_copy(accs[ch].at[pl.ds(nb, QB)], nas[s][ch],
                                 semn[s])

        def nwait_in(q, s):
            nb = sid * STRIPE + q * QB
            for ch in range(4):
                pltpu.make_async_copy(accs[ch].at[pl.ds(nb, QB)], nas[s][ch],
                                      semn[s]).wait()

        def nfire_out(q, s):
            nb = sid * STRIPE + q * QB
            for ch in range(3):
                pltpu.async_copy(
                    nos[s][ch], out_hbm.at[pl.ds((b * 3 + ch) * G3 + nb, QB)],
                    semo[s])

        def nwait_out(q, s):
            nb = sid * STRIPE + q * QB
            for ch in range(3):
                pltpu.make_async_copy(
                    nos[s][ch], out_hbm.at[pl.ds((b * 3 + ch) * G3 + nb, QB)],
                    semo[s]).wait()

        def ncompute(s):
            a0, a1, a2, a3 = nas[s]
            o0, o1, o2 = nos[s]

            def nrow(i, _):
                sl = pl.ds(i * 16, 16)
                w = jnp.maximum(a3[sl], _splat(1.0))
                o0[sl] = a0[sl] / w
                o1[sl] = a1[sl] / w
                o2[sl] = a2[sl] / w
                return 0

            lax.fori_loop(0, QB // 16, nrow, 0)

        nfire_in(0, 0)

        def nchunk(h, _):
            for s in range(2):
                q = 2 * h + s
                nwait_in(q, s)

                @pl.when(q + 1 < NQ)
                def _():
                    nfire_in(q + 1, 1 - s)

                @pl.when(q >= 2)
                def _():
                    nwait_out(q - 2, s)
                ncompute(s)
                nfire_out(q, s)
                if rep == 0:
                    @pl.when(q >= 1)
                    def _():
                        zwait(q - 1)
                    zfire(q)
            return 0

        lax.fori_loop(0, NQ // 2, nchunk, 0)
        nwait_out(NQ - 2, 0)
        nwait_out(NQ - 1, 1)


@jax.jit
def _run(xp):
    mesh = plsc.VectorSubcoreMesh(core_axis_name="c", subcore_axis_name="s")
    f = pl.kernel(
        _body,
        mesh=mesh,
        out_type=jax.ShapeDtypeStruct((4 * 3 * G3,), jnp.float32),
        scratch_types=[
            pltpu.VMEM((PPT,), jnp.float32),
            pltpu.VMEM((PPT,), jnp.float32),
            pltpu.VMEM((PPT,), jnp.float32),
            pltpu.VMEM((128,), jnp.int32),
            pltpu.VMEM((128,), jnp.float32),
            pltpu.VMEM((128,), jnp.float32),
            pltpu.VMEM((128,), jnp.float32),
            pltpu.VMEM((128,), jnp.int32),
            pltpu.VMEM((128,), jnp.float32),
            pltpu.VMEM((128,), jnp.float32),
            pltpu.VMEM((128,), jnp.float32),
            pltpu.VMEM((128,), jnp.float32),
            pltpu.VMEM((QB,), jnp.float32),
            pltpu.VMEM((QB,), jnp.float32),
            pltpu.VMEM((QB,), jnp.float32),
            pltpu.VMEM((QB,), jnp.float32),
            pltpu.VMEM((QB,), jnp.float32),
            pltpu.VMEM((QB,), jnp.float32),
            pltpu.VMEM((QB,), jnp.float32),
            pltpu.VMEM((QB,), jnp.float32),
            pltpu.VMEM((QB,), jnp.float32),
            pltpu.VMEM((QB,), jnp.float32),
            pltpu.VMEM((QB,), jnp.float32),
            pltpu.VMEM((QB,), jnp.float32),
            pltpu.VMEM((QB,), jnp.float32),
            pltpu.VMEM((QB,), jnp.float32),
            pltpu.VMEM((QB,), jnp.float32),
            pltpu.SemaphoreType.DMA,
            pltpu.SemaphoreType.DMA,
            pltpu.SemaphoreType.DMA,
            pltpu.SemaphoreType.DMA,
            pltpu.SemaphoreType.DMA,
            pltpu.SemaphoreType.DMA,
            pltpu.SemaphoreType.DMA,
            pltpu.SemaphoreType.DMA,
            pltpu.VMEM_SHARED((G3 + 2048,), jnp.float32),
            pltpu.VMEM_SHARED((G3 + 2048,), jnp.float32),
            pltpu.VMEM_SHARED((G3 + 2048,), jnp.float32),
            pltpu.VMEM_SHARED((G3 + 2048,), jnp.float32),
        ],
    )
    return f(xp)


def kernel(x):
    xp = jnp.pad(x, ((0, 0), (0, 0), (0, NPAD - N)), constant_values=10.0)
    out = _run(xp.reshape(-1))
    return out.reshape(4, 3, GRID, GRID, GRID)

# --- scband reference (transcript-rebuilt; emitter-appended) ---
"""Pipeline reference for scband-grid-encoder-16999480557937 (READ-ONLY COPY).

The authoritative reference and input builder live on the scoring server;
editing this copy changes nothing except your own understanding.
"""

import jax, jax.numpy as jnp
import numpy as np

GRID = 64


def setup_inputs(seed: int = 0) -> dict:
    key = jax.random.key(seed)
    # points must lie in [-0.5, 0.5]; fill='rand' gives [0,1) so shift by -0.5
    x = jax.random.uniform(key, (4, 3, 100000), dtype=jnp.float32) - 0.5
    return {"x": x}


def _forward(x, grid_size=GRID):
    b, _, n = x.shape
    reshaped = (x + 0.5) * grid_size - 0.5
    ind1 = jnp.clip(jnp.floor(reshaped), 0.0, grid_size - 1)
    ind2 = jnp.clip(jnp.ceil(reshaped), 0.0, grid_size - 1)
    combos = []
    for a in (ind1, ind2):
        for bb in (ind1, ind2):
            for cc in (ind1, ind2):
                combos.append(jnp.stack([a[:, 0, :], bb[:, 1, :], cc[:, 2, :]], axis=1))
    ind = jnp.stack(combos, axis=-1)  # [b, 3, n, 8]
    res = reshaped[..., None] - ind  # [b, 3, n, 8]
    flat_ind = (ind[:, 0, :, :] * grid_size * grid_size
                + ind[:, 1, :, :] * grid_size
                + ind[:, 2, :, :]).astype(jnp.int32)  # [b, n, 8]
    dist = jnp.linalg.norm(res, axis=1)  # [b, n, 8]
    weight = jax.lax.stop_gradient((dist < 0.87).astype(jnp.float32))
    # prep = Identity => c = 3
    c = res.shape[1]
    w = weight[:, None, :, :]  # [b, 1, n, 8]
    resw = res * w
    G3 = grid_size ** 3
    resw = resw.reshape(b, c, 8 * n)
    wfull = jnp.broadcast_to(w, res.shape).reshape(b, c, 8 * n)
    idx = jnp.clip(flat_ind.reshape(b, 8 * n), 0, G3)

    def scat(i, r, wv):
        acc = jnp.zeros((c, G3), dtype=r.dtype).at[:, i].add(r)
        cnt = jnp.zeros((c, G3), dtype=wv.dtype).at[:, i].add(wv)
        return acc, cnt

    acc, cnt = jax.vmap(scat)(idx, resw, wfull)
    cnt = jnp.maximum(cnt, jnp.float32(1.0))
    out = acc / cnt
    return out.reshape(b, c, grid_size, grid_size, grid_size)


def reference(x):
    return _forward(x)

if __name__ == "__main__":
    import jax
    _d = setup_inputs()
    print(jax.jit(kernel)(*tuple(_d.values())))

</pallas_src>

<mosaic_0001>
#map = affine_map<(d0, d1) -> (0)>
module attributes {stable_mosaic.version = 14 : i64} {
  func.func @_body(%arg0: i32, %arg1: i32, %arg2: memref<1204224xf32, #tpu.memory_space<hbm>>, %arg3: memref<3145728xf32, #tpu.memory_space<hbm>>, %arg4: memref<6272xf32, #tpu.memory_space<vmem>>, %arg5: memref<6272xf32, #tpu.memory_space<vmem>>, %arg6: memref<6272xf32, #tpu.memory_space<vmem>>, %arg7: memref<128xi32, #tpu.memory_space<vmem>>, %arg8: memref<128xf32, #tpu.memory_space<vmem>>, %arg9: memref<128xf32, #tpu.memory_space<vmem>>, %arg10: memref<128xf32, #tpu.memory_space<vmem>>, %arg11: memref<128xi32, #tpu.memory_space<vmem>>, %arg12: memref<128xf32, #tpu.memory_space<vmem>>, %arg13: memref<128xf32, #tpu.memory_space<vmem>>, %arg14: memref<128xf32, #tpu.memory_space<vmem>>, %arg15: memref<128xf32, #tpu.memory_space<vmem>>, %arg16: memref<2048xf32, #tpu.memory_space<vmem>>, %arg17: memref<2048xf32, #tpu.memory_space<vmem>>, %arg18: memref<2048xf32, #tpu.memory_space<vmem>>, %arg19: memref<2048xf32, #tpu.memory_space<vmem>>, %arg20: memref<2048xf32, #tpu.memory_space<vmem>>, %arg21: memref<2048xf32, #tpu.memory_space<vmem>>, %arg22: memref<2048xf32, #tpu.memory_space<vmem>>, %arg23: memref<2048xf32, #tpu.memory_space<vmem>>, %arg24: memref<2048xf32, #tpu.memory_space<vmem>>, %arg25: memref<2048xf32, #tpu.memory_space<vmem>>, %arg26: memref<2048xf32, #tpu.memory_space<vmem>>, %arg27: memref<2048xf32, #tpu.memory_space<vmem>>, %arg28: memref<2048xf32, #tpu.memory_space<vmem>>, %arg29: memref<2048xf32, #tpu.memory_space<vmem>>, %arg30: memref<2048xf32, #tpu.memory_space<vmem>>, %arg31: memref<!tpu.dma_semaphore, #tpu.memory_space<semaphore_mem>>, %arg32: memref<!tpu.dma_semaphore, #tpu.memory_space<semaphore_mem>>, %arg33: memref<!tpu.dma_semaphore, #tpu.memory_space<semaphore_mem>>, %arg34: memref<!tpu.dma_semaphore, #tpu.memory_space<semaphore_mem>>, %arg35: memref<!tpu.dma_semaphore, #tpu.memory_space<semaphore_mem>>, %arg36: memref<!tpu.dma_semaphore, #tpu.memory_space<semaphore_mem>>, %arg37: memref<!tpu.dma_semaphore, #tpu.memory_space<semaphore_mem>>, %arg38: memref<!tpu.dma_semaphore, #tpu.memory_space<semaphore_mem>>, %arg39: memref<264192xf32, #tpu.memory_space<vmem_shared>>, %arg40: memref<264192xf32, #tpu.memory_space<vmem_shared>>, %arg41: memref<264192xf32, #tpu.memory_space<vmem_shared>>, %arg42: memref<264192xf32, #tpu.memory_space<vmem_shared>>) attributes {dimension_semantics = [#tpu.dimension_semantics<core_parallel>, #tpu.dimension_semantics<subcore_parallel>], iteration_bounds = array<i64: 2, 16>, scalar_prefetch = 0 : i64, scratch_operands = 39 : i64, tpu.core_type = #tpu.core_type<sc_vector_subcore>, window_params = [{transform_indices = #map}, {transform_indices = #map}]} {
    %scan3A = arith.constant 0 : i32
    %scan3A_0 = arith.constant 0 : i32
    %scan3A_1 = arith.constant 128 : i32
    %scan3A_2 = arith.addi %scan3A_0, %scan3A_1 : i32
    %scan3A_3 = arith.constant 1 : i32
    %scan3A_4 = scf.for %scan3A_1627 = %scan3A_0 to %scan3A_2 step %scan3A_3 iter_args(%scan3A_1628 = %scan3A) -> (i32)  : i32 {
      %broadcast_in_dim3A_1629 = arith.constant 0.000000e+00 : f32
      %broadcast_in_dim3A_1630 = vector.broadcast %broadcast_in_dim3A_1629 : f32 to vector<16xf32>
      %mul3A_1631 = arith.constant 16 : i32
      %mul3A_1632 = arith.muli %scan3A_1627, %mul3A_1631 : i32
      %swap3A_1633 = arith.index_cast %mul3A_1632 : i32 to index
      %swap3A_1634 = tpu.vector_load %arg16[%swap3A_1633] {strides = array<i32>} : memref<2048xf32, #tpu.memory_space<vmem>>, vector<16xf32>,
      %swap3A_1635 = vector.shape_cast %swap3A_1634 : vector<16xf32> to vector<16xf32>
      %swap3A_1636 = vector.shape_cast %broadcast_in_dim3A_1630 : vector<16xf32> to vector<16xf32>
      tpu.vector_store %arg16[%swap3A_1633], %swap3A_1636 {strides = array<i32>} : memref<2048xf32, #tpu.memory_space<vmem>>, vector<16xf32>,
      %scan3A_1637 = arith.constant 0 : i32
      scf.yield %scan3A_1637 : i32
    }
    %scan3A_5 = arith.constant 128 : i32
    %broadcast_in_dim3A = arith.constant 1.000000e+00 : f32
    %broadcast_in_dim3A_6 = vector.broadcast %broadcast_in_dim3A : f32 to vector<16xf32>
    %swap3A = arith.constant 0 : index
    %swap3A_7 = tpu.vector_load %arg15[%swap3A] {strides = array<i32>} : memref<128xf32, #tpu.memory_space<vmem>>, vector<16xf32>,
    %swap3A_8 = vector.shape_cast %swap3A_7 : vector<16xf32> to vector<16xf32>
    %swap3A_9 = vector.shape_cast %broadcast_in_dim3A_6 : vector<16xf32> to vector<16xf32>
    tpu.vector_store %arg15[%swap3A], %swap3A_9 {strides = array<i32>} : memref<128xf32, #tpu.memory_space<vmem>>, vector<16xf32>,
    %broadcast_in_dim3A_10 = arith.constant 1.000000e+00 : f32
    %broadcast_in_dim3A_11 = vector.broadcast %broadcast_in_dim3A_10 : f32 to vector<16xf32>
    %swap3A_12 = arith.constant 16 : index
    %swap3A_13 = tpu.vector_load %arg15[%swap3A_12] {strides = array<i32>} : memref<128xf32, #tpu.memory_space<vmem>>, vector<16xf32>,
    %swap3A_14 = vector.shape_cast %swap3A_13 : vector<16xf32> to vector<16xf32>
    %swap3A_15 = vector.shape_cast %broadcast_in_dim3A_11 : vector<16xf32> to vector<16xf32>
    tpu.vector_store %arg15[%swap3A_12], %swap3A_15 {strides = array<i32>} : memref<128xf32, #tpu.memory_space<vmem>>, vector<16xf32>,
    %broadcast_in_dim3A_16 = arith.constant 1.000000e+00 : f32
    %broadcast_in_dim3A_17 = vector.broadcast %broadcast_in_dim3A_16 : f32 to vector<16xf32>
    %swap3A_18 = arith.constant 32 : index
    %swap3A_19 = tpu.vector_load %arg15[%swap3A_18] {strides = array<i32>} : memref<128xf32, #tpu.memory_space<vmem>>, vector<16xf32>,
    %swap3A_20 = vector.shape_cast %swap3A_19 : vector<16xf32> to vector<16xf32>
    %swap3A_21 = vector.shape_cast %broadcast_in_dim3A_17 : vector<16xf32> to vector<16xf32>
    tpu.vector_store %arg15[%swap3A_18], %swap3A_21 {strides = array<i32>} : memref<128xf32, #tpu.memory_space<vmem>>, vector<16xf32>,
    %broadcast_in_dim3A_22 = arith.constant 1.000000e+00 : f32
    %broadcast_in_dim3A_23 = vector.broadcast %broadcast_in_dim3A_22 : f32 to vector<16xf32>
    %swap3A_24 = arith.constant 48 : index
    %swap3A_25 = tpu.vector_load %arg15[%swap3A_24] {strides = array<i32>} : memref<128xf32, #tpu.memory_space<vmem>>, vector<16xf32>,
    %swap3A_26 = vector.shape_cast %swap3A_25 : vector<16xf32> to vector<16xf32>
    %swap3A_27 = vector.shape_cast %broadcast_in_dim3A_23 : vector<16xf32> to vector<16xf32>
    tpu.vector_store %arg15[%swap3A_24], %swap3A_27 {strides = array<i32>} : memref<128xf32, #tpu.memory_space<vmem>>, vector<16xf32>,
    %broadcast_in_dim3A_28 = arith.constant 1.000000e+00 : f32
    %broadcast_in_dim3A_29 = vector.broadcast %broadcast_in_dim3A_28 : f32 to vector<16xf32>
    %swap3A_30 = arith.constant 64 : index
    %swap3A_31 = tpu.vector_load %arg15[%swap3A_30] {strides = array<i32>} : memref<128xf32, #tpu.memory_space<vmem>>, vector<16xf32>,
    %swap3A_32 = vector.shape_cast %swap3A_31 : vector<16xf32> to vector<16xf32>
    %swap3A_33 = vector.shape_cast %broadcast_in_dim3A_29 : vector<16xf32> to vector<16xf32>
    tpu.vector_store %arg15[%swap3A_30], %swap3A_33 {strides = array<i32>} : memref<128xf32, #tpu.memory_space<vmem>>, vector<16xf32>,
    %broadcast_in_dim3A_34 = arith.constant 1.000000e+00 : f32
    %broadcast_in_dim3A_35 = vector.broadcast %broadcast_in_dim3A_34 : f32 to vector<16xf32>
    %swap3A_36 = arith.constant 80 : index
    %swap3A_37 = tpu.vector_load %arg15[%swap3A_36] {strides = array<i32>} : memref<128xf32, #tpu.memory_space<vmem>>, vector<16xf32>,
    %swap3A_38 = vector.shape_cast %swap3A_37 : vector<16xf32> to vector<16xf32>
    %swap3A_39 = vector.shape_cast %broadcast_in_dim3A_35 : vector<16xf32> to vector<16xf32>
    tpu.vector_store %arg15[%swap3A_36], %swap3A_39 {strides = array<i32>} : memref<128xf32, #tpu.memory_space<vmem>>, vector<16xf32>,
    %broadcast_in_dim3A_40 = arith.constant 1.000000e+00 : f32
    %broadcast_in_dim3A_41 = vector.broadcast %broadcast_in_dim3A_40 : f32 to vector<16xf32>
    %swap3A_42 = arith.constant 96 : index
    %swap3A_43 = tpu.vector_load %arg15[%swap3A_42] {strides = array<i32>} : memref<128xf32, #tpu.memory_space<vmem>>, vector<16xf32>,
    %swap3A_44 = vector.shape_cast %swap3A_43 : vector<16xf32> to vector<16xf32>
    %swap3A_45 = vector.shape_cast %broadcast_in_dim3A_41 : vector<16xf32> to vector<16xf32>
    tpu.vector_store %arg15[%swap3A_42], %swap3A_45 {strides = array<i32>} : memref<128xf32, #tpu.memory_space<vmem>>, vector<16xf32>,
    %broadcast_in_dim3A_46 = arith.constant 1.000000e+00 : f32
    %broadcast_in_dim3A_47 = vector.broadcast %broadcast_in_dim3A_46 : f32 to vector<16xf32>
    %swap3A_48 = arith.constant 112 : index
    %swap3A_49 = tpu.vector_load %arg15[%swap3A_48] {strides = array<i32>} : memref<128xf32, #tpu.memory_space<vmem>>, vector<16xf32>,
    %swap3A_50 = vector.shape_cast %swap3A_49 : vector<16xf32> to vector<16xf32>
    %swap3A_51 = vector.shape_cast %broadcast_in_dim3A_47 : vector<16xf32> to vector<16xf32>
    tpu.vector_store %arg15[%swap3A_48], %swap3A_51 {strides = array<i32>} : memref<128xf32, #tpu.memory_space<vmem>>, vector<16xf32>,
    %mul3A = arith.constant 128 : i32
    %mul3A_52 = arith.muli %arg1, %mul3A : i32
    %add3A = arith.constant 262144 : i32
    %add3A_53 = arith.addi %add3A, %mul3A_52 : i32
    %broadcast_in_dim3A_54 = vector.broadcast %add3A_53 : i32 to vector<16xi32>
    %iota3A = tpu.iota {dimensions = array<i32: 0>} : vector<16xi32>
    %add3A_55 = arith.addi %broadcast_in_dim3A_54, %iota3A : vector<16xi32>
    %mul3A_56 = arith.constant 2 : i32
    %mul3A_57 = arith.muli %arg0, %mul3A_56 : i32
    %add3A_58 = arith.constant 0 : i32
    %add3A_59 = arith.addi %mul3A_57, %add3A_58 : i32
    %mul3A_60 = arith.constant 6272 : i32
    %mul3A_61 = arith.muli %arg1, %mul3A_60 : i32
    %mul3A_62 = arith.constant 3 : i32
    %mul3A_63 = arith.muli %add3A_59, %mul3A_62 : i32
    %add3A_64 = arith.constant 0 : i32
    %add3A_65 = arith.addi %mul3A_63, %add3A_64 : i32
    %mul3A_66 = arith.constant 100352 : i32
    %mul3A_67 = arith.muli %add3A_65, %mul3A_66 : i32
    %add3A_68 = arith.addi %mul3A_67, %mul3A_61 : i32
    %dma_start3A = tpu.memref_slice %arg2[%add3A_68] : memref<1204224xf32, #tpu.memory_space<hbm>> -> memref<6272xf32, #tpu.memory_space<hbm>>
    %dma_start3A_69 = tpu.memref_slice %arg2[%add3A_68] : memref<1204224xf32, #tpu.memory_space<hbm>> -> memref<6272xf32, #tpu.memory_space<hbm>>
    tpu.enqueue_dma source(%dma_start3A_69 : memref<6272xf32, #tpu.memory_space<hbm>>) target(%arg4 : memref<6272xf32, #tpu.memory_space<vmem>>) target_semaphore(%arg34 : memref<!tpu.dma_semaphore, #tpu.memory_space<semaphore_mem>>)
    %mul3A_70 = arith.constant 3 : i32
    %mul3A_71 = arith.muli %add3A_59, %mul3A_70 : i32
    %add3A_72 = arith.constant 1 : i32
    %add3A_73 = arith.addi %mul3A_71, %add3A_72 : i32
    %mul3A_74 = arith.constant 100352 : i32
    %mul3A_75 = arith.muli %add3A_73, %mul3A_74 : i32
    %add3A_76 = arith.addi %mul3A_75, %mul3A_61 : i32
    %dma_start3A_77 = tpu.memref_slice %arg2[%add3A_76] : memref<1204224xf32, #tpu.memory_space<hbm>> -> memref<6272xf32, #tpu.memory_space<hbm>>
    %dma_start3A_78 = tpu.memref_slice %arg2[%add3A_76] : memref<1204224xf32, #tpu.memory_space<hbm>> -> memref<6272xf32, #tpu.memory_space<hbm>>
    tpu.enqueue_dma source(%dma_start3A_78 : memref<6272xf32, #tpu.memory_space<hbm>>) target(%arg5 : memref<6272xf32, #tpu.memory_space<vmem>>) target_semaphore(%arg34 : memref<!tpu.dma_semaphore, #tpu.memory_space<semaphore_mem>>)
    %mul3A_79 = arith.constant 3 : i32
    %mul3A_80 = arith.muli %add3A_59, %mul3A_79 : i32
    %add3A_81 = arith.constant 2 : i32
    %add3A_82 = arith.addi %mul3A_80, %add3A_81 : i32
    %mul3A_83 = arith.constant 100352 : i32
    %mul3A_84 = arith.muli %add3A_82, %mul3A_83 : i32
    %add3A_85 = arith.addi %mul3A_84, %mul3A_61 : i32
    %dma_start3A_86 = tpu.memref_slice %arg2[%add3A_85] : memref<1204224xf32, #tpu.memory_space<hbm>> -> memref<6272xf32, #tpu.memory_space<hbm>>
    %dma_start3A_87 = tpu.memref_slice %arg2[%add3A_85] : memref<1204224xf32, #tpu.memory_space<hbm>> -> memref<6272xf32, #tpu.memory_space<hbm>>
    tpu.enqueue_dma source(%dma_start3A_87 : memref<6272xf32, #tpu.memory_space<hbm>>) target(%arg6 : memref<6272xf32, #tpu.memory_space<vmem>>) target_semaphore(%arg34 : memref<!tpu.dma_semaphore, #tpu.memory_space<semaphore_mem>>)
    %mul3A_88 = arith.constant 16384 : i32
    %mul3A_89 = arith.muli %arg1, %mul3A_88 : i32
    %add3A_90 = arith.constant 0 : i32
    %add3A_91 = arith.addi %mul3A_89, %add3A_90 : i32
    %dma_start3A_92 = tpu.memref_slice %arg39[%add3A_91] : memref<264192xf32, #tpu.memory_space<vmem_shared>> -> memref<2048xf32, #tpu.memory_space<vmem_shared>>
    %dma_start3A_93 = tpu.memref_slice %arg39[%add3A_91] : memref<264192xf32, #tpu.memory_space<vmem_shared>> -> memref<2048xf32, #tpu.memory_space<vmem_shared>>
    tpu.enqueue_dma source(%arg16 : memref<2048xf32, #tpu.memory_space<vmem>>) target(%dma_start3A_93 : memref<2048xf32, #tpu.memory_space<vmem_shared>>) target_semaphore(%arg33 : memref<!tpu.dma_semaphore, #tpu.memory_space<semaphore_mem>>)
    %mul3A_94 = arith.constant 16384 : i32
    %mul3A_95 = arith.muli %arg1, %mul3A_94 : i32
    %add3A_96 = arith.constant 0 : i32
    %add3A_97 = arith.addi %mul3A_95, %add3A_96 : i32
    %dma_start3A_98 = tpu.memref_slice %arg40[%add3A_97] : memref<264192xf32, #tpu.memory_space<vmem_shared>> -> memref<2048xf32, #tpu.memory_space<vmem_shared>>
    %dma_start3A_99 = tpu.memref_slice %arg40[%add3A_97] : memref<264192xf32, #tpu.memory_space<vmem_shared>> -> memref<2048xf32, #tpu.memory_space<vmem_shared>>
    tpu.enqueue_dma source(%arg16 : memref<2048xf32, #tpu.memory_space<vmem>>) target(%dma_start3A_99 : memref<2048xf32, #tpu.memory_space<vmem_shared>>) target_semaphore(%arg33 : memref<!tpu.dma_semaphore, #tpu.memory_space<semaphore_mem>>)
    %mul3A_100 = arith.constant 16384 : i32
    %mul3A_101 = arith.muli %arg1, %mul3A_100 : i32
    %add3A_102 = arith.constant 0 : i32
    %add3A_103 = arith.addi %mul3A_101, %add3A_102 : i32
    %dma_start3A_104 = tpu.memref_slice %arg41[%add3A_103] : memref<264192xf32, #tpu.memory_space<vmem_shared>> -> memref<2048xf32, #tpu.memory_space<vmem_shared>>
    %dma_start3A_105 = tpu.memref_slice %arg41[%add3A_103] : memref<264192xf32, #tpu.memory_space<vmem_shared>> -> memref<2048xf32, #tpu.memory_space<vmem_shared>>
    tpu.enqueue_dma source(%arg16 : memref<2048xf32, #tpu.memory_space<vmem>>) target(%dma_start3A_105 : memref<2048xf32, #tpu.memory_space<vmem_shared>>) target_semaphore(%arg33 : memref<!tpu.dma_semaphore, #tpu.memory_space<semaphore_mem>>)
    %mul3A_106 = arith.constant 16384 : i32
    %mul3A_107 = arith.muli %arg1, %mul3A_106 : i32
    %add3A_108 = arith.constant 0 : i32
    %add3A_109 = arith.addi %mul3A_107, %add3A_108 : i32
    %dma_start3A_110 = tpu.memref_slice %arg42[%add3A_109] : memref<264192xf32, #tpu.memory_space<vmem_shared>> -> memref<2048xf32, #tpu.memory_space<vmem_shared>>
    %dma_start3A_111 = tpu.memref_slice %arg42[%add3A_109] : memref<264192xf32, #tpu.memory_space<vmem_shared>> -> memref<2048xf32, #tpu.memory_space<vmem_shared>>
    tpu.enqueue_dma source(%arg16 : memref<2048xf32, #tpu.memory_space<vmem>>) target(%dma_start3A_111 : memref<2048xf32, #tpu.memory_space<vmem_shared>>) target_semaphore(%arg33 : memref<!tpu.dma_semaphore, #tpu.memory_space<semaphore_mem>>)
    %scan3A_112 = arith.constant 0 : i32
    %scan3A_113 = arith.constant 1 : i32
    %scan3A_114 = arith.constant 7 : i32
    %scan3A_115 = arith.addi %scan3A_113, %scan3A_114 : i32
    %scan3A_116 = arith.constant 1 : i32
    %scan3A_117 = scf.for %scan3A_1627 = %scan3A_113 to %scan3A_115 step %scan3A_116 iter_args(%scan3A_1628 = %scan3A_112) -> (i32)  : i32 {
      %mul3A_1629 = arith.constant 16384 : i32
      %mul3A_1630 = arith.muli %arg1, %mul3A_1629 : i32
      %mul3A_1631 = arith.constant 2048 : i32
      %mul3A_1632 = arith.muli %scan3A_1627, %mul3A_1631 : i32
      %add3A_1633 = arith.addi %mul3A_1630, %mul3A_1632 : i32
      %dma_start3A_1634 = tpu.memref_slice %arg39[%add3A_1633] : memref<264192xf32, #tpu.memory_space<vmem_shared>> -> memref<2048xf32, #tpu.memory_space<vmem_shared>>
      %dma_start3A_1635 = tpu.memref_slice %arg39[%add3A_1633] : memref<264192xf32, #tpu.memory_space<vmem_shared>> -> memref<2048xf32, #tpu.memory_space<vmem_shared>>
      tpu.enqueue_dma source(%arg16 : memref<2048xf32, #tpu.memory_space<vmem>>) target(%dma_start3A_1635 : memref<2048xf32, #tpu.memory_space<vmem_shared>>) target_semaphore(%arg33 : memref<!tpu.dma_semaphore, #tpu.memory_space<semaphore_mem>>)
      %mul3A_1636 = arith.constant 16384 : i32
      %mul3A_1637 = arith.muli %arg1, %mul3A_1636 : i32
      %mul3A_1638 = arith.constant 2048 : i32
      %mul3A_1639 = arith.muli %scan3A_1627, %mul3A_1638 : i32
      %add3A_1640 = arith.addi %mul3A_1637, %mul3A_1639 : i32
      %dma_start3A_1641 = tpu.memref_slice %arg40[%add3A_1640] : memref<264192xf32, #tpu.memory_space<vmem_shared>> -> memref<2048xf32, #tpu.memory_space<vmem_shared>>
      %dma_start3A_1642 = tpu.memref_slice %arg40[%add3A_1640] : memref<264192xf32, #tpu.memory_space<vmem_shared>> -> memref<2048xf32, #tpu.memory_space<vmem_shared>>
      tpu.enqueue_dma source(%arg16 : memref<2048xf32, #tpu.memory_space<vmem>>) target(%dma_start3A_1642 : memref<2048xf32, #tpu.memory_space<vmem_shared>>) target_semaphore(%arg33 : memref<!tpu.dma_semaphore, #tpu.memory_space<semaphore_mem>>)
      %mul3A_1643 = arith.constant 16384 : i32
      %mul3A_1644 = arith.muli %arg1, %mul3A_1643 : i32
      %mul3A_1645 = arith.constant 2048 : i32
      %mul3A_1646 = arith.muli %scan3A_1627, %mul3A_1645 : i32
      %add3A_1647 = arith.addi %mul3A_1644, %mul3A_1646 : i32
      %dma_start3A_1648 = tpu.memref_slice %arg41[%add3A_1647] : memref<264192xf32, #tpu.memory_space<vmem_shared>> -> memref<2048xf32, #tpu.memory_space<vmem_shared>>
      %dma_start3A_1649 = tpu.memref_slice %arg41[%add3A_1647] : memref<264192xf32, #tpu.memory_space<vmem_shared>> -> memref<2048xf32, #tpu.memory_space<vmem_shared>>
      tpu.enqueue_dma source(%arg16 : memref<2048xf32, #tpu.memory_space<vmem>>) target(%dma_start3A_1649 : memref<2048xf32, #tpu.memory_space<vmem_shared>>) target_semaphore(%arg33 : memref<!tpu.dma_semaphore, #tpu.memory_space<semaphore_mem>>)
      %mul3A_1650 = arith.constant 16384 : i32
      %mul3A_1651 = arith.muli %arg1, %mul3A_1650 : i32
      %mul3A_1652 = arith.constant 2048 : i32
      %mul3A_1653 = arith.muli %scan3A_1627, %mul3A_1652 : i32
      %add3A_1654 = arith.addi %mul3A_1651, %mul3A_1653 : i32
      %dma_start3A_1655 = tpu.memref_slice %arg42[%add3A_1654] : memref<264192xf32, #tpu.memory_space<vmem_shared>> -> memref<2048xf32, #tpu.memory_space<vmem_shared>>
      %dma_start3A_1656 = tpu.memref_slice %arg42[%add3A_1654] : memref<264192xf32, #tpu.memory_space<vmem_shared>> -> memref<2048xf32, #tpu.memory_space<vmem_shared>>
      tpu.enqueue_dma source(%arg16 : memref<2048xf32, #tpu.memory_space<vmem>>) target(%dma_start3A_1656 : memref<2048xf32, #tpu.memory_space<vmem_shared>>) target_semaphore(%arg33 : memref<!tpu.dma_semaphore, #tpu.memory_space<semaphore_mem>>)
      %sub3A_1657 = arith.constant 1 : i32
      %sub3A_1658 = arith.subi %scan3A_1627, %sub3A_1657 : i32
      %mul3A_1659 = arith.constant 16384 : i32
      %mul3A_1660 = arith.muli %arg1, %mul3A_1659 : i32
      %mul3A_1661 = arith.constant 2048 : i32
      %mul3A_1662 = arith.muli %sub3A_1658, %mul3A_1661 : i32
      %add3A_1663 = arith.addi %mul3A_1660, %mul3A_1662 : i32
      %dma_wait3A_1664 = tpu.memref_slice %arg39[%add3A_1663] : memref<264192xf32, #tpu.memory_space<vmem_shared>> -> memref<2048xf32, #tpu.memory_space<vmem_shared>>
      %dma_wait3A_1665 = tpu.memref_slice %arg39[%add3A_1663] : memref<264192xf32, #tpu.memory_space<vmem_shared>> -> memref<2048xf32, #tpu.memory_space<vmem_shared>>
      tpu.wait_dma2 semaphore(%arg33 : memref<!tpu.dma_semaphore, #tpu.memory_space<semaphore_mem>>) src(%arg16 : memref<2048xf32, #tpu.memory_space<vmem>>) dst(%dma_wait3A_1665 : memref<2048xf32, #tpu.memory_space<vmem_shared>>)
      %mul3A_1666 = arith.constant 16384 : i32
      %mul3A_1667 = arith.muli %arg1, %mul3A_1666 : i32
      %mul3A_1668 = arith.constant 2048 : i32
      %mul3A_1669 = arith.muli %sub3A_1658, %mul3A_1668 : i32
      %add3A_1670 = arith.addi %mul3A_1667, %mul3A_1669 : i32
      %dma_wait3A_1671 = tpu.memref_slice %arg40[%add3A_1670] : memref<264192xf32, #tpu.memory_space<vmem_shared>> -> memref<2048xf32, #tpu.memory_space<vmem_shared>>
      %dma_wait3A_1672 = tpu.memref_slice %arg40[%add3A_1670] : memref<264192xf32, #tpu.memory_space<vmem_shared>> -> memref<2048xf32, #tpu.memory_space<vmem_shared>>
      tpu.wait_dma2 semaphore(%arg33 : memref<!tpu.dma_semaphore, #tpu.memory_space<semaphore_mem>>) src(%arg16 : memref<2048xf32, #tpu.memory_space<vmem>>) dst(%dma_wait3A_1672 : memref<2048xf32, #tpu.memory_space<vmem_shared>>)
      %mul3A_1673 = arith.constant 16384 : i32
      %mul3A_1674 = arith.muli %arg1, %mul3A_1673 : i32
      %mul3A_1675 = arith.constant 2048 : i32
      %mul3A_1676 = arith.muli %sub3A_1658, %mul3A_1675 : i32
      %add3A_1677 = arith.addi %mul3A_1674, %mul3A_1676 : i32
      %dma_wait3A_1678 = tpu.memref_slice %arg41[%add3A_1677] : memref<264192xf32, #tpu.memory_space<vmem_shared>> -> memref<2048xf32, #tpu.memory_space<vmem_shared>>
      %dma_wait3A_1679 = tpu.memref_slice %arg41[%add3A_1677] : memref<264192xf32, #tpu.memory_space<vmem_shared>> -> memref<2048xf32, #tpu.memory_space<vmem_shared>>
      tpu.wait_dma2 semaphore(%arg33 : memref<!tpu.dma_semaphore, #tpu.memory_space<semaphore_mem>>) src(%arg16 : memref<2048xf32, #tpu.memory_space<vmem>>) dst(%dma_wait3A_1679 : memref<2048xf32, #tpu.memory_space<vmem_shared>>)
      %mul3A_1680 = arith.constant 16384 : i32
      %mul3A_1681 = arith.muli %arg1, %mul3A_1680 : i32
      %mul3A_1682 = arith.constant 2048 : i32
      %mul3A_1683 = arith.muli %sub3A_1658, %mul3A_1682 : i32
      %add3A_1684 = arith.addi %mul3A_1681, %mul3A_1683 : i32
      %dma_wait3A_1685 = tpu.memref_slice %arg42[%add3A_1684] : memref<264192xf32, #tpu.memory_space<vmem_shared>> -> memref<2048xf32, #tpu.memory_space<vmem_shared>>
      %dma_wait3A_1686 = tpu.memref_slice %arg42[%add3A_1684] : memref<264192xf32, #tpu.memory_space<vmem_shared>> -> memref<2048xf32, #tpu.memory_space<vmem_shared>>
      tpu.wait_dma2 semaphore(%arg33 : memref<!tpu.dma_semaphore, #tpu.memory_space<semaphore_mem>>) src(%arg16 : memref<2048xf32, #tpu.memory_space<vmem>>) dst(%dma_wait3A_1686 : memref<2048xf32, #tpu.memory_space<vmem_shared>>)
      %scan3A_1687 = arith.constant 0 : i32
      scf.yield %scan3A_1687 : i32
    }
    %scan3A_118 = arith.constant 7 : i32
    %mul3A_119 = arith.constant 16384 : i32
    %mul3A_120 = arith.muli %arg1, %mul3A_119 : i32
    %add3A_121 = arith.constant 14336 : i32
    %add3A_122 = arith.addi %mul3A_120, %add3A_121 : i32
    %dma_wait3A = tpu.memref_slice %arg39[%add3A_122] : memref<264192xf32, #tpu.memory_space<vmem_shared>> -> memref<2048xf32, #tpu.memory_space<vmem_shared>>
    %dma_wait3A_123 = tpu.memref_slice %arg39[%add3A_122] : memref<264192xf32, #tpu.memory_space<vmem_shared>> -> memref<2048xf32, #tpu.memory_space<vmem_shared>>
    tpu.wait_dma2 semaphore(%arg33 : memref<!tpu.dma_semaphore, #tpu.memory_space<semaphore_mem>>) src(%arg16 : memref<2048xf32, #tpu.memory_space<vmem>>) dst(%dma_wait3A_123 : memref<2048xf32, #tpu.memory_space<vmem_shared>>)
    %mul3A_124 = arith.constant 16384 : i32
    %mul3A_125 = arith.muli %arg1, %mul3A_124 : i32
    %add3A_126 = arith.constant 14336 : i32
    %add3A_127 = arith.addi %mul3A_125, %add3A_126 : i32
    %dma_wait3A_128 = tpu.memref_slice %arg40[%add3A_127] : memref<264192xf32, #tpu.memory_space<vmem_shared>> -> memref<2048xf32, #tpu.memory_space<vmem_shared>>
    %dma_wait3A_129 = tpu.memref_slice %arg40[%add3A_127] : memref<264192xf32, #tpu.memory_space<vmem_shared>> -> memref<2048xf32, #tpu.memory_space<vmem_shared>>
    tpu.wait_dma2 semaphore(%arg33 : memref<!tpu.dma_semaphore, #tpu.memory_space<semaphore_mem>>) src(%arg16 : memref<2048xf32, #tpu.memory_space<vmem>>) dst(%dma_wait3A_129 : memref<2048xf32, #tpu.memory_space<vmem_shared>>)
    %mul3A_130 = arith.constant 16384 : i32
    %mul3A_131 = arith.muli %arg1, %mul3A_130 : i32
    %add3A_132 = arith.constant 14336 : i32
    %add3A_133 = arith.addi %mul3A_131, %add3A_132 : i32
    %dma_wait3A_134 = tpu.memref_slice %arg41[%add3A_133] : memref<264192xf32, #tpu.memory_space<vmem_shared>> -> memref<2048xf32, #tpu.memory_space<vmem_shared>>
    %dma_wait3A_135 = tpu.memref_slice %arg41[%add3A_133] : memref<264192xf32, #tpu.memory_space<vmem_shared>> -> memref<2048xf32, #tpu.memory_space<vmem_shared>>
    tpu.wait_dma2 semaphore(%arg33 : memref<!tpu.dma_semaphore, #tpu.memory_space<semaphore_mem>>) src(%arg16 : memref<2048xf32, #tpu.memory_space<vmem>>) dst(%dma_wait3A_135 : memref<2048xf32, #tpu.memory_space<vmem_shared>>)
    %mul3A_136 = arith.constant 16384 : i32
    %mul3A_137 = arith.muli %arg1, %mul3A_136 : i32
    %add3A_138 = arith.constant 14336 : i32
    %add3A_139 = arith.addi %mul3A_137, %add3A_138 : i32
    %dma_wait3A_140 = tpu.memref_slice %arg42[%add3A_139] : memref<264192xf32, #tpu.memory_space<vmem_shared>> -> memref<2048xf32, #tpu.memory_space<vmem_shared>>
    %dma_wait3A_141 = tpu.memref_slice %arg42[%add3A_139] : memref<264192xf32, #tpu.memory_space<vmem_shared>> -> memref<2048xf32, #tpu.memory_space<vmem_shared>>
    tpu.wait_dma2 semaphore(%arg33 : memref<!tpu.dma_semaphore, #tpu.memory_space<semaphore_mem>>) src(%arg16 : memref<2048xf32, #tpu.memory_space<vmem>>) dst(%dma_wait3A_141 : memref<2048xf32, #tpu.memory_space<vmem_shared>>)
    %mul3A_142 = arith.constant 3 : i32
    %mul3A_143 = arith.muli %add3A_59, %mul3A_142 : i32
    %add3A_144 = arith.constant 0 : i32
    %add3A_145 = arith.addi %mul3A_143, %add3A_144 : i32
    %mul3A_146 = arith.constant 100352 : i32
    %mul3A_147 = arith.muli %add3A_145, %mul3A_146 : i32
    %add3A_148 = arith.addi %mul3A_147, %mul3A_61 : i32
    %dma_wait3A_149 = tpu.memref_slice %arg2[%add3A_148] : memref<1204224xf32, #tpu.memory_space<hbm>> -> memref<6272xf32, #tpu.memory_space<hbm>>
    %dma_wait3A_150 = tpu.memref_slice %arg2[%add3A_148] : memref<1204224xf32, #tpu.memory_space<hbm>> -> memref<6272xf32, #tpu.memory_space<hbm>>
    tpu.wait_dma2 semaphore(%arg34 : memref<!tpu.dma_semaphore, #tpu.memory_space<semaphore_mem>>) src(%dma_wait3A_150 : memref<6272xf32, #tpu.memory_space<hbm>>) dst(%arg4 : memref<6272xf32, #tpu.memory_space<vmem>>)
    %mul3A_151 = arith.constant 3 : i32
    %mul3A_152 = arith.muli %add3A_59, %mul3A_151 : i32
    %add3A_153 = arith.constant 1 : i32
    %add3A_154 = arith.addi %mul3A_152, %add3A_153 : i32
    %mul3A_155 = arith.constant 100352 : i32
    %mul3A_156 = arith.muli %add3A_154, %mul3A_155 : i32
    %add3A_157 = arith.addi %mul3A_156, %mul3A_61 : i32
    %dma_wait3A_158 = tpu.memref_slice %arg2[%add3A_157] : memref<1204224xf32, #tpu.memory_space<hbm>> -> memref<6272xf32, #tpu.memory_space<hbm>>
    %dma_wait3A_159 = tpu.memref_slice %arg2[%add3A_157] : memref<1204224xf32, #tpu.memory_space<hbm>> -> memref<6272xf32, #tpu.memory_space<hbm>>
    tpu.wait_dma2 semaphore(%arg34 : memref<!tpu.dma_semaphore, #tpu.memory_space<semaphore_mem>>) src(%dma_wait3A_159 : memref<6272xf32, #tpu.memory_space<hbm>>) dst(%arg5 : memref<6272xf32, #tpu.memory_space<vmem>>)
    %mul3A_160 = arith.constant 3 : i32
    %mul3A_161 = arith.muli %add3A_59, %mul3A_160 : i32
    %add3A_162 = arith.constant 2 : i32
    %add3A_163 = arith.addi %mul3A_161, %add3A_162 : i32
    %mul3A_164 = arith.constant 100352 : i32
    %mul3A_165 = arith.muli %add3A_163, %mul3A_164 : i32
    %add3A_166 = arith.addi %mul3A_165, %mul3A_61 : i32
    %dma_wait3A_167 = tpu.memref_slice %arg2[%add3A_166] : memref<1204224xf32, #tpu.memory_space<hbm>> -> memref<6272xf32, #tpu.memory_space<hbm>>
    %dma_wait3A_168 = tpu.memref_slice %arg2[%add3A_166] : memref<1204224xf32, #tpu.memory_space<hbm>> -> memref<6272xf32, #tpu.memory_space<hbm>>
    tpu.wait_dma2 semaphore(%arg34 : memref<!tpu.dma_semaphore, #tpu.memory_space<semaphore_mem>>) src(%dma_wait3A_168 : memref<6272xf32, #tpu.memory_space<hbm>>) dst(%arg6 : memref<6272xf32, #tpu.memory_space<vmem>>)
    %barrier3A = arith.constant 0 : index
    tpu.barrier barrier_id(%barrier3A)
    %broadcast_in_dim3A_169 = arith.constant 5.000000e-01 : f32
    %broadcast_in_dim3A_170 = vector.broadcast %broadcast_in_dim3A_169 : f32 to vector<16xf32>
    %broadcast_in_dim3A_171 = arith.constant 6.400000e+01 : f32
    %broadcast_in_dim3A_172 = vector.broadcast %broadcast_in_dim3A_171 : f32 to vector<16xf32>
    %broadcast_in_dim3A_173 = arith.constant 0 : i32
    %broadcast_in_dim3A_174 = vector.broadcast %broadcast_in_dim3A_173 : i32 to vector<16xi32>
    %broadcast_in_dim3A_175 = arith.constant 63 : i32
    %broadcast_in_dim3A_176 = vector.broadcast %broadcast_in_dim3A_175 : i32 to vector<16xi32>
    %broadcast_in_dim3A_177 = arith.constant 1 : i32
    %broadcast_in_dim3A_178 = vector.broadcast %broadcast_in_dim3A_177 : i32 to vector<16xi32>
    %get3A = arith.constant 0 : index
    %get3A_179 = tpu.vector_load %arg4[%get3A] {strides = array<i32>} : memref<6272xf32, #tpu.memory_space<vmem>>, vector<16xf32>,
    %get3A_180 = vector.shape_cast %get3A_179 : vector<16xf32> to vector<16xf32>
    %add3A_181 = arith.addf %get3A_180, %broadcast_in_dim3A_170 : vector<16xf32>
    %mul3A_182 = arith.mulf %add3A_181, %broadcast_in_dim3A_172 : vector<16xf32>
    %sub3A = arith.subf %mul3A_182, %broadcast_in_dim3A_170 : vector<16xf32>
    %convert_element_type3A = arith.fptosi %sub3A : vector<16xf32> to vector<16xi32>
    %convert_element_type3A_183 = arith.sitofp %convert_element_type3A : vector<16xi32> to vector<16xf32>
    %gt3A = arith.cmpf ogt, %sub3A, %convert_element_type3A_183 : vector<16xf32>
    %select_n3A = arith.select %gt3A, %broadcast_in_dim3A_178, %broadcast_in_dim3A_174 : vector<16xi1>, vector<16xi32>
    %add3A_184 = arith.addi %convert_element_type3A, %select_n3A : vector<16xi32>
    %max3A = arith.maxsi %convert_element_type3A, %broadcast_in_dim3A_174 : vector<16xi32>
    %min3A = arith.minsi %max3A, %broadcast_in_dim3A_176 : vector<16xi32>
    %max3A_185 = arith.maxsi %add3A_184, %broadcast_in_dim3A_174 : vector<16xi32>
    %min3A_186 = arith.minsi %max3A_185, %broadcast_in_dim3A_176 : vector<16xi32>
    %convert_element_type3A_187 = arith.sitofp %min3A : vector<16xi32> to vector<16xf32>
    %sub3A_188 = arith.subf %sub3A, %convert_element_type3A_187 : vector<16xf32>
    %convert_element_type3A_189 = arith.sitofp %min3A_186 : vector<16xi32> to vector<16xf32>
    %sub3A_190 = arith.subf %sub3A, %convert_element_type3A_189 : vector<16xf32>
    %mul3A_191 = arith.mulf %sub3A_188, %sub3A_188 : vector<16xf32>
    %mul3A_192 = arith.mulf %sub3A_190, %sub3A_190 : vector<16xf32>
    %get3A_193 = arith.constant 0 : index
    %get3A_194 = tpu.vector_load %arg5[%get3A_193] {strides = array<i32>} : memref<6272xf32, #tpu.memory_space<vmem>>, vector<16xf32>,
    %get3A_195 = vector.shape_cast %get3A_194 : vector<16xf32> to vector<16xf32>
    %add3A_196 = arith.addf %get3A_195, %broadcast_in_dim3A_170 : vector<16xf32>
    %mul3A_197 = arith.mulf %add3A_196, %broadcast_in_dim3A_172 : vector<16xf32>
    %sub3A_198 = arith.subf %mul3A_197, %broadcast_in_dim3A_170 : vector<16xf32>
    %convert_element_type3A_199 = arith.fptosi %sub3A_198 : vector<16xf32> to vector<16xi32>
    %convert_element_type3A_200 = arith.sitofp %convert_element_type3A_199 : vector<16xi32> to vector<16xf32>
    %gt3A_201 = arith.cmpf ogt, %sub3A_198, %convert_element_type3A_200 : vector<16xf32>
    %select_n3A_202 = arith.select %gt3A_201, %broadcast_in_dim3A_178, %broadcast_in_dim3A_174 : vector<16xi1>, vector<16xi32>
    %add3A_203 = arith.addi %convert_element_type3A_199, %select_n3A_202 : vector<16xi32>
    %max3A_204 = arith.maxsi %convert_element_type3A_199, %broadcast_in_dim3A_174 : vector<16xi32>
    %min3A_205 = arith.minsi %max3A_204, %broadcast_in_dim3A_176 : vector<16xi32>
    %max3A_206 = arith.maxsi %add3A_203, %broadcast_in_dim3A_174 : vector<16xi32>
    %min3A_207 = arith.minsi %max3A_206, %broadcast_in_dim3A_176 : vector<16xi32>
    %convert_element_type3A_208 = arith.sitofp %min3A_205 : vector<16xi32> to vector<16xf32>
    %sub3A_209 = arith.subf %sub3A_198, %convert_element_type3A_208 : vector<16xf32>
    %convert_element_type3A_210 = arith.sitofp %min3A_207 : vector<16xi32> to vector<16xf32>
    %sub3A_211 = arith.subf %sub3A_198, %convert_element_type3A_210 : vector<16xf32>
    %mul3A_212 = arith.mulf %sub3A_209, %sub3A_209 : vector<16xf32>
    %mul3A_213 = arith.mulf %sub3A_211, %sub3A_211 : vector<16xf32>
    %get3A_214 = arith.constant 0 : index
    %get3A_215 = tpu.vector_load %arg6[%get3A_214] {strides = array<i32>} : memref<6272xf32, #tpu.memory_space<vmem>>, vector<16xf32>,
    %get3A_216 = vector.shape_cast %get3A_215 : vector<16xf32> to vector<16xf32>
    %add3A_217 = arith.addf %get3A_216, %broadcast_in_dim3A_170 : vector<16xf32>
    %mul3A_218 = arith.mulf %add3A_217, %broadcast_in_dim3A_172 : vector<16xf32>
    %sub3A_219 = arith.subf %mul3A_218, %broadcast_in_dim3A_170 : vector<16xf32>
    %convert_element_type3A_220 = arith.fptosi %sub3A_219 : vector<16xf32> to vector<16xi32>
    %convert_element_type3A_221 = arith.sitofp %convert_element_type3A_220 : vector<16xi32> to vector<16xf32>
    %gt3A_222 = arith.cmpf ogt, %sub3A_219, %convert_element_type3A_221 : vector<16xf32>
    %select_n3A_223 = arith.select %gt3A_222, %broadcast_in_dim3A_178, %broadcast_in_dim3A_174 : vector<16xi1>, vector<16xi32>
    %add3A_224 = arith.addi %convert_element_type3A_220, %select_n3A_223 : vector<16xi32>
    %max3A_225 = arith.maxsi %convert_element_type3A_220, %broadcast_in_dim3A_174 : vector<16xi32>
    %min3A_226 = arith.minsi %max3A_225, %broadcast_in_dim3A_176 : vector<16xi32>
    %max3A_227 = arith.maxsi %add3A_224, %broadcast_in_dim3A_174 : vector<16xi32>
    %min3A_228 = arith.minsi %max3A_227, %broadcast_in_dim3A_176 : vector<16xi32>
    %convert_element_type3A_229 = arith.sitofp %min3A_226 : vector<16xi32> to vector<16xf32>
    %sub3A_230 = arith.subf %sub3A_219, %convert_element_type3A_229 : vector<16xf32>
    %convert_element_type3A_231 = arith.sitofp %min3A_228 : vector<16xi32> to vector<16xf32>
    %sub3A_232 = arith.subf %sub3A_219, %convert_element_type3A_231 : vector<16xf32>
    %mul3A_233 = arith.mulf %sub3A_230, %sub3A_230 : vector<16xf32>
    %mul3A_234 = arith.mulf %sub3A_232, %sub3A_232 : vector<16xf32>
    %broadcast_in_dim3A_235 = arith.constant 12 : i32
    %broadcast_in_dim3A_236 = vector.broadcast %broadcast_in_dim3A_235 : i32 to vector<16xi32>
    %broadcast_in_dim3A_237 = arith.constant 6 : i32
    %broadcast_in_dim3A_238 = vector.broadcast %broadcast_in_dim3A_237 : i32 to vector<16xi32>
    %shift_left3A = arith.shli %min3A, %broadcast_in_dim3A_236 : vector<16xi32>
    %shift_left3A_239 = arith.shli %min3A_186, %broadcast_in_dim3A_236 : vector<16xi32>
    %shift_left3A_240 = arith.shli %min3A_205, %broadcast_in_dim3A_238 : vector<16xi32>
    %shift_left3A_241 = arith.shli %min3A_207, %broadcast_in_dim3A_238 : vector<16xi32>
    %broadcast_in_dim3A_242 = arith.constant 7.569000e-01 : f32
    %broadcast_in_dim3A_243 = vector.broadcast %broadcast_in_dim3A_242 : f32 to vector<16xf32>
    %add3A_244 = arith.addf %mul3A_191, %mul3A_212 : vector<16xf32>
    %add3A_245 = arith.addf %add3A_244, %mul3A_233 : vector<16xf32>
    %add3A_246 = arith.addi %shift_left3A, %shift_left3A_240 : vector<16xi32>
    %add3A_247 = arith.addi %add3A_246, %min3A_226 : vector<16xi32>
    %lt3A = arith.cmpf olt, %add3A_245, %broadcast_in_dim3A_243 : vector<16xf32>
    %broadcast_in_dim3A_248 = arith.constant 0 : i32
    %broadcast_in_dim3A_249 = vector.broadcast %broadcast_in_dim3A_248 : i32 to vector<16xi32>
    %add3A_250 = arith.addi %add3A_55, %broadcast_in_dim3A_249 : vector<16xi32>
    %select_n3A_251 = arith.select %lt3A, %add3A_247, %add3A_250 : vector<16xi1>, vector<16xi32>
    %swap3A_252 = arith.constant 0 : index
    %swap3A_253 = tpu.vector_load %arg7[%swap3A_252] {strides = array<i32>} : memref<128xi32, #tpu.memory_space<vmem>>, vector<16xi32>,
    %swap3A_254 = vector.shape_cast %swap3A_253 : vector<16xi32> to vector<16xi32>
    %swap3A_255 = vector.shape_cast %select_n3A_251 : vector<16xi32> to vector<16xi32>
    tpu.vector_store %arg7[%swap3A_252], %swap3A_255 {strides = array<i32>} : memref<128xi32, #tpu.memory_space<vmem>>, vector<16xi32>,
    %swap3A_256 = arith.constant 0 : index
    %swap3A_257 = tpu.vector_load %arg8[%swap3A_256] {strides = array<i32>} : memref<128xf32, #tpu.memory_space<vmem>>, vector<16xf32>,
    %swap3A_258 = vector.shape_cast %swap3A_257 : vector<16xf32> to vector<16xf32>
    %swap3A_259 = vector.shape_cast %sub3A_188 : vector<16xf32> to vector<16xf32>
    tpu.vector_store %arg8[%swap3A_256], %swap3A_259 {strides = array<i32>} : memref<128xf32, #tpu.memory_space<vmem>>, vector<16xf32>,
    %swap3A_260 = arith.constant 0 : index
    %swap3A_261 = tpu.vector_load %arg9[%swap3A_260] {strides = array<i32>} : memref<128xf32, #tpu.memory_space<vmem>>, vector<16xf32>,
    %swap3A_262 = vector.shape_cast %swap3A_261 : vector<16xf32> to vector<16xf32>
    %swap3A_263 = vector.shape_cast %sub3A_209 : vector<16xf32> to vector<16xf32>
    tpu.vector_store %arg9[%swap3A_260], %swap3A_263 {strides = array<i32>} : memref<128xf32, #tpu.memory_space<vmem>>, vector<16xf32>,
    %swap3A_264 = arith.constant 0 : index
    %swap3A_265 = tpu.vector_load %arg10[%swap3A_264] {strides = array<i32>} : memref<128xf32, #tpu.memory_space<vmem>>, vector<16xf32>,
    %swap3A_266 = vector.shape_cast %swap3A_265 : vector<16xf32> to vector<16xf32>
    %swap3A_267 = vector.shape_cast %sub3A_230 : vector<16xf32> to vector<16xf32>
    tpu.vector_store %arg10[%swap3A_264], %swap3A_267 {strides = array<i32>} : memref<128xf32, #tpu.memory_space<vmem>>, vector<16xf32>,
    %add3A_268 = arith.addf %mul3A_191, %mul3A_212 : vector<16xf32>
    %add3A_269 = arith.addf %add3A_268, %mul3A_234 : vector<16xf32>
    %add3A_270 = arith.addi %shift_left3A, %shift_left3A_240 : vector<16xi32>
    %add3A_271 = arith.addi %add3A_270, %min3A_228 : vector<16xi32>
    %lt3A_272 = arith.cmpf olt, %add3A_269, %broadcast_in_dim3A_243 : vector<16xf32>
    %broadcast_in_dim3A_273 = arith.constant 16 : i32
    %broadcast_in_dim3A_274 = vector.broadcast %broadcast_in_dim3A_273 : i32 to vector<16xi32>
    %add3A_275 = arith.addi %add3A_55, %broadcast_in_dim3A_274 : vector<16xi32>
    %select_n3A_276 = arith.select %lt3A_272, %add3A_271, %add3A_275 : vector<16xi1>, vector<16xi32>
    %swap3A_277 = arith.constant 16 : index
    %swap3A_278 = tpu.vector_load %arg7[%swap3A_277] {strides = array<i32>} : memref<128xi32, #tpu.memory_space<vmem>>, vector<16xi32>,
    %swap3A_279 = vector.shape_cast %swap3A_278 : vector<16xi32> to vector<16xi32>
    %swap3A_280 = vector.shape_cast %select_n3A_276 : vector<16xi32> to vector<16xi32>
    tpu.vector_store %arg7[%swap3A_277], %swap3A_280 {strides = array<i32>} : memref<128xi32, #tpu.memory_space<vmem>>, vector<16xi32>,
    %swap3A_281 = arith.constant 16 : index
    %swap3A_282 = tpu.vector_load %arg8[%swap3A_281] {strides = array<i32>} : memref<128xf32, #tpu.memory_space<vmem>>, vector<16xf32>,
    %swap3A_283 = vector.shape_cast %swap3A_282 : vector<16xf32> to vector<16xf32>
    %swap3A_284 = vector.shape_cast %sub3A_188 : vector<16xf32> to vector<16xf32>
    tpu.vector_store %arg8[%swap3A_281], %swap3A_284 {strides = array<i32>} : memref<128xf32, #tpu.memory_space<vmem>>, vector<16xf32>,
    %swap3A_285 = arith.constant 16 : index
    %swap3A_286 = tpu.vector_load %arg9[%swap3A_285] {strides = array<i32>} : memref<128xf32, #tpu.memory_space<vmem>>, vector<16xf32>,
    %swap3A_287 = vector.shape_cast %swap3A_286 : vector<16xf32> to vector<16xf32>
    %swap3A_288 = vector.shape_cast %sub3A_209 : vector<16xf32> to vector<16xf32>
    tpu.vector_store %arg9[%swap3A_285], %swap3A_288 {strides = array<i32>} : memref<128xf32, #tpu.memory_space<vmem>>, vector<16xf32>,
    %swap3A_289 = arith.constant 16 : index
    %swap3A_290 = tpu.vector_load %arg10[%swap3A_289] {strides = array<i32>} : memref<128xf32, #tpu.memory_space<vmem>>, vector<16xf32>,
    %swap3A_291 = vector.shape_cast %swap3A_290 : vector<16xf32> to vector<16xf32>
    %swap3A_292 = vector.shape_cast %sub3A_232 : vector<16xf32> to vector<16xf32>
    tpu.vector_store %arg10[%swap3A_289], %swap3A_292 {strides = array<i32>} : memref<128xf32, #tpu.memory_space<vmem>>, vector<16xf32>,
    %add3A_293 = arith.addf %mul3A_191, %mul3A_213 : vector<16xf32>
    %add3A_294 = arith.addf %add3A_293, %mul3A_233 : vector<16xf32>
    %add3A_295 = arith.addi %shift_left3A, %shift_left3A_241 : vector<16xi32>
    %add3A_296 = arith.addi %add3A_295, %min3A_226 : vector<16xi32>
    %lt3A_297 = arith.cmpf olt, %add3A_294, %broadcast_in_dim3A_243 : vector<16xf32>
    %broadcast_in_dim3A_298 = arith.constant 32 : i32
    %broadcast_in_dim3A_299 = vector.broadcast %broadcast_in_dim3A_298 : i32 to vector<16xi32>
    %add3A_300 = arith.addi %add3A_55, %broadcast_in_dim3A_299 : vector<16xi32>
    %select_n3A_301 = arith.select %lt3A_297, %add3A_296, %add3A_300 : vector<16xi1>, vector<16xi32>
    %swap3A_302 = arith.constant 32 : index
    %swap3A_303 = tpu.vector_load %arg7[%swap3A_302] {strides = array<i32>} : memref<128xi32, #tpu.memory_space<vmem>>, vector<16xi32>,
    %swap3A_304 = vector.shape_cast %swap3A_303 : vector<16xi32> to vector<16xi32>
    %swap3A_305 = vector.shape_cast %select_n3A_301 : vector<16xi32> to vector<16xi32>
    tpu.vector_store %arg7[%swap3A_302], %swap3A_305 {strides = array<i32>} : memref<128xi32, #tpu.memory_space<vmem>>, vector<16xi32>,
    %swap3A_306 = arith.constant 32 : index
    %swap3A_307 = tpu.vector_load %arg8[%swap3A_306] {strides = array<i32>} : memref<128xf32, #tpu.memory_space<vmem>>, vector<16xf32>,
    %swap3A_308 = vector.shape_cast %swap3A_307 : vector<16xf32> to vector<16xf32>
    %swap3A_309 = vector.shape_cast %sub3A_188 : vector<16xf32> to vector<16xf32>
    tpu.vector_store %arg8[%swap3A_306], %swap3A_309 {strides = array<i32>} : memref<128xf32, #tpu.memory_space<vmem>>, vector<16xf32>,
    %swap3A_310 = arith.constant 32 : index
    %swap3A_311 = tpu.vector_load %arg9[%swap3A_310] {strides = array<i32>} : memref<128xf32, #tpu.memory_space<vmem>>, vector<16xf32>,
    %swap3A_312 = vector.shape_cast %swap3A_311 : vector<16xf32> to vector<16xf32>
    %swap3A_313 = vector.shape_cast %sub3A_211 : vector<16xf32> to vector<16xf32>
    tpu.vector_store %arg9[%swap3A_310], %swap3A_313 {strides = array<i32>} : memref<128xf32, #tpu.memory_space<vmem>>, vector<16xf32>,
    %swap3A_314 = arith.constant 32 : index
    %swap3A_315 = tpu.vector_load %arg10[%swap3A_314] {strides = array<i32>} : memref<128xf32, #tpu.memory_space<vmem>>, vector<16xf32>,
    %swap3A_316 = vector.shape_cast %swap3A_315 : vector<16xf32> to vector<16xf32>
    %swap3A_317 = vector.shape_cast %sub3A_230 : vector<16xf32> to vector<16xf32>
    tpu.vector_store %arg10[%swap3A_314], %swap3A_317 {strides = array<i32>} : memref<128xf32, #tpu.memory_space<vmem>>, vector<16xf32>,
    %add3A_318 = arith.addf %mul3A_191, %mul3A_213 : vector<16xf32>
    %add3A_319 = arith.addf %add3A_318, %mul3A_234 : vector<16xf32>
    %add3A_320 = arith.addi %shift_left3A, %shift_left3A_241 : vector<16xi32>
    %add3A_321 = arith.addi %add3A_320, %min3A_228 : vector<16xi32>
    %lt3A_322 = arith.cmpf olt, %add3A_319, %broadcast_in_dim3A_243 : vector<16xf32>
    %broadcast_in_dim3A_323 = arith.constant 48 : i32
    %broadcast_in_dim3A_324 = vector.broadcast %broadcast_in_dim3A_323 : i32 to vector<16xi32>
    %add3A_325 = arith.addi %add3A_55, %broadcast_in_dim3A_324 : vector<16xi32>
    %select_n3A_326 = arith.select %lt3A_322, %add3A_321, %add3A_325 : vector<16xi1>, vector<16xi32>
    %swap3A_327 = arith.constant 48 : index
    %swap3A_328 = tpu.vector_load %arg7[%swap3A_327] {strides = array<i32>} : memref<128xi32, #tpu.memory_space<vmem>>, vector<16xi32>,
    %swap3A_329 = vector.shape_cast %swap3A_328 : vector<16xi32> to vector<16xi32>
    %swap3A_330 = vector.shape_cast %select_n3A_326 : vector<16xi32> to vector<16xi32>
    tpu.vector_store %arg7[%swap3A_327], %swap3A_330 {strides = array<i32>} : memref<128xi32, #tpu.memory_space<vmem>>, vector<16xi32>,
    %swap3A_331 = arith.constant 48 : index
    %swap3A_332 = tpu.vector_load %arg8[%swap3A_331] {strides = array<i32>} : memref<128xf32, #tpu.memory_space<vmem>>, vector<16xf32>,
    %swap3A_333 = vector.shape_cast %swap3A_332 : vector<16xf32> to vector<16xf32>
    %swap3A_334 = vector.shape_cast %sub3A_188 : vector<16xf32> to vector<16xf32>
    tpu.vector_store %arg8[%swap3A_331], %swap3A_334 {strides = array<i32>} : memref<128xf32, #tpu.memory_space<vmem>>, vector<16xf32>,
    %swap3A_335 = arith.constant 48 : index
    %swap3A_336 = tpu.vector_load %arg9[%swap3A_335] {strides = array<i32>} : memref<128xf32, #tpu.memory_space<vmem>>, vector<16xf32>,
    %swap3A_337 = vector.shape_cast %swap3A_336 : vector<16xf32> to vector<16xf32>
    %swap3A_338 = vector.shape_cast %sub3A_211 : vector<16xf32> to vector<16xf32>
    tpu.vector_store %arg9[%swap3A_335], %swap3A_338 {strides = array<i32>} : memref<128xf32, #tpu.memory_space<vmem>>, vector<16xf32>,
    %swap3A_339 = arith.constant 48 : index
    %swap3A_340 = tpu.vector_load %arg10[%swap3A_339] {strides = array<i32>} : memref<128xf32, #tpu.memory_space<vmem>>, vector<16xf32>,
    %swap3A_341 = vector.shape_cast %swap3A_340 : vector<16xf32> to vector<16xf32>
    %swap3A_342 = vector.shape_cast %sub3A_232 : vector<16xf32> to vector<16xf32>
    tpu.vector_store %arg10[%swap3A_339], %swap3A_342 {strides = array<i32>} : memref<128xf32, #tpu.memory_space<vmem>>, vector<16xf32>,
    %add3A_343 = arith.addf %mul3A_192, %mul3A_212 : vector<16xf32>
    %add3A_344 = arith.addf %add3A_343, %mul3A_233 : vector<16xf32>
    %add3A_345 = arith.addi %shift_left3A_239, %shift_left3A_240 : vector<16xi32>
    %add3A_346 = arith.addi %add3A_345, %min3A_226 : vector<16xi32>
    %lt3A_347 = arith.cmpf olt, %add3A_344, %broadcast_in_dim3A_243 : vector<16xf32>
    %broadcast_in_dim3A_348 = arith.constant 64 : i32
    %broadcast_in_dim3A_349 = vector.broadcast %broadcast_in_dim3A_348 : i32 to vector<16xi32>
    %add3A_350 = arith.addi %add3A_55, %broadcast_in_dim3A_349 : vector<16xi32>
    %select_n3A_351 = arith.select %lt3A_347, %add3A_346, %add3A_350 : vector<16xi1>, vector<16xi32>
    %swap3A_352 = arith.constant 64 : index
    %swap3A_353 = tpu.vector_load %arg7[%swap3A_352] {strides = array<i32>} : memref<128xi32, #tpu.memory_space<vmem>>, vector<16xi32>,
    %swap3A_354 = vector.shape_cast %swap3A_353 : vector<16xi32> to vector<16xi32>
    %swap3A_355 = vector.shape_cast %select_n3A_351 : vector<16xi32> to vector<16xi32>
    tpu.vector_store %arg7[%swap3A_352], %swap3A_355 {strides = array<i32>} : memref<128xi32, #tpu.memory_space<vmem>>, vector<16xi32>,
    %swap3A_356 = arith.constant 64 : index
    %swap3A_357 = tpu.vector_load %arg8[%swap3A_356] {strides = array<i32>} : memref<128xf32, #tpu.memory_space<vmem>>, vector<16xf32>,
    %swap3A_358 = vector.shape_cast %swap3A_357 : vector<16xf32> to vector<16xf32>
    %swap3A_359 = vector.shape_cast %sub3A_190 : vector<16xf32> to vector<16xf32>
    tpu.vector_store %arg8[%swap3A_356], %swap3A_359 {strides = array<i32>} : memref<128xf32, #tpu.memory_space<vmem>>, vector<16xf32>,
    %swap3A_360 = arith.constant 64 : index
    %swap3A_361 = tpu.vector_load %arg9[%swap3A_360] {strides = array<i32>} : memref<128xf32, #tpu.memory_space<vmem>>, vector<16xf32>,
    %swap3A_362 = vector.shape_cast %swap3A_361 : vector<16xf32> to vector<16xf32>
    %swap3A_363 = vector.shape_cast %sub3A_209 : vector<16xf32> to vector<16xf32>
    tpu.vector_store %arg9[%swap3A_360], %swap3A_363 {strides = array<i32>} : memref<128xf32, #tpu.memory_space<vmem>>, vector<16xf32>,
    %swap3A_364 = arith.constant 64 : index
    %swap3A_365 = tpu.vector_load %arg10[%swap3A_364] {strides = array<i32>} : memref<128xf32, #tpu.memory_space<vmem>>, vector<16xf32>,
    %swap3A_366 = vector.shape_cast %swap3A_365 : vector<16xf32> to vector<16xf32>
    %swap3A_367 = vector.shape_cast %sub3A_230 : vector<16xf32> to vector<16xf32>
    tpu.vector_store %arg10[%swap3A_364], %swap3A_367 {strides = array<i32>} : memref<128xf32, #tpu.memory_space<vmem>>, vector<16xf32>,
    %add3A_368 = arith.addf %mul3A_192, %mul3A_212 : vector<16xf32>
    %add3A_369 = arith.addf %add3A_368, %mul3A_234 : vector<16xf32>
    %add3A_370 = arith.addi %shift_left3A_239, %shift_left3A_240 : vector<16xi32>
    %add3A_371 = arith.addi %add3A_370, %min3A_228 : vector<16xi32>
    %lt3A_372 = arith.cmpf olt, %add3A_369, %broadcast_in_dim3A_243 : vector<16xf32>
    %broadcast_in_dim3A_373 = arith.constant 80 : i32
    %broadcast_in_dim3A_374 = vector.broadcast %broadcast_in_dim3A_373 : i32 to vector<16xi32>
    %add3A_375 = arith.addi %add3A_55, %broadcast_in_dim3A_374 : vector<16xi32>
    %select_n3A_376 = arith.select %lt3A_372, %add3A_371, %add3A_375 : vector<16xi1>, vector<16xi32>
    %swap3A_377 = arith.constant 80 : index
    %swap3A_378 = tpu.vector_load %arg7[%swap3A_377] {strides = array<i32>} : memref<128xi32, #tpu.memory_space<vmem>>, vector<16xi32>,
    %swap3A_379 = vector.shape_cast %swap3A_378 : vector<16xi32> to vector<16xi32>
    %swap3A_380 = vector.shape_cast %select_n3A_376 : vector<16xi32> to vector<16xi32>
    tpu.vector_store %arg7[%swap3A_377], %swap3A_380 {strides = array<i32>} : memref<128xi32, #tpu.memory_space<vmem>>, vector<16xi32>,
    %swap3A_381 = arith.constant 80 : index
    %swap3A_382 = tpu.vector_load %arg8[%swap3A_381] {strides = array<i32>} : memref<128xf32, #tpu.memory_space<vmem>>, vector<16xf32>,
    %swap3A_383 = vector.shape_cast %swap3A_382 : vector<16xf32> to vector<16xf32>
    %swap3A_384 = vector.shape_cast %sub3A_190 : vector<16xf32> to vector<16xf32>
    tpu.vector_store %arg8[%swap3A_381], %swap3A_384 {strides = array<i32>} : memref<128xf32, #tpu.memory_space<vmem>>, vector<16xf32>,
    %swap3A_385 = arith.constant 80 : index
    %swap3A_386 = tpu.vector_load %arg9[%swap3A_385] {strides = array<i32>} : memref<128xf32, #tpu.memory_space<vmem>>, vector<16xf32>,
    %swap3A_387 = vector.shape_cast %swap3A_386 : vector<16xf32> to vector<16xf32>
    %swap3A_388 = vector.shape_cast %sub3A_209 : vector<16xf32> to vector<16xf32>
    tpu.vector_store %arg9[%swap3A_385], %swap3A_388 {strides = array<i32>} : memref<128xf32, #tpu.memory_space<vmem>>, vector<16xf32>,
    %swap3A_389 = arith.constant 80 : index
    %swap3A_390 = tpu.vector_load %arg10[%swap3A_389] {strides = array<i32>} : memref<128xf32, #tpu.memory_space<vmem>>, vector<16xf32>,
    %swap3A_391 = vector.shape_cast %swap3A_390 : vector<16xf32> to vector<16xf32>
    %swap3A_392 = vector.shape_cast %sub3A_232 : vector<16xf32> to vector<16xf32>
    tpu.vector_store %arg10[%swap3A_389], %swap3A_392 {strides = array<i32>} : memref<128xf32, #tpu.memory_space<vmem>>, vector<16xf32>,
    %add3A_393 = arith.addf %mul3A_192, %mul3A_213 : vector<16xf32>
    %add3A_394 = arith.addf %add3A_393, %mul3A_233 : vector<16xf32>
    %add3A_395 = arith.addi %shift_left3A_239, %shift_left3A_241 : vector<16xi32>
    %add3A_396 = arith.addi %add3A_395, %min3A_226 : vector<16xi32>
    %lt3A_397 = arith.cmpf olt, %add3A_394, %broadcast_in_dim3A_243 : vector<16xf32>
    %broadcast_in_dim3A_398 = arith.constant 96 : i32
    %broadcast_in_dim3A_399 = vector.broadcast %broadcast_in_dim3A_398 : i32 to vector<16xi32>
    %add3A_400 = arith.addi %add3A_55, %broadcast_in_dim3A_399 : vector<16xi32>
    %select_n3A_401 = arith.select %lt3A_397, %add3A_396, %add3A_400 : vector<16xi1>, vector<16xi32>
    %swap3A_402 = arith.constant 96 : index
    %swap3A_403 = tpu.vector_load %arg7[%swap3A_402] {strides = array<i32>} : memref<128xi32, #tpu.memory_space<vmem>>, vector<16xi32>,
    %swap3A_404 = vector.shape_cast %swap3A_403 : vector<16xi32> to vector<16xi32>
    %swap3A_405 = vector.shape_cast %select_n3A_401 : vector<16xi32> to vector<16xi32>
    tpu.vector_store %arg7[%swap3A_402], %swap3A_405 {strides = array<i32>} : memref<128xi32, #tpu.memory_space<vmem>>, vector<16xi32>,
    %swap3A_406 = arith.constant 96 : index
    %swap3A_407 = tpu.vector_load %arg8[%swap3A_406] {strides = array<i32>} : memref<128xf32, #tpu.memory_space<vmem>>, vector<16xf32>,
    %swap3A_408 = vector.shape_cast %swap3A_407 : vector<16xf32> to vector<16xf32>
    %swap3A_409 = vector.shape_cast %sub3A_190 : vector<16xf32> to vector<16xf32>
    tpu.vector_store %arg8[%swap3A_406], %swap3A_409 {strides = array<i32>} : memref<128xf32, #tpu.memory_space<vmem>>, vector<16xf32>,
    %swap3A_410 = arith.constant 96 : index
    %swap3A_411 = tpu.vector_load %arg9[%swap3A_410] {strides = array<i32>} : memref<128xf32, #tpu.memory_space<vmem>>, vector<16xf32>,
    %swap3A_412 = vector.shape_cast %swap3A_411 : vector<16xf32> to vector<16xf32>
    %swap3A_413 = vector.shape_cast %sub3A_211 : vector<16xf32> to vector<16xf32>
    tpu.vector_store %arg9[%swap3A_410], %swap3A_413 {strides = array<i32>} : memref<128xf32, #tpu.memory_space<vmem>>, vector<16xf32>,
    %swap3A_414 = arith.constant 96 : index
    %swap3A_415 = tpu.vector_load %arg10[%swap3A_414] {strides = array<i32>} : memref<128xf32, #tpu.memory_space<vmem>>, vector<16xf32>,
    %swap3A_416 = vector.shape_cast %swap3A_415 : vector<16xf32> to vector<16xf32>
    %swap3A_417 = vector.shape_cast %sub3A_230 : vector<16xf32> to vector<16xf32>
    tpu.vector_store %arg10[%swap3A_414], %swap3A_417 {strides = array<i32>} : memref<128xf32, #tpu.memory_space<vmem>>, vector<16xf32>,
    %add3A_418 = arith.addf %mul3A_192, %mul3A_213 : vector<16xf32>
    %add3A_419 = arith.addf %add3A_418, %mul3A_234 : vector<16xf32>
    %add3A_420 = arith.addi %shift_left3A_239, %shift_left3A_241 : vector<16xi32>
    %add3A_421 = arith.addi %add3A_420, %min3A_228 : vector<16xi32>
    %lt3A_422 = arith.cmpf olt, %add3A_419, %broadcast_in_dim3A_243 : vector<16xf32>
    %broadcast_in_dim3A_423 = arith.constant 112 : i32
    %broadcast_in_dim3A_424 = vector.broadcast %broadcast_in_dim3A_423 : i32 to vector<16xi32>
    %add3A_425 = arith.addi %add3A_55, %broadcast_in_dim3A_424 : vector<16xi32>
    %select_n3A_426 = arith.select %lt3A_422, %add3A_421, %add3A_425 : vector<16xi1>, vector<16xi32>
    %swap3A_427 = arith.constant 112 : index
    %swap3A_428 = tpu.vector_load %arg7[%swap3A_427] {strides = array<i32>} : memref<128xi32, #tpu.memory_space<vmem>>, vector<16xi32>,
    %swap3A_429 = vector.shape_cast %swap3A_428 : vector<16xi32> to vector<16xi32>
    %swap3A_430 = vector.shape_cast %select_n3A_426 : vector<16xi32> to vector<16xi32>
    tpu.vector_store %arg7[%swap3A_427], %swap3A_430 {strides = array<i32>} : memref<128xi32, #tpu.memory_space<vmem>>, vector<16xi32>,
    %swap3A_431 = arith.constant 112 : index
    %swap3A_432 = tpu.vector_load %arg8[%swap3A_431] {strides = array<i32>} : memref<128xf32, #tpu.memory_space<vmem>>, vector<16xf32>,
    %swap3A_433 = vector.shape_cast %swap3A_432 : vector<16xf32> to vector<16xf32>
    %swap3A_434 = vector.shape_cast %sub3A_190 : vector<16xf32> to vector<16xf32>
    tpu.vector_store %arg8[%swap3A_431], %swap3A_434 {strides = array<i32>} : memref<128xf32, #tpu.memory_space<vmem>>, vector<16xf32>,
    %swap3A_435 = arith.constant 112 : index
    %swap3A_436 = tpu.vector_load %arg9[%swap3A_435] {strides = array<i32>} : memref<128xf32, #tpu.memory_space<vmem>>, vector<16xf32>,
    %swap3A_437 = vector.shape_cast %swap3A_436 : vector<16xf32> to vector<16xf32>
    %swap3A_438 = vector.shape_cast %sub3A_211 : vector<16xf32> to vector<16xf32>
    tpu.vector_store %arg9[%swap3A_435], %swap3A_438 {strides = array<i32>} : memref<128xf32, #tpu.memory_space<vmem>>, vector<16xf32>,
    %swap3A_439 = arith.constant 112 : index
    %swap3A_440 = tpu.vector_load %arg10[%swap3A_439] {strides = array<i32>} : memref<128xf32, #tpu.memory_space<vmem>>, vector<16xf32>,
    %swap3A_441 = vector.shape_cast %swap3A_440 : vector<16xf32> to vector<16xf32>
    %swap3A_442 = vector.shape_cast %sub3A_232 : vector<16xf32> to vector<16xf32>
    tpu.vector_store %arg10[%swap3A_439], %swap3A_442 {strides = array<i32>} : memref<128xf32, #tpu.memory_space<vmem>>, vector<16xf32>,
    %dma_start3A_443 = arith.constant 0 : i32
    %dma_start3A_444 = tpu.memref_slice %arg39[%dma_start3A_443] : memref<264192xf32, #tpu.memory_space<vmem_shared>> -> memref<264192xf32, #tpu.memory_space<vmem_shared>>
    tpu.enqueue_indirect_dma source(%arg8 : memref<128xf32, #tpu.memory_space<vmem>>) target(%dma_start3A_444 : memref<264192xf32, #tpu.memory_space<vmem_shared>>) offsets(%arg7 : memref<128xi32, #tpu.memory_space<vmem>>) semaphore(%arg31 : memref<!tpu.dma_semaphore, #tpu.memory_space<semaphore_mem>>) {add = true}
    %dma_start3A_445 = arith.constant 0 : i32
    %dma_start3A_446 = tpu.memref_slice %arg40[%dma_start3A_445] : memref<264192xf32, #tpu.memory_space<vmem_shared>> -> memref<264192xf32, #tpu.memory_space<vmem_shared>>
    tpu.enqueue_indirect_dma source(%arg9 : memref<128xf32, #tpu.memory_space<vmem>>) target(%dma_start3A_446 : memref<264192xf32, #tpu.memory_space<vmem_shared>>) offsets(%arg7 : memref<128xi32, #tpu.memory_space<vmem>>) semaphore(%arg31 : memref<!tpu.dma_semaphore, #tpu.memory_space<semaphore_mem>>) {add = true}
    %dma_start3A_447 = arith.constant 0 : i32
    %dma_start3A_448 = tpu.memref_slice %arg41[%dma_start3A_447] : memref<264192xf32, #tpu.memory_space<vmem_shared>> -> memref<264192xf32, #tpu.memory_space<vmem_shared>>
    tpu.enqueue_indirect_dma source(%arg10 : memref<128xf32, #tpu.memory_space<vmem>>) target(%dma_start3A_448 : memref<264192xf32, #tpu.memory_space<vmem_shared>>) offsets(%arg7 : memref<128xi32, #tpu.memory_space<vmem>>) semaphore(%arg31 : memref<!tpu.dma_semaphore, #tpu.memory_space<semaphore_mem>>) {add = true}
    %dma_start3A_449 = arith.constant 0 : i32
    %dma_start3A_450 = tpu.memref_slice %arg42[%dma_start3A_449] : memref<264192xf32, #tpu.memory_space<vmem_shared>> -> memref<264192xf32, #tpu.memory_space<vmem_shared>>
    tpu.enqueue_indirect_dma source(%arg15 : memref<128xf32, #tpu.memory_space<vmem>>) target(%dma_start3A_450 : memref<264192xf32, #tpu.memory_space<vmem_shared>>) offsets(%arg7 : memref<128xi32, #tpu.memory_space<vmem>>) semaphore(%arg31 : memref<!tpu.dma_semaphore, #tpu.memory_space<semaphore_mem>>) {add = true}
    %broadcast_in_dim3A_451 = arith.constant 5.000000e-01 : f32
    %broadcast_in_dim3A_452 = vector.broadcast %broadcast_in_dim3A_451 : f32 to vector<16xf32>
    %broadcast_in_dim3A_453 = arith.constant 6.400000e+01 : f32
    %broadcast_in_dim3A_454 = vector.broadcast %broadcast_in_dim3A_453 : f32 to vector<16xf32>
    %broadcast_in_dim3A_455 = arith.constant 0 : i32
    %broadcast_in_dim3A_456 = vector.broadcast %broadcast_in_dim3A_455 : i32 to vector<16xi32>
    %broadcast_in_dim3A_457 = arith.constant 63 : i32
    %broadcast_in_dim3A_458 = vector.broadcast %broadcast_in_dim3A_457 : i32 to vector<16xi32>
    %broadcast_in_dim3A_459 = arith.constant 1 : i32
    %broadcast_in_dim3A_460 = vector.broadcast %broadcast_in_dim3A_459 : i32 to vector<16xi32>
    %get3A_461 = arith.constant 16 : index
    %get3A_462 = tpu.vector_load %arg4[%get3A_461] {strides = array<i32>} : memref<6272xf32, #tpu.memory_space<vmem>>, vector<16xf32>,
    %get3A_463 = vector.shape_cast %get3A_462 : vector<16xf32> to vector<16xf32>
    %add3A_464 = arith.addf %get3A_463, %broadcast_in_dim3A_452 : vector<16xf32>
    %mul3A_465 = arith.mulf %add3A_464, %broadcast_in_dim3A_454 : vector<16xf32>
    %sub3A_466 = arith.subf %mul3A_465, %broadcast_in_dim3A_452 : vector<16xf32>
    %convert_element_type3A_467 = arith.fptosi %sub3A_466 : vector<16xf32> to vector<16xi32>
    %convert_element_type3A_468 = arith.sitofp %convert_element_type3A_467 : vector<16xi32> to vector<16xf32>
    %gt3A_469 = arith.cmpf ogt, %sub3A_466, %convert_element_type3A_468 : vector<16xf32>
    %select_n3A_470 = arith.select %gt3A_469, %broadcast_in_dim3A_460, %broadcast_in_dim3A_456 : vector<16xi1>, vector<16xi32>
    %add3A_471 = arith.addi %convert_element_type3A_467, %select_n3A_470 : vector<16xi32>
    %max3A_472 = arith.maxsi %convert_element_type3A_467, %broadcast_in_dim3A_456 : vector<16xi32>
    %min3A_473 = arith.minsi %max3A_472, %broadcast_in_dim3A_458 : vector<16xi32>
    %max3A_474 = arith.maxsi %add3A_471, %broadcast_in_dim3A_456 : vector<16xi32>
    %min3A_475 = arith.minsi %max3A_474, %broadcast_in_dim3A_458 : vector<16xi32>
    %convert_element_type3A_476 = arith.sitofp %min3A_473 : vector<16xi32> to vector<16xf32>
    %sub3A_477 = arith.subf %sub3A_466, %convert_element_type3A_476 : vector<16xf32>
    %convert_element_type3A_478 = arith.sitofp %min3A_475 : vector<16xi32> to vector<16xf32>
    %sub3A_479 = arith.subf %sub3A_466, %convert_element_type3A_478 : vector<16xf32>
    %mul3A_480 = arith.mulf %sub3A_477, %sub3A_477 : vector<16xf32>
    %mul3A_481 = arith.mulf %sub3A_479, %sub3A_479 : vector<16xf32>
    %get3A_482 = arith.constant 16 : index
    %get3A_483 = tpu.vector_load %arg5[%get3A_482] {strides = array<i32>} : memref<6272xf32, #tpu.memory_space<vmem>>, vector<16xf32>,
    %get3A_484 = vector.shape_cast %get3A_483 : vector<16xf32> to vector<16xf32>
    %add3A_485 = arith.addf %get3A_484, %broadcast_in_dim3A_452 : vector<16xf32>
    %mul3A_486 = arith.mulf %add3A_485, %broadcast_in_dim3A_454 : vector<16xf32>
    %sub3A_487 = arith.subf %mul3A_486, %broadcast_in_dim3A_452 : vector<16xf32>
    %convert_element_type3A_488 = arith.fptosi %sub3A_487 : vector<16xf32> to vector<16xi32>
    %convert_element_type3A_489 = arith.sitofp %convert_element_type3A_488 : vector<16xi32> to vector<16xf32>
    %gt3A_490 = arith.cmpf ogt, %sub3A_487, %convert_element_type3A_489 : vector<16xf32>
    %select_n3A_491 = arith.select %gt3A_490, %broadcast_in_dim3A_460, %broadcast_in_dim3A_456 : vector<16xi1>, vector<16xi32>
    %add3A_492 = arith.addi %convert_element_type3A_488, %select_n3A_491 : vector<16xi32>
    %max3A_493 = arith.maxsi %convert_element_type3A_488, %broadcast_in_dim3A_456 : vector<16xi32>
    %min3A_494 = arith.minsi %max3A_493, %broadcast_in_dim3A_458 : vector<16xi32>
    %max3A_495 = arith.maxsi %add3A_492, %broadcast_in_dim3A_456 : vector<16xi32>
    %min3A_496 = arith.minsi %max3A_495, %broadcast_in_dim3A_458 : vector<16xi32>
    %convert_element_type3A_497 = arith.sitofp %min3A_494 : vector<16xi32> to vector<16xf32>
    %sub3A_498 = arith.subf %sub3A_487, %convert_element_type3A_497 : vector<16xf32>
    %convert_element_type3A_499 = arith.sitofp %min3A_496 : vector<16xi32> to vector<16xf32>
    %sub3A_500 = arith.subf %sub3A_487, %convert_element_type3A_499 : vector<16xf32>
    %mul3A_501 = arith.mulf %sub3A_498, %sub3A_498 : vector<16xf32>
    %mul3A_502 = arith.mulf %sub3A_500, %sub3A_500 : vector<16xf32>
    %get3A_503 = arith.constant 16 : index
    %get3A_504 = tpu.vector_load %arg6[%get3A_503] {strides = array<i32>} : memref<6272xf32, #tpu.memory_space<vmem>>, vector<16xf32>,
    %get3A_505 = vector.shape_cast %get3A_504 : vector<16xf32> to vector<16xf32>
    %add3A_506 = arith.addf %get3A_505, %broadcast_in_dim3A_452 : vector<16xf32>
    %mul3A_507 = arith.mulf %add3A_506, %broadcast_in_dim3A_454 : vector<16xf32>
    %sub3A_508 = arith.subf %mul3A_507, %broadcast_in_dim3A_452 : vector<16xf32>
    %convert_element_type3A_509 = arith.fptosi %sub3A_508 : vector<16xf32> to vector<16xi32>
    %convert_element_type3A_510 = arith.sitofp %convert_element_type3A_509 : vector<16xi32> to vector<16xf32>
    %gt3A_511 = arith.cmpf ogt, %sub3A_508, %convert_element_type3A_510 : vector<16xf32>
    %select_n3A_512 = arith.select %gt3A_511, %broadcast_in_dim3A_460, %broadcast_in_dim3A_456 : vector<16xi1>, vector<16xi32>
    %add3A_513 = arith.addi %convert_element_type3A_509, %select_n3A_512 : vector<16xi32>
    %max3A_514 = arith.maxsi %convert_element_type3A_509, %broadcast_in_dim3A_456 : vector<16xi32>
    %min3A_515 = arith.minsi %max3A_514, %broadcast_in_dim3A_458 : vector<16xi32>
    %max3A_516 = arith.maxsi %add3A_513, %broadcast_in_dim3A_456 : vector<16xi32>
    %min3A_517 = arith.minsi %max3A_516, %broadcast_in_dim3A_458 : vector<16xi32>
    %convert_element_type3A_518 = arith.sitofp %min3A_515 : vector<16xi32> to vector<16xf32>
    %sub3A_519 = arith.subf %sub3A_508, %convert_element_type3A_518 : vector<16xf32>
    %convert_element_type3A_520 = arith.sitofp %min3A_517 : vector<16xi32> to vector<16xf32>
    %sub3A_521 = arith.subf %sub3A_508, %convert_element_type3A_520 : vector<16xf32>
    %mul3A_522 = arith.mulf %sub3A_519, %sub3A_519 : vector<16xf32>
    %mul3A_523 = arith.mulf %sub3A_521, %sub3A_521 : vector<16xf32>
    %broadcast_in_dim3A_524 = arith.constant 12 : i32
    %broadcast_in_dim3A_525 = vector.broadcast %broadcast_in_dim3A_524 : i32 to vector<16xi32>
    %broadcast_in_dim3A_526 = arith.constant 6 : i32
    %broadcast_in_dim3A_527 = vector.broadcast %broadcast_in_dim3A_526 : i32 to vector<16xi32>
    %shift_left3A_528 = arith.shli %min3A_473, %broadcast_in_dim3A_525 : vector<16xi32>
    %shift_left3A_529 = arith.shli %min3A_475, %broadcast_in_dim3A_525 : vector<16xi32>
    %shift_left3A_530 = arith.shli %min3A_494, %broadcast_in_dim3A_527 : vector<16xi32>
    %shift_left3A_531 = arith.shli %min3A_496, %broadcast_in_dim3A_527 : vector<16xi32>
    %broadcast_in_dim3A_532 = arith.constant 7.569000e-01 : f32
    %broadcast_in_dim3A_533 = vector.broadcast %broadcast_in_dim3A_532 : f32 to vector<16xf32>
    %add3A_534 = arith.addf %mul3A_480, %mul3A_501 : vector<16xf32>
    %add3A_535 = arith.addf %add3A_534, %mul3A_522 : vector<16xf32>
    %add3A_536 = arith.addi %shift_left3A_528, %shift_left3A_530 : vector<16xi32>
    %add3A_537 = arith.addi %add3A_536, %min3A_515 : vector<16xi32>
    %lt3A_538 = arith.cmpf olt, %add3A_535, %broadcast_in_dim3A_533 : vector<16xf32>
    %broadcast_in_dim3A_539 = arith.constant 0 : i32
    %broadcast_in_dim3A_540 = vector.broadcast %broadcast_in_dim3A_539 : i32 to vector<16xi32>
    %add3A_541 = arith.addi %add3A_55, %broadcast_in_dim3A_540 : vector<16xi32>
    %select_n3A_542 = arith.select %lt3A_538, %add3A_537, %add3A_541 : vector<16xi1>, vector<16xi32>
    %swap3A_543 = arith.constant 0 : index
    %swap3A_544 = tpu.vector_load %arg11[%swap3A_543] {strides = array<i32>} : memref<128xi32, #tpu.memory_space<vmem>>, vector<16xi32>,
    %swap3A_545 = vector.shape_cast %swap3A_544 : vector<16xi32> to vector<16xi32>
    %swap3A_546 = vector.shape_cast %select_n3A_542 : vector<16xi32> to vector<16xi32>
    tpu.vector_store %arg11[%swap3A_543], %swap3A_546 {strides = array<i32>} : memref<128xi32, #tpu.memory_space<vmem>>, vector<16xi32>,
    %swap3A_547 = arith.constant 0 : index
    %swap3A_548 = tpu.vector_load %arg12[%swap3A_547] {strides = array<i32>} : memref<128xf32, #tpu.memory_space<vmem>>, vector<16xf32>,
    %swap3A_549 = vector.shape_cast %swap3A_548 : vector<16xf32> to vector<16xf32>
    %swap3A_550 = vector.shape_cast %sub3A_477 : vector<16xf32> to vector<16xf32>
    tpu.vector_store %arg12[%swap3A_547], %swap3A_550 {strides = array<i32>} : memref<128xf32, #tpu.memory_space<vmem>>, vector<16xf32>,
    %swap3A_551 = arith.constant 0 : index
    %swap3A_552 = tpu.vector_load %arg13[%swap3A_551] {strides = array<i32>} : memref<128xf32, #tpu.memory_space<vmem>>, vector<16xf32>,
    %swap3A_553 = vector.shape_cast %swap3A_552 : vector<16xf32> to vector<16xf32>
    %swap3A_554 = vector.shape_cast %sub3A_498 : vector<16xf32> to vector<16xf32>
    tpu.vector_store %arg13[%swap3A_551], %swap3A_554 {strides = array<i32>} : memref<128xf32, #tpu.memory_space<vmem>>, vector<16xf32>,
    %swap3A_555 = arith.constant 0 : index
    %swap3A_556 = tpu.vector_load %arg14[%swap3A_555] {strides = array<i32>} : memref<128xf32, #tpu.memory_space<vmem>>, vector<16xf32>,
    %swap3A_557 = vector.shape_cast %swap3A_556 : vector<16xf32> to vector<16xf32>
    %swap3A_558 = vector.shape_cast %sub3A_519 : vector<16xf32> to vector<16xf32>
    tpu.vector_store %arg14[%swap3A_555], %swap3A_558 {strides = array<i32>} : memref<128xf32, #tpu.memory_space<vmem>>, vector<16xf32>,
    %add3A_559 = arith.addf %mul3A_480, %mul3A_501 : vector<16xf32>
    %add3A_560 = arith.addf %add3A_559, %mul3A_523 : vector<16xf32>
    %add3A_561 = arith.addi %shift_left3A_528, %shift_left3A_530 : vector<16xi32>
    %add3A_562 = arith.addi %add3A_561, %min3A_517 : vector<16xi32>
    %lt3A_563 = arith.cmpf olt, %add3A_560, %broadcast_in_dim3A_533 : vector<16xf32>
    %broadcast_in_dim3A_564 = arith.constant 16 : i32
    %broadcast_in_dim3A_565 = vector.broadcast %broadcast_in_dim3A_564 : i32 to vector<16xi32>
    %add3A_566 = arith.addi %add3A_55, %broadcast_in_dim3A_565 : vector<16xi32>
    %select_n3A_567 = arith.select %lt3A_563, %add3A_562, %add3A_566 : vector<16xi1>, vector<16xi32>
    %swap3A_568 = arith.constant 16 : index
    %swap3A_569 = tpu.vector_load %arg11[%swap3A_568] {strides = array<i32>} : memref<128xi32, #tpu.memory_space<vmem>>, vector<16xi32>,
    %swap3A_570 = vector.shape_cast %swap3A_569 : vector<16xi32> to vector<16xi32>
    %swap3A_571 = vector.shape_cast %select_n3A_567 : vector<16xi32> to vector<16xi32>
    tpu.vector_store %arg11[%swap3A_568], %swap3A_571 {strides = array<i32>} : memref<128xi32, #tpu.memory_space<vmem>>, vector<16xi32>,
    %swap3A_572 = arith.constant 16 : index
    %swap3A_573 = tpu.vector_load %arg12[%swap3A_572] {strides = array<i32>} : memref<128xf32, #tpu.memory_space<vmem>>, vector<16xf32>,
    %swap3A_574 = vector.shape_cast %swap3A_573 : vector<16xf32> to vector<16xf32>
    %swap3A_575 = vector.shape_cast %sub3A_477 : vector<16xf32> to vector<16xf32>
    tpu.vector_store %arg12[%swap3A_572], %swap3A_575 {strides = array<i32>} : memref<128xf32, #tpu.memory_space<vmem>>, vector<16xf32>,
    %swap3A_576 = arith.constant 16 : index
    %swap3A_577 = tpu.vector_load %arg13[%swap3A_576] {strides = array<i32>} : memref<128xf32, #tpu.memory_space<vmem>>, vector<16xf32>,
    %swap3A_578 = vector.shape_cast %swap3A_577 : vector<16xf32> to vector<16xf32>
    %swap3A_579 = vector.shape_cast %sub3A_498 : vector<16xf32> to vector<16xf32>
    tpu.vector_store %arg13[%swap3A_576], %swap3A_579 {strides = array<i32>} : memref<128xf32, #tpu.memory_space<vmem>>, vector<16xf32>,
    %swap3A_580 = arith.constant 16 : index
    %swap3A_581 = tpu.vector_load %arg14[%swap3A_580] {strides = array<i32>} : memref<128xf32, #tpu.memory_space<vmem>>, vector<16xf32>,
    %swap3A_582 = vector.shape_cast %swap3A_581 : vector<16xf32> to vector<16xf32>
    %swap3A_583 = vector.shape_cast %sub3A_521 : vector<16xf32> to vector<16xf32>
    tpu.vector_store %arg14[%swap3A_580], %swap3A_583 {strides = array<i32>} : memref<128xf32, #tpu.memory_space<vmem>>, vector<16xf32>,
    %add3A_584 = arith.addf %mul3A_480, %mul3A_502 : vector<16xf32>
    %add3A_585 = arith.addf %add3A_584, %mul3A_522 : vector<16xf32>
    %add3A_586 = arith.addi %shift_left3A_528, %shift_left3A_531 : vector<16xi32>
    %add3A_587 = arith.addi %add3A_586, %min3A_515 : vector<16xi32>
    %lt3A_588 = arith.cmpf olt, %add3A_585, %broadcast_in_dim3A_533 : vector<16xf32>
    %broadcast_in_dim3A_589 = arith.constant 32 : i32
    %broadcast_in_dim3A_590 = vector.broadcast %broadcast_in_dim3A_589 : i32 to vector<16xi32>
    %add3A_591 = arith.addi %add3A_55, %broadcast_in_dim3A_590 : vector<16xi32>
    %select_n3A_592 = arith.select %lt3A_588, %add3A_587, %add3A_591 : vector<16xi1>, vector<16xi32>
    %swap3A_593 = arith.constant 32 : index
    %swap3A_594 = tpu.vector_load %arg11[%swap3A_593] {strides = array<i32>} : memref<128xi32, #tpu.memory_space<vmem>>, vector<16xi32>,
    %swap3A_595 = vector.shape_cast %swap3A_594 : vector<16xi32> to vector<16xi32>
    %swap3A_596 = vector.shape_cast %select_n3A_592 : vector<16xi32> to vector<16xi32>
    tpu.vector_store %arg11[%swap3A_593], %swap3A_596 {strides = array<i32>} : memref<128xi32, #tpu.memory_space<vmem>>, vector<16xi32>,
    %swap3A_597 = arith.constant 32 : index
    %swap3A_598 = tpu.vector_load %arg12[%swap3A_597] {strides = array<i32>} : memref<128xf32, #tpu.memory_space<vmem>>, vector<16xf32>,
    %swap3A_599 = vector.shape_cast %swap3A_598 : vector<16xf32> to vector<16xf32>
    %swap3A_600 = vector.shape_cast %sub3A_477 : vector<16xf32> to vector<16xf32>
    tpu.vector_store %arg12[%swap3A_597], %swap3A_600 {strides = array<i32>} : memref<128xf32, #tpu.memory_space<vmem>>, vector<16xf32>,
    %swap3A_601 = arith.constant 32 : index
    %swap3A_602 = tpu.vector_load %arg13[%swap3A_601] {strides = array<i32>} : memref<128xf32, #tpu.memory_space<vmem>>, vector<16xf32>,
    %swap3A_603 = vector.shape_cast %swap3A_602 : vector<16xf32> to vector<16xf32>
    %swap3A_604 = vector.shape_cast %sub3A_500 : vector<16xf32> to vector<16xf32>
    tpu.vector_store %arg13[%swap3A_601], %swap3A_604 {strides = array<i32>} : memref<128xf32, #tpu.memory_space<vmem>>, vector<16xf32>,
    %swap3A_605 = arith.constant 32 : index
    %swap3A_606 = tpu.vector_load %arg14[%swap3A_605] {strides = array<i32>} : memref<128xf32, #tpu.memory_space<vmem>>, vector<16xf32>,
    %swap3A_607 = vector.shape_cast %swap3A_606 : vector<16xf32> to vector<16xf32>
    %swap3A_608 = vector.shape_cast %sub3A_519 : vector<16xf32> to vector<16xf32>
    tpu.vector_store %arg14[%swap3A_605], %swap3A_608 {strides = array<i32>} : memref<128xf32, #tpu.memory_space<vmem>>, vector<16xf32>,
    %add3A_609 = arith.addf %mul3A_480, %mul3A_502 : vector<16xf32>
    %add3A_610 = arith.addf %add3A_609, %mul3A_523 : vector<16xf32>
    %add3A_611 = arith.addi %shift_left3A_528, %shift_left3A_531 : vector<16xi32>
    %add3A_612 = arith.addi %add3A_611, %min3A_517 : vector<16xi32>
    %lt3A_613 = arith.cmpf olt, %add3A_610, %broadcast_in_dim3A_533 : vector<16xf32>
    %broadcast_in_dim3A_614 = arith.constant 48 : i32
    %broadcast_in_dim3A_615 = vector.broadcast %broadcast_in_dim3A_614 : i32 to vector<16xi32>
    %add3A_616 = arith.addi %add3A_55, %broadcast_in_dim3A_615 : vector<16xi32>
    %select_n3A_617 = arith.select %lt3A_613, %add3A_612, %add3A_616 : vector<16xi1>, vector<16xi32>
    %swap3A_618 = arith.constant 48 : index
    %swap3A_619 = tpu.vector_load %arg11[%swap3A_618] {strides = array<i32>} : memref<128xi32, #tpu.memory_space<vmem>>, vector<16xi32>,
    %swap3A_620 = vector.shape_cast %swap3A_619 : vector<16xi32> to vector<16xi32>
    %swap3A_621 = vector.shape_cast %select_n3A_617 : vector<16xi32> to vector<16xi32>
    tpu.vector_store %arg11[%swap3A_618], %swap3A_621 {strides = array<i32>} : memref<128xi32, #tpu.memory_space<vmem>>, vector<16xi32>,
    %swap3A_622 = arith.constant 48 : index
    %swap3A_623 = tpu.vector_load %arg12[%swap3A_622] {strides = array<i32>} : memref<128xf32, #tpu.memory_space<vmem>>, vector<16xf32>,
    %swap3A_624 = vector.shape_cast %swap3A_623 : vector<16xf32> to vector<16xf32>
    %swap3A_625 = vector.shape_cast %sub3A_477 : vector<16xf32> to vector<16xf32>
    tpu.vector_store %arg12[%swap3A_622], %swap3A_625 {strides = array<i32>} : memref<128xf32, #tpu.memory_space<vmem>>, vector<16xf32>,
    %swap3A_626 = arith.constant 48 : index
    %swap3A_627 = tpu.vector_load %arg13[%swap3A_626] {strides = array<i32>} : memref<128xf32, #tpu.memory_space<vmem>>, vector<16xf32>,
    %swap3A_628 = vector.shape_cast %swap3A_627 : vector<16xf32> to vector<16xf32>
    %swap3A_629 = vector.shape_cast %sub3A_500 : vector<16xf32> to vector<16xf32>
    tpu.vector_store %arg13[%swap3A_626], %swap3A_629 {strides = array<i32>} : memref<128xf32, #tpu.memory_space<vmem>>, vector<16xf32>,
    %swap3A_630 = arith.constant 48 : index
    %swap3A_631 = tpu.vector_load %arg14[%swap3A_630] {strides = array<i32>} : memref<128xf32, #tpu.memory_space<vmem>>, vector<16xf32>,
    %swap3A_632 = vector.shape_cast %swap3A_631 : vector<16xf32> to vector<16xf32>
    %swap3A_633 = vector.shape_cast %sub3A_521 : vector<16xf32> to vector<16xf32>
    tpu.vector_store %arg14[%swap3A_630], %swap3A_633 {strides = array<i32>} : memref<128xf32, #tpu.memory_space<vmem>>, vector<16xf32>,
    %add3A_634 = arith.addf %mul3A_481, %mul3A_501 : vector<16xf32>
    %add3A_635 = arith.addf %add3A_634, %mul3A_522 : vector<16xf32>
    %add3A_636 = arith.addi %shift_left3A_529, %shift_left3A_530 : vector<16xi32>
    %add3A_637 = arith.addi %add3A_636, %min3A_515 : vector<16xi32>
    %lt3A_638 = arith.cmpf olt, %add3A_635, %broadcast_in_dim3A_533 : vector<16xf32>
    %broadcast_in_dim3A_639 = arith.constant 64 : i32
    %broadcast_in_dim3A_640 = vector.broadcast %broadcast_in_dim3A_639 : i32 to vector<16xi32>
    %add3A_641 = arith.addi %add3A_55, %broadcast_in_dim3A_640 : vector<16xi32>
    %select_n3A_642 = arith.select %lt3A_638, %add3A_637, %add3A_641 : vector<16xi1>, vector<16xi32>
    %swap3A_643 = arith.constant 64 : index
    %swap3A_644 = tpu.vector_load %arg11[%swap3A_643] {strides = array<i32>} : memref<128xi32, #tpu.memory_space<vmem>>, vector<16xi32>,
    %swap3A_645 = vector.shape_cast %swap3A_644 : vector<16xi32> to vector<16xi32>
    %swap3A_646 = vector.shape_cast %select_n3A_642 : vector<16xi32> to vector<16xi32>
    tpu.vector_store %arg11[%swap3A_643], %swap3A_646 {strides = array<i32>} : memref<128xi32, #tpu.memory_space<vmem>>, vector<16xi32>,
    %swap3A_647 = arith.constant 64 : index
    %swap3A_648 = tpu.vector_load %arg12[%swap3A_647] {strides = array<i32>} : memref<128xf32, #tpu.memory_space<vmem>>, vector<16xf32>,
    %swap3A_649 = vector.shape_cast %swap3A_648 : vector<16xf32> to vector<16xf32>
    %swap3A_650 = vector.shape_cast %sub3A_479 : vector<16xf32> to vector<16xf32>
    tpu.vector_store %arg12[%swap3A_647], %swap3A_650 {strides = array<i32>} : memref<128xf32, #tpu.memory_space<vmem>>, vector<16xf32>,
    %swap3A_651 = arith.constant 64 : index
    %swap3A_652 = tpu.vector_load %arg13[%swap3A_651] {strides = array<i32>} : memref<128xf32, #tpu.memory_space<vmem>>, vector<16xf32>,
    %swap3A_653 = vector.shape_cast %swap3A_652 : vector<16xf32> to vector<16xf32>
    %swap3A_654 = vector.shape_cast %sub3A_498 : vector<16xf32> to vector<16xf32>
    tpu.vector_store %arg13[%swap3A_651], %swap3A_654 {strides = array<i32>} : memref<128xf32, #tpu.memory_space<vmem>>, vector<16xf32>,
    %swap3A_655 = arith.constant 64 : index
    %swap3A_656 = tpu.vector_load %arg14[%swap3A_655] {strides = array<i32>} : memref<128xf32, #tpu.memory_space<vmem>>, vector<16xf32>,
    %swap3A_657 = vector.shape_cast %swap3A_656 : vector<16xf32> to vector<16xf32>
    %swap3A_658 = vector.shape_cast %sub3A_519 : vector<16xf32> to vector<16xf32>
    tpu.vector_store %arg14[%swap3A_655], %swap3A_658 {strides = array<i32>} : memref<128xf32, #tpu.memory_space<vmem>>, vector<16xf32>,
    %add3A_659 = arith.addf %mul3A_481, %mul3A_501 : vector<16xf32>
    %add3A_660 = arith.addf %add3A_659, %mul3A_523 : vector<16xf32>
    %add3A_661 = arith.addi %shift_left3A_529, %shift_left3A_530 : vector<16xi32>
    %add3A_662 = arith.addi %add3A_661, %min3A_517 : vector<16xi32>
    %lt3A_663 = arith.cmpf olt, %add3A_660, %broadcast_in_dim3A_533 : vector<16xf32>
    %broadcast_in_dim3A_664 = arith.constant 80 : i32
    %broadcast_in_dim3A_665 = vector.broadcast %broadcast_in_dim3A_664 : i32 to vector<16xi32>
    %add3A_666 = arith.addi %add3A_55, %broadcast_in_dim3A_665 : vector<16xi32>
    %select_n3A_667 = arith.select %lt3A_663, %add3A_662, %add3A_666 : vector<16xi1>, vector<16xi32>
    %swap3A_668 = arith.constant 80 : index
    %swap3A_669 = tpu.vector_load %arg11[%swap3A_668] {strides = array<i32>} : memref<128xi32, #tpu.memory_space<vmem>>, vector<16xi32>,
    %swap3A_670 = vector.shape_cast %swap3A_669 : vector<16xi32> to vector<16xi32>
    %swap3A_671 = vector.shape_cast %select_n3A_667 : vector<16xi32> to vector<16xi32>
    tpu.vector_store %arg11[%swap3A_668], %swap3A_671 {strides = array<i32>} : memref<128xi32, #tpu.memory_space<vmem>>, vector<16xi32>,
    %swap3A_672 = arith.constant 80 : index
    %swap3A_673 = tpu.vector_load %arg12[%swap3A_672] {strides = array<i32>} : memref<128xf32, #tpu.memory_space<vmem>>, vector<16xf32>,
    %swap3A_674 = vector.shape_cast %swap3A_673 : vector<16xf32> to vector<16xf32>
    %swap3A_675 = vector.shape_cast %sub3A_479 : vector<16xf32> to vector<16xf32>
    tpu.vector_store %arg12[%swap3A_672], %swap3A_675 {strides = array<i32>} : memref<128xf32, #tpu.memory_space<vmem>>, vector<16xf32>,
    %swap3A_676 = arith.constant 80 : index
    %swap3A_677 = tpu.vector_load %arg13[%swap3A_676] {strides = array<i32>} : memref<128xf32, #tpu.memory_space<vmem>>, vector<16xf32>,
    %swap3A_678 = vector.shape_cast %swap3A_677 : vector<16xf32> to vector<16xf32>
    %swap3A_679 = vector.shape_cast %sub3A_498 : vector<16xf32> to vector<16xf32>
    tpu.vector_store %arg13[%swap3A_676], %swap3A_679 {strides = array<i32>} : memref<128xf32, #tpu.memory_space<vmem>>, vector<16xf32>,
    %swap3A_680 = arith.constant 80 : index
    %swap3A_681 = tpu.vector_load %arg14[%swap3A_680] {strides = array<i32>} : memref<128xf32, #tpu.memory_space<vmem>>, vector<16xf32>,
    %swap3A_682 = vector.shape_cast %swap3A_681 : vector<16xf32> to vector<16xf32>
    %swap3A_683 = vector.shape_cast %sub3A_521 : vector<16xf32> to vector<16xf32>
    tpu.vector_store %arg14[%swap3A_680], %swap3A_683 {strides = array<i32>} : memref<128xf32, #tpu.memory_space<vmem>>, vector<16xf32>,
    %add3A_684 = arith.addf %mul3A_481, %mul3A_502 : vector<16xf32>
    %add3A_685 = arith.addf %add3A_684, %mul3A_522 : vector<16xf32>
    %add3A_686 = arith.addi %shift_left3A_529, %shift_left3A_531 : vector<16xi32>
    %add3A_687 = arith.addi %add3A_686, %min3A_515 : vector<16xi32>
    %lt3A_688 = arith.cmpf olt, %add3A_685, %broadcast_in_dim3A_533 : vector<16xf32>
    %broadcast_in_dim3A_689 = arith.constant 96 : i32
    %broadcast_in_dim3A_690 = vector.broadcast %broadcast_in_dim3A_689 : i32 to vector<16xi32>
    %add3A_691 = arith.addi %add3A_55, %broadcast_in_dim3A_690 : vector<16xi32>
    %select_n3A_692 = arith.select %lt3A_688, %add3A_687, %add3A_691 : vector<16xi1>, vector<16xi32>
    %swap3A_693 = arith.constant 96 : index
    %swap3A_694 = tpu.vector_load %arg11[%swap3A_693] {strides = array<i32>} : memref<128xi32, #tpu.memory_space<vmem>>, vector<16xi32>,
    %swap3A_695 = vector.shape_cast %swap3A_694 : vector<16xi32> to vector<16xi32>
    %swap3A_696 = vector.shape_cast %select_n3A_692 : vector<16xi32> to vector<16xi32>
    tpu.vector_store %arg11[%swap3A_693], %swap3A_696 {strides = array<i32>} : memref<128xi32, #tpu.memory_space<vmem>>, vector<16xi32>,
    %swap3A_697 = arith.constant 96 : index
    %swap3A_698 = tpu.vector_load %arg12[%swap3A_697] {strides = array<i32>} : memref<128xf32, #tpu.memory_space<vmem>>, vector<16xf32>,
    %swap3A_699 = vector.shape_cast %swap3A_698 : vector<16xf32> to vector<16xf32>
    %swap3A_700 = vector.shape_cast %sub3A_479 : vector<16xf32> to vector<16xf32>
    tpu.vector_store %arg12[%swap3A_697], %swap3A_700 {strides = array<i32>} : memref<128xf32, #tpu.memory_space<vmem>>, vector<16xf32>,
    %swap3A_701 = arith.constant 96 : index
    %swap3A_702 = tpu.vector_load %arg13[%swap3A_701] {strides = array<i32>} : memref<128xf32, #tpu.memory_space<vmem>>, vector<16xf32>,
    %swap3A_703 = vector.shape_cast %swap3A_702 : vector<16xf32> to vector<16xf32>
    %swap3A_704 = vector.shape_cast %sub3A_500 : vector<16xf32> to vector<16xf32>
    tpu.vector_store %arg13[%swap3A_701], %swap3A_704 {strides = array<i32>} : memref<128xf32, #tpu.memory_space<vmem>>, vector<16xf32>,
    %swap3A_705 = arith.constant 96 : index
    %swap3A_706 = tpu.vector_load %arg14[%swap3A_705] {strides = array<i32>} : memref<128xf32, #tpu.memory_space<vmem>>, vector<16xf32>,
    %swap3A_707 = vector.shape_cast %swap3A_706 : vector<16xf32> to vector<16xf32>
    %swap3A_708 = vector.shape_cast %sub3A_519 : vector<16xf32> to vector<16xf32>
    tpu.vector_store %arg14[%swap3A_705], %swap3A_708 {strides = array<i32>} : memref<128xf32, #tpu.memory_space<vmem>>, vector<16xf32>,
    %add3A_709 = arith.addf %mul3A_481, %mul3A_502 : vector<16xf32>
    %add3A_710 = arith.addf %add3A_709, %mul3A_523 : vector<16xf32>
    %add3A_711 = arith.addi %shift_left3A_529, %shift_left3A_531 : vector<16xi32>
    %add3A_712 = arith.addi %add3A_711, %min3A_517 : vector<16xi32>
    %lt3A_713 = arith.cmpf olt, %add3A_710, %broadcast_in_dim3A_533 : vector<16xf32>
    %broadcast_in_dim3A_714 = arith.constant 112 : i32
    %broadcast_in_dim3A_715 = vector.broadcast %broadcast_in_dim3A_714 : i32 to vector<16xi32>
    %add3A_716 = arith.addi %add3A_55, %broadcast_in_dim3A_715 : vector<16xi32>
    %select_n3A_717 = arith.select %lt3A_713, %add3A_712, %add3A_716 : vector<16xi1>, vector<16xi32>
    %swap3A_718 = arith.constant 112 : index
    %swap3A_719 = tpu.vector_load %arg11[%swap3A_718] {strides = array<i32>} : memref<128xi32, #tpu.memory_space<vmem>>, vector<16xi32>,
    %swap3A_720 = vector.shape_cast %swap3A_719 : vector<16xi32> to vector<16xi32>
    %swap3A_721 = vector.shape_cast %select_n3A_717 : vector<16xi32> to vector<16xi32>
    tpu.vector_store %arg11[%swap3A_718], %swap3A_721 {strides = array<i32>} : memref<128xi32, #tpu.memory_space<vmem>>, vector<16xi32>,
    %swap3A_722 = arith.constant 112 : index
    %swap3A_723 = tpu.vector_load %arg12[%swap3A_722] {strides = array<i32>} : memref<128xf32, #tpu.memory_space<vmem>>, vector<16xf32>,
    %swap3A_724 = vector.shape_cast %swap3A_723 : vector<16xf32> to vector<16xf32>
    %swap3A_725 = vector.shape_cast %sub3A_479 : vector<16xf32> to vector<16xf32>
    tpu.vector_store %arg12[%swap3A_722], %swap3A_725 {strides = array<i32>} : memref<128xf32, #tpu.memory_space<vmem>>, vector<16xf32>,
    %swap3A_726 = arith.constant 112 : index
    %swap3A_727 = tpu.vector_load %arg13[%swap3A_726] {strides = array<i32>} : memref<128xf32, #tpu.memory_space<vmem>>, vector<16xf32>,
    %swap3A_728 = vector.shape_cast %swap3A_727 : vector<16xf32> to vector<16xf32>
    %swap3A_729 = vector.shape_cast %sub3A_500 : vector<16xf32> to vector<16xf32>
    tpu.vector_store %arg13[%swap3A_726], %swap3A_729 {strides = array<i32>} : memref<128xf32, #tpu.memory_space<vmem>>, vector<16xf32>,
    %swap3A_730 = arith.constant 112 : index
    %swap3A_731 = tpu.vector_load %arg14[%swap3A_730] {strides = array<i32>} : memref<128xf32, #tpu.memory_space<vmem>>, vector<16xf32>,
    %swap3A_732 = vector.shape_cast %swap3A_731 : vector<16xf32> to vector<16xf32>
    %swap3A_733 = vector.shape_cast %sub3A_521 : vector<16xf32> to vector<16xf32>
    tpu.vector_store %arg14[%swap3A_730], %swap3A_733 {strides = array<i32>} : memref<128xf32, #tpu.memory_space<vmem>>, vector<16xf32>,
    %dma_start3A_734 = arith.constant 0 : i32
    %dma_start3A_735 = tpu.memref_slice %arg39[%dma_start3A_734] : memref<264192xf32, #tpu.memory_space<vmem_shared>> -> memref<264192xf32, #tpu.memory_space<vmem_shared>>
    tpu.enqueue_indirect_dma source(%arg12 : memref<128xf32, #tpu.memory_space<vmem>>) target(%dma_start3A_735 : memref<264192xf32, #tpu.memory_space<vmem_shared>>) offsets(%arg11 : memref<128xi32, #tpu.memory_space<vmem>>) semaphore(%arg32 : memref<!tpu.dma_semaphore, #tpu.memory_space<semaphore_mem>>) {add = true}
    %dma_start3A_736 = arith.constant 0 : i32
    %dma_start3A_737 = tpu.memref_slice %arg40[%dma_start3A_736] : memref<264192xf32, #tpu.memory_space<vmem_shared>> -> memref<264192xf32, #tpu.memory_space<vmem_shared>>
    tpu.enqueue_indirect_dma source(%arg13 : memref<128xf32, #tpu.memory_space<vmem>>) target(%dma_start3A_737 : memref<264192xf32, #tpu.memory_space<vmem_shared>>) offsets(%arg11 : memref<128xi32, #tpu.memory_space<vmem>>) semaphore(%arg32 : memref<!tpu.dma_semaphore, #tpu.memory_space<semaphore_mem>>) {add = true}
    %dma_start3A_738 = arith.constant 0 : i32
    %dma_start3A_739 = tpu.memref_slice %arg41[%dma_start3A_738] : memref<264192xf32, #tpu.memory_space<vmem_shared>> -> memref<264192xf32, #tpu.memory_space<vmem_shared>>
    tpu.enqueue_indirect_dma source(%arg14 : memref<128xf32, #tpu.memory_space<vmem>>) target(%dma_start3A_739 : memref<264192xf32, #tpu.memory_space<vmem_shared>>) offsets(%arg11 : memref<128xi32, #tpu.memory_space<vmem>>) semaphore(%arg32 : memref<!tpu.dma_semaphore, #tpu.memory_space<semaphore_mem>>) {add = true}
    %dma_start3A_740 = arith.constant 0 : i32
    %dma_start3A_741 = tpu.memref_slice %arg42[%dma_start3A_740] : memref<264192xf32, #tpu.memory_space<vmem_shared>> -> memref<264192xf32, #tpu.memory_space<vmem_shared>>
    tpu.enqueue_indirect_dma source(%arg15 : memref<128xf32, #tpu.memory_space<vmem>>) target(%dma_start3A_741 : memref<264192xf32, #tpu.memory_space<vmem_shared>>) offsets(%arg11 : memref<128xi32, #tpu.memory_space<vmem>>) semaphore(%arg32 : memref<!tpu.dma_semaphore, #tpu.memory_space<semaphore_mem>>) {add = true}
    %scan3A_742 = arith.constant 0 : i32
    %scan3A_743 = arith.constant 1 : i32
    %scan3A_744 = arith.constant 195 : i32
    %scan3A_745 = arith.addi %scan3A_743, %scan3A_744 : i32
    %scan3A_746 = arith.constant 1 : i32
    %scan3A_747 = scf.for %scan3A_1627 = %scan3A_743 to %scan3A_745 step %scan3A_746 iter_args(%scan3A_1628 = %scan3A_742) -> (i32)  : i32 {
      %dma_wait3A_1629 = arith.constant 0 : i32
      %dma_wait3A_1630 = tpu.memref_slice %arg39[%dma_wait3A_1629] : memref<264192xf32, #tpu.memory_space<vmem_shared>> -> memref<264192xf32, #tpu.memory_space<vmem_shared>>
      tpu.wait_indirect_dma semaphore(%arg31 : memref<!tpu.dma_semaphore, #tpu.memory_space<semaphore_mem>>) src(%arg8 : memref<128xf32, #tpu.memory_space<vmem>>) dst(%dma_wait3A_1630 : memref<264192xf32, #tpu.memory_space<vmem_shared>>)
      %dma_wait3A_1631 = arith.constant 0 : i32
      %dma_wait3A_1632 = tpu.memref_slice %arg40[%dma_wait3A_1631] : memref<264192xf32, #tpu.memory_space<vmem_shared>> -> memref<264192xf32, #tpu.memory_space<vmem_shared>>
      tpu.wait_indirect_dma semaphore(%arg31 : memref<!tpu.dma_semaphore, #tpu.memory_space<semaphore_mem>>) src(%arg9 : memref<128xf32, #tpu.memory_space<vmem>>) dst(%dma_wait3A_1632 : memref<264192xf32, #tpu.memory_space<vmem_shared>>)
      %dma_wait3A_1633 = arith.constant 0 : i32
      %dma_wait3A_1634 = tpu.memref_slice %arg41[%dma_wait3A_1633] : memref<264192xf32, #tpu.memory_space<vmem_shared>> -> memref<264192xf32, #tpu.memory_space<vmem_shared>>
      tpu.wait_indirect_dma semaphore(%arg31 : memref<!tpu.dma_semaphore, #tpu.memory_space<semaphore_mem>>) src(%arg10 : memref<128xf32, #tpu.memory_space<vmem>>) dst(%dma_wait3A_1634 : memref<264192xf32, #tpu.memory_space<vmem_shared>>)
      %dma_wait3A_1635 = arith.constant 0 : i32
      %dma_wait3A_1636 = tpu.memref_slice %arg42[%dma_wait3A_1635] : memref<264192xf32, #tpu.memory_space<vmem_shared>> -> memref<264192xf32, #tpu.memory_space<vmem_shared>>
      tpu.wait_indirect_dma semaphore(%arg31 : memref<!tpu.dma_semaphore, #tpu.memory_space<semaphore_mem>>) src(%arg15 : memref<128xf32, #tpu.memory_space<vmem>>) dst(%dma_wait3A_1636 : memref<264192xf32, #tpu.memory_space<vmem_shared>>)
      %mul3A_1637 = arith.constant 2 : i32
      %mul3A_1638 = arith.muli %mul3A_1637, %scan3A_1627 : i32
      %mul3A_1639 = arith.constant 16 : i32
      %mul3A_1640 = arith.muli %mul3A_1638, %mul3A_1639 : i32
      %broadcast_in_dim3A_1641 = arith.constant 5.000000e-01 : f32
      %broadcast_in_dim3A_1642 = vector.broadcast %broadcast_in_dim3A_1641 : f32 to vector<16xf32>
      %broadcast_in_dim3A_1643 = arith.constant 6.400000e+01 : f32
      %broadcast_in_dim3A_1644 = vector.broadcast %broadcast_in_dim3A_1643 : f32 to vector<16xf32>
      %broadcast_in_dim3A_1645 = arith.constant 0 : i32
      %broadcast_in_dim3A_1646 = vector.broadcast %broadcast_in_dim3A_1645 : i32 to vector<16xi32>
      %broadcast_in_dim3A_1647 = arith.constant 63 : i32
      %broadcast_in_dim3A_1648 = vector.broadcast %broadcast_in_dim3A_1647 : i32 to vector<16xi32>
      %broadcast_in_dim3A_1649 = arith.constant 1 : i32
      %broadcast_in_dim3A_1650 = vector.broadcast %broadcast_in_dim3A_1649 : i32 to vector<16xi32>
      %get3A_1651 = arith.index_cast %mul3A_1640 : i32 to index
      %get3A_1652 = tpu.vector_load %arg4[%get3A_1651] {strides = array<i32>} : memref<6272xf32, #tpu.memory_space<vmem>>, vector<16xf32>,
      %get3A_1653 = vector.shape_cast %get3A_1652 : vector<16xf32> to vector<16xf32>
      %add3A_1654 = arith.addf %get3A_1653, %broadcast_in_dim3A_1642 : vector<16xf32>
      %mul3A_1655 = arith.mulf %add3A_1654, %broadcast_in_dim3A_1644 : vector<16xf32>
      %sub3A_1656 = arith.subf %mul3A_1655, %broadcast_in_dim3A_1642 : vector<16xf32>
      %convert_element_type3A_1657 = arith.fptosi %sub3A_1656 : vector<16xf32> to vector<16xi32>
      %convert_element_type3A_1658 = arith.sitofp %convert_element_type3A_1657 : vector<16xi32> to vector<16xf32>
      %gt3A_1659 = arith.cmpf ogt, %sub3A_1656, %convert_element_type3A_1658 : vector<16xf32>
      %select_n3A_1660 = arith.select %gt3A_1659, %broadcast_in_dim3A_1650, %broadcast_in_dim3A_1646 : vector<16xi1>, vector<16xi32>
      %add3A_1661 = arith.addi %convert_element_type3A_1657, %select_n3A_1660 : vector<16xi32>
      %max3A_1662 = arith.maxsi %convert_element_type3A_1657, %broadcast_in_dim3A_1646 : vector<16xi32>
      %min3A_1663 = arith.minsi %max3A_1662, %broadcast_in_dim3A_1648 : vector<16xi32>
      %max3A_1664 = arith.maxsi %add3A_1661, %broadcast_in_dim3A_1646 : vector<16xi32>
      %min3A_1665 = arith.minsi %max3A_1664, %broadcast_in_dim3A_1648 : vector<16xi32>
      %convert_element_type3A_1666 = arith.sitofp %min3A_1663 : vector<16xi32> to vector<16xf32>
      %sub3A_1667 = arith.subf %sub3A_1656, %convert_element_type3A_1666 : vector<16xf32>
      %convert_element_type3A_1668 = arith.sitofp %min3A_1665 : vector<16xi32> to vector<16xf32>
      %sub3A_1669 = arith.subf %sub3A_1656, %convert_element_type3A_1668 : vector<16xf32>
      %mul3A_1670 = arith.mulf %sub3A_1667, %sub3A_1667 : vector<16xf32>
      %mul3A_1671 = arith.mulf %sub3A_1669, %sub3A_1669 : vector<16xf32>
      %get3A_1672 = arith.index_cast %mul3A_1640 : i32 to index
      %get3A_1673 = tpu.vector_load %arg5[%get3A_1672] {strides = array<i32>} : memref<6272xf32, #tpu.memory_space<vmem>>, vector<16xf32>,
      %get3A_1674 = vector.shape_cast %get3A_1673 : vector<16xf32> to vector<16xf32>
      %add3A_1675 = arith.addf %get3A_1674, %broadcast_in_dim3A_1642 : vector<16xf32>
      %mul3A_1676 = arith.mulf %add3A_1675, %broadcast_in_dim3A_1644 : vector<16xf32>
      %sub3A_1677 = arith.subf %mul3A_1676, %broadcast_in_dim3A_1642 : vector<16xf32>
      %convert_element_type3A_1678 = arith.fptosi %sub3A_1677 : vector<16xf32> to vector<16xi32>
      %convert_element_type3A_1679 = arith.sitofp %convert_element_type3A_1678 : vector<16xi32> to vector<16xf32>
      %gt3A_1680 = arith.cmpf ogt, %sub3A_1677, %convert_element_type3A_1679 : vector<16xf32>
      %select_n3A_1681 = arith.select %gt3A_1680, %broadcast_in_dim3A_1650, %broadcast_in_dim3A_1646 : vector<16xi1>, vector<16xi32>
      %add3A_1682 = arith.addi %convert_element_type3A_1678, %select_n3A_1681 : vector<16xi32>
      %max3A_1683 = arith.maxsi %convert_element_type3A_1678, %broadcast_in_dim3A_1646 : vector<16xi32>
      %min3A_1684 = arith.minsi %max3A_1683, %broadcast_in_dim3A_1648 : vector<16xi32>
      %max3A_1685 = arith.maxsi %add3A_1682, %broadcast_in_dim3A_1646 : vector<16xi32>
      %min3A_1686 = arith.minsi %max3A_1685, %broadcast_in_dim3A_1648 : vector<16xi32>
      %convert_element_type3A_1687 = arith.sitofp %min3A_1684 : vector<16xi32> to vector<16xf32>
      %sub3A_1688 = arith.subf %sub3A_1677, %convert_element_type3A_1687 : vector<16xf32>
      %convert_element_type3A_1689 = arith.sitofp %min3A_1686 : vector<16xi32> to vector<16xf32>
      %sub3A_1690 = arith.subf %sub3A_1677, %convert_element_type3A_1689 : vector<16xf32>
      %mul3A_1691 = arith.mulf %sub3A_1688, %sub3A_1688 : vector<16xf32>
      %mul3A_1692 = arith.mulf %sub3A_1690, %sub3A_1690 : vector<16xf32>
      %get3A_1693 = arith.index_cast %mul3A_1640 : i32 to index
      %get3A_1694 = tpu.vector_load %arg6[%get3A_1693] {strides = array<i32>} : memref<6272xf32, #tpu.memory_space<vmem>>, vector<16xf32>,
      %get3A_1695 = vector.shape_cast %get3A_1694 : vector<16xf32> to vector<16xf32>
      %add3A_1696 = arith.addf %get3A_1695, %broadcast_in_dim3A_1642 : vector<16xf32>
      %mul3A_1697 = arith.mulf %add3A_1696, %broadcast_in_dim3A_1644 : vector<16xf32>
      %sub3A_1698 = arith.subf %mul3A_1697, %broadcast_in_dim3A_1642 : vector<16xf32>
      %convert_element_type3A_1699 = arith.fptosi %sub3A_1698 : vector<16xf32> to vector<16xi32>
      %convert_element_type3A_1700 = arith.sitofp %convert_element_type3A_1699 : vector<16xi32> to vector<16xf32>
      %gt3A_1701 = arith.cmpf ogt, %sub3A_1698, %convert_element_type3A_1700 : vector<16xf32>
      %select_n3A_1702 = arith.select %gt3A_1701, %broadcast_in_dim3A_1650, %broadcast_in_dim3A_1646 : vector<16xi1>, vector<16xi32>
      %add3A_1703 = arith.addi %convert_element_type3A_1699, %select_n3A_1702 : vector<16xi32>
      %max3A_1704 = arith.maxsi %convert_element_type3A_1699, %broadcast_in_dim3A_1646 : vector<16xi32>
      %min3A_1705 = arith.minsi %max3A_1704, %broadcast_in_dim3A_1648 : vector<16xi32>
      %max3A_1706 = arith.maxsi %add3A_1703, %broadcast_in_dim3A_1646 : vector<16xi32>
      %min3A_1707 = arith.minsi %max3A_1706, %broadcast_in_dim3A_1648 : vector<16xi32>
      %convert_element_type3A_1708 = arith.sitofp %min3A_1705 : vector<16xi32> to vector<16xf32>
      %sub3A_1709 = arith.subf %sub3A_1698, %convert_element_type3A_1708 : vector<16xf32>
      %convert_element_type3A_1710 = arith.sitofp %min3A_1707 : vector<16xi32> to vector<16xf32>
      %sub3A_1711 = arith.subf %sub3A_1698, %convert_element_type3A_1710 : vector<16xf32>
      %mul3A_1712 = arith.mulf %sub3A_1709, %sub3A_1709 : vector<16xf32>
      %mul3A_1713 = arith.mulf %sub3A_1711, %sub3A_1711 : vector<16xf32>
      %broadcast_in_dim3A_1714 = arith.constant 12 : i32
      %broadcast_in_dim3A_1715 = vector.broadcast %broadcast_in_dim3A_1714 : i32 to vector<16xi32>
      %broadcast_in_dim3A_1716 = arith.constant 6 : i32
      %broadcast_in_dim3A_1717 = vector.broadcast %broadcast_in_dim3A_1716 : i32 to vector<16xi32>
      %shift_left3A_1718 = arith.shli %min3A_1663, %broadcast_in_dim3A_1715 : vector<16xi32>
      %shift_left3A_1719 = arith.shli %min3A_1665, %broadcast_in_dim3A_1715 : vector<16xi32>
      %shift_left3A_1720 = arith.shli %min3A_1684, %broadcast_in_dim3A_1717 : vector<16xi32>
      %shift_left3A_1721 = arith.shli %min3A_1686, %broadcast_in_dim3A_1717 : vector<16xi32>
      %broadcast_in_dim3A_1722 = arith.constant 7.569000e-01 : f32
      %broadcast_in_dim3A_1723 = vector.broadcast %broadcast_in_dim3A_1722 : f32 to vector<16xf32>
      %add3A_1724 = arith.addf %mul3A_1670, %mul3A_1691 : vector<16xf32>
      %add3A_1725 = arith.addf %add3A_1724, %mul3A_1712 : vector<16xf32>
      %add3A_1726 = arith.addi %shift_left3A_1718, %shift_left3A_1720 : vector<16xi32>
      %add3A_1727 = arith.addi %add3A_1726, %min3A_1705 : vector<16xi32>
      %lt3A_1728 = arith.cmpf olt, %add3A_1725, %broadcast_in_dim3A_1723 : vector<16xf32>
      %broadcast_in_dim3A_1729 = arith.constant 0 : i32
      %broadcast_in_dim3A_1730 = vector.broadcast %broadcast_in_dim3A_1729 : i32 to vector<16xi32>
      %add3A_1731 = arith.addi %add3A_55, %broadcast_in_dim3A_1730 : vector<16xi32>
      %select_n3A_1732 = arith.select %lt3A_1728, %add3A_1727, %add3A_1731 : vector<16xi1>, vector<16xi32>
      %swap3A_1733 = arith.constant 0 : index
      %swap3A_1734 = tpu.vector_load %arg7[%swap3A_1733] {strides = array<i32>} : memref<128xi32, #tpu.memory_space<vmem>>, vector<16xi32>,
      %swap3A_1735 = vector.shape_cast %swap3A_1734 : vector<16xi32> to vector<16xi32>
      %swap3A_1736 = vector.shape_cast %select_n3A_1732 : vector<16xi32> to vector<16xi32>
      tpu.vector_store %arg7[%swap3A_1733], %swap3A_1736 {strides = array<i32>} : memref<128xi32, #tpu.memory_space<vmem>>, vector<16xi32>,
      %swap3A_1737 = arith.constant 0 : index
      %swap3A_1738 = tpu.vector_load %arg8[%swap3A_1737] {strides = array<i32>} : memref<128xf32, #tpu.memory_space<vmem>>, vector<16xf32>,
      %swap3A_1739 = vector.shape_cast %swap3A_1738 : vector<16xf32> to vector<16xf32>
      %swap3A_1740 = vector.shape_cast %sub3A_1667 : vector<16xf32> to vector<16xf32>
      tpu.vector_store %arg8[%swap3A_1737], %swap3A_1740 {strides = array<i32>} : memref<128xf32, #tpu.memory_space<vmem>>, vector<16xf32>,
      %swap3A_1741 = arith.constant 0 : index
      %swap3A_1742 = tpu.vector_load %arg9[%swap3A_1741] {strides = array<i32>} : memref<128xf32, #tpu.memory_space<vmem>>, vector<16xf32>,
      %swap3A_1743 = vector.shape_cast %swap3A_1742 : vector<16xf32> to vector<16xf32>
      %swap3A_1744 = vector.shape_cast %sub3A_1688 : vector<16xf32> to vector<16xf32>
      tpu.vector_store %arg9[%swap3A_1741], %swap3A_1744 {strides = array<i32>} : memref<128xf32, #tpu.memory_space<vmem>>, vector<16xf32>,
      %swap3A_1745 = arith.constant 0 : index
      %swap3A_1746 = tpu.vector_load %arg10[%swap3A_1745] {strides = array<i32>} : memref<128xf32, #tpu.memory_space<vmem>>, vector<16xf32>,
      %swap3A_1747 = vector.shape_cast %swap3A_1746 : vector<16xf32> to vector<16xf32>
      %swap3A_1748 = vector.shape_cast %sub3A_1709 : vector<16xf32> to vector<16xf32>
      tpu.vector_store %arg10[%swap3A_1745], %swap3A_1748 {strides = array<i32>} : memref<128xf32, #tpu.memory_space<vmem>>, vector<16xf32>,
      %add3A_1749 = arith.addf %mul3A_1670, %mul3A_1691 : vector<16xf32>
      %add3A_1750 = arith.addf %add3A_1749, %mul3A_1713 : vector<16xf32>
      %add3A_1751 = arith.addi %shift_left3A_1718, %shift_left3A_1720 : vector<16xi32>
      %add3A_1752 = arith.addi %add3A_1751, %min3A_1707 : vector<16xi32>
      %lt3A_1753 = arith.cmpf olt, %add3A_1750, %broadcast_in_dim3A_1723 : vector<16xf32>
      %broadcast_in_dim3A_1754 = arith.constant 16 : i32
      %broadcast_in_dim3A_1755 = vector.broadcast %broadcast_in_dim3A_1754 : i32 to vector<16xi32>
      %add3A_1756 = arith.addi %add3A_55, %broadcast_in_dim3A_1755 : vector<16xi32>
      %select_n3A_1757 = arith.select %lt3A_1753, %add3A_1752, %add3A_1756 : vector<16xi1>, vector<16xi32>
      %swap3A_1758 = arith.constant 16 : index
      %swap3A_1759 = tpu.vector_load %arg7[%swap3A_1758] {strides = array<i32>} : memref<128xi32, #tpu.memory_space<vmem>>, vector<16xi32>,
      %swap3A_1760 = vector.shape_cast %swap3A_1759 : vector<16xi32> to vector<16xi32>
      %swap3A_1761 = vector.shape_cast %select_n3A_1757 : vector<16xi32> to vector<16xi32>
      tpu.vector_store %arg7[%swap3A_1758], %swap3A_1761 {strides = array<i32>} : memref<128xi32, #tpu.memory_space<vmem>>, vector<16xi32>,
      %swap3A_1762 = arith.constant 16 : index
      %swap3A_1763 = tpu.vector_load %arg8[%swap3A_1762] {strides = array<i32>} : memref<128xf32, #tpu.memory_space<vmem>>, vector<16xf32>,
      %swap3A_1764 = vector.shape_cast %swap3A_1763 : vector<16xf32> to vector<16xf32>
      %swap3A_1765 = vector.shape_cast %sub3A_1667 : vector<16xf32> to vector<16xf32>
      tpu.vector_store %arg8[%swap3A_1762], %swap3A_1765 {strides = array<i32>} : memref<128xf32, #tpu.memory_space<vmem>>, vector<16xf32>,
      %swap3A_1766 = arith.constant 16 : index
      %swap3A_1767 = tpu.vector_load %arg9[%swap3A_1766] {strides = array<i32>} : memref<128xf32, #tpu.memory_space<vmem>>, vector<16xf32>,
      %swap3A_1768 = vector.shape_cast %swap3A_1767 : vector<16xf32> to vector<16xf32>
      %swap3A_1769 = vector.shape_cast %sub3A_1688 : vector<16xf32> to vector<16xf32>
      tpu.vector_store %arg9[%swap3A_1766], %swap3A_1769 {strides = array<i32>} : memref<128xf32, #tpu.memory_space<vmem>>, vector<16xf32>,
      %swap3A_1770 = arith.constant 16 : index
      %swap3A_1771 = tpu.vector_load %arg10[%swap3A_1770] {strides = array<i32>} : memref<128xf32, #tpu.memory_space<vmem>>, vector<16xf32>,
      %swap3A_1772 = vector.shape_cast %swap3A_1771 : vector<16xf32> to vector<16xf32>
      %swap3A_1773 = vector.shape_cast %sub3A_1711 : vector<16xf32> to vector<16xf32>
      tpu.vector_store %arg10[%swap3A_1770], %swap3A_1773 {strides = array<i32>} : memref<128xf32, #tpu.memory_space<vmem>>, vector<16xf32>,
      %add3A_1774 = arith.addf %mul3A_1670, %mul3A_1692 : vector<16xf32>
      %add3A_1775 = arith.addf %add3A_1774, %mul3A_1712 : vector<16xf32>
      %add3A_1776 = arith.addi %shift_left3A_1718, %shift_left3A_1721 : vector<16xi32>
      %add3A_1777 = arith.addi %add3A_1776, %min3A_1705 : vector<16xi32>
      %lt3A_1778 = arith.cmpf olt, %add3A_1775, %broadcast_in_dim3A_1723 : vector<16xf32>
      %broadcast_in_dim3A_1779 = arith.constant 32 : i32
      %broadcast_in_dim3A_1780 = vector.broadcast %broadcast_in_dim3A_1779 : i32 to vector<16xi32>
      %add3A_1781 = arith.addi %add3A_55, %broadcast_in_dim3A_1780 : vector<16xi32>
      %select_n3A_1782 = arith.select %lt3A_1778, %add3A_1777, %add3A_1781 : vector<16xi1>, vector<16xi32>
      %swap3A_1783 = arith.constant 32 : index
      %swap3A_1784 = tpu.vector_load %arg7[%swap3A_1783] {strides = array<i32>} : memref<128xi32, #tpu.memory_space<vmem>>, vector<16xi32>,
      %swap3A_1785 = vector.shape_cast %swap3A_1784 : vector<16xi32> to vector<16xi32>
      %swap3A_1786 = vector.shape_cast %select_n3A_1782 : vector<16xi32> to vector<16xi32>
      tpu.vector_store %arg7[%swap3A_1783], %swap3A_1786 {strides = array<i32>} : memref<128xi32, #tpu.memory_space<vmem>>, vector<16xi32>,
      %swap3A_1787 = arith.constant 32 : index
      %swap3A_1788 = tpu.vector_load %arg8[%swap3A_1787] {strides = array<i32>} : memref<128xf32, #tpu.memory_space<vmem>>, vector<16xf32>,
      %swap3A_1789 = vector.shape_cast %swap3A_1788 : vector<16xf32> to vector<16xf32>
      %swap3A_1790 = vector.shape_cast %sub3A_1667 : vector<16xf32> to vector<16xf32>
      tpu.vector_store %arg8[%swap3A_1787], %swap3A_1790 {strides = array<i32>} : memref<128xf32, #tpu.memory_space<vmem>>, vector<16xf32>,
      %swap3A_1791 = arith.constant 32 : index
      %swap3A_1792 = tpu.vector_load %arg9[%swap3A_1791] {strides = array<i32>} : memref<128xf32, #tpu.memory_space<vmem>>, vector<16xf32>,
      %swap3A_1793 = vector.shape_cast %swap3A_1792 : vector<16xf32> to vector<16xf32>
      %swap3A_1794 = vector.shape_cast %sub3A_1690 : vector<16xf32> to vector<16xf32>
      tpu.vector_store %arg9[%swap3A_1791], %swap3A_1794 {strides = array<i32>} : memref<128xf32, #tpu.memory_space<vmem>>, vector<16xf32>,
      %swap3A_1795 = arith.constant 32 : index
      %swap3A_1796 = tpu.vector_load %arg10[%swap3A_1795] {strides = array<i32>} : memref<128xf32, #tpu.memory_space<vmem>>, vector<16xf32>,
      %swap3A_1797 = vector.shape_cast %swap3A_1796 : vector<16xf32> to vector<16xf32>
      %swap3A_1798 = vector.shape_cast %sub3A_1709 : vector<16xf32> to vector<16xf32>
      tpu.vector_store %arg10[%swap3A_1795], %swap3A_1798 {strides = array<i32>} : memref<128xf32, #tpu.memory_space<vmem>>, vector<16xf32>,
      %add3A_1799 = arith.addf %mul3A_1670, %mul3A_1692 : vector<16xf32>
      %add3A_1800 = arith.addf %add3A_1799, %mul3A_1713 : vector<16xf32>
      %add3A_1801 = arith.addi %shift_left3A_1718, %shift_left3A_1721 : vector<16xi32>
      %add3A_1802 = arith.addi %add3A_1801, %min3A_1707 : vector<16xi32>
      %lt3A_1803 = arith.cmpf olt, %add3A_1800, %broadcast_in_dim3A_1723 : vector<16xf32>
      %broadcast_in_dim3A_1804 = arith.constant 48 : i32
      %broadcast_in_dim3A_1805 = vector.broadcast %broadcast_in_dim3A_1804 : i32 to vector<16xi32>
      %add3A_1806 = arith.addi %add3A_55, %broadcast_in_dim3A_1805 : vector<16xi32>
      %select_n3A_1807 = arith.select %lt3A_1803, %add3A_1802, %add3A_1806 : vector<16xi1>, vector<16xi32>
      %swap3A_1808 = arith.constant 48 : index
      %swap3A_1809 = tpu.vector_load %arg7[%swap3A_1808] {strides = array<i32>} : memref<128xi32, #tpu.memory_space<vmem>>, vector<16xi32>,
      %swap3A_1810 = vector.shape_cast %swap3A_1809 : vector<16xi32> to vector<16xi32>
      %swap3A_1811 = vector.shape_cast %select_n3A_1807 : vector<16xi32> to vector<16xi32>
      tpu.vector_store %arg7[%swap3A_1808], %swap3A_1811 {strides = array<i32>} : memref<128xi32, #tpu.memory_space<vmem>>, vector<16xi32>,
      %swap3A_1812 = arith.constant 48 : index
      %swap3A_1813 = tpu.vector_load %arg8[%swap3A_1812] {strides = array<i32>} : memref<128xf32, #tpu.memory_space<vmem>>, vector<16xf32>,
      %swap3A_1814 = vector.shape_cast %swap3A_1813 : vector<16xf32> to vector<16xf32>
      %swap3A_1815 = vector.shape_cast %sub3A_1667 : vector<16xf32> to vector<16xf32>
      tpu.vector_store %arg8[%swap3A_1812], %swap3A_1815 {strides = array<i32>} : memref<128xf32, #tpu.memory_space<vmem>>, vector<16xf32>,
      %swap3A_1816 = arith.constant 48 : index
      %swap3A_1817 = tpu.vector_load %arg9[%swap3A_1816] {strides = array<i32>} : memref<128xf32, #tpu.memory_space<vmem>>, vector<16xf32>,
      %swap3A_1818 = vector.shape_cast %swap3A_1817 : vector<16xf32> to vector<16xf32>
      %swap3A_1819 = vector.shape_cast %sub3A_1690 : vector<16xf32> to vector<16xf32>
      tpu.vector_store %arg9[%swap3A_1816], %swap3A_1819 {strides = array<i32>} : memref<128xf32, #tpu.memory_space<vmem>>, vector<16xf32>,
      %swap3A_1820 = arith.constant 48 : index
      %swap3A_1821 = tpu.vector_load %arg10[%swap3A_1820] {strides = array<i32>} : memref<128xf32, #tpu.memory_space<vmem>>, vector<16xf32>,
      %swap3A_1822 = vector.shape_cast %swap3A_1821 : vector<16xf32> to vector<16xf32>
      %swap3A_1823 = vector.shape_cast %sub3A_1711 : vector<16xf32> to vector<16xf32>
      tpu.vector_store %arg10[%swap3A_1820], %swap3A_1823 {strides = array<i32>} : memref<128xf32, #tpu.memory_space<vmem>>, vector<16xf32>,
      %add3A_1824 = arith.addf %mul3A_1671, %mul3A_1691 : vector<16xf32>
      %add3A_1825 = arith.addf %add3A_1824, %mul3A_1712 : vector<16xf32>
      %add3A_1826 = arith.addi %shift_left3A_1719, %shift_left3A_1720 : vector<16xi32>
      %add3A_1827 = arith.addi %add3A_1826, %min3A_1705 : vector<16xi32>
      %lt3A_1828 = arith.cmpf olt, %add3A_1825, %broadcast_in_dim3A_1723 : vector<16xf32>
      %broadcast_in_dim3A_1829 = arith.constant 64 : i32
      %broadcast_in_dim3A_1830 = vector.broadcast %broadcast_in_dim3A_1829 : i32 to vector<16xi32>
      %add3A_1831 = arith.addi %add3A_55, %broadcast_in_dim3A_1830 : vector<16xi32>
      %select_n3A_1832 = arith.select %lt3A_1828, %add3A_1827, %add3A_1831 : vector<16xi1>, vector<16xi32>
      %swap3A_1833 = arith.constant 64 : index
      %swap3A_1834 = tpu.vector_load %arg7[%swap3A_1833] {strides = array<i32>} : memref<128xi32, #tpu.memory_space<vmem>>, vector<16xi32>,
      %swap3A_1835 = vector.shape_cast %swap3A_1834 : vector<16xi32> to vector<16xi32>
      %swap3A_1836 = vector.shape_cast %select_n3A_1832 : vector<16xi32> to vector<16xi32>
      tpu.vector_store %arg7[%swap3A_1833], %swap3A_1836 {strides = array<i32>} : memref<128xi32, #tpu.memory_space<vmem>>, vector<16xi32>,
      %swap3A_1837 = arith.constant 64 : index
      %swap3A_1838 = tpu.vector_load %arg8[%swap3A_1837] {strides = array<i32>} : memref<128xf32, #tpu.memory_space<vmem>>, vector<16xf32>,
      %swap3A_1839 = vector.shape_cast %swap3A_1838 : vector<16xf32> to vector<16xf32>
      %swap3A_1840 = vector.shape_cast %sub3A_1669 : vector<16xf32> to vector<16xf32>
      tpu.vector_store %arg8[%swap3A_1837], %swap3A_1840 {strides = array<i32>} : memref<128xf32, #tpu.memory_space<vmem>>, vector<16xf32>,
      %swap3A_1841 = arith.constant 64 : index
      %swap3A_1842 = tpu.vector_load %arg9[%swap3A_1841] {strides = array<i32>} : memref<128xf32, #tpu.memory_space<vmem>>, vector<16xf32>,
      %swap3A_1843 = vector.shape_cast %swap3A_1842 : vector<16xf32> to vector<16xf32>
      %swap3A_1844 = vector.shape_cast %sub3A_1688 : vector<16xf32> to vector<16xf32>
      tpu.vector_store %arg9[%swap3A_1841], %swap3A_1844 {strides = array<i32>} : memref<128xf32, #tpu.memory_space<vmem>>, vector<16xf32>,
      %swap3A_1845 = arith.constant 64 : index
      %swap3A_1846 = tpu.vector_load %arg10[%swap3A_1845] {strides = array<i32>} : memref<128xf32, #tpu.memory_space<vmem>>, vector<16xf32>,
      %swap3A_1847 = vector.shape_cast %swap3A_1846 : vector<16xf32> to vector<16xf32>
      %swap3A_1848 = vector.shape_cast %sub3A_1709 : vector<16xf32> to vector<16xf32>
      tpu.vector_store %arg10[%swap3A_1845], %swap3A_1848 {strides = array<i32>} : memref<128xf32, #tpu.memory_space<vmem>>, vector<16xf32>,
      %add3A_1849 = arith.addf %mul3A_1671, %mul3A_1691 : vector<16xf32>
      %add3A_1850 = arith.addf %add3A_1849, %mul3A_1713 : vector<16xf32>
      %add3A_1851 = arith.addi %shift_left3A_1719, %shift_left3A_1720 : vector<16xi32>
      %add3A_1852 = arith.addi %add3A_1851, %min3A_1707 : vector<16xi32>
      %lt3A_1853 = arith.cmpf olt, %add3A_1850, %broadcast_in_dim3A_1723 : vector<16xf32>
      %broadcast_in_dim3A_1854 = arith.constant 80 : i32
      %broadcast_in_dim3A_1855 = vector.broadcast %broadcast_in_dim3A_1854 : i32 to vector<16xi32>
      %add3A_1856 = arith.addi %add3A_55, %broadcast_in_dim3A_1855 : vector<16xi32>
      %select_n3A_1857 = arith.select %lt3A_1853, %add3A_1852, %add3A_1856 : vector<16xi1>, vector<16xi32>
      %swap3A_1858 = arith.constant 80 : index
      %swap3A_1859 = tpu.vector_load %arg7[%swap3A_1858] {strides = array<i32>} : memref<128xi32, #tpu.memory_space<vmem>>, vector<16xi32>,
      %swap3A_1860 = vector.shape_cast %swap3A_1859 : vector<16xi32> to vector<16xi32>
      %swap3A_1861 = vector.shape_cast %select_n3A_1857 : vector<16xi32> to vector<16xi32>
      tpu.vector_store %arg7[%swap3A_1858], %swap3A_1861 {strides = array<i32>} : memref<128xi32, #tpu.memory_space<vmem>>, vector<16xi32>,
      %swap3A_1862 = arith.constant 80 : index
      %swap3A_1863 = tpu.vector_load %arg8[%swap3A_1862] {strides = array<i32>} : memref<128xf32, #tpu.memory_space<vmem>>, vector<16xf32>,
      %swap3A_1864 = vector.shape_cast %swap3A_1863 : vector<16xf32> to vector<16xf32>
      %swap3A_1865 = vector.shape_cast %sub3A_1669 : vector<16xf32> to vector<16xf32>
      tpu.vector_store %arg8[%swap3A_1862], %swap3A_1865 {strides = array<i32>} : memref<128xf32, #tpu.memory_space<vmem>>, vector<16xf32>,
      %swap3A_1866 = arith.constant 80 : index
      %swap3A_1867 = tpu.vector_load %arg9[%swap3A_1866] {strides = array<i32>} : memref<128xf32, #tpu.memory_space<vmem>>, vector<16xf32>,
      %swap3A_1868 = vector.shape_cast %swap3A_1867 : vector<16xf32> to vector<16xf32>
      %swap3A_1869 = vector.shape_cast %sub3A_1688 : vector<16xf32> to vector<16xf32>
      tpu.vector_store %arg9[%swap3A_1866], %swap3A_1869 {strides = array<i32>} : memref<128xf32, #tpu.memory_space<vmem>>, vector<16xf32>,
      %swap3A_1870 = arith.constant 80 : index
      %swap3A_1871 = tpu.vector_load %arg10[%swap3A_1870] {strides = array<i32>} : memref<128xf32, #tpu.memory_space<vmem>>, vector<16xf32>,
      %swap3A_1872 = vector.shape_cast %swap3A_1871 : vector<16xf32> to vector<16xf32>
      %swap3A_1873 = vector.shape_cast %sub3A_1711 : vector<16xf32> to vector<16xf32>
      tpu.vector_store %arg10[%swap3A_1870], %swap3A_1873 {strides = array<i32>} : memref<128xf32, #tpu.memory_space<vmem>>, vector<16xf32>,
      %add3A_1874 = arith.addf %mul3A_1671, %mul3A_1692 : vector<16xf32>
      %add3A_1875 = arith.addf %add3A_1874, %mul3A_1712 : vector<16xf32>
      %add3A_1876 = arith.addi %shift_left3A_1719, %shift_left3A_1721 : vector<16xi32>
      %add3A_1877 = arith.addi %add3A_1876, %min3A_1705 : vector<16xi32>
      %lt3A_1878 = arith.cmpf olt, %add3A_1875, %broadcast_in_dim3A_1723 : vector<16xf32>
      %broadcast_in_dim3A_1879 = arith.constant 96 : i32
      %broadcast_in_dim3A_1880 = vector.broadcast %broadcast_in_dim3A_1879 : i32 to vector<16xi32>
      %add3A_1881 = arith.addi %add3A_55, %broadcast_in_dim3A_1880 : vector<16xi32>
      %select_n3A_1882 = arith.select %lt3A_1878, %add3A_1877, %add3A_1881 : vector<16xi1>, vector<16xi32>
      %swap3A_1883 = arith.constant 96 : index
      %swap3A_1884 = tpu.vector_load %arg7[%swap3A_1883] {strides = array<i32>} : memref<128xi32, #tpu.memory_space<vmem>>, vector<16xi32>,
      %swap3A_1885 = vector.shape_cast %swap3A_1884 : vector<16xi32> to vector<16xi32>
      %swap3A_1886 = vector.shape_cast %select_n3A_1882 : vector<16xi32> to vector<16xi32>
      tpu.vector_store %arg7[%swap3A_1883], %swap3A_1886 {strides = array<i32>} : memref<128xi32, #tpu.memory_space<vmem>>, vector<16xi32>,
      %swap3A_1887 = arith.constant 96 : index
      %swap3A_1888 = tpu.vector_load %arg8[%swap3A_1887] {strides = array<i32>} : memref<128xf32, #tpu.memory_space<vmem>>, vector<16xf32>,
      %swap3A_1889 = vector.shape_cast %swap3A_1888 : vector<16xf32> to vector<16xf32>
      %swap3A_1890 = vector.shape_cast %sub3A_1669 : vector<16xf32> to vector<16xf32>
      tpu.vector_store %arg8[%swap3A_1887], %swap3A_1890 {strides = array<i32>} : memref<128xf32, #tpu.memory_space<vmem>>, vector<16xf32>,
      %swap3A_1891 = arith.constant 96 : index
      %swap3A_1892 = tpu.vector_load %arg9[%swap3A_1891] {strides = array<i32>} : memref<128xf32, #tpu.memory_space<vmem>>, vector<16xf32>,
      %swap3A_1893 = vector.shape_cast %swap3A_1892 : vector<16xf32> to vector<16xf32>
      %swap3A_1894 = vector.shape_cast %sub3A_1690 : vector<16xf32> to vector<16xf32>
      tpu.vector_store %arg9[%swap3A_1891], %swap3A_1894 {strides = array<i32>} : memref<128xf32, #tpu.memory_space<vmem>>, vector<16xf32>,
      %swap3A_1895 = arith.constant 96 : index
      %swap3A_1896 = tpu.vector_load %arg10[%swap3A_1895] {strides = array<i32>} : memref<128xf32, #tpu.memory_space<vmem>>, vector<16xf32>,
      %swap3A_1897 = vector.shape_cast %swap3A_1896 : vector<16xf32> to vector<16xf32>
      %swap3A_1898 = vector.shape_cast %sub3A_1709 : vector<16xf32> to vector<16xf32>
      tpu.vector_store %arg10[%swap3A_1895], %swap3A_1898 {strides = array<i32>} : memref<128xf32, #tpu.memory_space<vmem>>, vector<16xf32>,
      %add3A_1899 = arith.addf %mul3A_1671, %mul3A_1692 : vector<16xf32>
      %add3A_1900 = arith.addf %add3A_1899, %mul3A_1713 : vector<16xf32>
      %add3A_1901 = arith.addi %shift_left3A_1719, %shift_left3A_1721 : vector<16xi32>
      %add3A_1902 = arith.addi %add3A_1901, %min3A_1707 : vector<16xi32>
      %lt3A_1903 = arith.cmpf olt, %add3A_1900, %broadcast_in_dim3A_1723 : vector<16xf32>
      %broadcast_in_dim3A_1904 = arith.constant 112 : i32
      %broadcast_in_dim3A_1905 = vector.broadcast %broadcast_in_dim3A_1904 : i32 to vector<16xi32>
      %add3A_1906 = arith.addi %add3A_55, %broadcast_in_dim3A_1905 : vector<16xi32>
      %select_n3A_1907 = arith.select %lt3A_1903, %add3A_1902, %add3A_1906 : vector<16xi1>, vector<16xi32>
      %swap3A_1908 = arith.constant 112 : index
      %swap3A_1909 = tpu.vector_load %arg7[%swap3A_1908] {strides = array<i32>} : memref<128xi32, #tpu.memory_space<vmem>>, vector<16xi32>,
      %swap3A_1910 = vector.shape_cast %swap3A_1909 : vector<16xi32> to vector<16xi32>
      %swap3A_1911 = vector.shape_cast %select_n3A_1907 : vector<16xi32> to vector<16xi32>
      tpu.vector_store %arg7[%swap3A_1908], %swap3A_1911 {strides = array<i32>} : memref<128xi32, #tpu.memory_space<vmem>>, vector<16xi32>,
      %swap3A_1912 = arith.constant 112 : index
      %swap3A_1913 = tpu.vector_load %arg8[%swap3A_1912] {strides = array<i32>} : memref<128xf32, #tpu.memory_space<vmem>>, vector<16xf32>,
      %swap3A_1914 = vector.shape_cast %swap3A_1913 : vector<16xf32> to vector<16xf32>
      %swap3A_1915 = vector.shape_cast %sub3A_1669 : vector<16xf32> to vector<16xf32>
      tpu.vector_store %arg8[%swap3A_1912], %swap3A_1915 {strides = array<i32>} : memref<128xf32, #tpu.memory_space<vmem>>, vector<16xf32>,
      %swap3A_1916 = arith.constant 112 : index
      %swap3A_1917 = tpu.vector_load %arg9[%swap3A_1916] {strides = array<i32>} : memref<128xf32, #tpu.memory_space<vmem>>, vector<16xf32>,
      %swap3A_1918 = vector.shape_cast %swap3A_1917 : vector<16xf32> to vector<16xf32>
      %swap3A_1919 = vector.shape_cast %sub3A_1690 : vector<16xf32> to vector<16xf32>
      tpu.vector_store %arg9[%swap3A_1916], %swap3A_1919 {strides = array<i32>} : memref<128xf32, #tpu.memory_space<vmem>>, vector<16xf32>,
      %swap3A_1920 = arith.constant 112 : index
      %swap3A_1921 = tpu.vector_load %arg10[%swap3A_1920] {strides = array<i32>} : memref<128xf32, #tpu.memory_space<vmem>>, vector<16xf32>,
      %swap3A_1922 = vector.shape_cast %swap3A_1921 : vector<16xf32> to vector<16xf32>
      %swap3A_1923 = vector.shape_cast %sub3A_1711 : vector<16xf32> to vector<16xf32>
      tpu.vector_store %arg10[%swap3A_1920], %swap3A_1923 {strides = array<i32>} : memref<128xf32, #tpu.memory_space<vmem>>, vector<16xf32>,
      %dma_start3A_1924 = arith.constant 0 : i32
      %dma_start3A_1925 = tpu.memref_slice %arg39[%dma_start3A_1924] : memref<264192xf32, #tpu.memory_space<vmem_shared>> -> memref<264192xf32, #tpu.memory_space<vmem_shared>>
      tpu.enqueue_indirect_dma source(%arg8 : memref<128xf32, #tpu.memory_space<vmem>>) target(%dma_start3A_1925 : memref<264192xf32, #tpu.memory_space<vmem_shared>>) offsets(%arg7 : memref<128xi32, #tpu.memory_space<vmem>>) semaphore(%arg31 : memref<!tpu.dma_semaphore, #tpu.memory_space<semaphore_mem>>) {add = true}
      %dma_start3A_1926 = arith.constant 0 : i32
      %dma_start3A_1927 = tpu.memref_slice %arg40[%dma_start3A_1926] : memref<264192xf32, #tpu.memory_space<vmem_shared>> -> memref<264192xf32, #tpu.memory_space<vmem_shared>>
      tpu.enqueue_indirect_dma source(%arg9 : memref<128xf32, #tpu.memory_space<vmem>>) target(%dma_start3A_1927 : memref<264192xf32, #tpu.memory_space<vmem_shared>>) offsets(%arg7 : memref<128xi32, #tpu.memory_space<vmem>>) semaphore(%arg31 : memref<!tpu.dma_semaphore, #tpu.memory_space<semaphore_mem>>) {add = true}
      %dma_start3A_1928 = arith.constant 0 : i32
      %dma_start3A_1929 = tpu.memref_slice %arg41[%dma_start3A_1928] : memref<264192xf32, #tpu.memory_space<vmem_shared>> -> memref<264192xf32, #tpu.memory_space<vmem_shared>>
      tpu.enqueue_indirect_dma source(%arg10 : memref<128xf32, #tpu.memory_space<vmem>>) target(%dma_start3A_1929 : memref<264192xf32, #tpu.memory_space<vmem_shared>>) offsets(%arg7 : memref<128xi32, #tpu.memory_space<vmem>>) semaphore(%arg31 : memref<!tpu.dma_semaphore, #tpu.memory_space<semaphore_mem>>) {add = true}
      %dma_start3A_1930 = arith.constant 0 : i32
      %dma_start3A_1931 = tpu.memref_slice %arg42[%dma_start3A_1930] : memref<264192xf32, #tpu.memory_space<vmem_shared>> -> memref<264192xf32, #tpu.memory_space<vmem_shared>>
      tpu.enqueue_indirect_dma source(%arg15 : memref<128xf32, #tpu.memory_space<vmem>>) target(%dma_start3A_1931 : memref<264192xf32, #tpu.memory_space<vmem_shared>>) offsets(%arg7 : memref<128xi32, #tpu.memory_space<vmem>>) semaphore(%arg31 : memref<!tpu.dma_semaphore, #tpu.memory_space<semaphore_mem>>) {add = true}
      %dma_wait3A_1932 = arith.constant 0 : i32
      %dma_wait3A_1933 = tpu.memref_slice %arg39[%dma_wait3A_1932] : memref<264192xf32, #tpu.memory_space<vmem_shared>> -> memref<264192xf32, #tpu.memory_space<vmem_shared>>
      tpu.wait_indirect_dma semaphore(%arg32 : memref<!tpu.dma_semaphore, #tpu.memory_space<semaphore_mem>>) src(%arg12 : memref<128xf32, #tpu.memory_space<vmem>>) dst(%dma_wait3A_1933 : memref<264192xf32, #tpu.memory_space<vmem_shared>>)
      %dma_wait3A_1934 = arith.constant 0 : i32
      %dma_wait3A_1935 = tpu.memref_slice %arg40[%dma_wait3A_1934] : memref<264192xf32, #tpu.memory_space<vmem_shared>> -> memref<264192xf32, #tpu.memory_space<vmem_shared>>
      tpu.wait_indirect_dma semaphore(%arg32 : memref<!tpu.dma_semaphore, #tpu.memory_space<semaphore_mem>>) src(%arg13 : memref<128xf32, #tpu.memory_space<vmem>>) dst(%dma_wait3A_1935 : memref<264192xf32, #tpu.memory_space<vmem_shared>>)
      %dma_wait3A_1936 = arith.constant 0 : i32
      %dma_wait3A_1937 = tpu.memref_slice %arg41[%dma_wait3A_1936] : memref<264192xf32, #tpu.memory_space<vmem_shared>> -> memref<264192xf32, #tpu.memory_space<vmem_shared>>
      tpu.wait_indirect_dma semaphore(%arg32 : memref<!tpu.dma_semaphore, #tpu.memory_space<semaphore_mem>>) src(%arg14 : memref<128xf32, #tpu.memory_space<vmem>>) dst(%dma_wait3A_1937 : memref<264192xf32, #tpu.memory_space<vmem_shared>>)
      %dma_wait3A_1938 = arith.constant 0 : i32
      %dma_wait3A_1939 = tpu.memref_slice %arg42[%dma_wait3A_1938] : memref<264192xf32, #tpu.memory_space<vmem_shared>> -> memref<264192xf32, #tpu.memory_space<vmem_shared>>
      tpu.wait_indirect_dma semaphore(%arg32 : memref<!tpu.dma_semaphore, #tpu.memory_space<semaphore_mem>>) src(%arg15 : memref<128xf32, #tpu.memory_space<vmem>>) dst(%dma_wait3A_1939 : memref<264192xf32, #tpu.memory_space<vmem_shared>>)
      %mul3A_1940 = arith.constant 2 : i32
      %mul3A_1941 = arith.muli %mul3A_1940, %scan3A_1627 : i32
      %add3A_1942 = arith.constant 1 : i32
      %add3A_1943 = arith.addi %mul3A_1941, %add3A_1942 : i32
      %mul3A_1944 = arith.constant 16 : i32
      %mul3A_1945 = arith.muli %add3A_1943, %mul3A_1944 : i32
      %broadcast_in_dim3A_1946 = arith.constant 5.000000e-01 : f32
      %broadcast_in_dim3A_1947 = vector.broadcast %broadcast_in_dim3A_1946 : f32 to vector<16xf32>
      %broadcast_in_dim3A_1948 = arith.constant 6.400000e+01 : f32
      %broadcast_in_dim3A_1949 = vector.broadcast %broadcast_in_dim3A_1948 : f32 to vector<16xf32>
      %broadcast_in_dim3A_1950 = arith.constant 0 : i32
      %broadcast_in_dim3A_1951 = vector.broadcast %broadcast_in_dim3A_1950 : i32 to vector<16xi32>
      %broadcast_in_dim3A_1952 = arith.constant 63 : i32
      %broadcast_in_dim3A_1953 = vector.broadcast %broadcast_in_dim3A_1952 : i32 to vector<16xi32>
      %broadcast_in_dim3A_1954 = arith.constant 1 : i32
      %broadcast_in_dim3A_1955 = vector.broadcast %broadcast_in_dim3A_1954 : i32 to vector<16xi32>
      %get3A_1956 = arith.index_cast %mul3A_1945 : i32 to index
      %get3A_1957 = tpu.vector_load %arg4[%get3A_1956] {strides = array<i32>} : memref<6272xf32, #tpu.memory_space<vmem>>, vector<16xf32>,
      %get3A_1958 = vector.shape_cast %get3A_1957 : vector<16xf32> to vector<16xf32>
      %add3A_1959 = arith.addf %get3A_1958, %broadcast_in_dim3A_1947 : vector<16xf32>
      %mul3A_1960 = arith.mulf %add3A_1959, %broadcast_in_dim3A_1949 : vector<16xf32>
      %sub3A_1961 = arith.subf %mul3A_1960, %broadcast_in_dim3A_1947 : vector<16xf32>
      %convert_element_type3A_1962 = arith.fptosi %sub3A_1961 : vector<16xf32> to vector<16xi32>
      %convert_element_type3A_1963 = arith.sitofp %convert_element_type3A_1962 : vector<16xi32> to vector<16xf32>
      %gt3A_1964 = arith.cmpf ogt, %sub3A_1961, %convert_element_type3A_1963 : vector<16xf32>
      %select_n3A_1965 = arith.select %gt3A_1964, %broadcast_in_dim3A_1955, %broadcast_in_dim3A_1951 : vector<16xi1>, vector<16xi32>
      %add3A_1966 = arith.addi %convert_element_type3A_1962, %select_n3A_1965 : vector<16xi32>
      %max3A_1967 = arith.maxsi %convert_element_type3A_1962, %broadcast_in_dim3A_1951 : vector<16xi32>
      %min3A_1968 = arith.minsi %max3A_1967, %broadcast_in_dim3A_1953 : vector<16xi32>
      %max3A_1969 = arith.maxsi %add3A_1966, %broadcast_in_dim3A_1951 : vector<16xi32>
      %min3A_1970 = arith.minsi %max3A_1969, %broadcast_in_dim3A_1953 : vector<16xi32>
      %convert_element_type3A_1971 = arith.sitofp %min3A_1968 : vector<16xi32> to vector<16xf32>
      %sub3A_1972 = arith.subf %sub3A_1961, %convert_element_type3A_1971 : vector<16xf32>
      %convert_element_type3A_1973 = arith.sitofp %min3A_1970 : vector<16xi32> to vector<16xf32>
      %sub3A_1974 = arith.subf %sub3A_1961, %convert_element_type3A_1973 : vector<16xf32>
      %mul3A_1975 = arith.mulf %sub3A_1972, %sub3A_1972 : vector<16xf32>
      %mul3A_1976 = arith.mulf %sub3A_1974, %sub3A_1974 : vector<16xf32>
      %get3A_1977 = arith.index_cast %mul3A_1945 : i32 to index
      %get3A_1978 = tpu.vector_load %arg5[%get3A_1977] {strides = array<i32>} : memref<6272xf32, #tpu.memory_space<vmem>>, vector<16xf32>,
      %get3A_1979 = vector.shape_cast %get3A_1978 : vector<16xf32> to vector<16xf32>
      %add3A_1980 = arith.addf %get3A_1979, %broadcast_in_dim3A_1947 : vector<16xf32>
      %mul3A_1981 = arith.mulf %add3A_1980, %broadcast_in_dim3A_1949 : vector<16xf32>
      %sub3A_1982 = arith.subf %mul3A_1981, %broadcast_in_dim3A_1947 : vector<16xf32>
      %convert_element_type3A_1983 = arith.fptosi %sub3A_1982 : vector<16xf32> to vector<16xi32>
      %convert_element_type3A_1984 = arith.sitofp %convert_element_type3A_1983 : vector<16xi32> to vector<16xf32>
      %gt3A_1985 = arith.cmpf ogt, %sub3A_1982, %convert_element_type3A_1984 : vector<16xf32>
      %select_n3A_1986 = arith.select %gt3A_1985, %broadcast_in_dim3A_1955, %broadcast_in_dim3A_1951 : vector<16xi1>, vector<16xi32>
      %add3A_1987 = arith.addi %convert_element_type3A_1983, %select_n3A_1986 : vector<16xi32>
      %max3A_1988 = arith.maxsi %convert_element_type3A_1983, %broadcast_in_dim3A_1951 : vector<16xi32>
      %min3A_1989 = arith.minsi %max3A_1988, %broadcast_in_dim3A_1953 : vector<16xi32>
      %max3A_1990 = arith.maxsi %add3A_1987, %broadcast_in_dim3A_1951 : vector<16xi32>
      %min3A_1991 = arith.minsi %max3A_1990, %broadcast_in_dim3A_1953 : vector<16xi32>
      %convert_element_type3A_1992 = arith.sitofp %min3A_1989 : vector<16xi32> to vector<16xf32>
      %sub3A_1993 = arith.subf %sub3A_1982, %convert_element_type3A_1992 : vector<16xf32>
      %convert_element_type3A_1994 = arith.sitofp %min3A_1991 : vector<16xi32> to vector<16xf32>
      %sub3A_1995 = arith.subf %sub3A_1982, %convert_element_type3A_1994 : vector<16xf32>
      %mul3A_1996 = arith.mulf %sub3A_1993, %sub3A_1993 : vector<16xf32>
      %mul3A_1997 = arith.mulf %sub3A_1995, %sub3A_1995 : vector<16xf32>
      %get3A_1998 = arith.index_cast %mul3A_1945 : i32 to index
      %get3A_1999 = tpu.vector_load %arg6[%get3A_1998] {strides = array<i32>} : memref<6272xf32, #tpu.memory_space<vmem>>, vector<16xf32>,
      %get3A_2000 = vector.shape_cast %get3A_1999 : vector<16xf32> to vector<16xf32>
      %add3A_2001 = arith.addf %get3A_2000, %broadcast_in_dim3A_1947 : vector<16xf32>
      %mul3A_2002 = arith.mulf %add3A_2001, %broadcast_in_dim3A_1949 : vector<16xf32>
      %sub3A_2003 = arith.subf %mul3A_2002, %broadcast_in_dim3A_1947 : vector<16xf32>
      %convert_element_type3A_2004 = arith.fptosi %sub3A_2003 : vector<16xf32> to vector<16xi32>
      %convert_element_type3A_2005 = arith.sitofp %convert_element_type3A_2004 : vector<16xi32> to vector<16xf32>
      %gt3A_2006 = arith.cmpf ogt, %sub3A_2003, %convert_element_type3A_2005 : vector<16xf32>
      %select_n3A_2007 = arith.select %gt3A_2006, %broadcast_in_dim3A_1955, %broadcast_in_dim3A_1951 : vector<16xi1>, vector<16xi32>
      %add3A_2008 = arith.addi %convert_element_type3A_2004, %select_n3A_2007 : vector<16xi32>
      %max3A_2009 = arith.maxsi %convert_element_type3A_2004, %broadcast_in_dim3A_1951 : vector<16xi32>
      %min3A_2010 = arith.minsi %max3A_2009, %broadcast_in_dim3A_1953 : vector<16xi32>
      %max3A_2011 = arith.maxsi %add3A_2008, %broadcast_in_dim3A_1951 : vector<16xi32>
      %min3A_2012 = arith.minsi %max3A_2011, %broadcast_in_dim3A_1953 : vector<16xi32>
      %convert_element_type3A_2013 = arith.sitofp %min3A_2010 : vector<16xi32> to vector<16xf32>
      %sub3A_2014 = arith.subf %sub3A_2003, %convert_element_type3A_2013 : vector<16xf32>
      %convert_element_type3A_2015 = arith.sitofp %min3A_2012 : vector<16xi32> to vector<16xf32>
      %sub3A_2016 = arith.subf %sub3A_2003, %convert_element_type3A_2015 : vector<16xf32>
      %mul3A_2017 = arith.mulf %sub3A_2014, %sub3A_2014 : vector<16xf32>
      %mul3A_2018 = arith.mulf %sub3A_2016, %sub3A_2016 : vector<16xf32>
      %broadcast_in_dim3A_2019 = arith.constant 12 : i32
      %broadcast_in_dim3A_2020 = vector.broadcast %broadcast_in_dim3A_2019 : i32 to vector<16xi32>
      %broadcast_in_dim3A_2021 = arith.constant 6 : i32
      %broadcast_in_dim3A_2022 = vector.broadcast %broadcast_in_dim3A_2021 : i32 to vector<16xi32>
      %shift_left3A_2023 = arith.shli %min3A_1968, %broadcast_in_dim3A_2020 : vector<16xi32>
      %shift_left3A_2024 = arith.shli %min3A_1970, %broadcast_in_dim3A_2020 : vector<16xi32>
      %shift_left3A_2025 = arith.shli %min3A_1989, %broadcast_in_dim3A_2022 : vector<16xi32>
      %shift_left3A_2026 = arith.shli %min3A_1991, %broadcast_in_dim3A_2022 : vector<16xi32>
      %broadcast_in_dim3A_2027 = arith.constant 7.569000e-01 : f32
      %broadcast_in_dim3A_2028 = vector.broadcast %broadcast_in_dim3A_2027 : f32 to vector<16xf32>
      %add3A_2029 = arith.addf %mul3A_1975, %mul3A_1996 : vector<16xf32>
      %add3A_2030 = arith.addf %add3A_2029, %mul3A_2017 : vector<16xf32>
      %add3A_2031 = arith.addi %shift_left3A_2023, %shift_left3A_2025 : vector<16xi32>
      %add3A_2032 = arith.addi %add3A_2031, %min3A_2010 : vector<16xi32>
      %lt3A_2033 = arith.cmpf olt, %add3A_2030, %broadcast_in_dim3A_2028 : vector<16xf32>
      %broadcast_in_dim3A_2034 = arith.constant 0 : i32
      %broadcast_in_dim3A_2035 = vector.broadcast %broadcast_in_dim3A_2034 : i32 to vector<16xi32>
      %add3A_2036 = arith.addi %add3A_55, %broadcast_in_dim3A_2035 : vector<16xi32>
      %select_n3A_2037 = arith.select %lt3A_2033, %add3A_2032, %add3A_2036 : vector<16xi1>, vector<16xi32>
      %swap3A_2038 = arith.constant 0 : index
      %swap3A_2039 = tpu.vector_load %arg11[%swap3A_2038] {strides = array<i32>} : memref<128xi32, #tpu.memory_space<vmem>>, vector<16xi32>,
      %swap3A_2040 = vector.shape_cast %swap3A_2039 : vector<16xi32> to vector<16xi32>
      %swap3A_2041 = vector.shape_cast %select_n3A_2037 : vector<16xi32> to vector<16xi32>
      tpu.vector_store %arg11[%swap3A_2038], %swap3A_2041 {strides = array<i32>} : memref<128xi32, #tpu.memory_space<vmem>>, vector<16xi32>,
      %swap3A_2042 = arith.constant 0 : index
      %swap3A_2043 = tpu.vector_load %arg12[%swap3A_2042] {strides = array<i32>} : memref<128xf32, #tpu.memory_space<vmem>>, vector<16xf32>,
      %swap3A_2044 = vector.shape_cast %swap3A_2043 : vector<16xf32> to vector<16xf32>
      %swap3A_2045 = vector.shape_cast %sub3A_1972 : vector<16xf32> to vector<16xf32>
      tpu.vector_store %arg12[%swap3A_2042], %swap3A_2045 {strides = array<i32>} : memref<128xf32, #tpu.memory_space<vmem>>, vector<16xf32>,
      %swap3A_2046 = arith.constant 0 : index
      %swap3A_2047 = tpu.vector_load %arg13[%swap3A_2046] {strides = array<i32>} : memref<128xf32, #tpu.memory_space<vmem>>, vector<16xf32>,
      %swap3A_2048 = vector.shape_cast %swap3A_2047 : vector<16xf32> to vector<16xf32>
      %swap3A_2049 = vector.shape_cast %sub3A_1993 : vector<16xf32> to vector<16xf32>
      tpu.vector_store %arg13[%swap3A_2046], %swap3A_2049 {strides = array<i32>} : memref<128xf32, #tpu.memory_space<vmem>>, vector<16xf32>,
      %swap3A_2050 = arith.constant 0 : index
      %swap3A_2051 = tpu.vector_load %arg14[%swap3A_2050] {strides = array<i32>} : memref<128xf32, #tpu.memory_space<vmem>>, vector<16xf32>,
      %swap3A_2052 = vector.shape_cast %swap3A_2051 : vector<16xf32> to vector<16xf32>
      %swap3A_2053 = vector.shape_cast %sub3A_2014 : vector<16xf32> to vector<16xf32>
      tpu.vector_store %arg14[%swap3A_2050], %swap3A_2053 {strides = array<i32>} : memref<128xf32, #tpu.memory_space<vmem>>, vector<16xf32>,
      %add3A_2054 = arith.addf %mul3A_1975, %mul3A_1996 : vector<16xf32>
      %add3A_2055 = arith.addf %add3A_2054, %mul3A_2018 : vector<16xf32>
      %add3A_2056 = arith.addi %shift_left3A_2023, %shift_left3A_2025 : vector<16xi32>
      %add3A_2057 = arith.addi %add3A_2056, %min3A_2012 : vector<16xi32>
      %lt3A_2058 = arith.cmpf olt, %add3A_2055, %broadcast_in_dim3A_2028 : vector<16xf32>
      %broadcast_in_dim3A_2059 = arith.constant 16 : i32
      %broadcast_in_dim3A_2060 = vector.broadcast %broadcast_in_dim3A_2059 : i32 to vector<16xi32>
      %add3A_2061 = arith.addi %add3A_55, %broadcast_in_dim3A_2060 : vector<16xi32>
      %select_n3A_2062 = arith.select %lt3A_2058, %add3A_2057, %add3A_2061 : vector<16xi1>, vector<16xi32>
      %swap3A_2063 = arith.constant 16 : index
      %swap3A_2064 = tpu.vector_load %arg11[%swap3A_2063] {strides = array<i32>} : memref<128xi32, #tpu.memory_space<vmem>>, vector<16xi32>,
      %swap3A_2065 = vector.shape_cast %swap3A_2064 : vector<16xi32> to vector<16xi32>
      %swap3A_2066 = vector.shape_cast %select_n3A_2062 : vector<16xi32> to vector<16xi32>
      tpu.vector_store %arg11[%swap3A_2063], %swap3A_2066 {strides = array<i32>} : memref<128xi32, #tpu.memory_space<vmem>>, vector<16xi32>,
      %swap3A_2067 = arith.constant 16 : index
      %swap3A_2068 = tpu.vector_load %arg12[%swap3A_2067] {strides = array<i32>} : memref<128xf32, #tpu.memory_space<vmem>>, vector<16xf32>,
      %swap3A_2069 = vector.shape_cast %swap3A_2068 : vector<16xf32> to vector<16xf32>
      %swap3A_2070 = vector.shape_cast %sub3A_1972 : vector<16xf32> to vector<16xf32>
      tpu.vector_store %arg12[%swap3A_2067], %swap3A_2070 {strides = array<i32>} : memref<128xf32, #tpu.memory_space<vmem>>, vector<16xf32>,
      %swap3A_2071 = arith.constant 16 : index
      %swap3A_2072 = tpu.vector_load %arg13[%swap3A_2071] {strides = array<i32>} : memref<128xf32, #tpu.memory_space<vmem>>, vector<16xf32>,
      %swap3A_2073 = vector.shape_cast %swap3A_2072 : vector<16xf32> to vector<16xf32>
      %swap3A_2074 = vector.shape_cast %sub3A_1993 : vector<16xf32> to vector<16xf32>
      tpu.vector_store %arg13[%swap3A_2071], %swap3A_2074 {strides = array<i32>} : memref<128xf32, #tpu.memory_space<vmem>>, vector<16xf32>,
      %swap3A_2075 = arith.constant 16 : index
      %swap3A_2076 = tpu.vector_load %arg14[%swap3A_2075] {strides = array<i32>} : memref<128xf32, #tpu.memory_space<vmem>>, vector<16xf32>,
      %swap3A_2077 = vector.shape_cast %swap3A_2076 : vector<16xf32> to vector<16xf32>
      %swap3A_2078 = vector.shape_cast %sub3A_2016 : vector<16xf32> to vector<16xf32>
      tpu.vector_store %arg14[%swap3A_2075], %swap3A_2078 {strides = array<i32>} : memref<128xf32, #tpu.memory_space<vmem>>, vector<16xf32>,
      %add3A_2079 = arith.addf %mul3A_1975, %mul3A_1997 : vector<16xf32>
      %add3A_2080 = arith.addf %add3A_2079, %mul3A_2017 : vector<16xf32>
      %add3A_2081 = arith.addi %shift_left3A_2023, %shift_left3A_2026 : vector<16xi32>
      %add3A_2082 = arith.addi %add3A_2081, %min3A_2010 : vector<16xi32>
      %lt3A_2083 = arith.cmpf olt, %add3A_2080, %broadcast_in_dim3A_2028 : vector<16xf32>
      %broadcast_in_dim3A_2084 = arith.constant 32 : i32
      %broadcast_in_dim3A_2085 = vector.broadcast %broadcast_in_dim3A_2084 : i32 to vector<16xi32>
      %add3A_2086 = arith.addi %add3A_55, %broadcast_in_dim3A_2085 : vector<16xi32>
      %select_n3A_2087 = arith.select %lt3A_2083, %add3A_2082, %add3A_2086 : vector<16xi1>, vector<16xi32>
      %swap3A_2088 = arith.constant 32 : index
      %swap3A_2089 = tpu.vector_load %arg11[%swap3A_2088] {strides = array<i32>} : memref<128xi32, #tpu.memory_space<vmem>>, vector<16xi32>,
      %swap3A_2090 = vector.shape_cast %swap3A_2089 : vector<16xi32> to vector<16xi32>
      %swap3A_2091 = vector.shape_cast %select_n3A_2087 : vector<16xi32> to vector<16xi32>
      tpu.vector_store %arg11[%swap3A_2088], %swap3A_2091 {strides = array<i32>} : memref<128xi32, #tpu.memory_space<vmem>>, vector<16xi32>,
      %swap3A_2092 = arith.constant 32 : index
      %swap3A_2093 = tpu.vector_load %arg12[%swap3A_2092] {strides = array<i32>} : memref<128xf32, #tpu.memory_space<vmem>>, vector<16xf32>,
      %swap3A_2094 = vector.shape_cast %swap3A_2093 : vector<16xf32> to vector<16xf32>
      %swap3A_2095 = vector.shape_cast %sub3A_1972 : vector<16xf32> to vector<16xf32>
      tpu.vector_store %arg12[%swap3A_2092], %swap3A_2095 {strides = array<i32>} : memref<128xf32, #tpu.memory_space<vmem>>, vector<16xf32>,
      %swap3A_2096 = arith.constant 32 : index
      %swap3A_2097 = tpu.vector_load %arg13[%swap3A_2096] {strides = array<i32>} : memref<128xf32, #tpu.memory_space<vmem>>, vector<16xf32>,
      %swap3A_2098 = vector.shape_cast %swap3A_2097 : vector<16xf32> to vector<16xf32>
      %swap3A_2099 = vector.shape_cast %sub3A_1995 : vector<16xf32> to vector<16xf32>
      tpu.vector_store %arg13[%swap3A_2096], %swap3A_2099 {strides = array<i32>} : memref<128xf32, #tpu.memory_space<vmem>>, vector<16xf32>,
      %swap3A_2100 = arith.constant 32 : index
      %swap3A_2101 = tpu.vector_load %arg14[%swap3A_2100] {strides = array<i32>} : memref<128xf32, #tpu.memory_space<vmem>>, vector<16xf32>,
      %swap3A_2102 = vector.shape_cast %swap3A_2101 : vector<16xf32> to vector<16xf32>
      %swap3A_2103 = vector.shape_cast %sub3A_2014 : vector<16xf32> to vector<16xf32>
      tpu.vector_store %arg14[%swap3A_2100], %swap3A_2103 {strides = array<i32>} : memref<128xf32, #tpu.memory_space<vmem>>, vector<16xf32>,
      %add3A_2104 = arith.addf %mul3A_1975, %mul3A_1997 : vector<16xf32>
      %add3A_2105 = arith.addf %add3A_2104, %mul3A_2018 : vector<16xf32>
      %add3A_2106 = arith.addi %shift_left3A_2023, %shift_left3A_2026 : vector<16xi32>
      %add3A_2107 = arith.addi %add3A_2106, %min3A_2012 : vector<16xi32>
      %lt3A_2108 = arith.cmpf olt, %add3A_2105, %broadcast_in_dim3A_2028 : vector<16xf32>
      %broadcast_in_dim3A_2109 = arith.constant 48 : i32
      %broadcast_in_dim3A_2110 = vector.broadcast %broadcast_in_dim3A_2109 : i32 to vector<16xi32>
      %add3A_2111 = arith.addi %add3A_55, %broadcast_in_dim3A_2110 : vector<16xi32>
      %select_n3A_2112 = arith.select %lt3A_2108, %add3A_2107, %add3A_2111 : vector<16xi1>, vector<16xi32>
      %swap3A_2113 = arith.constant 48 : index
      %swap3A_2114 = tpu.vector_load %arg11[%swap3A_2113] {strides = array<i32>} : memref<128xi32, #tpu.memory_space<vmem>>, vector<16xi32>,
      %swap3A_2115 = vector.shape_cast %swap3A_2114 : vector<16xi32> to vector<16xi32>
      %swap3A_2116 = vector.shape_cast %select_n3A_2112 : vector<16xi32> to vector<16xi32>
      tpu.vector_store %arg11[%swap3A_2113], %swap3A_2116 {strides = array<i32>} : memref<128xi32, #tpu.memory_space<vmem>>, vector<16xi32>,
      %swap3A_2117 = arith.constant 48 : index
      %swap3A_2118 = tpu.vector_load %arg12[%swap3A_2117] {strides = array<i32>} : memref<128xf32, #tpu.memory_space<vmem>>, vector<16xf32>,
      %swap3A_2119 = vector.shape_cast %swap3A_2118 : vector<16xf32> to vector<16xf32>
      %swap3A_2120 = vector.shape_cast %sub3A_1972 : vector<16xf32> to vector<16xf32>
      tpu.vector_store %arg12[%swap3A_2117], %swap3A_2120 {strides = array<i32>} : memref<128xf32, #tpu.memory_space<vmem>>, vector<16xf32>,
      %swap3A_2121 = arith.constant 48 : index
      %swap3A_2122 = tpu.vector_load %arg13[%swap3A_2121] {strides = array<i32>} : memref<128xf32, #tpu.memory_space<vmem>>, vector<16xf32>,
      %swap3A_2123 = vector.shape_cast %swap3A_2122 : vector<16xf32> to vector<16xf32>
      %swap3A_2124 = vector.shape_cast %sub3A_1995 : vector<16xf32> to vector<16xf32>
      tpu.vector_store %arg13[%swap3A_2121], %swap3A_2124 {strides = array<i32>} : memref<128xf32, #tpu.memory_space<vmem>>, vector<16xf32>,
      %swap3A_2125 = arith.constant 48 : index
      %swap3A_2126 = tpu.vector_load %arg14[%swap3A_2125] {strides = array<i32>} : memref<128xf32, #tpu.memory_space<vmem>>, vector<16xf32>,
      %swap3A_2127 = vector.shape_cast %swap3A_2126 : vector<16xf32> to vector<16xf32>
      %swap3A_2128 = vector.shape_cast %sub3A_2016 : vector<16xf32> to vector<16xf32>
      tpu.vector_store %arg14[%swap3A_2125], %swap3A_2128 {strides = array<i32>} : memref<128xf32, #tpu.memory_space<vmem>>, vector<16xf32>,
      %add3A_2129 = arith.addf %mul3A_1976, %mul3A_1996 : vector<16xf32>
      %add3A_2130 = arith.addf %add3A_2129, %mul3A_2017 : vector<16xf32>
      %add3A_2131 = arith.addi %shift_left3A_2024, %shift_left3A_2025 : vector<16xi32>
      %add3A_2132 = arith.addi %add3A_2131, %min3A_2010 : vector<16xi32>
      %lt3A_2133 = arith.cmpf olt, %add3A_2130, %broadcast_in_dim3A_2028 : vector<16xf32>
      %broadcast_in_dim3A_2134 = arith.constant 64 : i32
      %broadcast_in_dim3A_2135 = vector.broadcast %broadcast_in_dim3A_2134 : i32 to vector<16xi32>
      %add3A_2136 = arith.addi %add3A_55, %broadcast_in_dim3A_2135 : vector<16xi32>
      %select_n3A_2137 = arith.select %lt3A_2133, %add3A_2132, %add3A_2136 : vector<16xi1>, vector<16xi32>
      %swap3A_2138 = arith.constant 64 : index
      %swap3A_2139 = tpu.vector_load %arg11[%swap3A_2138] {strides = array<i32>} : memref<128xi32, #tpu.memory_space<vmem>>, vector<16xi32>,
      %swap3A_2140 = vector.shape_cast %swap3A_2139 : vector<16xi32> to vector<16xi32>
      %swap3A_2141 = vector.shape_cast %select_n3A_2137 : vector<16xi32> to vector<16xi32>
      tpu.vector_store %arg11[%swap3A_2138], %swap3A_2141 {strides = array<i32>} : memref<128xi32, #tpu.memory_space<vmem>>, vector<16xi32>,
      %swap3A_2142 = arith.constant 64 : index
      %swap3A_2143 = tpu.vector_load %arg12[%swap3A_2142] {strides = array<i32>} : memref<128xf32, #tpu.memory_space<vmem>>, vector<16xf32>,
      %swap3A_2144 = vector.shape_cast %swap3A_2143 : vector<16xf32> to vector<16xf32>
      %swap3A_2145 = vector.shape_cast %sub3A_1974 : vector<16xf32> to vector<16xf32>
      tpu.vector_store %arg12[%swap3A_2142], %swap3A_2145 {strides = array<i32>} : memref<128xf32, #tpu.memory_space<vmem>>, vector<16xf32>,
      %swap3A_2146 = arith.constant 64 : index
      %swap3A_2147 = tpu.vector_load %arg13[%swap3A_2146] {strides = array<i32>} : memref<128xf32, #tpu.memory_space<vmem>>, vector<16xf32>,
      %swap3A_2148 = vector.shape_cast %swap3A_2147 : vector<16xf32> to vector<16xf32>
      %swap3A_2149 = vector.shape_cast %sub3A_1993 : vector<16xf32> to vector<16xf32>
      tpu.vector_store %arg13[%swap3A_2146], %swap3A_2149 {strides = array<i32>} : memref<128xf32, #tpu.memory_space<vmem>>, vector<16xf32>,
      %swap3A_2150 = arith.constant 64 : index
      %swap3A_2151 = tpu.vector_load %arg14[%swap3A_2150] {strides = array<i32>} : memref<128xf32, #tpu.memory_space<vmem>>, vector<16xf32>,
      %swap3A_2152 = vector.shape_cast %swap3A_2151 : vector<16xf32> to vector<16xf32>
      %swap3A_2153 = vector.shape_cast %sub3A_2014 : vector<16xf32> to vector<16xf32>
      tpu.vector_store %arg14[%swap3A_2150], %swap3A_2153 {strides = array<i32>} : memref<128xf32, #tpu.memory_space<vmem>>, vector<16xf32>,
      %add3A_2154 = arith.addf %mul3A_1976, %mul3A_1996 : vector<16xf32>
      %add3A_2155 = arith.addf %add3A_2154, %mul3A_2018 : vector<16xf32>
      %add3A_2156 = arith.addi %shift_left3A_2024, %shift_left3A_2025 : vector<16xi32>
      %add3A_2157 = arith.addi %add3A_2156, %min3A_2012 : vector<16xi32>
      %lt3A_2158 = arith.cmpf olt, %add3A_2155, %broadcast_in_dim3A_2028 : vector<16xf32>
      %broadcast_in_dim3A_2159 = arith.constant 80 : i32
      %broadcast_in_dim3A_2160 = vector.broadcast %broadcast_in_dim3A_2159 : i32 to vector<16xi32>
      %add3A_2161 = arith.addi %add3A_55, %broadcast_in_dim3A_2160 : vector<16xi32>
      %select_n3A_2162 = arith.select %lt3A_2158, %add3A_2157, %add3A_2161 : vector<16xi1>, vector<16xi32>
      %swap3A_2163 = arith.constant 80 : index
      %swap3A_2164 = tpu.vector_load %arg11[%swap3A_2163] {strides = array<i32>} : memref<128xi32, #tpu.memory_space<vmem>>, vector<16xi32>,
      %swap3A_2165 = vector.shape_cast %swap3A_2164 : vector<16xi32> to vector<16xi32>
      %swap3A_2166 = vector.shape_cast %select_n3A_2162 : vector<16xi32> to vector<16xi32>
      tpu.vector_store %arg11[%swap3A_2163], %swap3A_2166 {strides = array<i32>} : memref<128xi32, #tpu.memory_space<vmem>>, vector<16xi32>,
      %swap3A_2167 = arith.constant 80 : index
      %swap3A_2168 = tpu.vector_load %arg12[%swap3A_2167] {strides = array<i32>} : memref<128xf32, #tpu.memory_space<vmem>>, vector<16xf32>,
      %swap3A_2169 = vector.shape_cast %swap3A_2168 : vector<16xf32> to vector<16xf32>
      %swap3A_2170 = vector.shape_cast %sub3A_1974 : vector<16xf32> to vector<16xf32>
      tpu.vector_store %arg12[%swap3A_2167], %swap3A_2170 {strides = array<i32>} : memref<128xf32, #tpu.memory_space<vmem>>, vector<16xf32>,
      %swap3A_2171 = arith.constant 80 : index
      %swap3A_2172 = tpu.vector_load %arg13[%swap3A_2171] {strides = array<i32>} : memref<128xf32, #tpu.memory_space<vmem>>, vector<16xf32>,
      %swap3A_2173 = vector.shape_cast %swap3A_2172 : vector<16xf32> to vector<16xf32>
      %swap3A_2174 = vector.shape_cast %sub3A_1993 : vector<16xf32> to vector<16xf32>
      tpu.vector_store %arg13[%swap3A_2171], %swap3A_2174 {strides = array<i32>} : memref<128xf32, #tpu.memory_space<vmem>>, vector<16xf32>,
      %swap3A_2175 = arith.constant 80 : index
      %swap3A_2176 = tpu.vector_load %arg14[%swap3A_2175] {strides = array<i32>} : memref<128xf32, #tpu.memory_space<vmem>>, vector<16xf32>,
      %swap3A_2177 = vector.shape_cast %swap3A_2176 : vector<16xf32> to vector<16xf32>
      %swap3A_2178 = vector.shape_cast %sub3A_2016 : vector<16xf32> to vector<16xf32>
      tpu.vector_store %arg14[%swap3A_2175], %swap3A_2178 {strides = array<i32>} : memref<128xf32, #tpu.memory_space<vmem>>, vector<16xf32>,
      %add3A_2179 = arith.addf %mul3A_1976, %mul3A_1997 : vector<16xf32>
      %add3A_2180 = arith.addf %add3A_2179, %mul3A_2017 : vector<16xf32>
      %add3A_2181 = arith.addi %shift_left3A_2024, %shift_left3A_2026 : vector<16xi32>
      %add3A_2182 = arith.addi %add3A_2181, %min3A_2010 : vector<16xi32>
      %lt3A_2183 = arith.cmpf olt, %add3A_2180, %broadcast_in_dim3A_2028 : vector<16xf32>
      %broadcast_in_dim3A_2184 = arith.constant 96 : i32
      %broadcast_in_dim3A_2185 = vector.broadcast %broadcast_in_dim3A_2184 : i32 to vector<16xi32>
      %add3A_2186 = arith.addi %add3A_55, %broadcast_in_dim3A_2185 : vector<16xi32>
      %select_n3A_2187 = arith.select %lt3A_2183, %add3A_2182, %add3A_2186 : vector<16xi1>, vector<16xi32>
      %swap3A_2188 = arith.constant 96 : index
      %swap3A_2189 = tpu.vector_load %arg11[%swap3A_2188] {strides = array<i32>} : memref<128xi32, #tpu.memory_space<vmem>>, vector<16xi32>,
      %swap3A_2190 = vector.shape_cast %swap3A_2189 : vector<16xi32> to vector<16xi32>
      %swap3A_2191 = vector.shape_cast %select_n3A_2187 : vector<16xi32> to vector<16xi32>
      tpu.vector_store %arg11[%swap3A_2188], %swap3A_2191 {strides = array<i32>} : memref<128xi32, #tpu.memory_space<vmem>>, vector<16xi32>,
      %swap3A_2192 = arith.constant 96 : index
      %swap3A_2193 = tpu.vector_load %arg12[%swap3A_2192] {strides = array<i32>} : memref<128xf32, #tpu.memory_space<vmem>>, vector<16xf32>,
      %swap3A_2194 = vector.shape_cast %swap3A_2193 : vector<16xf32> to vector<16xf32>
      %swap3A_2195 = vector.shape_cast %sub3A_1974 : vector<16xf32> to vector<16xf32>
      tpu.vector_store %arg12[%swap3A_2192], %swap3A_2195 {strides = array<i32>} : memref<128xf32, #tpu.memory_space<vmem>>, vector<16xf32>,
      %swap3A_2196 = arith.constant 96 : index
      %swap3A_2197 = tpu.vector_load %arg13[%swap3A_2196] {strides = array<i32>} : memref<128xf32, #tpu.memory_space<vmem>>, vector<16xf32>,
      %swap3A_2198 = vector.shape_cast %swap3A_2197 : vector<16xf32> to vector<16xf32>
      %swap3A_2199 = vector.shape_cast %sub3A_1995 : vector<16xf32> to vector<16xf32>
      tpu.vector_store %arg13[%swap3A_2196], %swap3A_2199 {strides = array<i32>} : memref<128xf32, #tpu.memory_space<vmem>>, vector<16xf32>,
      %swap3A_2200 = arith.constant 96 : index
      %swap3A_2201 = tpu.vector_load %arg14[%swap3A_2200] {strides = array<i32>} : memref<128xf32, #tpu.memory_space<vmem>>, vector<16xf32>,
      %swap3A_2202 = vector.shape_cast %swap3A_2201 : vector<16xf32> to vector<16xf32>
      %swap3A_2203 = vector.shape_cast %sub3A_2014 : vector<16xf32> to vector<16xf32>
      tpu.vector_store %arg14[%swap3A_2200], %swap3A_2203 {strides = array<i32>} : memref<128xf32, #tpu.memory_space<vmem>>, vector<16xf32>,
      %add3A_2204 = arith.addf %mul3A_1976, %mul3A_1997 : vector<16xf32>
      %add3A_2205 = arith.addf %add3A_2204, %mul3A_2018 : vector<16xf32>
      %add3A_2206 = arith.addi %shift_left3A_2024, %shift_left3A_2026 : vector<16xi32>
      %add3A_2207 = arith.addi %add3A_2206, %min3A_2012 : vector<16xi32>
      %lt3A_2208 = arith.cmpf olt, %add3A_2205, %broadcast_in_dim3A_2028 : vector<16xf32>
      %broadcast_in_dim3A_2209 = arith.constant 112 : i32
      %broadcast_in_dim3A_2210 = vector.broadcast %broadcast_in_dim3A_2209 : i32 to vector<16xi32>
      %add3A_2211 = arith.addi %add3A_55, %broadcast_in_dim3A_2210 : vector<16xi32>
      %select_n3A_2212 = arith.select %lt3A_2208, %add3A_2207, %add3A_2211 : vector<16xi1>, vector<16xi32>
      %swap3A_2213 = arith.constant 112 : index
      %swap3A_2214 = tpu.vector_load %arg11[%swap3A_2213] {strides = array<i32>} : memref<128xi32, #tpu.memory_space<vmem>>, vector<16xi32>,
      %swap3A_2215 = vector.shape_cast %swap3A_2214 : vector<16xi32> to vector<16xi32>
      %swap3A_2216 = vector.shape_cast %select_n3A_2212 : vector<16xi32> to vector<16xi32>
      tpu.vector_store %arg11[%swap3A_2213], %swap3A_2216 {strides = array<i32>} : memref<128xi32, #tpu.memory_space<vmem>>, vector<16xi32>,
      %swap3A_2217 = arith.constant 112 : index
      %swap3A_2218 = tpu.vector_load %arg12[%swap3A_2217] {strides = array<i32>} : memref<128xf32, #tpu.memory_space<vmem>>, vector<16xf32>,
      %swap3A_2219 = vector.shape_cast %swap3A_2218 : vector<16xf32> to vector<16xf32>
      %swap3A_2220 = vector.shape_cast %sub3A_1974 : vector<16xf32> to vector<16xf32>
      tpu.vector_store %arg12[%swap3A_2217], %swap3A_2220 {strides = array<i32>} : memref<128xf32, #tpu.memory_space<vmem>>, vector<16xf32>,
      %swap3A_2221 = arith.constant 112 : index
      %swap3A_2222 = tpu.vector_load %arg13[%swap3A_2221] {strides = array<i32>} : memref<128xf32, #tpu.memory_space<vmem>>, vector<16xf32>,
      %swap3A_2223 = vector.shape_cast %swap3A_2222 : vector<16xf32> to vector<16xf32>
      %swap3A_2224 = vector.shape_cast %sub3A_1995 : vector<16xf32> to vector<16xf32>
      tpu.vector_store %arg13[%swap3A_2221], %swap3A_2224 {strides = array<i32>} : memref<128xf32, #tpu.memory_space<vmem>>, vector<16xf32>,
      %swap3A_2225 = arith.constant 112 : index
      %swap3A_2226 = tpu.vector_load %arg14[%swap3A_2225] {strides = array<i32>} : memref<128xf32, #tpu.memory_space<vmem>>, vector<16xf32>,
      %swap3A_2227 = vector.shape_cast %swap3A_2226 : vector<16xf32> to vector<16xf32>
      %swap3A_2228 = vector.shape_cast %sub3A_2016 : vector<16xf32> to vector<16xf32>
      tpu.vector_store %arg14[%swap3A_2225], %swap3A_2228 {strides = array<i32>} : memref<128xf32, #tpu.memory_space<vmem>>, vector<16xf32>,
      %dma_start3A_2229 = arith.constant 0 : i32
      %dma_start3A_2230 = tpu.memref_slice %arg39[%dma_start3A_2229] : memref<264192xf32, #tpu.memory_space<vmem_shared>> -> memref<264192xf32, #tpu.memory_space<vmem_shared>>
      tpu.enqueue_indirect_dma source(%arg12 : memref<128xf32, #tpu.memory_space<vmem>>) target(%dma_start3A_2230 : memref<264192xf32, #tpu.memory_space<vmem_shared>>) offsets(%arg11 : memref<128xi32, #tpu.memory_space<vmem>>) semaphore(%arg32 : memref<!tpu.dma_semaphore, #tpu.memory_space<semaphore_mem>>) {add = true}
      %dma_start3A_2231 = arith.constant 0 : i32
      %dma_start3A_2232 = tpu.memref_slice %arg40[%dma_start3A_2231] : memref<264192xf32, #tpu.memory_space<vmem_shared>> -> memref<264192xf32, #tpu.memory_space<vmem_shared>>
      tpu.enqueue_indirect_dma source(%arg13 : memref<128xf32, #tpu.memory_space<vmem>>) target(%dma_start3A_2232 : memref<264192xf32, #tpu.memory_space<vmem_shared>>) offsets(%arg11 : memref<128xi32, #tpu.memory_space<vmem>>) semaphore(%arg32 : memref<!tpu.dma_semaphore, #tpu.memory_space<semaphore_mem>>) {add = true}
      %dma_start3A_2233 = arith.constant 0 : i32
      %dma_start3A_2234 = tpu.memref_slice %arg41[%dma_start3A_2233] : memref<264192xf32, #tpu.memory_space<vmem_shared>> -> memref<264192xf32, #tpu.memory_space<vmem_shared>>
      tpu.enqueue_indirect_dma source(%arg14 : memref<128xf32, #tpu.memory_space<vmem>>) target(%dma_start3A_2234 : memref<264192xf32, #tpu.memory_space<vmem_shared>>) offsets(%arg11 : memref<128xi32, #tpu.memory_space<vmem>>) semaphore(%arg32 : memref<!tpu.dma_semaphore, #tpu.memory_space<semaphore_mem>>) {add = true}
      %dma_start3A_2235 = arith.constant 0 : i32
      %dma_start3A_2236 = tpu.memref_slice %arg42[%dma_start3A_2235] : memref<264192xf32, #tpu.memory_space<vmem_shared>> -> memref<264192xf32, #tpu.memory_space<vmem_shared>>
      tpu.enqueue_indirect_dma source(%arg15 : memref<128xf32, #tpu.memory_space<vmem>>) target(%dma_start3A_2236 : memref<264192xf32, #tpu.memory_space<vmem_shared>>) offsets(%arg11 : memref<128xi32, #tpu.memory_space<vmem>>) semaphore(%arg32 : memref<!tpu.dma_semaphore, #tpu.memory_space<semaphore_mem>>) {add = true}
      %scan3A_2237 = arith.constant 0 : i32
      scf.yield %scan3A_2237 : i32
    }
    %scan3A_748 = arith.constant 195 : i32
    %dma_wait3A_749 = arith.constant 0 : i32
    %dma_wait3A_750 = tpu.memref_slice %arg39[%dma_wait3A_749] : memref<264192xf32, #tpu.memory_space<vmem_shared>> -> memref<264192xf32, #tpu.memory_space<vmem_shared>>
    tpu.wait_indirect_dma semaphore(%arg31 : memref<!tpu.dma_semaphore, #tpu.memory_space<semaphore_mem>>) src(%arg8 : memref<128xf32, #tpu.memory_space<vmem>>) dst(%dma_wait3A_750 : memref<264192xf32, #tpu.memory_space<vmem_shared>>)
    %dma_wait3A_751 = arith.constant 0 : i32
    %dma_wait3A_752 = tpu.memref_slice %arg40[%dma_wait3A_751] : memref<264192xf32, #tpu.memory_space<vmem_shared>> -> memref<264192xf32, #tpu.memory_space<vmem_shared>>
    tpu.wait_indirect_dma semaphore(%arg31 : memref<!tpu.dma_semaphore, #tpu.memory_space<semaphore_mem>>) src(%arg9 : memref<128xf32, #tpu.memory_space<vmem>>) dst(%dma_wait3A_752 : memref<264192xf32, #tpu.memory_space<vmem_shared>>)
    %dma_wait3A_753 = arith.constant 0 : i32
    %dma_wait3A_754 = tpu.memref_slice %arg41[%dma_wait3A_753] : memref<264192xf32, #tpu.memory_space<vmem_shared>> -> memref<264192xf32, #tpu.memory_space<vmem_shared>>
    tpu.wait_indirect_dma semaphore(%arg31 : memref<!tpu.dma_semaphore, #tpu.memory_space<semaphore_mem>>) src(%arg10 : memref<128xf32, #tpu.memory_space<vmem>>) dst(%dma_wait3A_754 : memref<264192xf32, #tpu.memory_space<vmem_shared>>)
    %dma_wait3A_755 = arith.constant 0 : i32
    %dma_wait3A_756 = tpu.memref_slice %arg42[%dma_wait3A_755] : memref<264192xf32, #tpu.memory_space<vmem_shared>> -> memref<264192xf32, #tpu.memory_space<vmem_shared>>
    tpu.wait_indirect_dma semaphore(%arg31 : memref<!tpu.dma_semaphore, #tpu.memory_space<semaphore_mem>>) src(%arg15 : memref<128xf32, #tpu.memory_space<vmem>>) dst(%dma_wait3A_756 : memref<264192xf32, #tpu.memory_space<vmem_shared>>)
    %dma_wait3A_757 = arith.constant 0 : i32
    %dma_wait3A_758 = tpu.memref_slice %arg39[%dma_wait3A_757] : memref<264192xf32, #tpu.memory_space<vmem_shared>> -> memref<264192xf32, #tpu.memory_space<vmem_shared>>
    tpu.wait_indirect_dma semaphore(%arg32 : memref<!tpu.dma_semaphore, #tpu.memory_space<semaphore_mem>>) src(%arg12 : memref<128xf32, #tpu.memory_space<vmem>>) dst(%dma_wait3A_758 : memref<264192xf32, #tpu.memory_space<vmem_shared>>)
    %dma_wait3A_759 = arith.constant 0 : i32
    %dma_wait3A_760 = tpu.memref_slice %arg40[%dma_wait3A_759] : memref<264192xf32, #tpu.memory_space<vmem_shared>> -> memref<264192xf32, #tpu.memory_space<vmem_shared>>
    tpu.wait_indirect_dma semaphore(%arg32 : memref<!tpu.dma_semaphore, #tpu.memory_space<semaphore_mem>>) src(%arg13 : memref<128xf32, #tpu.memory_space<vmem>>) dst(%dma_wait3A_760 : memref<264192xf32, #tpu.memory_space<vmem_shared>>)
    %dma_wait3A_761 = arith.constant 0 : i32
    %dma_wait3A_762 = tpu.memref_slice %arg41[%dma_wait3A_761] : memref<264192xf32, #tpu.memory_space<vmem_shared>> -> memref<264192xf32, #tpu.memory_space<vmem_shared>>
    tpu.wait_indirect_dma semaphore(%arg32 : memref<!tpu.dma_semaphore, #tpu.memory_space<semaphore_mem>>) src(%arg14 : memref<128xf32, #tpu.memory_space<vmem>>) dst(%dma_wait3A_762 : memref<264192xf32, #tpu.memory_space<vmem_shared>>)
    %dma_wait3A_763 = arith.constant 0 : i32
    %dma_wait3A_764 = tpu.memref_slice %arg42[%dma_wait3A_763] : memref<264192xf32, #tpu.memory_space<vmem_shared>> -> memref<264192xf32, #tpu.memory_space<vmem_shared>>
    tpu.wait_indirect_dma semaphore(%arg32 : memref<!tpu.dma_semaphore, #tpu.memory_space<semaphore_mem>>) src(%arg15 : memref<128xf32, #tpu.memory_space<vmem>>) dst(%dma_wait3A_764 : memref<264192xf32, #tpu.memory_space<vmem_shared>>)
    %barrier3A_765 = arith.constant 0 : index
    tpu.barrier barrier_id(%barrier3A_765)
    %mul3A_766 = arith.constant 6272 : i32
    %mul3A_767 = arith.muli %arg1, %mul3A_766 : i32
    %add3A_768 = arith.constant 1 : i32
    %add3A_769 = arith.addi %add3A_59, %add3A_768 : i32
    %mul3A_770 = arith.constant 3 : i32
    %mul3A_771 = arith.muli %add3A_769, %mul3A_770 : i32
    %add3A_772 = arith.constant 0 : i32
    %add3A_773 = arith.addi %mul3A_771, %add3A_772 : i32
    %mul3A_774 = arith.constant 100352 : i32
    %mul3A_775 = arith.muli %add3A_773, %mul3A_774 : i32
    %add3A_776 = arith.addi %mul3A_775, %mul3A_767 : i32
    %dma_start3A_777 = tpu.memref_slice %arg2[%add3A_776] : memref<1204224xf32, #tpu.memory_space<hbm>> -> memref<6272xf32, #tpu.memory_space<hbm>>
    %dma_start3A_778 = tpu.memref_slice %arg2[%add3A_776] : memref<1204224xf32, #tpu.memory_space<hbm>> -> memref<6272xf32, #tpu.memory_space<hbm>>
    tpu.enqueue_dma source(%dma_start3A_778 : memref<6272xf32, #tpu.memory_space<hbm>>) target(%arg4 : memref<6272xf32, #tpu.memory_space<vmem>>) target_semaphore(%arg34 : memref<!tpu.dma_semaphore, #tpu.memory_space<semaphore_mem>>)
    %add3A_779 = arith.constant 1 : i32
    %add3A_780 = arith.addi %add3A_59, %add3A_779 : i32
    %mul3A_781 = arith.constant 3 : i32
    %mul3A_782 = arith.muli %add3A_780, %mul3A_781 : i32
    %add3A_783 = arith.constant 1 : i32
    %add3A_784 = arith.addi %mul3A_782, %add3A_783 : i32
    %mul3A_785 = arith.constant 100352 : i32
    %mul3A_786 = arith.muli %add3A_784, %mul3A_785 : i32
    %add3A_787 = arith.addi %mul3A_786, %mul3A_767 : i32
    %dma_start3A_788 = tpu.memref_slice %arg2[%add3A_787] : memref<1204224xf32, #tpu.memory_space<hbm>> -> memref<6272xf32, #tpu.memory_space<hbm>>
    %dma_start3A_789 = tpu.memref_slice %arg2[%add3A_787] : memref<1204224xf32, #tpu.memory_space<hbm>> -> memref<6272xf32, #tpu.memory_space<hbm>>
    tpu.enqueue_dma source(%dma_start3A_789 : memref<6272xf32, #tpu.memory_space<hbm>>) target(%arg5 : memref<6272xf32, #tpu.memory_space<vmem>>) target_semaphore(%arg34 : memref<!tpu.dma_semaphore, #tpu.memory_space<semaphore_mem>>)
    %add3A_790 = arith.constant 1 : i32
    %add3A_791 = arith.addi %add3A_59, %add3A_790 : i32
    %mul3A_792 = arith.constant 3 : i32
    %mul3A_793 = arith.muli %add3A_791, %mul3A_792 : i32
    %add3A_794 = arith.constant 2 : i32
    %add3A_795 = arith.addi %mul3A_793, %add3A_794 : i32
    %mul3A_796 = arith.constant 100352 : i32
    %mul3A_797 = arith.muli %add3A_795, %mul3A_796 : i32
    %add3A_798 = arith.addi %mul3A_797, %mul3A_767 : i32
    %dma_start3A_799 = tpu.memref_slice %arg2[%add3A_798] : memref<1204224xf32, #tpu.memory_space<hbm>> -> memref<6272xf32, #tpu.memory_space<hbm>>
    %dma_start3A_800 = tpu.memref_slice %arg2[%add3A_798] : memref<1204224xf32, #tpu.memory_space<hbm>> -> memref<6272xf32, #tpu.memory_space<hbm>>
    tpu.enqueue_dma source(%dma_start3A_800 : memref<6272xf32, #tpu.memory_space<hbm>>) target(%arg6 : memref<6272xf32, #tpu.memory_space<vmem>>) target_semaphore(%arg34 : memref<!tpu.dma_semaphore, #tpu.memory_space<semaphore_mem>>)
    %mul3A_801 = arith.constant 16384 : i32
    %mul3A_802 = arith.muli %arg1, %mul3A_801 : i32
    %add3A_803 = arith.constant 0 : i32
    %add3A_804 = arith.addi %mul3A_802, %add3A_803 : i32
    %dma_start3A_805 = tpu.memref_slice %arg39[%add3A_804] : memref<264192xf32, #tpu.memory_space<vmem_shared>> -> memref<2048xf32, #tpu.memory_space<vmem_shared>>
    %dma_start3A_806 = tpu.memref_slice %arg39[%add3A_804] : memref<264192xf32, #tpu.memory_space<vmem_shared>> -> memref<2048xf32, #tpu.memory_space<vmem_shared>>
    tpu.enqueue_dma source(%dma_start3A_806 : memref<2048xf32, #tpu.memory_space<vmem_shared>>) target(%arg17 : memref<2048xf32, #tpu.memory_space<vmem>>) target_semaphore(%arg35 : memref<!tpu.dma_semaphore, #tpu.memory_space<semaphore_mem>>)
    %dma_start3A_807 = tpu.memref_slice %arg40[%add3A_804] : memref<264192xf32, #tpu.memory_space<vmem_shared>> -> memref<2048xf32, #tpu.memory_space<vmem_shared>>
    %dma_start3A_808 = tpu.memref_slice %arg40[%add3A_804] : memref<264192xf32, #tpu.memory_space<vmem_shared>> -> memref<2048xf32, #tpu.memory_space<vmem_shared>>
    tpu.enqueue_dma source(%dma_start3A_808 : memref<2048xf32, #tpu.memory_space<vmem_shared>>) target(%arg18 : memref<2048xf32, #tpu.memory_space<vmem>>) target_semaphore(%arg35 : memref<!tpu.dma_semaphore, #tpu.memory_space<semaphore_mem>>)
    %dma_start3A_809 = tpu.memref_slice %arg41[%add3A_804] : memref<264192xf32, #tpu.memory_space<vmem_shared>> -> memref<2048xf32, #tpu.memory_space<vmem_shared>>
    %dma_start3A_810 = tpu.memref_slice %arg41[%add3A_804] : memref<264192xf32, #tpu.memory_space<vmem_shared>> -> memref<2048xf32, #tpu.memory_space<vmem_shared>>
    tpu.enqueue_dma source(%dma_start3A_810 : memref<2048xf32, #tpu.memory_space<vmem_shared>>) target(%arg19 : memref<2048xf32, #tpu.memory_space<vmem>>) target_semaphore(%arg35 : memref<!tpu.dma_semaphore, #tpu.memory_space<semaphore_mem>>)
    %dma_start3A_811 = tpu.memref_slice %arg42[%add3A_804] : memref<264192xf32, #tpu.memory_space<vmem_shared>> -> memref<2048xf32, #tpu.memory_space<vmem_shared>>
    %dma_start3A_812 = tpu.memref_slice %arg42[%add3A_804] : memref<264192xf32, #tpu.memory_space<vmem_shared>> -> memref<2048xf32, #tpu.memory_space<vmem_shared>>
    tpu.enqueue_dma source(%dma_start3A_812 : memref<2048xf32, #tpu.memory_space<vmem_shared>>) target(%arg20 : memref<2048xf32, #tpu.memory_space<vmem>>) target_semaphore(%arg35 : memref<!tpu.dma_semaphore, #tpu.memory_space<semaphore_mem>>)
    %scan3A_813 = arith.constant 0 : i32
    %scan3A_814 = arith.constant 0 : i32
    %scan3A_815 = arith.constant 4 : i32
    %scan3A_816 = arith.addi %scan3A_814, %scan3A_815 : i32
    %scan3A_817 = arith.constant 1 : i32
    %scan3A_818 = scf.for %scan3A_1627 = %scan3A_814 to %scan3A_816 step %scan3A_817 iter_args(%scan3A_1628 = %scan3A_813) -> (i32)  : i32 {
      %mul3A_1629 = arith.constant 2 : i32
      %mul3A_1630 = arith.muli %mul3A_1629, %scan3A_1627 : i32
      %add3A_1631 = arith.constant 0 : i32
      %add3A_1632 = arith.addi %mul3A_1630, %add3A_1631 : i32
      %mul3A_1633 = arith.constant 16384 : i32
      %mul3A_1634 = arith.muli %arg1, %mul3A_1633 : i32
      %mul3A_1635 = arith.constant 2048 : i32
      %mul3A_1636 = arith.muli %add3A_1632, %mul3A_1635 : i32
      %add3A_1637 = arith.addi %mul3A_1634, %mul3A_1636 : i32
      %dma_wait3A_1638 = tpu.memref_slice %arg39[%add3A_1637] : memref<264192xf32, #tpu.memory_space<vmem_shared>> -> memref<2048xf32, #tpu.memory_space<vmem_shared>>
      %dma_wait3A_1639 = tpu.memref_slice %arg39[%add3A_1637] : memref<264192xf32, #tpu.memory_space<vmem_shared>> -> memref<2048xf32, #tpu.memory_space<vmem_shared>>
      tpu.wait_dma2 semaphore(%arg35 : memref<!tpu.dma_semaphore, #tpu.memory_space<semaphore_mem>>) src(%dma_wait3A_1639 : memref<2048xf32, #tpu.memory_space<vmem_shared>>) dst(%arg17 : memref<2048xf32, #tpu.memory_space<vmem>>)
      %dma_wait3A_1640 = tpu.memref_slice %arg40[%add3A_1637] : memref<264192xf32, #tpu.memory_space<vmem_shared>> -> memref<2048xf32, #tpu.memory_space<vmem_shared>>
      %dma_wait3A_1641 = tpu.memref_slice %arg40[%add3A_1637] : memref<264192xf32, #tpu.memory_space<vmem_shared>> -> memref<2048xf32, #tpu.memory_space<vmem_shared>>
      tpu.wait_dma2 semaphore(%arg35 : memref<!tpu.dma_semaphore, #tpu.memory_space<semaphore_mem>>) src(%dma_wait3A_1641 : memref<2048xf32, #tpu.memory_space<vmem_shared>>) dst(%arg18 : memref<2048xf32, #tpu.memory_space<vmem>>)
      %dma_wait3A_1642 = tpu.memref_slice %arg41[%add3A_1637] : memref<264192xf32, #tpu.memory_space<vmem_shared>> -> memref<2048xf32, #tpu.memory_space<vmem_shared>>
      %dma_wait3A_1643 = tpu.memref_slice %arg41[%add3A_1637] : memref<264192xf32, #tpu.memory_space<vmem_shared>> -> memref<2048xf32, #tpu.memory_space<vmem_shared>>
      tpu.wait_dma2 semaphore(%arg35 : memref<!tpu.dma_semaphore, #tpu.memory_space<semaphore_mem>>) src(%dma_wait3A_1643 : memref<2048xf32, #tpu.memory_space<vmem_shared>>) dst(%arg19 : memref<2048xf32, #tpu.memory_space<vmem>>)
      %dma_wait3A_1644 = tpu.memref_slice %arg42[%add3A_1637] : memref<264192xf32, #tpu.memory_space<vmem_shared>> -> memref<2048xf32, #tpu.memory_space<vmem_shared>>
      %dma_wait3A_1645 = tpu.memref_slice %arg42[%add3A_1637] : memref<264192xf32, #tpu.memory_space<vmem_shared>> -> memref<2048xf32, #tpu.memory_space<vmem_shared>>
      tpu.wait_dma2 semaphore(%arg35 : memref<!tpu.dma_semaphore, #tpu.memory_space<semaphore_mem>>) src(%dma_wait3A_1645 : memref<2048xf32, #tpu.memory_space<vmem_shared>>) dst(%arg20 : memref<2048xf32, #tpu.memory_space<vmem>>)
      %add3A_1646 = arith.constant 1 : i32
      %add3A_1647 = arith.addi %add3A_1632, %add3A_1646 : i32
      %lt3A_1648 = arith.constant 8 : i32
      %lt3A_1649 = arith.cmpi slt, %add3A_1647, %lt3A_1648 : i32
      %convert_element_type3A_1650 = arith.extui %lt3A_1649 : i1 to i32
      %cond3A = arith.constant 0 : i32
      %cond3A_1651 = arith.cmpi ne, %convert_element_type3A_1650, %cond3A : i32
      scf.if %cond3A_1651 {
        %add3A_1830 = arith.constant 1 : i32
        %add3A_1831 = arith.addi %add3A_1632, %add3A_1830 : i32
        %mul3A_1832 = arith.constant 16384 : i32
        %mul3A_1833 = arith.muli %arg1, %mul3A_1832 : i32
        %mul3A_1834 = arith.constant 2048 : i32
        %mul3A_1835 = arith.muli %add3A_1831, %mul3A_1834 : i32
        %add3A_1836 = arith.addi %mul3A_1833, %mul3A_1835 : i32
        %dma_start3A_1837 = tpu.memref_slice %arg39[%add3A_1836] : memref<264192xf32, #tpu.memory_space<vmem_shared>> -> memref<2048xf32, #tpu.memory_space<vmem_shared>>
        %dma_start3A_1838 = tpu.memref_slice %arg39[%add3A_1836] : memref<264192xf32, #tpu.memory_space<vmem_shared>> -> memref<2048xf32, #tpu.memory_space<vmem_shared>>
        tpu.enqueue_dma source(%dma_start3A_1838 : memref<2048xf32, #tpu.memory_space<vmem_shared>>) target(%arg24 : memref<2048xf32, #tpu.memory_space<vmem>>) target_semaphore(%arg36 : memref<!tpu.dma_semaphore, #tpu.memory_space<semaphore_mem>>)
        %dma_start3A_1839 = tpu.memref_slice %arg40[%add3A_1836] : memref<264192xf32, #tpu.memory_space<vmem_shared>> -> memref<2048xf32, #tpu.memory_space<vmem_shared>>
        %dma_start3A_1840 = tpu.memref_slice %arg40[%add3A_1836] : memref<264192xf32, #tpu.memory_space<vmem_shared>> -> memref<2048xf32, #tpu.memory_space<vmem_shared>>
        tpu.enqueue_dma source(%dma_start3A_1840 : memref<2048xf32, #tpu.memory_space<vmem_shared>>) target(%arg25 : memref<2048xf32, #tpu.memory_space<vmem>>) target_semaphore(%arg36 : memref<!tpu.dma_semaphore, #tpu.memory_space<semaphore_mem>>)
        %dma_start3A_1841 = tpu.memref_slice %arg41[%add3A_1836] : memref<264192xf32, #tpu.memory_space<vmem_shared>> -> memref<2048xf32, #tpu.memory_space<vmem_shared>>
        %dma_start3A_1842 = tpu.memref_slice %arg41[%add3A_1836] : memref<264192xf32, #tpu.memory_space<vmem_shared>> -> memref<2048xf32, #tpu.memory_space<vmem_shared>>
        tpu.enqueue_dma source(%dma_start3A_1842 : memref<2048xf32, #tpu.memory_space<vmem_shared>>) target(%arg26 : memref<2048xf32, #tpu.memory_space<vmem>>) target_semaphore(%arg36 : memref<!tpu.dma_semaphore, #tpu.memory_space<semaphore_mem>>)
        %dma_start3A_1843 = tpu.memref_slice %arg42[%add3A_1836] : memref<264192xf32, #tpu.memory_space<vmem_shared>> -> memref<2048xf32, #tpu.memory_space<vmem_shared>>
        %dma_start3A_1844 = tpu.memref_slice %arg42[%add3A_1836] : memref<264192xf32, #tpu.memory_space<vmem_shared>> -> memref<2048xf32, #tpu.memory_space<vmem_shared>>
        tpu.enqueue_dma source(%dma_start3A_1844 : memref<2048xf32, #tpu.memory_space<vmem_shared>>) target(%arg27 : memref<2048xf32, #tpu.memory_space<vmem>>) target_semaphore(%arg36 : memref<!tpu.dma_semaphore, #tpu.memory_space<semaphore_mem>>)
      } else {
      }
      %ge3A = arith.constant 2 : i32
      %ge3A_1652 = arith.cmpi sge, %add3A_1632, %ge3A : i32
      %convert_element_type3A_1653 = arith.extui %ge3A_1652 : i1 to i32
      %cond3A_1654 = arith.constant 0 : i32
      %cond3A_1655 = arith.cmpi ne, %convert_element_type3A_1653, %cond3A_1654 : i32
      scf.if %cond3A_1655 {
        %sub3A_1830 = arith.constant 2 : i32
        %sub3A_1831 = arith.subi %add3A_1632, %sub3A_1830 : i32
        %mul3A_1832 = arith.constant 16384 : i32
        %mul3A_1833 = arith.muli %arg1, %mul3A_1832 : i32
        %mul3A_1834 = arith.constant 2048 : i32
        %mul3A_1835 = arith.muli %sub3A_1831, %mul3A_1834 : i32
        %add3A_1836 = arith.addi %mul3A_1833, %mul3A_1835 : i32
        %mul3A_1837 = arith.constant 3 : i32
        %mul3A_1838 = arith.muli %add3A_59, %mul3A_1837 : i32
        %add3A_1839 = arith.constant 0 : i32
        %add3A_1840 = arith.addi %mul3A_1838, %add3A_1839 : i32
        %mul3A_1841 = arith.constant 262144 : i32
        %mul3A_1842 = arith.muli %add3A_1840, %mul3A_1841 : i32
        %add3A_1843 = arith.addi %mul3A_1842, %add3A_1836 : i32
        %dma_wait3A_1844 = tpu.memref_slice %arg3[%add3A_1843] : memref<3145728xf32, #tpu.memory_space<hbm>> -> memref<2048xf32, #tpu.memory_space<hbm>>
        %dma_wait3A_1845 = tpu.memref_slice %arg3[%add3A_1843] : memref<3145728xf32, #tpu.memory_space<hbm>> -> memref<2048xf32, #tpu.memory_space<hbm>>
        tpu.wait_dma2 semaphore(%arg37 : memref<!tpu.dma_semaphore, #tpu.memory_space<semaphore_mem>>) src(%arg21 : memref<2048xf32, #tpu.memory_space<vmem>>) dst(%dma_wait3A_1845 : memref<2048xf32, #tpu.memory_space<hbm>>)
        %mul3A_1846 = arith.constant 3 : i32
        %mul3A_1847 = arith.muli %add3A_59, %mul3A_1846 : i32
        %add3A_1848 = arith.constant 1 : i32
        %add3A_1849 = arith.addi %mul3A_1847, %add3A_1848 : i32
        %mul3A_1850 = arith.constant 262144 : i32
        %mul3A_1851 = arith.muli %add3A_1849, %mul3A_1850 : i32
        %add3A_1852 = arith.addi %mul3A_1851, %add3A_1836 : i32
        %dma_wait3A_1853 = tpu.memref_slice %arg3[%add3A_1852] : memref<3145728xf32, #tpu.memory_space<hbm>> -> memref<2048xf32, #tpu.memory_space<hbm>>
        %dma_wait3A_1854 = tpu.memref_slice %arg3[%add3A_1852] : memref<3145728xf32, #tpu.memory_space<hbm>> -> memref<2048xf32, #tpu.memory_space<hbm>>
        tpu.wait_dma2 semaphore(%arg37 : memref<!tpu.dma_semaphore, #tpu.memory_space<semaphore_mem>>) src(%arg22 : memref<2048xf32, #tpu.memory_space<vmem>>) dst(%dma_wait3A_1854 : memref<2048xf32, #tpu.memory_space<hbm>>)
        %mul3A_1855 = arith.constant 3 : i32
        %mul3A_1856 = arith.muli %add3A_59, %mul3A_1855 : i32
        %add3A_1857 = arith.constant 2 : i32
        %add3A_1858 = arith.addi %mul3A_1856, %add3A_1857 : i32
        %mul3A_1859 = arith.constant 262144 : i32
        %mul3A_1860 = arith.muli %add3A_1858, %mul3A_1859 : i32
        %add3A_1861 = arith.addi %mul3A_1860, %add3A_1836 : i32
        %dma_wait3A_1862 = tpu.memref_slice %arg3[%add3A_1861] : memref<3145728xf32, #tpu.memory_space<hbm>> -> memref<2048xf32, #tpu.memory_space<hbm>>
        %dma_wait3A_1863 = tpu.memref_slice %arg3[%add3A_1861] : memref<3145728xf32, #tpu.memory_space<hbm>> -> memref<2048xf32, #tpu.memory_space<hbm>>
        tpu.wait_dma2 semaphore(%arg37 : memref<!tpu.dma_semaphore, #tpu.memory_space<semaphore_mem>>) src(%arg23 : memref<2048xf32, #tpu.memory_space<vmem>>) dst(%dma_wait3A_1863 : memref<2048xf32, #tpu.memory_space<hbm>>)
      } else {
      }
      %scan3A_1656 = arith.constant 0 : i32
      %scan3A_1657 = arith.constant 0 : i32
      %scan3A_1658 = arith.constant 128 : i32
      %scan3A_1659 = arith.addi %scan3A_1657, %scan3A_1658 : i32
      %scan3A_1660 = arith.constant 1 : i32
      %scan3A_1661 = scf.for %scan3A_1830 = %scan3A_1657 to %scan3A_1659 step %scan3A_1660 iter_args(%scan3A_1831 = %scan3A_1656) -> (i32)  : i32 {
        %mul3A_1832 = arith.constant 16 : i32
        %mul3A_1833 = arith.muli %scan3A_1830, %mul3A_1832 : i32
        %get3A_1834 = arith.index_cast %mul3A_1833 : i32 to index
        %get3A_1835 = tpu.vector_load %arg20[%get3A_1834] {strides = array<i32>} : memref<2048xf32, #tpu.memory_space<vmem>>, vector<16xf32>,
        %get3A_1836 = vector.shape_cast %get3A_1835 : vector<16xf32> to vector<16xf32>
        %broadcast_in_dim3A_1837 = arith.constant 1.000000e+00 : f32
        %broadcast_in_dim3A_1838 = vector.broadcast %broadcast_in_dim3A_1837 : f32 to vector<16xf32>
        %max3A_1839 = arith.maximumf %get3A_1836, %broadcast_in_dim3A_1838 : vector<16xf32>
        %get3A_1840 = arith.index_cast %mul3A_1833 : i32 to index
        %get3A_1841 = tpu.vector_load %arg17[%get3A_1840] {strides = array<i32>} : memref<2048xf32, #tpu.memory_space<vmem>>, vector<16xf32>,
        %get3A_1842 = vector.shape_cast %get3A_1841 : vector<16xf32> to vector<16xf32>
        %div3A = arith.divf %get3A_1842, %max3A_1839 : vector<16xf32>
        %swap3A_1843 = arith.index_cast %mul3A_1833 : i32 to index
        %swap3A_1844 = tpu.vector_load %arg21[%swap3A_1843] {strides = array<i32>} : memref<2048xf32, #tpu.memory_space<vmem>>, vector<16xf32>,
        %swap3A_1845 = vector.shape_cast %swap3A_1844 : vector<16xf32> to vector<16xf32>
        %swap3A_1846 = vector.shape_cast %div3A : vector<16xf32> to vector<16xf32>
        tpu.vector_store %arg21[%swap3A_1843], %swap3A_1846 {strides = array<i32>} : memref<2048xf32, #tpu.memory_space<vmem>>, vector<16xf32>,
        %get3A_1847 = arith.index_cast %mul3A_1833 : i32 to index
        %get3A_1848 = tpu.vector_load %arg18[%get3A_1847] {strides = array<i32>} : memref<2048xf32, #tpu.memory_space<vmem>>, vector<16xf32>,
        %get3A_1849 = vector.shape_cast %get3A_1848 : vector<16xf32> to vector<16xf32>
        %div3A_1850 = arith.divf %get3A_1849, %max3A_1839 : vector<16xf32>
        %swap3A_1851 = arith.index_cast %mul3A_1833 : i32 to index
        %swap3A_1852 = tpu.vector_load %arg22[%swap3A_1851] {strides = array<i32>} : memref<2048xf32, #tpu.memory_space<vmem>>, vector<16xf32>,
        %swap3A_1853 = vector.shape_cast %swap3A_1852 : vector<16xf32> to vector<16xf32>
        %swap3A_1854 = vector.shape_cast %div3A_1850 : vector<16xf32> to vector<16xf32>
        tpu.vector_store %arg22[%swap3A_1851], %swap3A_1854 {strides = array<i32>} : memref<2048xf32, #tpu.memory_space<vmem>>, vector<16xf32>,
        %get3A_1855 = arith.index_cast %mul3A_1833 : i32 to index
        %get3A_1856 = tpu.vector_load %arg19[%get3A_1855] {strides = array<i32>} : memref<2048xf32, #tpu.memory_space<vmem>>, vector<16xf32>,
        %get3A_1857 = vector.shape_cast %get3A_1856 : vector<16xf32> to vector<16xf32>
        %div3A_1858 = arith.divf %get3A_1857, %max3A_1839 : vector<16xf32>
        %swap3A_1859 = arith.index_cast %mul3A_1833 : i32 to index
        %swap3A_1860 = tpu.vector_load %arg23[%swap3A_1859] {strides = array<i32>} : memref<2048xf32, #tpu.memory_space<vmem>>, vector<16xf32>,
        %swap3A_1861 = vector.shape_cast %swap3A_1860 : vector<16xf32> to vector<16xf32>
        %swap3A_1862 = vector.shape_cast %div3A_1858 : vector<16xf32> to vector<16xf32>
        tpu.vector_store %arg23[%swap3A_1859], %swap3A_1862 {strides = array<i32>} : memref<2048xf32, #tpu.memory_space<vmem>>, vector<16xf32>,
        %scan3A_1863 = arith.constant 0 : i32
        scf.yield %scan3A_1863 : i32
      }
      %scan3A_1662 = arith.constant 128 : i32
      %mul3A_1663 = arith.constant 16384 : i32
      %mul3A_1664 = arith.muli %arg1, %mul3A_1663 : i32
      %mul3A_1665 = arith.constant 2048 : i32
      %mul3A_1666 = arith.muli %add3A_1632, %mul3A_1665 : i32
      %add3A_1667 = arith.addi %mul3A_1664, %mul3A_1666 : i32
      %mul3A_1668 = arith.constant 3 : i32
      %mul3A_1669 = arith.muli %add3A_59, %mul3A_1668 : i32
      %add3A_1670 = arith.constant 0 : i32
      %add3A_1671 = arith.addi %mul3A_1669, %add3A_1670 : i32
      %mul3A_1672 = arith.constant 262144 : i32
      %mul3A_1673 = arith.muli %add3A_1671, %mul3A_1672 : i32
      %add3A_1674 = arith.addi %mul3A_1673, %add3A_1667 : i32
      %dma_start3A_1675 = tpu.memref_slice %arg3[%add3A_1674] : memref<3145728xf32, #tpu.memory_space<hbm>> -> memref<2048xf32, #tpu.memory_space<hbm>>
      %dma_start3A_1676 = tpu.memref_slice %arg3[%add3A_1674] : memref<3145728xf32, #tpu.memory_space<hbm>> -> memref<2048xf32, #tpu.memory_space<hbm>>
      tpu.enqueue_dma source(%arg21 : memref<2048xf32, #tpu.memory_space<vmem>>) target(%dma_start3A_1676 : memref<2048xf32, #tpu.memory_space<hbm>>) target_semaphore(%arg37 : memref<!tpu.dma_semaphore, #tpu.memory_space<semaphore_mem>>)
      %mul3A_1677 = arith.constant 3 : i32
      %mul3A_1678 = arith.muli %add3A_59, %mul3A_1677 : i32
      %add3A_1679 = arith.constant 1 : i32
      %add3A_1680 = arith.addi %mul3A_1678, %add3A_1679 : i32
      %mul3A_1681 = arith.constant 262144 : i32
      %mul3A_1682 = arith.muli %add3A_1680, %mul3A_1681 : i32
      %add3A_1683 = arith.addi %mul3A_1682, %add3A_1667 : i32
      %dma_start3A_1684 = tpu.memref_slice %arg3[%add3A_1683] : memref<3145728xf32, #tpu.memory_space<hbm>> -> memref<2048xf32, #tpu.memory_space<hbm>>
      %dma_start3A_1685 = tpu.memref_slice %arg3[%add3A_1683] : memref<3145728xf32, #tpu.memory_space<hbm>> -> memref<2048xf32, #tpu.memory_space<hbm>>
      tpu.enqueue_dma source(%arg22 : memref<2048xf32, #tpu.memory_space<vmem>>) target(%dma_start3A_1685 : memref<2048xf32, #tpu.memory_space<hbm>>) target_semaphore(%arg37 : memref<!tpu.dma_semaphore, #tpu.memory_space<semaphore_mem>>)
      %mul3A_1686 = arith.constant 3 : i32
      %mul3A_1687 = arith.muli %add3A_59, %mul3A_1686 : i32
      %add3A_1688 = arith.constant 2 : i32
      %add3A_1689 = arith.addi %mul3A_1687, %add3A_1688 : i32
      %mul3A_1690 = arith.constant 262144 : i32
      %mul3A_1691 = arith.muli %add3A_1689, %mul3A_1690 : i32
      %add3A_1692 = arith.addi %mul3A_1691, %add3A_1667 : i32
      %dma_start3A_1693 = tpu.memref_slice %arg3[%add3A_1692] : memref<3145728xf32, #tpu.memory_space<hbm>> -> memref<2048xf32, #tpu.memory_space<hbm>>
      %dma_start3A_1694 = tpu.memref_slice %arg3[%add3A_1692] : memref<3145728xf32, #tpu.memory_space<hbm>> -> memref<2048xf32, #tpu.memory_space<hbm>>
      tpu.enqueue_dma source(%arg23 : memref<2048xf32, #tpu.memory_space<vmem>>) target(%dma_start3A_1694 : memref<2048xf32, #tpu.memory_space<hbm>>) target_semaphore(%arg37 : memref<!tpu.dma_semaphore, #tpu.memory_space<semaphore_mem>>)
      %ge3A_1695 = arith.constant 1 : i32
      %ge3A_1696 = arith.cmpi sge, %add3A_1632, %ge3A_1695 : i32
      %convert_element_type3A_1697 = arith.extui %ge3A_1696 : i1 to i32
      %cond3A_1698 = arith.constant 0 : i32
      %cond3A_1699 = arith.cmpi ne, %convert_element_type3A_1697, %cond3A_1698 : i32
      scf.if %cond3A_1699 {
        %sub3A_1830 = arith.constant 1 : i32
        %sub3A_1831 = arith.subi %add3A_1632, %sub3A_1830 : i32
        %mul3A_1832 = arith.constant 16384 : i32
        %mul3A_1833 = arith.muli %arg1, %mul3A_1832 : i32
        %mul3A_1834 = arith.constant 2048 : i32
        %mul3A_1835 = arith.muli %sub3A_1831, %mul3A_1834 : i32
        %add3A_1836 = arith.addi %mul3A_1833, %mul3A_1835 : i32
        %dma_wait3A_1837 = tpu.memref_slice %arg39[%add3A_1836] : memref<264192xf32, #tpu.memory_space<vmem_shared>> -> memref<2048xf32, #tpu.memory_space<vmem_shared>>
        %dma_wait3A_1838 = tpu.memref_slice %arg39[%add3A_1836] : memref<264192xf32, #tpu.memory_space<vmem_shared>> -> memref<2048xf32, #tpu.memory_space<vmem_shared>>
        tpu.wait_dma2 semaphore(%arg33 : memref<!tpu.dma_semaphore, #tpu.memory_space<semaphore_mem>>) src(%arg16 : memref<2048xf32, #tpu.memory_space<vmem>>) dst(%dma_wait3A_1838 : memref<2048xf32, #tpu.memory_space<vmem_shared>>)
        %mul3A_1839 = arith.constant 16384 : i32
        %mul3A_1840 = arith.muli %arg1, %mul3A_1839 : i32
        %mul3A_1841 = arith.constant 2048 : i32
        %mul3A_1842 = arith.muli %sub3A_1831, %mul3A_1841 : i32
        %add3A_1843 = arith.addi %mul3A_1840, %mul3A_1842 : i32
        %dma_wait3A_1844 = tpu.memref_slice %arg40[%add3A_1843] : memref<264192xf32, #tpu.memory_space<vmem_shared>> -> memref<2048xf32, #tpu.memory_space<vmem_shared>>
        %dma_wait3A_1845 = tpu.memref_slice %arg40[%add3A_1843] : memref<264192xf32, #tpu.memory_space<vmem_shared>> -> memref<2048xf32, #tpu.memory_space<vmem_shared>>
        tpu.wait_dma2 semaphore(%arg33 : memref<!tpu.dma_semaphore, #tpu.memory_space<semaphore_mem>>) src(%arg16 : memref<2048xf32, #tpu.memory_space<vmem>>) dst(%dma_wait3A_1845 : memref<2048xf32, #tpu.memory_space<vmem_shared>>)
        %mul3A_1846 = arith.constant 16384 : i32
        %mul3A_1847 = arith.muli %arg1, %mul3A_1846 : i32
        %mul3A_1848 = arith.constant 2048 : i32
        %mul3A_1849 = arith.muli %sub3A_1831, %mul3A_1848 : i32
        %add3A_1850 = arith.addi %mul3A_1847, %mul3A_1849 : i32
        %dma_wait3A_1851 = tpu.memref_slice %arg41[%add3A_1850] : memref<264192xf32, #tpu.memory_space<vmem_shared>> -> memref<2048xf32, #tpu.memory_space<vmem_shared>>
        %dma_wait3A_1852 = tpu.memref_slice %arg41[%add3A_1850] : memref<264192xf32, #tpu.memory_space<vmem_shared>> -> memref<2048xf32, #tpu.memory_space<vmem_shared>>
        tpu.wait_dma2 semaphore(%arg33 : memref<!tpu.dma_semaphore, #tpu.memory_space<semaphore_mem>>) src(%arg16 : memref<2048xf32, #tpu.memory_space<vmem>>) dst(%dma_wait3A_1852 : memref<2048xf32, #tpu.memory_space<vmem_shared>>)
        %mul3A_1853 = arith.constant 16384 : i32
        %mul3A_1854 = arith.muli %arg1, %mul3A_1853 : i32
        %mul3A_1855 = arith.constant 2048 : i32
        %mul3A_1856 = arith.muli %sub3A_1831, %mul3A_1855 : i32
        %add3A_1857 = arith.addi %mul3A_1854, %mul3A_1856 : i32
        %dma_wait3A_1858 = tpu.memref_slice %arg42[%add3A_1857] : memref<264192xf32, #tpu.memory_space<vmem_shared>> -> memref<2048xf32, #tpu.memory_space<vmem_shared>>
        %dma_wait3A_1859 = tpu.memref_slice %arg42[%add3A_1857] : memref<264192xf32, #tpu.memory_space<vmem_shared>> -> memref<2048xf32, #tpu.memory_space<vmem_shared>>
        tpu.wait_dma2 semaphore(%arg33 : memref<!tpu.dma_semaphore, #tpu.memory_space<semaphore_mem>>) src(%arg16 : memref<2048xf32, #tpu.memory_space<vmem>>) dst(%dma_wait3A_1859 : memref<2048xf32, #tpu.memory_space<vmem_shared>>)
      } else {
      }
      %mul3A_1700 = arith.constant 16384 : i32
      %mul3A_1701 = arith.muli %arg1, %mul3A_1700 : i32
      %mul3A_1702 = arith.constant 2048 : i32
      %mul3A_1703 = arith.muli %add3A_1632, %mul3A_1702 : i32
      %add3A_1704 = arith.addi %mul3A_1701, %mul3A_1703 : i32
      %dma_start3A_1705 = tpu.memref_slice %arg39[%add3A_1704] : memref<264192xf32, #tpu.memory_space<vmem_shared>> -> memref<2048xf32, #tpu.memory_space<vmem_shared>>
      %dma_start3A_1706 = tpu.memref_slice %arg39[%add3A_1704] : memref<264192xf32, #tpu.memory_space<vmem_shared>> -> memref<2048xf32, #tpu.memory_space<vmem_shared>>
      tpu.enqueue_dma source(%arg16 : memref<2048xf32, #tpu.memory_space<vmem>>) target(%dma_start3A_1706 : memref<2048xf32, #tpu.memory_space<vmem_shared>>) target_semaphore(%arg33 : memref<!tpu.dma_semaphore, #tpu.memory_space<semaphore_mem>>)
      %mul3A_1707 = arith.constant 16384 : i32
      %mul3A_1708 = arith.muli %arg1, %mul3A_1707 : i32
      %mul3A_1709 = arith.constant 2048 : i32
      %mul3A_1710 = arith.muli %add3A_1632, %mul3A_1709 : i32
      %add3A_1711 = arith.addi %mul3A_1708, %mul3A_1710 : i32
      %dma_start3A_1712 = tpu.memref_slice %arg40[%add3A_1711] : memref<264192xf32, #tpu.memory_space<vmem_shared>> -> memref<2048xf32, #tpu.memory_space<vmem_shared>>
      %dma_start3A_1713 = tpu.memref_slice %arg40[%add3A_1711] : memref<264192xf32, #tpu.memory_space<vmem_shared>> -> memref<2048xf32, #tpu.memory_space<vmem_shared>>
      tpu.enqueue_dma source(%arg16 : memref<2048xf32, #tpu.memory_space<vmem>>) target(%dma_start3A_1713 : memref<2048xf32, #tpu.memory_space<vmem_shared>>) target_semaphore(%arg33 : memref<!tpu.dma_semaphore, #tpu.memory_space<semaphore_mem>>)
      %mul3A_1714 = arith.constant 16384 : i32
      %mul3A_1715 = arith.muli %arg1, %mul3A_1714 : i32
      %mul3A_1716 = arith.constant 2048 : i32
      %mul3A_1717 = arith.muli %add3A_1632, %mul3A_1716 : i32
      %add3A_1718 = arith.addi %mul3A_1715, %mul3A_1717 : i32
      %dma_start3A_1719 = tpu.memref_slice %arg41[%add3A_1718] : memref<264192xf32, #tpu.memory_space<vmem_shared>> -> memref<2048xf32, #tpu.memory_space<vmem_shared>>
      %dma_start3A_1720 = tpu.memref_slice %arg41[%add3A_1718] : memref<264192xf32, #tpu.memory_space<vmem_shared>> -> memref<2048xf32, #tpu.memory_space<vmem_shared>>
      tpu.enqueue_dma source(%arg16 : memref<2048xf32, #tpu.memory_space<vmem>>) target(%dma_start3A_1720 : memref<2048xf32, #tpu.memory_space<vmem_shared>>) target_semaphore(%arg33 : memref<!tpu.dma_semaphore, #tpu.memory_space<semaphore_mem>>)
      %mul3A_1721 = arith.constant 16384 : i32
      %mul3A_1722 = arith.muli %arg1, %mul3A_1721 : i32
      %mul3A_1723 = arith.constant 2048 : i32
      %mul3A_1724 = arith.muli %add3A_1632, %mul3A_1723 : i32
      %add3A_1725 = arith.addi %mul3A_1722, %mul3A_1724 : i32
      %dma_start3A_1726 = tpu.memref_slice %arg42[%add3A_1725] : memref<264192xf32, #tpu.memory_space<vmem_shared>> -> memref<2048xf32, #tpu.memory_space<vmem_shared>>
      %dma_start3A_1727 = tpu.memref_slice %arg42[%add3A_1725] : memref<264192xf32, #tpu.memory_space<vmem_shared>> -> memref<2048xf32, #tpu.memory_space<vmem_shared>>
      tpu.enqueue_dma source(%arg16 : memref<2048xf32, #tpu.memory_space<vmem>>) target(%dma_start3A_1727 : memref<2048xf32, #tpu.memory_space<vmem_shared>>) target_semaphore(%arg33 : memref<!tpu.dma_semaphore, #tpu.memory_space<semaphore_mem>>)
      %mul3A_1728 = arith.constant 2 : i32
      %mul3A_1729 = arith.muli %mul3A_1728, %scan3A_1627 : i32
      %add3A_1730 = arith.constant 1 : i32
      %add3A_1731 = arith.addi %mul3A_1729, %add3A_1730 : i32
      %mul3A_1732 = arith.constant 16384 : i32
      %mul3A_1733 = arith.muli %arg1, %mul3A_1732 : i32
      %mul3A_1734 = arith.constant 2048 : i32
      %mul3A_1735 = arith.muli %add3A_1731, %mul3A_1734 : i32
      %add3A_1736 = arith.addi %mul3A_1733, %mul3A_1735 : i32
      %dma_wait3A_1737 = tpu.memref_slice %arg39[%add3A_1736] : memref<264192xf32, #tpu.memory_space<vmem_shared>> -> memref<2048xf32, #tpu.memory_space<vmem_shared>>
      %dma_wait3A_1738 = tpu.memref_slice %arg39[%add3A_1736] : memref<264192xf32, #tpu.memory_space<vmem_shared>> -> memref<2048xf32, #tpu.memory_space<vmem_shared>>
      tpu.wait_dma2 semaphore(%arg36 : memref<!tpu.dma_semaphore, #tpu.memory_space<semaphore_mem>>) src(%dma_wait3A_1738 : memref<2048xf32, #tpu.memory_space<vmem_shared>>) dst(%arg24 : memref<2048xf32, #tpu.memory_space<vmem>>)
      %dma_wait3A_1739 = tpu.memref_slice %arg40[%add3A_1736] : memref<264192xf32, #tpu.memory_space<vmem_shared>> -> memref<2048xf32, #tpu.memory_space<vmem_shared>>
      %dma_wait3A_1740 = tpu.memref_slice %arg40[%add3A_1736] : memref<264192xf32, #tpu.memory_space<vmem_shared>> -> memref<2048xf32, #tpu.memory_space<vmem_shared>>
      tpu.wait_dma2 semaphore(%arg36 : memref<!tpu.dma_semaphore, #tpu.memory_space<semaphore_mem>>) src(%dma_wait3A_1740 : memref<2048xf32, #tpu.memory_space<vmem_shared>>) dst(%arg25 : memref<2048xf32, #tpu.memory_space<vmem>>)
      %dma_wait3A_1741 = tpu.memref_slice %arg41[%add3A_1736] : memref<264192xf32, #tpu.memory_space<vmem_shared>> -> memref<2048xf32, #tpu.memory_space<vmem_shared>>
      %dma_wait3A_1742 = tpu.memref_slice %arg41[%add3A_1736] : memref<264192xf32, #tpu.memory_space<vmem_shared>> -> memref<2048xf32, #tpu.memory_space<vmem_shared>>
      tpu.wait_dma2 semaphore(%arg36 : memref<!tpu.dma_semaphore, #tpu.memory_space<semaphore_mem>>) src(%dma_wait3A_1742 : memref<2048xf32, #tpu.memory_space<vmem_shared>>) dst(%arg26 : memref<2048xf32, #tpu.memory_space<vmem>>)
      %dma_wait3A_1743 = tpu.memref_slice %arg42[%add3A_1736] : memref<264192xf32, #tpu.memory_space<vmem_shared>> -> memref<2048xf32, #tpu.memory_space<vmem_shared>>
      %dma_wait3A_1744 = tpu.memref_slice %arg42[%add3A_1736] : memref<264192xf32, #tpu.memory_space<vmem_shared>> -> memref<2048xf32, #tpu.memory_space<vmem_shared>>
      tpu.wait_dma2 semaphore(%arg36 : memref<!tpu.dma_semaphore, #tpu.memory_space<semaphore_mem>>) src(%dma_wait3A_1744 : memref<2048xf32, #tpu.memory_space<vmem_shared>>) dst(%arg27 : memref<2048xf32, #tpu.memory_space<vmem>>)
      %add3A_1745 = arith.constant 1 : i32
      %add3A_1746 = arith.addi %add3A_1731, %add3A_1745 : i32
      %lt3A_1747 = arith.constant 8 : i32
      %lt3A_1748 = arith.cmpi slt, %add3A_1746, %lt3A_1747 : i32
      %convert_element_type3A_1749 = arith.extui %lt3A_1748 : i1 to i32
      %cond3A_1750 = arith.constant 0 : i32
      %cond3A_1751 = arith.cmpi ne, %convert_element_type3A_1749, %cond3A_1750 : i32
      scf.if %cond3A_1751 {
        %add3A_1830 = arith.constant 1 : i32
        %add3A_1831 = arith.addi %add3A_1731, %add3A_1830 : i32
        %mul3A_1832 = arith.constant 16384 : i32
        %mul3A_1833 = arith.muli %arg1, %mul3A_1832 : i32
        %mul3A_1834 = arith.constant 2048 : i32
        %mul3A_1835 = arith.muli %add3A_1831, %mul3A_1834 : i32
        %add3A_1836 = arith.addi %mul3A_1833, %mul3A_1835 : i32
        %dma_start3A_1837 = tpu.memref_slice %arg39[%add3A_1836] : memref<264192xf32, #tpu.memory_space<vmem_shared>> -> memref<2048xf32, #tpu.memory_space<vmem_shared>>
        %dma_start3A_1838 = tpu.memref_slice %arg39[%add3A_1836] : memref<264192xf32, #tpu.memory_space<vmem_shared>> -> memref<2048xf32, #tpu.memory_space<vmem_shared>>
        tpu.enqueue_dma source(%dma_start3A_1838 : memref<2048xf32, #tpu.memory_space<vmem_shared>>) target(%arg17 : memref<2048xf32, #tpu.memory_space<vmem>>) target_semaphore(%arg35 : memref<!tpu.dma_semaphore, #tpu.memory_space<semaphore_mem>>)
        %dma_start3A_1839 = tpu.memref_slice %arg40[%add3A_1836] : memref<264192xf32, #tpu.memory_space<vmem_shared>> -> memref<2048xf32, #tpu.memory_space<vmem_shared>>
        %dma_start3A_1840 = tpu.memref_slice %arg40[%add3A_1836] : memref<264192xf32, #tpu.memory_space<vmem_shared>> -> memref<2048xf32, #tpu.memory_space<vmem_shared>>
        tpu.enqueue_dma source(%dma_start3A_1840 : memref<2048xf32, #tpu.memory_space<vmem_shared>>) target(%arg18 : memref<2048xf32, #tpu.memory_space<vmem>>) target_semaphore(%arg35 : memref<!tpu.dma_semaphore, #tpu.memory_space<semaphore_mem>>)
        %dma_start3A_1841 = tpu.memref_slice %arg41[%add3A_1836] : memref<264192xf32, #tpu.memory_space<vmem_shared>> -> memref<2048xf32, #tpu.memory_space<vmem_shared>>
        %dma_start3A_1842 = tpu.memref_slice %arg41[%add3A_1836] : memref<264192xf32, #tpu.memory_space<vmem_shared>> -> memref<2048xf32, #tpu.memory_space<vmem_shared>>
        tpu.enqueue_dma source(%dma_start3A_1842 : memref<2048xf32, #tpu.memory_space<vmem_shared>>) target(%arg19 : memref<2048xf32, #tpu.memory_space<vmem>>) target_semaphore(%arg35 : memref<!tpu.dma_semaphore, #tpu.memory_space<semaphore_mem>>)
        %dma_start3A_1843 = tpu.memref_slice %arg42[%add3A_1836] : memref<264192xf32, #tpu.memory_space<vmem_shared>> -> memref<2048xf32, #tpu.memory_space<vmem_shared>>
        %dma_start3A_1844 = tpu.memref_slice %arg42[%add3A_1836] : memref<264192xf32, #tpu.memory_space<vmem_shared>> -> memref<2048xf32, #tpu.memory_space<vmem_shared>>
        tpu.enqueue_dma source(%dma_start3A_1844 : memref<2048xf32, #tpu.memory_space<vmem_shared>>) target(%arg20 : memref<2048xf32, #tpu.memory_space<vmem>>) target_semaphore(%arg35 : memref<!tpu.dma_semaphore, #tpu.memory_space<semaphore_mem>>)
      } else {
      }
      %ge3A_1752 = arith.constant 2 : i32
      %ge3A_1753 = arith.cmpi sge, %add3A_1731, %ge3A_1752 : i32
      %convert_element_type3A_1754 = arith.extui %ge3A_1753 : i1 to i32
      %cond3A_1755 = arith.constant 0 : i32
      %cond3A_1756 = arith.cmpi ne, %convert_element_type3A_1754, %cond3A_1755 : i32
      scf.if %cond3A_1756 {
        %sub3A_1830 = arith.constant 2 : i32
        %sub3A_1831 = arith.subi %add3A_1731, %sub3A_1830 : i32
        %mul3A_1832 = arith.constant 16384 : i32
        %mul3A_1833 = arith.muli %arg1, %mul3A_1832 : i32
        %mul3A_1834 = arith.constant 2048 : i32
        %mul3A_1835 = arith.muli %sub3A_1831, %mul3A_1834 : i32
        %add3A_1836 = arith.addi %mul3A_1833, %mul3A_1835 : i32
        %mul3A_1837 = arith.constant 3 : i32
        %mul3A_1838 = arith.muli %add3A_59, %mul3A_1837 : i32
        %add3A_1839 = arith.constant 0 : i32
        %add3A_1840 = arith.addi %mul3A_1838, %add3A_1839 : i32
        %mul3A_1841 = arith.constant 262144 : i32
        %mul3A_1842 = arith.muli %add3A_1840, %mul3A_1841 : i32
        %add3A_1843 = arith.addi %mul3A_1842, %add3A_1836 : i32
        %dma_wait3A_1844 = tpu.memref_slice %arg3[%add3A_1843] : memref<3145728xf32, #tpu.memory_space<hbm>> -> memref<2048xf32, #tpu.memory_space<hbm>>
        %dma_wait3A_1845 = tpu.memref_slice %arg3[%add3A_1843] : memref<3145728xf32, #tpu.memory_space<hbm>> -> memref<2048xf32, #tpu.memory_space<hbm>>
        tpu.wait_dma2 semaphore(%arg38 : memref<!tpu.dma_semaphore, #tpu.memory_space<semaphore_mem>>) src(%arg28 : memref<2048xf32, #tpu.memory_space<vmem>>) dst(%dma_wait3A_1845 : memref<2048xf32, #tpu.memory_space<hbm>>)
        %mul3A_1846 = arith.constant 3 : i32
        %mul3A_1847 = arith.muli %add3A_59, %mul3A_1846 : i32
        %add3A_1848 = arith.constant 1 : i32
        %add3A_1849 = arith.addi %mul3A_1847, %add3A_1848 : i32
        %mul3A_1850 = arith.constant 262144 : i32
        %mul3A_1851 = arith.muli %add3A_1849, %mul3A_1850 : i32
        %add3A_1852 = arith.addi %mul3A_1851, %add3A_1836 : i32
        %dma_wait3A_1853 = tpu.memref_slice %arg3[%add3A_1852] : memref<3145728xf32, #tpu.memory_space<hbm>> -> memref<2048xf32, #tpu.memory_space<hbm>>
        %dma_wait3A_1854 = tpu.memref_slice %arg3[%add3A_1852] : memref<3145728xf32, #tpu.memory_space<hbm>> -> memref<2048xf32, #tpu.memory_space<hbm>>
        tpu.wait_dma2 semaphore(%arg38 : memref<!tpu.dma_semaphore, #tpu.memory_space<semaphore_mem>>) src(%arg29 : memref<2048xf32, #tpu.memory_space<vmem>>) dst(%dma_wait3A_1854 : memref<2048xf32, #tpu.memory_space<hbm>>)
        %mul3A_1855 = arith.constant 3 : i32
        %mul3A_1856 = arith.muli %add3A_59, %mul3A_1855 : i32
        %add3A_1857 = arith.constant 2 : i32
        %add3A_1858 = arith.addi %mul3A_1856, %add3A_1857 : i32
        %mul3A_1859 = arith.constant 262144 : i32
        %mul3A_1860 = arith.muli %add3A_1858, %mul3A_1859 : i32
        %add3A_1861 = arith.addi %mul3A_1860, %add3A_1836 : i32
        %dma_wait3A_1862 = tpu.memref_slice %arg3[%add3A_1861] : memref<3145728xf32, #tpu.memory_space<hbm>> -> memref<2048xf32, #tpu.memory_space<hbm>>
        %dma_wait3A_1863 = tpu.memref_slice %arg3[%add3A_1861] : memref<3145728xf32, #tpu.memory_space<hbm>> -> memref<2048xf32, #tpu.memory_space<hbm>>
        tpu.wait_dma2 semaphore(%arg38 : memref<!tpu.dma_semaphore, #tpu.memory_space<semaphore_mem>>) src(%arg30 : memref<2048xf32, #tpu.memory_space<vmem>>) dst(%dma_wait3A_1863 : memref<2048xf32, #tpu.memory_space<hbm>>)
      } else {
      }
      %scan3A_1757 = arith.constant 0 : i32
      %scan3A_1758 = arith.constant 0 : i32
      %scan3A_1759 = arith.constant 128 : i32
      %scan3A_1760 = arith.addi %scan3A_1758, %scan3A_1759 : i32
      %scan3A_1761 = arith.constant 1 : i32
      %scan3A_1762 = scf.for %scan3A_1830 = %scan3A_1758 to %scan3A_1760 step %scan3A_1761 iter_args(%scan3A_1831 = %scan3A_1757) -> (i32)  : i32 {
        %mul3A_1832 = arith.constant 16 : i32
        %mul3A_1833 = arith.muli %scan3A_1830, %mul3A_1832 : i32
        %get3A_1834 = arith.index_cast %mul3A_1833 : i32 to index
        %get3A_1835 = tpu.vector_load %arg27[%get3A_1834] {strides = array<i32>} : memref<2048xf32, #tpu.memory_space<vmem>>, vector<16xf32>,
        %get3A_1836 = vector.shape_cast %get3A_1835 : vector<16xf32> to vector<16xf32>
        %broadcast_in_dim3A_1837 = arith.constant 1.000000e+00 : f32
        %broadcast_in_dim3A_1838 = vector.broadcast %broadcast_in_dim3A_1837 : f32 to vector<16xf32>
        %max3A_1839 = arith.maximumf %get3A_1836, %broadcast_in_dim3A_1838 : vector<16xf32>
        %get3A_1840 = arith.index_cast %mul3A_1833 : i32 to index
        %get3A_1841 = tpu.vector_load %arg24[%get3A_1840] {strides = array<i32>} : memref<2048xf32, #tpu.memory_space<vmem>>, vector<16xf32>,
        %get3A_1842 = vector.shape_cast %get3A_1841 : vector<16xf32> to vector<16xf32>
        %div3A = arith.divf %get3A_1842, %max3A_1839 : vector<16xf32>
        %swap3A_1843 = arith.index_cast %mul3A_1833 : i32 to index
        %swap3A_1844 = tpu.vector_load %arg28[%swap3A_1843] {strides = array<i32>} : memref<2048xf32, #tpu.memory_space<vmem>>, vector<16xf32>,
        %swap3A_1845 = vector.shape_cast %swap3A_1844 : vector<16xf32> to vector<16xf32>
        %swap3A_1846 = vector.shape_cast %div3A : vector<16xf32> to vector<16xf32>
        tpu.vector_store %arg28[%swap3A_1843], %swap3A_1846 {strides = array<i32>} : memref<2048xf32, #tpu.memory_space<vmem>>, vector<16xf32>,
        %get3A_1847 = arith.index_cast %mul3A_1833 : i32 to index
        %get3A_1848 = tpu.vector_load %arg25[%get3A_1847] {strides = array<i32>} : memref<2048xf32, #tpu.memory_space<vmem>>, vector<16xf32>,
        %get3A_1849 = vector.shape_cast %get3A_1848 : vector<16xf32> to vector<16xf32>
        %div3A_1850 = arith.divf %get3A_1849, %max3A_1839 : vector<16xf32>
        %swap3A_1851 = arith.index_cast %mul3A_1833 : i32 to index
        %swap3A_1852 = tpu.vector_load %arg29[%swap3A_1851] {strides = array<i32>} : memref<2048xf32, #tpu.memory_space<vmem>>, vector<16xf32>,
        %swap3A_1853 = vector.shape_cast %swap3A_1852 : vector<16xf32> to vector<16xf32>
        %swap3A_1854 = vector.shape_cast %div3A_1850 : vector<16xf32> to vector<16xf32>
        tpu.vector_store %arg29[%swap3A_1851], %swap3A_1854 {strides = array<i32>} : memref<2048xf32, #tpu.memory_space<vmem>>, vector<16xf32>,
        %get3A_1855 = arith.index_cast %mul3A_1833 : i32 to index
        %get3A_1856 = tpu.vector_load %arg26[%get3A_1855] {strides = array<i32>} : memref<2048xf32, #tpu.memory_space<vmem>>, vector<16xf32>,
        %get3A_1857 = vector.shape_cast %get3A_1856 : vector<16xf32> to vector<16xf32>
        %div3A_1858 = arith.divf %get3A_1857, %max3A_1839 : vector<16xf32>
        %swap3A_1859 = arith.index_cast %mul3A_1833 : i32 to index
        %swap3A_1860 = tpu.vector_load %arg30[%swap3A_1859] {strides = array<i32>} : memref<2048xf32, #tpu.memory_space<vmem>>, vector<16xf32>,
        %swap3A_1861 = vector.shape_cast %swap3A_1860 : vector<16xf32> to vector<16xf32>
        %swap3A_1862 = vector.shape_cast %div3A_1858 : vector<16xf32> to vector<16xf32>
        tpu.vector_store %arg30[%swap3A_1859], %swap3A_1862 {strides = array<i32>} : memref<2048xf32, #tpu.memory_space<vmem>>, vector<16xf32>,
        %scan3A_1863 = arith.constant 0 : i32
        scf.yield %scan3A_1863 : i32
      }
      %scan3A_1763 = arith.constant 128 : i32
      %mul3A_1764 = arith.constant 16384 : i32
      %mul3A_1765 = arith.muli %arg1, %mul3A_1764 : i32
      %mul3A_1766 = arith.constant 2048 : i32
      %mul3A_1767 = arith.muli %add3A_1731, %mul3A_1766 : i32
      %add3A_1768 = arith.addi %mul3A_1765, %mul3A_1767 : i32
      %mul3A_1769 = arith.constant 3 : i32
      %mul3A_1770 = arith.muli %add3A_59, %mul3A_1769 : i32
      %add3A_1771 = arith.constant 0 : i32
      %add3A_1772 = arith.addi %mul3A_1770, %add3A_1771 : i32
      %mul3A_1773 = arith.constant 262144 : i32
      %mul3A_1774 = arith.muli %add3A_1772, %mul3A_1773 : i32
      %add3A_1775 = arith.addi %mul3A_1774, %add3A_1768 : i32
      %dma_start3A_1776 = tpu.memref_slice %arg3[%add3A_1775] : memref<3145728xf32, #tpu.memory_space<hbm>> -> memref<2048xf32, #tpu.memory_space<hbm>>
      %dma_start3A_1777 = tpu.memref_slice %arg3[%add3A_1775] : memref<3145728xf32, #tpu.memory_space<hbm>> -> memref<2048xf32, #tpu.memory_space<hbm>>
      tpu.enqueue_dma source(%arg28 : memref<2048xf32, #tpu.memory_space<vmem>>) target(%dma_start3A_1777 : memref<2048xf32, #tpu.memory_space<hbm>>) target_semaphore(%arg38 : memref<!tpu.dma_semaphore, #tpu.memory_space<semaphore_mem>>)
      %mul3A_1778 = arith.constant 3 : i32
      %mul3A_1779 = arith.muli %add3A_59, %mul3A_1778 : i32
      %add3A_1780 = arith.constant 1 : i32
      %add3A_1781 = arith.addi %mul3A_1779, %add3A_1780 : i32
      %mul3A_1782 = arith.constant 262144 : i32
      %mul3A_1783 = arith.muli %add3A_1781, %mul3A_1782 : i32
      %add3A_1784 = arith.addi %mul3A_1783, %add3A_1768 : i32
      %dma_start3A_1785 = tpu.memref_slice %arg3[%add3A_1784] : memref<3145728xf32, #tpu.memory_space<hbm>> -> memref<2048xf32, #tpu.memory_space<hbm>>
      %dma_start3A_1786 = tpu.memref_slice %arg3[%add3A_1784] : memref<3145728xf32, #tpu.memory_space<hbm>> -> memref<2048xf32, #tpu.memory_space<hbm>>
      tpu.enqueue_dma source(%arg29 : memref<2048xf32, #tpu.memory_space<vmem>>) target(%dma_start3A_1786 : memref<2048xf32, #tpu.memory_space<hbm>>) target_semaphore(%arg38 : memref<!tpu.dma_semaphore, #tpu.memory_space<semaphore_mem>>)
      %mul3A_1787 = arith.constant 3 : i32
      %mul3A_1788 = arith.muli %add3A_59, %mul3A_1787 : i32
      %add3A_1789 = arith.constant 2 : i32
      %add3A_1790 = arith.addi %mul3A_1788, %add3A_1789 : i32
      %mul3A_1791 = arith.constant 262144 : i32
      %mul3A_1792 = arith.muli %add3A_1790, %mul3A_1791 : i32
      %add3A_1793 = arith.addi %mul3A_1792, %add3A_1768 : i32
      %dma_start3A_1794 = tpu.memref_slice %arg3[%add3A_1793] : memref<3145728xf32, #tpu.memory_space<hbm>> -> memref<2048xf32, #tpu.memory_space<hbm>>
      %dma_start3A_1795 = tpu.memref_slice %arg3[%add3A_1793] : memref<3145728xf32, #tpu.memory_space<hbm>> -> memref<2048xf32, #tpu.memory_space<hbm>>
      tpu.enqueue_dma source(%arg30 : memref<2048xf32, #tpu.memory_space<vmem>>) target(%dma_start3A_1795 : memref<2048xf32, #tpu.memory_space<hbm>>) target_semaphore(%arg38 : memref<!tpu.dma_semaphore, #tpu.memory_space<semaphore_mem>>)
      %ge3A_1796 = arith.constant 1 : i32
      %ge3A_1797 = arith.cmpi sge, %add3A_1731, %ge3A_1796 : i32
      %convert_element_type3A_1798 = arith.extui %ge3A_1797 : i1 to i32
      %cond3A_1799 = arith.constant 0 : i32
      %cond3A_1800 = arith.cmpi ne, %convert_element_type3A_1798, %cond3A_1799 : i32
      scf.if %cond3A_1800 {
        %sub3A_1830 = arith.constant 1 : i32
        %sub3A_1831 = arith.subi %add3A_1731, %sub3A_1830 : i32
        %mul3A_1832 = arith.constant 16384 : i32
        %mul3A_1833 = arith.muli %arg1, %mul3A_1832 : i32
        %mul3A_1834 = arith.constant 2048 : i32
        %mul3A_1835 = arith.muli %sub3A_1831, %mul3A_1834 : i32
        %add3A_1836 = arith.addi %mul3A_1833, %mul3A_1835 : i32
        %dma_wait3A_1837 = tpu.memref_slice %arg39[%add3A_1836] : memref<264192xf32, #tpu.memory_space<vmem_shared>> -> memref<2048xf32, #tpu.memory_space<vmem_shared>>
        %dma_wait3A_1838 = tpu.memref_slice %arg39[%add3A_1836] : memref<264192xf32, #tpu.memory_space<vmem_shared>> -> memref<2048xf32, #tpu.memory_space<vmem_shared>>
        tpu.wait_dma2 semaphore(%arg33 : memref<!tpu.dma_semaphore, #tpu.memory_space<semaphore_mem>>) src(%arg16 : memref<2048xf32, #tpu.memory_space<vmem>>) dst(%dma_wait3A_1838 : memref<2048xf32, #tpu.memory_space<vmem_shared>>)
        %mul3A_1839 = arith.constant 16384 : i32
        %mul3A_1840 = arith.muli %arg1, %mul3A_1839 : i32
        %mul3A_1841 = arith.constant 2048 : i32
        %mul3A_1842 = arith.muli %sub3A_1831, %mul3A_1841 : i32
        %add3A_1843 = arith.addi %mul3A_1840, %mul3A_1842 : i32
        %dma_wait3A_1844 = tpu.memref_slice %arg40[%add3A_1843] : memref<264192xf32, #tpu.memory_space<vmem_shared>> -> memref<2048xf32, #tpu.memory_space<vmem_shared>>
        %dma_wait3A_1845 = tpu.memref_slice %arg40[%add3A_1843] : memref<264192xf32, #tpu.memory_space<vmem_shared>> -> memref<2048xf32, #tpu.memory_space<vmem_shared>>
        tpu.wait_dma2 semaphore(%arg33 : memref<!tpu.dma_semaphore, #tpu.memory_space<semaphore_mem>>) src(%arg16 : memref<2048xf32, #tpu.memory_space<vmem>>) dst(%dma_wait3A_1845 : memref<2048xf32, #tpu.memory_space<vmem_shared>>)
        %mul3A_1846 = arith.constant 16384 : i32
        %mul3A_1847 = arith.muli %arg1, %mul3A_1846 : i32
        %mul3A_1848 = arith.constant 2048 : i32
        %mul3A_1849 = arith.muli %sub3A_1831, %mul3A_1848 : i32
        %add3A_1850 = arith.addi %mul3A_1847, %mul3A_1849 : i32
        %dma_wait3A_1851 = tpu.memref_slice %arg41[%add3A_1850] : memref<264192xf32, #tpu.memory_space<vmem_shared>> -> memref<2048xf32, #tpu.memory_space<vmem_shared>>
        %dma_wait3A_1852 = tpu.memref_slice %arg41[%add3A_1850] : memref<264192xf32, #tpu.memory_space<vmem_shared>> -> memref<2048xf32, #tpu.memory_space<vmem_shared>>
        tpu.wait_dma2 semaphore(%arg33 : memref<!tpu.dma_semaphore, #tpu.memory_space<semaphore_mem>>) src(%arg16 : memref<2048xf32, #tpu.memory_space<vmem>>) dst(%dma_wait3A_1852 : memref<2048xf32, #tpu.memory_space<vmem_shared>>)
        %mul3A_1853 = arith.constant 16384 : i32
        %mul3A_1854 = arith.muli %arg1, %mul3A_1853 : i32
        %mul3A_1855 = arith.constant 2048 : i32
        %mul3A_1856 = arith.muli %sub3A_1831, %mul3A_1855 : i32
        %add3A_1857 = arith.addi %mul3A_1854, %mul3A_1856 : i32
        %dma_wait3A_1858 = tpu.memref_slice %arg42[%add3A_1857] : memref<264192xf32, #tpu.memory_space<vmem_shared>> -> memref<2048xf32, #tpu.memory_space<vmem_shared>>
        %dma_wait3A_1859 = tpu.memref_slice %arg42[%add3A_1857] : memref<264192xf32, #tpu.memory_space<vmem_shared>> -> memref<2048xf32, #tpu.memory_space<vmem_shared>>
        tpu.wait_dma2 semaphore(%arg33 : memref<!tpu.dma_semaphore, #tpu.memory_space<semaphore_mem>>) src(%arg16 : memref<2048xf32, #tpu.memory_space<vmem>>) dst(%dma_wait3A_1859 : memref<2048xf32, #tpu.memory_space<vmem_shared>>)
      } else {
      }
      %mul3A_1801 = arith.constant 16384 : i32
      %mul3A_1802 = arith.muli %arg1, %mul3A_1801 : i32
      %mul3A_1803 = arith.constant 2048 : i32
      %mul3A_1804 = arith.muli %add3A_1731, %mul3A_1803 : i32
      %add3A_1805 = arith.addi %mul3A_1802, %mul3A_1804 : i32
      %dma_start3A_1806 = tpu.memref_slice %arg39[%add3A_1805] : memref<264192xf32, #tpu.memory_space<vmem_shared>> -> memref<2048xf32, #tpu.memory_space<vmem_shared>>
      %dma_start3A_1807 = tpu.memref_slice %arg39[%add3A_1805] : memref<264192xf32, #tpu.memory_space<vmem_shared>> -> memref<2048xf32, #tpu.memory_space<vmem_shared>>
      tpu.enqueue_dma source(%arg16 : memref<2048xf32, #tpu.memory_space<vmem>>) target(%dma_start3A_1807 : memref<2048xf32, #tpu.memory_space<vmem_shared>>) target_semaphore(%arg33 : memref<!tpu.dma_semaphore, #tpu.memory_space<semaphore_mem>>)
      %mul3A_1808 = arith.constant 16384 : i32
      %mul3A_1809 = arith.muli %arg1, %mul3A_1808 : i32
      %mul3A_1810 = arith.constant 2048 : i32
      %mul3A_1811 = arith.muli %add3A_1731, %mul3A_1810 : i32
      %add3A_1812 = arith.addi %mul3A_1809, %mul3A_1811 : i32
      %dma_start3A_1813 = tpu.memref_slice %arg40[%add3A_1812] : memref<264192xf32, #tpu.memory_space<vmem_shared>> -> memref<2048xf32, #tpu.memory_space<vmem_shared>>
      %dma_start3A_1814 = tpu.memref_slice %arg40[%add3A_1812] : memref<264192xf32, #tpu.memory_space<vmem_shared>> -> memref<2048xf32, #tpu.memory_space<vmem_shared>>
      tpu.enqueue_dma source(%arg16 : memref<2048xf32, #tpu.memory_space<vmem>>) target(%dma_start3A_1814 : memref<2048xf32, #tpu.memory_space<vmem_shared>>) target_semaphore(%arg33 : memref<!tpu.dma_semaphore, #tpu.memory_space<semaphore_mem>>)
      %mul3A_1815 = arith.constant 16384 : i32
      %mul3A_1816 = arith.muli %arg1, %mul3A_1815 : i32
      %mul3A_1817 = arith.constant 2048 : i32
      %mul3A_1818 = arith.muli %add3A_1731, %mul3A_1817 : i32
      %add3A_1819 = arith.addi %mul3A_1816, %mul3A_1818 : i32
      %dma_start3A_1820 = tpu.memref_slice %arg41[%add3A_1819] : memref<264192xf32, #tpu.memory_space<vmem_shared>> -> memref<2048xf32, #tpu.memory_space<vmem_shared>>
      %dma_start3A_1821 = tpu.memref_slice %arg41[%add3A_1819] : memref<264192xf32, #tpu.memory_space<vmem_shared>> -> memref<2048xf32, #tpu.memory_space<vmem_shared>>
      tpu.enqueue_dma source(%arg16 : memref<2048xf32, #tpu.memory_space<vmem>>) target(%dma_start3A_1821 : memref<2048xf32, #tpu.memory_space<vmem_shared>>) target_semaphore(%arg33 : memref<!tpu.dma_semaphore, #tpu.memory_space<semaphore_mem>>)
      %mul3A_1822 = arith.constant 16384 : i32
      %mul3A_1823 = arith.muli %arg1, %mul3A_1822 : i32
      %mul3A_1824 = arith.constant 2048 : i32
      %mul3A_1825 = arith.muli %add3A_1731, %mul3A_1824 : i32
      %add3A_1826 = arith.addi %mul3A_1823, %mul3A_1825 : i32
      %dma_start3A_1827 = tpu.memref_slice %arg42[%add3A_1826] : memref<264192xf32, #tpu.memory_space<vmem_shared>> -> memref<2048xf32, #tpu.memory_space<vmem_shared>>
      %dma_start3A_1828 = tpu.memref_slice %arg42[%add3A_1826] : memref<264192xf32, #tpu.memory_space<vmem_shared>> -> memref<2048xf32, #tpu.memory_space<vmem_shared>>
      tpu.enqueue_dma source(%arg16 : memref<2048xf32, #tpu.memory_space<vmem>>) target(%dma_start3A_1828 : memref<2048xf32, #tpu.memory_space<vmem_shared>>) target_semaphore(%arg33 : memref<!tpu.dma_semaphore, #tpu.memory_space<semaphore_mem>>)
      %scan3A_1829 = arith.constant 0 : i32
      scf.yield %scan3A_1829 : i32
    }
    %scan3A_819 = arith.constant 4 : i32
    %mul3A_820 = arith.constant 16384 : i32
    %mul3A_821 = arith.muli %arg1, %mul3A_820 : i32
    %add3A_822 = arith.constant 12288 : i32
    %add3A_823 = arith.addi %mul3A_821, %add3A_822 : i32
    %mul3A_824 = arith.constant 3 : i32
    %mul3A_825 = arith.muli %add3A_59, %mul3A_824 : i32
    %add3A_826 = arith.constant 0 : i32
    %add3A_827 = arith.addi %mul3A_825, %add3A_826 : i32
    %mul3A_828 = arith.constant 262144 : i32
    %mul3A_829 = arith.muli %add3A_827, %mul3A_828 : i32
    %add3A_830 = arith.addi %mul3A_829, %add3A_823 : i32
    %dma_wait3A_831 = tpu.memref_slice %arg3[%add3A_830] : memref<3145728xf32, #tpu.memory_space<hbm>> -> memref<2048xf32, #tpu.memory_space<hbm>>
    %dma_wait3A_832 = tpu.memref_slice %arg3[%add3A_830] : memref<3145728xf32, #tpu.memory_space<hbm>> -> memref<2048xf32, #tpu.memory_space<hbm>>
    tpu.wait_dma2 semaphore(%arg37 : memref<!tpu.dma_semaphore, #tpu.memory_space<semaphore_mem>>) src(%arg21 : memref<2048xf32, #tpu.memory_space<vmem>>) dst(%dma_wait3A_832 : memref<2048xf32, #tpu.memory_space<hbm>>)
    %mul3A_833 = arith.constant 3 : i32
    %mul3A_834 = arith.muli %add3A_59, %mul3A_833 : i32
    %add3A_835 = arith.constant 1 : i32
    %add3A_836 = arith.addi %mul3A_834, %add3A_835 : i32
    %mul3A_837 = arith.constant 262144 : i32
    %mul3A_838 = arith.muli %add3A_836, %mul3A_837 : i32
    %add3A_839 = arith.addi %mul3A_838, %add3A_823 : i32
    %dma_wait3A_840 = tpu.memref_slice %arg3[%add3A_839] : memref<3145728xf32, #tpu.memory_space<hbm>> -> memref<2048xf32, #tpu.memory_space<hbm>>
    %dma_wait3A_841 = tpu.memref_slice %arg3[%add3A_839] : memref<3145728xf32, #tpu.memory_space<hbm>> -> memref<2048xf32, #tpu.memory_space<hbm>>
    tpu.wait_dma2 semaphore(%arg37 : memref<!tpu.dma_semaphore, #tpu.memory_space<semaphore_mem>>) src(%arg22 : memref<2048xf32, #tpu.memory_space<vmem>>) dst(%dma_wait3A_841 : memref<2048xf32, #tpu.memory_space<hbm>>)
    %mul3A_842 = arith.constant 3 : i32
    %mul3A_843 = arith.muli %add3A_59, %mul3A_842 : i32
    %add3A_844 = arith.constant 2 : i32
    %add3A_845 = arith.addi %mul3A_843, %add3A_844 : i32
    %mul3A_846 = arith.constant 262144 : i32
    %mul3A_847 = arith.muli %add3A_845, %mul3A_846 : i32
    %add3A_848 = arith.addi %mul3A_847, %add3A_823 : i32
    %dma_wait3A_849 = tpu.memref_slice %arg3[%add3A_848] : memref<3145728xf32, #tpu.memory_space<hbm>> -> memref<2048xf32, #tpu.memory_space<hbm>>
    %dma_wait3A_850 = tpu.memref_slice %arg3[%add3A_848] : memref<3145728xf32, #tpu.memory_space<hbm>> -> memref<2048xf32, #tpu.memory_space<hbm>>
    tpu.wait_dma2 semaphore(%arg37 : memref<!tpu.dma_semaphore, #tpu.memory_space<semaphore_mem>>) src(%arg23 : memref<2048xf32, #tpu.memory_space<vmem>>) dst(%dma_wait3A_850 : memref<2048xf32, #tpu.memory_space<hbm>>)
    %mul3A_851 = arith.constant 16384 : i32
    %mul3A_852 = arith.muli %arg1, %mul3A_851 : i32
    %add3A_853 = arith.constant 14336 : i32
    %add3A_854 = arith.addi %mul3A_852, %add3A_853 : i32
    %mul3A_855 = arith.constant 3 : i32
    %mul3A_856 = arith.muli %add3A_59, %mul3A_855 : i32
    %add3A_857 = arith.constant 0 : i32
    %add3A_858 = arith.addi %mul3A_856, %add3A_857 : i32
    %mul3A_859 = arith.constant 262144 : i32
    %mul3A_860 = arith.muli %add3A_858, %mul3A_859 : i32
    %add3A_861 = arith.addi %mul3A_860, %add3A_854 : i32
    %dma_wait3A_862 = tpu.memref_slice %arg3[%add3A_861] : memref<3145728xf32, #tpu.memory_space<hbm>> -> memref<2048xf32, #tpu.memory_space<hbm>>
    %dma_wait3A_863 = tpu.memref_slice %arg3[%add3A_861] : memref<3145728xf32, #tpu.memory_space<hbm>> -> memref<2048xf32, #tpu.memory_space<hbm>>
    tpu.wait_dma2 semaphore(%arg38 : memref<!tpu.dma_semaphore, #tpu.memory_space<semaphore_mem>>) src(%arg28 : memref<2048xf32, #tpu.memory_space<vmem>>) dst(%dma_wait3A_863 : memref<2048xf32, #tpu.memory_space<hbm>>)
    %mul3A_864 = arith.constant 3 : i32
    %mul3A_865 = arith.muli %add3A_59, %mul3A_864 : i32
    %add3A_866 = arith.constant 1 : i32
    %add3A_867 = arith.addi %mul3A_865, %add3A_866 : i32
    %mul3A_868 = arith.constant 262144 : i32
    %mul3A_869 = arith.muli %add3A_867, %mul3A_868 : i32
    %add3A_870 = arith.addi %mul3A_869, %add3A_854 : i32
    %dma_wait3A_871 = tpu.memref_slice %arg3[%add3A_870] : memref<3145728xf32, #tpu.memory_space<hbm>> -> memref<2048xf32, #tpu.memory_space<hbm>>
    %dma_wait3A_872 = tpu.memref_slice %arg3[%add3A_870] : memref<3145728xf32, #tpu.memory_space<hbm>> -> memref<2048xf32, #tpu.memory_space<hbm>>
    tpu.wait_dma2 semaphore(%arg38 : memref<!tpu.dma_semaphore, #tpu.memory_space<semaphore_mem>>) src(%arg29 : memref<2048xf32, #tpu.memory_space<vmem>>) dst(%dma_wait3A_872 : memref<2048xf32, #tpu.memory_space<hbm>>)
    %mul3A_873 = arith.constant 3 : i32
    %mul3A_874 = arith.muli %add3A_59, %mul3A_873 : i32
    %add3A_875 = arith.constant 2 : i32
    %add3A_876 = arith.addi %mul3A_874, %add3A_875 : i32
    %mul3A_877 = arith.constant 262144 : i32
    %mul3A_878 = arith.muli %add3A_876, %mul3A_877 : i32
    %add3A_879 = arith.addi %mul3A_878, %add3A_854 : i32
    %dma_wait3A_880 = tpu.memref_slice %arg3[%add3A_879] : memref<3145728xf32, #tpu.memory_space<hbm>> -> memref<2048xf32, #tpu.memory_space<hbm>>
    %dma_wait3A_881 = tpu.memref_slice %arg3[%add3A_879] : memref<3145728xf32, #tpu.memory_space<hbm>> -> memref<2048xf32, #tpu.memory_space<hbm>>
    tpu.wait_dma2 semaphore(%arg38 : memref<!tpu.dma_semaphore, #tpu.memory_space<semaphore_mem>>) src(%arg30 : memref<2048xf32, #tpu.memory_space<vmem>>) dst(%dma_wait3A_881 : memref<2048xf32, #tpu.memory_space<hbm>>)
    %mul3A_882 = arith.constant 2 : i32
    %mul3A_883 = arith.muli %arg0, %mul3A_882 : i32
    %add3A_884 = arith.constant 1 : i32
    %add3A_885 = arith.addi %mul3A_883, %add3A_884 : i32
    %mul3A_886 = arith.constant 6272 : i32
    %mul3A_887 = arith.muli %arg1, %mul3A_886 : i32
    %mul3A_888 = arith.constant 3 : i32
    %mul3A_889 = arith.muli %add3A_885, %mul3A_888 : i32
    %add3A_890 = arith.constant 0 : i32
    %add3A_891 = arith.addi %mul3A_889, %add3A_890 : i32
    %mul3A_892 = arith.constant 100352 : i32
    %mul3A_893 = arith.muli %add3A_891, %mul3A_892 : i32
    %add3A_894 = arith.addi %mul3A_893, %mul3A_887 : i32
    %dma_wait3A_895 = tpu.memref_slice %arg2[%add3A_894] : memref<1204224xf32, #tpu.memory_space<hbm>> -> memref<6272xf32, #tpu.memory_space<hbm>>
    %dma_wait3A_896 = tpu.memref_slice %arg2[%add3A_894] : memref<1204224xf32, #tpu.memory_space<hbm>> -> memref<6272xf32, #tpu.memory_space<hbm>>
    tpu.wait_dma2 semaphore(%arg34 : memref<!tpu.dma_semaphore, #tpu.memory_space<semaphore_mem>>) src(%dma_wait3A_896 : memref<6272xf32, #tpu.memory_space<hbm>>) dst(%arg4 : memref<6272xf32, #tpu.memory_space<vmem>>)
    %mul3A_897 = arith.constant 3 : i32
    %mul3A_898 = arith.muli %add3A_885, %mul3A_897 : i32
    %add3A_899 = arith.constant 1 : i32
    %add3A_900 = arith.addi %mul3A_898, %add3A_899 : i32
    %mul3A_901 = arith.constant 100352 : i32
    %mul3A_902 = arith.muli %add3A_900, %mul3A_901 : i32
    %add3A_903 = arith.addi %mul3A_902, %mul3A_887 : i32
    %dma_wait3A_904 = tpu.memref_slice %arg2[%add3A_903] : memref<1204224xf32, #tpu.memory_space<hbm>> -> memref<6272xf32, #tpu.memory_space<hbm>>
    %dma_wait3A_905 = tpu.memref_slice %arg2[%add3A_903] : memref<1204224xf32, #tpu.memory_space<hbm>> -> memref<6272xf32, #tpu.memory_space<hbm>>
    tpu.wait_dma2 semaphore(%arg34 : memref<!tpu.dma_semaphore, #tpu.memory_space<semaphore_mem>>) src(%dma_wait3A_905 : memref<6272xf32, #tpu.memory_space<hbm>>) dst(%arg5 : memref<6272xf32, #tpu.memory_space<vmem>>)
    %mul3A_906 = arith.constant 3 : i32
    %mul3A_907 = arith.muli %add3A_885, %mul3A_906 : i32
    %add3A_908 = arith.constant 2 : i32
    %add3A_909 = arith.addi %mul3A_907, %add3A_908 : i32
    %mul3A_910 = arith.constant 100352 : i32
    %mul3A_911 = arith.muli %add3A_909, %mul3A_910 : i32
    %add3A_912 = arith.addi %mul3A_911, %mul3A_887 : i32
    %dma_wait3A_913 = tpu.memref_slice %arg2[%add3A_912] : memref<1204224xf32, #tpu.memory_space<hbm>> -> memref<6272xf32, #tpu.memory_space<hbm>>
    %dma_wait3A_914 = tpu.memref_slice %arg2[%add3A_912] : memref<1204224xf32, #tpu.memory_space<hbm>> -> memref<6272xf32, #tpu.memory_space<hbm>>
    tpu.wait_dma2 semaphore(%arg34 : memref<!tpu.dma_semaphore, #tpu.memory_space<semaphore_mem>>) src(%dma_wait3A_914 : memref<6272xf32, #tpu.memory_space<hbm>>) dst(%arg6 : memref<6272xf32, #tpu.memory_space<vmem>>)
    %mul3A_915 = arith.constant 16384 : i32
    %mul3A_916 = arith.muli %arg1, %mul3A_915 : i32
    %add3A_917 = arith.constant 14336 : i32
    %add3A_918 = arith.addi %mul3A_916, %add3A_917 : i32
    %dma_wait3A_919 = tpu.memref_slice %arg39[%add3A_918] : memref<264192xf32, #tpu.memory_space<vmem_shared>> -> memref<2048xf32, #tpu.memory_space<vmem_shared>>
    %dma_wait3A_920 = tpu.memref_slice %arg39[%add3A_918] : memref<264192xf32, #tpu.memory_space<vmem_shared>> -> memref<2048xf32, #tpu.memory_space<vmem_shared>>
    tpu.wait_dma2 semaphore(%arg33 : memref<!tpu.dma_semaphore, #tpu.memory_space<semaphore_mem>>) src(%arg16 : memref<2048xf32, #tpu.memory_space<vmem>>) dst(%dma_wait3A_920 : memref<2048xf32, #tpu.memory_space<vmem_shared>>)
    %mul3A_921 = arith.constant 16384 : i32
    %mul3A_922 = arith.muli %arg1, %mul3A_921 : i32
    %add3A_923 = arith.constant 14336 : i32
    %add3A_924 = arith.addi %mul3A_922, %add3A_923 : i32
    %dma_wait3A_925 = tpu.memref_slice %arg40[%add3A_924] : memref<264192xf32, #tpu.memory_space<vmem_shared>> -> memref<2048xf32, #tpu.memory_space<vmem_shared>>
    %dma_wait3A_926 = tpu.memref_slice %arg40[%add3A_924] : memref<264192xf32, #tpu.memory_space<vmem_shared>> -> memref<2048xf32, #tpu.memory_space<vmem_shared>>
    tpu.wait_dma2 semaphore(%arg33 : memref<!tpu.dma_semaphore, #tpu.memory_space<semaphore_mem>>) src(%arg16 : memref<2048xf32, #tpu.memory_space<vmem>>) dst(%dma_wait3A_926 : memref<2048xf32, #tpu.memory_space<vmem_shared>>)
    %mul3A_927 = arith.constant 16384 : i32
    %mul3A_928 = arith.muli %arg1, %mul3A_927 : i32
    %add3A_929 = arith.constant 14336 : i32
    %add3A_930 = arith.addi %mul3A_928, %add3A_929 : i32
    %dma_wait3A_931 = tpu.memref_slice %arg41[%add3A_930] : memref<264192xf32, #tpu.memory_space<vmem_shared>> -> memref<2048xf32, #tpu.memory_space<vmem_shared>>
    %dma_wait3A_932 = tpu.memref_slice %arg41[%add3A_930] : memref<264192xf32, #tpu.memory_space<vmem_shared>> -> memref<2048xf32, #tpu.memory_space<vmem_shared>>
    tpu.wait_dma2 semaphore(%arg33 : memref<!tpu.dma_semaphore, #tpu.memory_space<semaphore_mem>>) src(%arg16 : memref<2048xf32, #tpu.memory_space<vmem>>) dst(%dma_wait3A_932 : memref<2048xf32, #tpu.memory_space<vmem_shared>>)
    %mul3A_933 = arith.constant 16384 : i32
    %mul3A_934 = arith.muli %arg1, %mul3A_933 : i32
    %add3A_935 = arith.constant 14336 : i32
    %add3A_936 = arith.addi %mul3A_934, %add3A_935 : i32
    %dma_wait3A_937 = tpu.memref_slice %arg42[%add3A_936] : memref<264192xf32, #tpu.memory_space<vmem_shared>> -> memref<2048xf32, #tpu.memory_space<vmem_shared>>
    %dma_wait3A_938 = tpu.memref_slice %arg42[%add3A_936] : memref<264192xf32, #tpu.memory_space<vmem_shared>> -> memref<2048xf32, #tpu.memory_space<vmem_shared>>
    tpu.wait_dma2 semaphore(%arg33 : memref<!tpu.dma_semaphore, #tpu.memory_space<semaphore_mem>>) src(%arg16 : memref<2048xf32, #tpu.memory_space<vmem>>) dst(%dma_wait3A_938 : memref<2048xf32, #tpu.memory_space<vmem_shared>>)
    %barrier3A_939 = arith.constant 0 : index
    tpu.barrier barrier_id(%barrier3A_939)
    %broadcast_in_dim3A_940 = arith.constant 5.000000e-01 : f32
    %broadcast_in_dim3A_941 = vector.broadcast %broadcast_in_dim3A_940 : f32 to vector<16xf32>
    %broadcast_in_dim3A_942 = arith.constant 6.400000e+01 : f32
    %broadcast_in_dim3A_943 = vector.broadcast %broadcast_in_dim3A_942 : f32 to vector<16xf32>
    %broadcast_in_dim3A_944 = arith.constant 0 : i32
    %broadcast_in_dim3A_945 = vector.broadcast %broadcast_in_dim3A_944 : i32 to vector<16xi32>
    %broadcast_in_dim3A_946 = arith.constant 63 : i32
    %broadcast_in_dim3A_947 = vector.broadcast %broadcast_in_dim3A_946 : i32 to vector<16xi32>
    %broadcast_in_dim3A_948 = arith.constant 1 : i32
    %broadcast_in_dim3A_949 = vector.broadcast %broadcast_in_dim3A_948 : i32 to vector<16xi32>
    %get3A_950 = arith.constant 0 : index
    %get3A_951 = tpu.vector_load %arg4[%get3A_950] {strides = array<i32>} : memref<6272xf32, #tpu.memory_space<vmem>>, vector<16xf32>,
    %get3A_952 = vector.shape_cast %get3A_951 : vector<16xf32> to vector<16xf32>
    %add3A_953 = arith.addf %get3A_952, %broadcast_in_dim3A_941 : vector<16xf32>
    %mul3A_954 = arith.mulf %add3A_953, %broadcast_in_dim3A_943 : vector<16xf32>
    %sub3A_955 = arith.subf %mul3A_954, %broadcast_in_dim3A_941 : vector<16xf32>
    %convert_element_type3A_956 = arith.fptosi %sub3A_955 : vector<16xf32> to vector<16xi32>
    %convert_element_type3A_957 = arith.sitofp %convert_element_type3A_956 : vector<16xi32> to vector<16xf32>
    %gt3A_958 = arith.cmpf ogt, %sub3A_955, %convert_element_type3A_957 : vector<16xf32>
    %select_n3A_959 = arith.select %gt3A_958, %broadcast_in_dim3A_949, %broadcast_in_dim3A_945 : vector<16xi1>, vector<16xi32>
    %add3A_960 = arith.addi %convert_element_type3A_956, %select_n3A_959 : vector<16xi32>
    %max3A_961 = arith.maxsi %convert_element_type3A_956, %broadcast_in_dim3A_945 : vector<16xi32>
    %min3A_962 = arith.minsi %max3A_961, %broadcast_in_dim3A_947 : vector<16xi32>
    %max3A_963 = arith.maxsi %add3A_960, %broadcast_in_dim3A_945 : vector<16xi32>
    %min3A_964 = arith.minsi %max3A_963, %broadcast_in_dim3A_947 : vector<16xi32>
    %convert_element_type3A_965 = arith.sitofp %min3A_962 : vector<16xi32> to vector<16xf32>
    %sub3A_966 = arith.subf %sub3A_955, %convert_element_type3A_965 : vector<16xf32>
    %convert_element_type3A_967 = arith.sitofp %min3A_964 : vector<16xi32> to vector<16xf32>
    %sub3A_968 = arith.subf %sub3A_955, %convert_element_type3A_967 : vector<16xf32>
    %mul3A_969 = arith.mulf %sub3A_966, %sub3A_966 : vector<16xf32>
    %mul3A_970 = arith.mulf %sub3A_968, %sub3A_968 : vector<16xf32>
    %get3A_971 = arith.constant 0 : index
    %get3A_972 = tpu.vector_load %arg5[%get3A_971] {strides = array<i32>} : memref<6272xf32, #tpu.memory_space<vmem>>, vector<16xf32>,
    %get3A_973 = vector.shape_cast %get3A_972 : vector<16xf32> to vector<16xf32>
    %add3A_974 = arith.addf %get3A_973, %broadcast_in_dim3A_941 : vector<16xf32>
    %mul3A_975 = arith.mulf %add3A_974, %broadcast_in_dim3A_943 : vector<16xf32>
    %sub3A_976 = arith.subf %mul3A_975, %broadcast_in_dim3A_941 : vector<16xf32>
    %convert_element_type3A_977 = arith.fptosi %sub3A_976 : vector<16xf32> to vector<16xi32>
    %convert_element_type3A_978 = arith.sitofp %convert_element_type3A_977 : vector<16xi32> to vector<16xf32>
    %gt3A_979 = arith.cmpf ogt, %sub3A_976, %convert_element_type3A_978 : vector<16xf32>
    %select_n3A_980 = arith.select %gt3A_979, %broadcast_in_dim3A_949, %broadcast_in_dim3A_945 : vector<16xi1>, vector<16xi32>
    %add3A_981 = arith.addi %convert_element_type3A_977, %select_n3A_980 : vector<16xi32>
    %max3A_982 = arith.maxsi %convert_element_type3A_977, %broadcast_in_dim3A_945 : vector<16xi32>
    %min3A_983 = arith.minsi %max3A_982, %broadcast_in_dim3A_947 : vector<16xi32>
    %max3A_984 = arith.maxsi %add3A_981, %broadcast_in_dim3A_945 : vector<16xi32>
    %min3A_985 = arith.minsi %max3A_984, %broadcast_in_dim3A_947 : vector<16xi32>
    %convert_element_type3A_986 = arith.sitofp %min3A_983 : vector<16xi32> to vector<16xf32>
    %sub3A_987 = arith.subf %sub3A_976, %convert_element_type3A_986 : vector<16xf32>
    %convert_element_type3A_988 = arith.sitofp %min3A_985 : vector<16xi32> to vector<16xf32>
    %sub3A_989 = arith.subf %sub3A_976, %convert_element_type3A_988 : vector<16xf32>
    %mul3A_990 = arith.mulf %sub3A_987, %sub3A_987 : vector<16xf32>
    %mul3A_991 = arith.mulf %sub3A_989, %sub3A_989 : vector<16xf32>
    %get3A_992 = arith.constant 0 : index
    %get3A_993 = tpu.vector_load %arg6[%get3A_992] {strides = array<i32>} : memref<6272xf32, #tpu.memory_space<vmem>>, vector<16xf32>,
    %get3A_994 = vector.shape_cast %get3A_993 : vector<16xf32> to vector<16xf32>
    %add3A_995 = arith.addf %get3A_994, %broadcast_in_dim3A_941 : vector<16xf32>
    %mul3A_996 = arith.mulf %add3A_995, %broadcast_in_dim3A_943 : vector<16xf32>
    %sub3A_997 = arith.subf %mul3A_996, %broadcast_in_dim3A_941 : vector<16xf32>
    %convert_element_type3A_998 = arith.fptosi %sub3A_997 : vector<16xf32> to vector<16xi32>
    %convert_element_type3A_999 = arith.sitofp %convert_element_type3A_998 : vector<16xi32> to vector<16xf32>
    %gt3A_1000 = arith.cmpf ogt, %sub3A_997, %convert_element_type3A_999 : vector<16xf32>
    %select_n3A_1001 = arith.select %gt3A_1000, %broadcast_in_dim3A_949, %broadcast_in_dim3A_945 : vector<16xi1>, vector<16xi32>
    %add3A_1002 = arith.addi %convert_element_type3A_998, %select_n3A_1001 : vector<16xi32>
    %max3A_1003 = arith.maxsi %convert_element_type3A_998, %broadcast_in_dim3A_945 : vector<16xi32>
    %min3A_1004 = arith.minsi %max3A_1003, %broadcast_in_dim3A_947 : vector<16xi32>
    %max3A_1005 = arith.maxsi %add3A_1002, %broadcast_in_dim3A_945 : vector<16xi32>
    %min3A_1006 = arith.minsi %max3A_1005, %broadcast_in_dim3A_947 : vector<16xi32>
    %convert_element_type3A_1007 = arith.sitofp %min3A_1004 : vector<16xi32> to vector<16xf32>
    %sub3A_1008 = arith.subf %sub3A_997, %convert_element_type3A_1007 : vector<16xf32>
    %convert_element_type3A_1009 = arith.sitofp %min3A_1006 : vector<16xi32> to vector<16xf32>
    %sub3A_1010 = arith.subf %sub3A_997, %convert_element_type3A_1009 : vector<16xf32>
    %mul3A_1011 = arith.mulf %sub3A_1008, %sub3A_1008 : vector<16xf32>
    %mul3A_1012 = arith.mulf %sub3A_1010, %sub3A_1010 : vector<16xf32>
    %broadcast_in_dim3A_1013 = arith.constant 12 : i32
    %broadcast_in_dim3A_1014 = vector.broadcast %broadcast_in_dim3A_1013 : i32 to vector<16xi32>
    %broadcast_in_dim3A_1015 = arith.constant 6 : i32
    %broadcast_in_dim3A_1016 = vector.broadcast %broadcast_in_dim3A_1015 : i32 to vector<16xi32>
    %shift_left3A_1017 = arith.shli %min3A_962, %broadcast_in_dim3A_1014 : vector<16xi32>
    %shift_left3A_1018 = arith.shli %min3A_964, %broadcast_in_dim3A_1014 : vector<16xi32>
    %shift_left3A_1019 = arith.shli %min3A_983, %broadcast_in_dim3A_1016 : vector<16xi32>
    %shift_left3A_1020 = arith.shli %min3A_985, %broadcast_in_dim3A_1016 : vector<16xi32>
    %broadcast_in_dim3A_1021 = arith.constant 7.569000e-01 : f32
    %broadcast_in_dim3A_1022 = vector.broadcast %broadcast_in_dim3A_1021 : f32 to vector<16xf32>
    %add3A_1023 = arith.addf %mul3A_969, %mul3A_990 : vector<16xf32>
    %add3A_1024 = arith.addf %add3A_1023, %mul3A_1011 : vector<16xf32>
    %add3A_1025 = arith.addi %shift_left3A_1017, %shift_left3A_1019 : vector<16xi32>
    %add3A_1026 = arith.addi %add3A_1025, %min3A_1004 : vector<16xi32>
    %lt3A_1027 = arith.cmpf olt, %add3A_1024, %broadcast_in_dim3A_1022 : vector<16xf32>
    %broadcast_in_dim3A_1028 = arith.constant 0 : i32
    %broadcast_in_dim3A_1029 = vector.broadcast %broadcast_in_dim3A_1028 : i32 to vector<16xi32>
    %add3A_1030 = arith.addi %add3A_55, %broadcast_in_dim3A_1029 : vector<16xi32>
    %select_n3A_1031 = arith.select %lt3A_1027, %add3A_1026, %add3A_1030 : vector<16xi1>, vector<16xi32>
    %swap3A_1032 = arith.constant 0 : index
    %swap3A_1033 = tpu.vector_load %arg7[%swap3A_1032] {strides = array<i32>} : memref<128xi32, #tpu.memory_space<vmem>>, vector<16xi32>,
    %swap3A_1034 = vector.shape_cast %swap3A_1033 : vector<16xi32> to vector<16xi32>
    %swap3A_1035 = vector.shape_cast %select_n3A_1031 : vector<16xi32> to vector<16xi32>
    tpu.vector_store %arg7[%swap3A_1032], %swap3A_1035 {strides = array<i32>} : memref<128xi32, #tpu.memory_space<vmem>>, vector<16xi32>,
    %swap3A_1036 = arith.constant 0 : index
    %swap3A_1037 = tpu.vector_load %arg8[%swap3A_1036] {strides = array<i32>} : memref<128xf32, #tpu.memory_space<vmem>>, vector<16xf32>,
    %swap3A_1038 = vector.shape_cast %swap3A_1037 : vector<16xf32> to vector<16xf32>
    %swap3A_1039 = vector.shape_cast %sub3A_966 : vector<16xf32> to vector<16xf32>
    tpu.vector_store %arg8[%swap3A_1036], %swap3A_1039 {strides = array<i32>} : memref<128xf32, #tpu.memory_space<vmem>>, vector<16xf32>,
    %swap3A_1040 = arith.constant 0 : index
    %swap3A_1041 = tpu.vector_load %arg9[%swap3A_1040] {strides = array<i32>} : memref<128xf32, #tpu.memory_space<vmem>>, vector<16xf32>,
    %swap3A_1042 = vector.shape_cast %swap3A_1041 : vector<16xf32> to vector<16xf32>
    %swap3A_1043 = vector.shape_cast %sub3A_987 : vector<16xf32> to vector<16xf32>
    tpu.vector_store %arg9[%swap3A_1040], %swap3A_1043 {strides = array<i32>} : memref<128xf32, #tpu.memory_space<vmem>>, vector<16xf32>,
    %swap3A_1044 = arith.constant 0 : index
    %swap3A_1045 = tpu.vector_load %arg10[%swap3A_1044] {strides = array<i32>} : memref<128xf32, #tpu.memory_space<vmem>>, vector<16xf32>,
    %swap3A_1046 = vector.shape_cast %swap3A_1045 : vector<16xf32> to vector<16xf32>
    %swap3A_1047 = vector.shape_cast %sub3A_1008 : vector<16xf32> to vector<16xf32>
    tpu.vector_store %arg10[%swap3A_1044], %swap3A_1047 {strides = array<i32>} : memref<128xf32, #tpu.memory_space<vmem>>, vector<16xf32>,
    %add3A_1048 = arith.addf %mul3A_969, %mul3A_990 : vector<16xf32>
    %add3A_1049 = arith.addf %add3A_1048, %mul3A_1012 : vector<16xf32>
    %add3A_1050 = arith.addi %shift_left3A_1017, %shift_left3A_1019 : vector<16xi32>
    %add3A_1051 = arith.addi %add3A_1050, %min3A_1006 : vector<16xi32>
    %lt3A_1052 = arith.cmpf olt, %add3A_1049, %broadcast_in_dim3A_1022 : vector<16xf32>
    %broadcast_in_dim3A_1053 = arith.constant 16 : i32
    %broadcast_in_dim3A_1054 = vector.broadcast %broadcast_in_dim3A_1053 : i32 to vector<16xi32>
    %add3A_1055 = arith.addi %add3A_55, %broadcast_in_dim3A_1054 : vector<16xi32>
    %select_n3A_1056 = arith.select %lt3A_1052, %add3A_1051, %add3A_1055 : vector<16xi1>, vector<16xi32>
    %swap3A_1057 = arith.constant 16 : index
    %swap3A_1058 = tpu.vector_load %arg7[%swap3A_1057] {strides = array<i32>} : memref<128xi32, #tpu.memory_space<vmem>>, vector<16xi32>,
    %swap3A_1059 = vector.shape_cast %swap3A_1058 : vector<16xi32> to vector<16xi32>
    %swap3A_1060 = vector.shape_cast %select_n3A_1056 : vector<16xi32> to vector<16xi32>
    tpu.vector_store %arg7[%swap3A_1057], %swap3A_1060 {strides = array<i32>} : memref<128xi32, #tpu.memory_space<vmem>>, vector<16xi32>,
    %swap3A_1061 = arith.constant 16 : index
    %swap3A_1062 = tpu.vector_load %arg8[%swap3A_1061] {strides = array<i32>} : memref<128xf32, #tpu.memory_space<vmem>>, vector<16xf32>,
    %swap3A_1063 = vector.shape_cast %swap3A_1062 : vector<16xf32> to vector<16xf32>
    %swap3A_1064 = vector.shape_cast %sub3A_966 : vector<16xf32> to vector<16xf32>
    tpu.vector_store %arg8[%swap3A_1061], %swap3A_1064 {strides = array<i32>} : memref<128xf32, #tpu.memory_space<vmem>>, vector<16xf32>,
    %swap3A_1065 = arith.constant 16 : index
    %swap3A_1066 = tpu.vector_load %arg9[%swap3A_1065] {strides = array<i32>} : memref<128xf32, #tpu.memory_space<vmem>>, vector<16xf32>,
    %swap3A_1067 = vector.shape_cast %swap3A_1066 : vector<16xf32> to vector<16xf32>
    %swap3A_1068 = vector.shape_cast %sub3A_987 : vector<16xf32> to vector<16xf32>
    tpu.vector_store %arg9[%swap3A_1065], %swap3A_1068 {strides = array<i32>} : memref<128xf32, #tpu.memory_space<vmem>>, vector<16xf32>,
    %swap3A_1069 = arith.constant 16 : index
    %swap3A_1070 = tpu.vector_load %arg10[%swap3A_1069] {strides = array<i32>} : memref<128xf32, #tpu.memory_space<vmem>>, vector<16xf32>,
    %swap3A_1071 = vector.shape_cast %swap3A_1070 : vector<16xf32> to vector<16xf32>
    %swap3A_1072 = vector.shape_cast %sub3A_1010 : vector<16xf32> to vector<16xf32>
    tpu.vector_store %arg10[%swap3A_1069], %swap3A_1072 {strides = array<i32>} : memref<128xf32, #tpu.memory_space<vmem>>, vector<16xf32>,
    %add3A_1073 = arith.addf %mul3A_969, %mul3A_991 : vector<16xf32>
    %add3A_1074 = arith.addf %add3A_1073, %mul3A_1011 : vector<16xf32>
    %add3A_1075 = arith.addi %shift_left3A_1017, %shift_left3A_1020 : vector<16xi32>
    %add3A_1076 = arith.addi %add3A_1075, %min3A_1004 : vector<16xi32>
    %lt3A_1077 = arith.cmpf olt, %add3A_1074, %broadcast_in_dim3A_1022 : vector<16xf32>
    %broadcast_in_dim3A_1078 = arith.constant 32 : i32
    %broadcast_in_dim3A_1079 = vector.broadcast %broadcast_in_dim3A_1078 : i32 to vector<16xi32>
    %add3A_1080 = arith.addi %add3A_55, %broadcast_in_dim3A_1079 : vector<16xi32>
    %select_n3A_1081 = arith.select %lt3A_1077, %add3A_1076, %add3A_1080 : vector<16xi1>, vector<16xi32>
    %swap3A_1082 = arith.constant 32 : index
    %swap3A_1083 = tpu.vector_load %arg7[%swap3A_1082] {strides = array<i32>} : memref<128xi32, #tpu.memory_space<vmem>>, vector<16xi32>,
    %swap3A_1084 = vector.shape_cast %swap3A_1083 : vector<16xi32> to vector<16xi32>
    %swap3A_1085 = vector.shape_cast %select_n3A_1081 : vector<16xi32> to vector<16xi32>
    tpu.vector_store %arg7[%swap3A_1082], %swap3A_1085 {strides = array<i32>} : memref<128xi32, #tpu.memory_space<vmem>>, vector<16xi32>,
    %swap3A_1086 = arith.constant 32 : index
    %swap3A_1087 = tpu.vector_load %arg8[%swap3A_1086] {strides = array<i32>} : memref<128xf32, #tpu.memory_space<vmem>>, vector<16xf32>,
    %swap3A_1088 = vector.shape_cast %swap3A_1087 : vector<16xf32> to vector<16xf32>
    %swap3A_1089 = vector.shape_cast %sub3A_966 : vector<16xf32> to vector<16xf32>
    tpu.vector_store %arg8[%swap3A_1086], %swap3A_1089 {strides = array<i32>} : memref<128xf32, #tpu.memory_space<vmem>>, vector<16xf32>,
    %swap3A_1090 = arith.constant 32 : index
    %swap3A_1091 = tpu.vector_load %arg9[%swap3A_1090] {strides = array<i32>} : memref<128xf32, #tpu.memory_space<vmem>>, vector<16xf32>,
    %swap3A_1092 = vector.shape_cast %swap3A_1091 : vector<16xf32> to vector<16xf32>
    %swap3A_1093 = vector.shape_cast %sub3A_989 : vector<16xf32> to vector<16xf32>
    tpu.vector_store %arg9[%swap3A_1090], %swap3A_1093 {strides = array<i32>} : memref<128xf32, #tpu.memory_space<vmem>>, vector<16xf32>,
    %swap3A_1094 = arith.constant 32 : index
    %swap3A_1095 = tpu.vector_load %arg10[%swap3A_1094] {strides = array<i32>} : memref<128xf32, #tpu.memory_space<vmem>>, vector<16xf32>,
    %swap3A_1096 = vector.shape_cast %swap3A_1095 : vector<16xf32> to vector<16xf32>
    %swap3A_1097 = vector.shape_cast %sub3A_1008 : vector<16xf32> to vector<16xf32>
    tpu.vector_store %arg10[%swap3A_1094], %swap3A_1097 {strides = array<i32>} : memref<128xf32, #tpu.memory_space<vmem>>, vector<16xf32>,
    %add3A_1098 = arith.addf %mul3A_969, %mul3A_991 : vector<16xf32>
    %add3A_1099 = arith.addf %add3A_1098, %mul3A_1012 : vector<16xf32>
    %add3A_1100 = arith.addi %shift_left3A_1017, %shift_left3A_1020 : vector<16xi32>
    %add3A_1101 = arith.addi %add3A_1100, %min3A_1006 : vector<16xi32>
    %lt3A_1102 = arith.cmpf olt, %add3A_1099, %broadcast_in_dim3A_1022 : vector<16xf32>
    %broadcast_in_dim3A_1103 = arith.constant 48 : i32
    %broadcast_in_dim3A_1104 = vector.broadcast %broadcast_in_dim3A_1103 : i32 to vector<16xi32>
    %add3A_1105 = arith.addi %add3A_55, %broadcast_in_dim3A_1104 : vector<16xi32>
    %select_n3A_1106 = arith.select %lt3A_1102, %add3A_1101, %add3A_1105 : vector<16xi1>, vector<16xi32>
    %swap3A_1107 = arith.constant 48 : index
    %swap3A_1108 = tpu.vector_load %arg7[%swap3A_1107] {strides = array<i32>} : memref<128xi32, #tpu.memory_space<vmem>>, vector<16xi32>,
    %swap3A_1109 = vector.shape_cast %swap3A_1108 : vector<16xi32> to vector<16xi32>
    %swap3A_1110 = vector.shape_cast %select_n3A_1106 : vector<16xi32> to vector<16xi32>
    tpu.vector_store %arg7[%swap3A_1107], %swap3A_1110 {strides = array<i32>} : memref<128xi32, #tpu.memory_space<vmem>>, vector<16xi32>,
    %swap3A_1111 = arith.constant 48 : index
    %swap3A_1112 = tpu.vector_load %arg8[%swap3A_1111] {strides = array<i32>} : memref<128xf32, #tpu.memory_space<vmem>>, vector<16xf32>,
    %swap3A_1113 = vector.shape_cast %swap3A_1112 : vector<16xf32> to vector<16xf32>
    %swap3A_1114 = vector.shape_cast %sub3A_966 : vector<16xf32> to vector<16xf32>
    tpu.vector_store %arg8[%swap3A_1111], %swap3A_1114 {strides = array<i32>} : memref<128xf32, #tpu.memory_space<vmem>>, vector<16xf32>,
    %swap3A_1115 = arith.constant 48 : index
    %swap3A_1116 = tpu.vector_load %arg9[%swap3A_1115] {strides = array<i32>} : memref<128xf32, #tpu.memory_space<vmem>>, vector<16xf32>,
    %swap3A_1117 = vector.shape_cast %swap3A_1116 : vector<16xf32> to vector<16xf32>
    %swap3A_1118 = vector.shape_cast %sub3A_989 : vector<16xf32> to vector<16xf32>
    tpu.vector_store %arg9[%swap3A_1115], %swap3A_1118 {strides = array<i32>} : memref<128xf32, #tpu.memory_space<vmem>>, vector<16xf32>,
    %swap3A_1119 = arith.constant 48 : index
    %swap3A_1120 = tpu.vector_load %arg10[%swap3A_1119] {strides = array<i32>} : memref<128xf32, #tpu.memory_space<vmem>>, vector<16xf32>,
    %swap3A_1121 = vector.shape_cast %swap3A_1120 : vector<16xf32> to vector<16xf32>
    %swap3A_1122 = vector.shape_cast %sub3A_1010 : vector<16xf32> to vector<16xf32>
    tpu.vector_store %arg10[%swap3A_1119], %swap3A_1122 {strides = array<i32>} : memref<128xf32, #tpu.memory_space<vmem>>, vector<16xf32>,
    %add3A_1123 = arith.addf %mul3A_970, %mul3A_990 : vector<16xf32>
    %add3A_1124 = arith.addf %add3A_1123, %mul3A_1011 : vector<16xf32>
    %add3A_1125 = arith.addi %shift_left3A_1018, %shift_left3A_1019 : vector<16xi32>
    %add3A_1126 = arith.addi %add3A_1125, %min3A_1004 : vector<16xi32>
    %lt3A_1127 = arith.cmpf olt, %add3A_1124, %broadcast_in_dim3A_1022 : vector<16xf32>
    %broadcast_in_dim3A_1128 = arith.constant 64 : i32
    %broadcast_in_dim3A_1129 = vector.broadcast %broadcast_in_dim3A_1128 : i32 to vector<16xi32>
    %add3A_1130 = arith.addi %add3A_55, %broadcast_in_dim3A_1129 : vector<16xi32>
    %select_n3A_1131 = arith.select %lt3A_1127, %add3A_1126, %add3A_1130 : vector<16xi1>, vector<16xi32>
    %swap3A_1132 = arith.constant 64 : index
    %swap3A_1133 = tpu.vector_load %arg7[%swap3A_1132] {strides = array<i32>} : memref<128xi32, #tpu.memory_space<vmem>>, vector<16xi32>,
    %swap3A_1134 = vector.shape_cast %swap3A_1133 : vector<16xi32> to vector<16xi32>
    %swap3A_1135 = vector.shape_cast %select_n3A_1131 : vector<16xi32> to vector<16xi32>
    tpu.vector_store %arg7[%swap3A_1132], %swap3A_1135 {strides = array<i32>} : memref<128xi32, #tpu.memory_space<vmem>>, vector<16xi32>,
    %swap3A_1136 = arith.constant 64 : index
    %swap3A_1137 = tpu.vector_load %arg8[%swap3A_1136] {strides = array<i32>} : memref<128xf32, #tpu.memory_space<vmem>>, vector<16xf32>,
    %swap3A_1138 = vector.shape_cast %swap3A_1137 : vector<16xf32> to vector<16xf32>
    %swap3A_1139 = vector.shape_cast %sub3A_968 : vector<16xf32> to vector<16xf32>
    tpu.vector_store %arg8[%swap3A_1136], %swap3A_1139 {strides = array<i32>} : memref<128xf32, #tpu.memory_space<vmem>>, vector<16xf32>,
    %swap3A_1140 = arith.constant 64 : index
    %swap3A_1141 = tpu.vector_load %arg9[%swap3A_1140] {strides = array<i32>} : memref<128xf32, #tpu.memory_space<vmem>>, vector<16xf32>,
    %swap3A_1142 = vector.shape_cast %swap3A_1141 : vector<16xf32> to vector<16xf32>
    %swap3A_1143 = vector.shape_cast %sub3A_987 : vector<16xf32> to vector<16xf32>
    tpu.vector_store %arg9[%swap3A_1140], %swap3A_1143 {strides = array<i32>} : memref<128xf32, #tpu.memory_space<vmem>>, vector<16xf32>,
    %swap3A_1144 = arith.constant 64 : index
    %swap3A_1145 = tpu.vector_load %arg10[%swap3A_1144] {strides = array<i32>} : memref<128xf32, #tpu.memory_space<vmem>>, vector<16xf32>,
    %swap3A_1146 = vector.shape_cast %swap3A_1145 : vector<16xf32> to vector<16xf32>
    %swap3A_1147 = vector.shape_cast %sub3A_1008 : vector<16xf32> to vector<16xf32>
    tpu.vector_store %arg10[%swap3A_1144], %swap3A_1147 {strides = array<i32>} : memref<128xf32, #tpu.memory_space<vmem>>, vector<16xf32>,
    %add3A_1148 = arith.addf %mul3A_970, %mul3A_990 : vector<16xf32>
    %add3A_1149 = arith.addf %add3A_1148, %mul3A_1012 : vector<16xf32>
    %add3A_1150 = arith.addi %shift_left3A_1018, %shift_left3A_1019 : vector<16xi32>
    %add3A_1151 = arith.addi %add3A_1150, %min3A_1006 : vector<16xi32>
    %lt3A_1152 = arith.cmpf olt, %add3A_1149, %broadcast_in_dim3A_1022 : vector<16xf32>
    %broadcast_in_dim3A_1153 = arith.constant 80 : i32
    %broadcast_in_dim3A_1154 = vector.broadcast %broadcast_in_dim3A_1153 : i32 to vector<16xi32>
    %add3A_1155 = arith.addi %add3A_55, %broadcast_in_dim3A_1154 : vector<16xi32>
    %select_n3A_1156 = arith.select %lt3A_1152, %add3A_1151, %add3A_1155 : vector<16xi1>, vector<16xi32>
    %swap3A_1157 = arith.constant 80 : index
    %swap3A_1158 = tpu.vector_load %arg7[%swap3A_1157] {strides = array<i32>} : memref<128xi32, #tpu.memory_space<vmem>>, vector<16xi32>,
    %swap3A_1159 = vector.shape_cast %swap3A_1158 : vector<16xi32> to vector<16xi32>
    %swap3A_1160 = vector.shape_cast %select_n3A_1156 : vector<16xi32> to vector<16xi32>
    tpu.vector_store %arg7[%swap3A_1157], %swap3A_1160 {strides = array<i32>} : memref<128xi32, #tpu.memory_space<vmem>>, vector<16xi32>,
    %swap3A_1161 = arith.constant 80 : index
    %swap3A_1162 = tpu.vector_load %arg8[%swap3A_1161] {strides = array<i32>} : memref<128xf32, #tpu.memory_space<vmem>>, vector<16xf32>,
    %swap3A_1163 = vector.shape_cast %swap3A_1162 : vector<16xf32> to vector<16xf32>
    %swap3A_1164 = vector.shape_cast %sub3A_968 : vector<16xf32> to vector<16xf32>
    tpu.vector_store %arg8[%swap3A_1161], %swap3A_1164 {strides = array<i32>} : memref<128xf32, #tpu.memory_space<vmem>>, vector<16xf32>,
    %swap3A_1165 = arith.constant 80 : index
    %swap3A_1166 = tpu.vector_load %arg9[%swap3A_1165] {strides = array<i32>} : memref<128xf32, #tpu.memory_space<vmem>>, vector<16xf32>,
    %swap3A_1167 = vector.shape_cast %swap3A_1166 : vector<16xf32> to vector<16xf32>
    %swap3A_1168 = vector.shape_cast %sub3A_987 : vector<16xf32> to vector<16xf32>
    tpu.vector_store %arg9[%swap3A_1165], %swap3A_1168 {strides = array<i32>} : memref<128xf32, #tpu.memory_space<vmem>>, vector<16xf32>,
    %swap3A_1169 = arith.constant 80 : index
    %swap3A_1170 = tpu.vector_load %arg10[%swap3A_1169] {strides = array<i32>} : memref<128xf32, #tpu.memory_space<vmem>>, vector<16xf32>,
    %swap3A_1171 = vector.shape_cast %swap3A_1170 : vector<16xf32> to vector<16xf32>
    %swap3A_1172 = vector.shape_cast %sub3A_1010 : vector<16xf32> to vector<16xf32>
    tpu.vector_store %arg10[%swap3A_1169], %swap3A_1172 {strides = array<i32>} : memref<128xf32, #tpu.memory_space<vmem>>, vector<16xf32>,
    %add3A_1173 = arith.addf %mul3A_970, %mul3A_991 : vector<16xf32>
    %add3A_1174 = arith.addf %add3A_1173, %mul3A_1011 : vector<16xf32>
    %add3A_1175 = arith.addi %shift_left3A_1018, %shift_left3A_1020 : vector<16xi32>
    %add3A_1176 = arith.addi %add3A_1175, %min3A_1004 : vector<16xi32>
    %lt3A_1177 = arith.cmpf olt, %add3A_1174, %broadcast_in_dim3A_1022 : vector<16xf32>
    %broadcast_in_dim3A_1178 = arith.constant 96 : i32
    %broadcast_in_dim3A_1179 = vector.broadcast %broadcast_in_dim3A_1178 : i32 to vector<16xi32>
    %add3A_1180 = arith.addi %add3A_55, %broadcast_in_dim3A_1179 : vector<16xi32>
    %select_n3A_1181 = arith.select %lt3A_1177, %add3A_1176, %add3A_1180 : vector<16xi1>, vector<16xi32>
    %swap3A_1182 = arith.constant 96 : index
    %swap3A_1183 = tpu.vector_load %arg7[%swap3A_1182] {strides = array<i32>} : memref<128xi32, #tpu.memory_space<vmem>>, vector<16xi32>,
    %swap3A_1184 = vector.shape_cast %swap3A_1183 : vector<16xi32> to vector<16xi32>
    %swap3A_1185 = vector.shape_cast %select_n3A_1181 : vector<16xi32> to vector<16xi32>
    tpu.vector_store %arg7[%swap3A_1182], %swap3A_1185 {strides = array<i32>} : memref<128xi32, #tpu.memory_space<vmem>>, vector<16xi32>,
    %swap3A_1186 = arith.constant 96 : index
    %swap3A_1187 = tpu.vector_load %arg8[%swap3A_1186] {strides = array<i32>} : memref<128xf32, #tpu.memory_space<vmem>>, vector<16xf32>,
    %swap3A_1188 = vector.shape_cast %swap3A_1187 : vector<16xf32> to vector<16xf32>
    %swap3A_1189 = vector.shape_cast %sub3A_968 : vector<16xf32> to vector<16xf32>
    tpu.vector_store %arg8[%swap3A_1186], %swap3A_1189 {strides = array<i32>} : memref<128xf32, #tpu.memory_space<vmem>>, vector<16xf32>,
    %swap3A_1190 = arith.constant 96 : index
    %swap3A_1191 = tpu.vector_load %arg9[%swap3A_1190] {strides = array<i32>} : memref<128xf32, #tpu.memory_space<vmem>>, vector<16xf32>,
    %swap3A_1192 = vector.shape_cast %swap3A_1191 : vector<16xf32> to vector<16xf32>
    %swap3A_1193 = vector.shape_cast %sub3A_989 : vector<16xf32> to vector<16xf32>
    tpu.vector_store %arg9[%swap3A_1190], %swap3A_1193 {strides = array<i32>} : memref<128xf32, #tpu.memory_space<vmem>>, vector<16xf32>,
    %swap3A_1194 = arith.constant 96 : index
    %swap3A_1195 = tpu.vector_load %arg10[%swap3A_1194] {strides = array<i32>} : memref<128xf32, #tpu.memory_space<vmem>>, vector<16xf32>,
    %swap3A_1196 = vector.shape_cast %swap3A_1195 : vector<16xf32> to vector<16xf32>
    %swap3A_1197 = vector.shape_cast %sub3A_1008 : vector<16xf32> to vector<16xf32>
    tpu.vector_store %arg10[%swap3A_1194], %swap3A_1197 {strides = array<i32>} : memref<128xf32, #tpu.memory_space<vmem>>, vector<16xf32>,
    %add3A_1198 = arith.addf %mul3A_970, %mul3A_991 : vector<16xf32>
    %add3A_1199 = arith.addf %add3A_1198, %mul3A_1012 : vector<16xf32>
    %add3A_1200 = arith.addi %shift_left3A_1018, %shift_left3A_1020 : vector<16xi32>
    %add3A_1201 = arith.addi %add3A_1200, %min3A_1006 : vector<16xi32>
    %lt3A_1202 = arith.cmpf olt, %add3A_1199, %broadcast_in_dim3A_1022 : vector<16xf32>
    %broadcast_in_dim3A_1203 = arith.constant 112 : i32
    %broadcast_in_dim3A_1204 = vector.broadcast %broadcast_in_dim3A_1203 : i32 to vector<16xi32>
    %add3A_1205 = arith.addi %add3A_55, %broadcast_in_dim3A_1204 : vector<16xi32>
    %select_n3A_1206 = arith.select %lt3A_1202, %add3A_1201, %add3A_1205 : vector<16xi1>, vector<16xi32>
    %swap3A_1207 = arith.constant 112 : index
    %swap3A_1208 = tpu.vector_load %arg7[%swap3A_1207] {strides = array<i32>} : memref<128xi32, #tpu.memory_space<vmem>>, vector<16xi32>,
    %swap3A_1209 = vector.shape_cast %swap3A_1208 : vector<16xi32> to vector<16xi32>
    %swap3A_1210 = vector.shape_cast %select_n3A_1206 : vector<16xi32> to vector<16xi32>
    tpu.vector_store %arg7[%swap3A_1207], %swap3A_1210 {strides = array<i32>} : memref<128xi32, #tpu.memory_space<vmem>>, vector<16xi32>,
    %swap3A_1211 = arith.constant 112 : index
    %swap3A_1212 = tpu.vector_load %arg8[%swap3A_1211] {strides = array<i32>} : memref<128xf32, #tpu.memory_space<vmem>>, vector<16xf32>,
    %swap3A_1213 = vector.shape_cast %swap3A_1212 : vector<16xf32> to vector<16xf32>
    %swap3A_1214 = vector.shape_cast %sub3A_968 : vector<16xf32> to vector<16xf32>
    tpu.vector_store %arg8[%swap3A_1211], %swap3A_1214 {strides = array<i32>} : memref<128xf32, #tpu.memory_space<vmem>>, vector<16xf32>,
    %swap3A_1215 = arith.constant 112 : index
    %swap3A_1216 = tpu.vector_load %arg9[%swap3A_1215] {strides = array<i32>} : memref<128xf32, #tpu.memory_space<vmem>>, vector<16xf32>,
    %swap3A_1217 = vector.shape_cast %swap3A_1216 : vector<16xf32> to vector<16xf32>
    %swap3A_1218 = vector.shape_cast %sub3A_989 : vector<16xf32> to vector<16xf32>
    tpu.vector_store %arg9[%swap3A_1215], %swap3A_1218 {strides = array<i32>} : memref<128xf32, #tpu.memory_space<vmem>>, vector<16xf32>,
    %swap3A_1219 = arith.constant 112 : index
    %swap3A_1220 = tpu.vector_load %arg10[%swap3A_1219] {strides = array<i32>} : memref<128xf32, #tpu.memory_space<vmem>>, vector<16xf32>,
    %swap3A_1221 = vector.shape_cast %swap3A_1220 : vector<16xf32> to vector<16xf32>
    %swap3A_1222 = vector.shape_cast %sub3A_1010 : vector<16xf32> to vector<16xf32>
    tpu.vector_store %arg10[%swap3A_1219], %swap3A_1222 {strides = array<i32>} : memref<128xf32, #tpu.memory_space<vmem>>, vector<16xf32>,
    %dma_start3A_1223 = arith.constant 0 : i32
    %dma_start3A_1224 = tpu.memref_slice %arg39[%dma_start3A_1223] : memref<264192xf32, #tpu.memory_space<vmem_shared>> -> memref<264192xf32, #tpu.memory_space<vmem_shared>>
    tpu.enqueue_indirect_dma source(%arg8 : memref<128xf32, #tpu.memory_space<vmem>>) target(%dma_start3A_1224 : memref<264192xf32, #tpu.memory_space<vmem_shared>>) offsets(%arg7 : memref<128xi32, #tpu.memory_space<vmem>>) semaphore(%arg31 : memref<!tpu.dma_semaphore, #tpu.memory_space<semaphore_mem>>) {add = true}
    %dma_start3A_1225 = arith.constant 0 : i32
    %dma_start3A_1226 = tpu.memref_slice %arg40[%dma_start3A_1225] : memref<264192xf32, #tpu.memory_space<vmem_shared>> -> memref<264192xf32, #tpu.memory_space<vmem_shared>>
    tpu.enqueue_indirect_dma source(%arg9 : memref<128xf32, #tpu.memory_space<vmem>>) target(%dma_start3A_1226 : memref<264192xf32, #tpu.memory_space<vmem_shared>>) offsets(%arg7 : memref<128xi32, #tpu.memory_space<vmem>>) semaphore(%arg31 : memref<!tpu.dma_semaphore, #tpu.memory_space<semaphore_mem>>) {add = true}
    %dma_start3A_1227 = arith.constant 0 : i32
    %dma_start3A_1228 = tpu.memref_slice %arg41[%dma_start3A_1227] : memref<264192xf32, #tpu.memory_space<vmem_shared>> -> memref<264192xf32, #tpu.memory_space<vmem_shared>>
    tpu.enqueue_indirect_dma source(%arg10 : memref<128xf32, #tpu.memory_space<vmem>>) target(%dma_start3A_1228 : memref<264192xf32, #tpu.memory_space<vmem_shared>>) offsets(%arg7 : memref<128xi32, #tpu.memory_space<vmem>>) semaphore(%arg31 : memref<!tpu.dma_semaphore, #tpu.memory_space<semaphore_mem>>) {add = true}
    %dma_start3A_1229 = arith.constant 0 : i32
    %dma_start3A_1230 = tpu.memref_slice %arg42[%dma_start3A_1229] : memref<264192xf32, #tpu.memory_space<vmem_shared>> -> memref<264192xf32, #tpu.memory_space<vmem_shared>>
    tpu.enqueue_indirect_dma source(%arg15 : memref<128xf32, #tpu.memory_space<vmem>>) target(%dma_start3A_1230 : memref<264192xf32, #tpu.memory_space<vmem_shared>>) offsets(%arg7 : memref<128xi32, #tpu.memory_space<vmem>>) semaphore(%arg31 : memref<!tpu.dma_semaphore, #tpu.memory_space<semaphore_mem>>) {add = true}
    %broadcast_in_dim3A_1231 = arith.constant 5.000000e-01 : f32
    %broadcast_in_dim3A_1232 = vector.broadcast %broadcast_in_dim3A_1231 : f32 to vector<16xf32>
    %broadcast_in_dim3A_1233 = arith.constant 6.400000e+01 : f32
    %broadcast_in_dim3A_1234 = vector.broadcast %broadcast_in_dim3A_1233 : f32 to vector<16xf32>
    %broadcast_in_dim3A_1235 = arith.constant 0 : i32
    %broadcast_in_dim3A_1236 = vector.broadcast %broadcast_in_dim3A_1235 : i32 to vector<16xi32>
    %broadcast_in_dim3A_1237 = arith.constant 63 : i32
    %broadcast_in_dim3A_1238 = vector.broadcast %broadcast_in_dim3A_1237 : i32 to vector<16xi32>
    %broadcast_in_dim3A_1239 = arith.constant 1 : i32
    %broadcast_in_dim3A_1240 = vector.broadcast %broadcast_in_dim3A_1239 : i32 to vector<16xi32>
    %get3A_1241 = arith.constant 16 : index
    %get3A_1242 = tpu.vector_load %arg4[%get3A_1241] {strides = array<i32>} : memref<6272xf32, #tpu.memory_space<vmem>>, vector<16xf32>,
    %get3A_1243 = vector.shape_cast %get3A_1242 : vector<16xf32> to vector<16xf32>
    %add3A_1244 = arith.addf %get3A_1243, %broadcast_in_dim3A_1232 : vector<16xf32>
    %mul3A_1245 = arith.mulf %add3A_1244, %broadcast_in_dim3A_1234 : vector<16xf32>
    %sub3A_1246 = arith.subf %mul3A_1245, %broadcast_in_dim3A_1232 : vector<16xf32>
    %convert_element_type3A_1247 = arith.fptosi %sub3A_1246 : vector<16xf32> to vector<16xi32>
    %convert_element_type3A_1248 = arith.sitofp %convert_element_type3A_1247 : vector<16xi32> to vector<16xf32>
    %gt3A_1249 = arith.cmpf ogt, %sub3A_1246, %convert_element_type3A_1248 : vector<16xf32>
    %select_n3A_1250 = arith.select %gt3A_1249, %broadcast_in_dim3A_1240, %broadcast_in_dim3A_1236 : vector<16xi1>, vector<16xi32>
    %add3A_1251 = arith.addi %convert_element_type3A_1247, %select_n3A_1250 : vector<16xi32>
    %max3A_1252 = arith.maxsi %convert_element_type3A_1247, %broadcast_in_dim3A_1236 : vector<16xi32>
    %min3A_1253 = arith.minsi %max3A_1252, %broadcast_in_dim3A_1238 : vector<16xi32>
    %max3A_1254 = arith.maxsi %add3A_1251, %broadcast_in_dim3A_1236 : vector<16xi32>
    %min3A_1255 = arith.minsi %max3A_1254, %broadcast_in_dim3A_1238 : vector<16xi32>
    %convert_element_type3A_1256 = arith.sitofp %min3A_1253 : vector<16xi32> to vector<16xf32>
    %sub3A_1257 = arith.subf %sub3A_1246, %convert_element_type3A_1256 : vector<16xf32>
    %convert_element_type3A_1258 = arith.sitofp %min3A_1255 : vector<16xi32> to vector<16xf32>
    %sub3A_1259 = arith.subf %sub3A_1246, %convert_element_type3A_1258 : vector<16xf32>
    %mul3A_1260 = arith.mulf %sub3A_1257, %sub3A_1257 : vector<16xf32>
    %mul3A_1261 = arith.mulf %sub3A_1259, %sub3A_1259 : vector<16xf32>
    %get3A_1262 = arith.constant 16 : index
    %get3A_1263 = tpu.vector_load %arg5[%get3A_1262] {strides = array<i32>} : memref<6272xf32, #tpu.memory_space<vmem>>, vector<16xf32>,
    %get3A_1264 = vector.shape_cast %get3A_1263 : vector<16xf32> to vector<16xf32>
    %add3A_1265 = arith.addf %get3A_1264, %broadcast_in_dim3A_1232 : vector<16xf32>
    %mul3A_1266 = arith.mulf %add3A_1265, %broadcast_in_dim3A_1234 : vector<16xf32>
    %sub3A_1267 = arith.subf %mul3A_1266, %broadcast_in_dim3A_1232 : vector<16xf32>
    %convert_element_type3A_1268 = arith.fptosi %sub3A_1267 : vector<16xf32> to vector<16xi32>
    %convert_element_type3A_1269 = arith.sitofp %convert_element_type3A_1268 : vector<16xi32> to vector<16xf32>
    %gt3A_1270 = arith.cmpf ogt, %sub3A_1267, %convert_element_type3A_1269 : vector<16xf32>
    %select_n3A_1271 = arith.select %gt3A_1270, %broadcast_in_dim3A_1240, %broadcast_in_dim3A_1236 : vector<16xi1>, vector<16xi32>
    %add3A_1272 = arith.addi %convert_element_type3A_1268, %select_n3A_1271 : vector<16xi32>
    %max3A_1273 = arith.maxsi %convert_element_type3A_1268, %broadcast_in_dim3A_1236 : vector<16xi32>
    %min3A_1274 = arith.minsi %max3A_1273, %broadcast_in_dim3A_1238 : vector<16xi32>
    %max3A_1275 = arith.maxsi %add3A_1272, %broadcast_in_dim3A_1236 : vector<16xi32>
    %min3A_1276 = arith.minsi %max3A_1275, %broadcast_in_dim3A_1238 : vector<16xi32>
    %convert_element_type3A_1277 = arith.sitofp %min3A_1274 : vector<16xi32> to vector<16xf32>
    %sub3A_1278 = arith.subf %sub3A_1267, %convert_element_type3A_1277 : vector<16xf32>
    %convert_element_type3A_1279 = arith.sitofp %min3A_1276 : vector<16xi32> to vector<16xf32>
    %sub3A_1280 = arith.subf %sub3A_1267, %convert_element_type3A_1279 : vector<16xf32>
    %mul3A_1281 = arith.mulf %sub3A_1278, %sub3A_1278 : vector<16xf32>
    %mul3A_1282 = arith.mulf %sub3A_1280, %sub3A_1280 : vector<16xf32>
    %get3A_1283 = arith.constant 16 : index
    %get3A_1284 = tpu.vector_load %arg6[%get3A_1283] {strides = array<i32>} : memref<6272xf32, #tpu.memory_space<vmem>>, vector<16xf32>,
    %get3A_1285 = vector.shape_cast %get3A_1284 : vector<16xf32> to vector<16xf32>
    %add3A_1286 = arith.addf %get3A_1285, %broadcast_in_dim3A_1232 : vector<16xf32>
    %mul3A_1287 = arith.mulf %add3A_1286, %broadcast_in_dim3A_1234 : vector<16xf32>
    %sub3A_1288 = arith.subf %mul3A_1287, %broadcast_in_dim3A_1232 : vector<16xf32>
    %convert_element_type3A_1289 = arith.fptosi %sub3A_1288 : vector<16xf32> to vector<16xi32>
    %convert_element_type3A_1290 = arith.sitofp %convert_element_type3A_1289 : vector<16xi32> to vector<16xf32>
    %gt3A_1291 = arith.cmpf ogt, %sub3A_1288, %convert_element_type3A_1290 : vector<16xf32>
    %select_n3A_1292 = arith.select %gt3A_1291, %broadcast_in_dim3A_1240, %broadcast_in_dim3A_1236 : vector<16xi1>, vector<16xi32>
    %add3A_1293 = arith.addi %convert_element_type3A_1289, %select_n3A_1292 : vector<16xi32>
    %max3A_1294 = arith.maxsi %convert_element_type3A_1289, %broadcast_in_dim3A_1236 : vector<16xi32>
    %min3A_1295 = arith.minsi %max3A_1294, %broadcast_in_dim3A_1238 : vector<16xi32>
    %max3A_1296 = arith.maxsi %add3A_1293, %broadcast_in_dim3A_1236 : vector<16xi32>
    %min3A_1297 = arith.minsi %max3A_1296, %broadcast_in_dim3A_1238 : vector<16xi32>
    %convert_element_type3A_1298 = arith.sitofp %min3A_1295 : vector<16xi32> to vector<16xf32>
    %sub3A_1299 = arith.subf %sub3A_1288, %convert_element_type3A_1298 : vector<16xf32>
    %convert_element_type3A_1300 = arith.sitofp %min3A_1297 : vector<16xi32> to vector<16xf32>
    %sub3A_1301 = arith.subf %sub3A_1288, %convert_element_type3A_1300 : vector<16xf32>
    %mul3A_1302 = arith.mulf %sub3A_1299, %sub3A_1299 : vector<16xf32>
    %mul3A_1303 = arith.mulf %sub3A_1301, %sub3A_1301 : vector<16xf32>
    %broadcast_in_dim3A_1304 = arith.constant 12 : i32
    %broadcast_in_dim3A_1305 = vector.broadcast %broadcast_in_dim3A_1304 : i32 to vector<16xi32>
    %broadcast_in_dim3A_1306 = arith.constant 6 : i32
    %broadcast_in_dim3A_1307 = vector.broadcast %broadcast_in_dim3A_1306 : i32 to vector<16xi32>
    %shift_left3A_1308 = arith.shli %min3A_1253, %broadcast_in_dim3A_1305 : vector<16xi32>
    %shift_left3A_1309 = arith.shli %min3A_1255, %broadcast_in_dim3A_1305 : vector<16xi32>
    %shift_left3A_1310 = arith.shli %min3A_1274, %broadcast_in_dim3A_1307 : vector<16xi32>
    %shift_left3A_1311 = arith.shli %min3A_1276, %broadcast_in_dim3A_1307 : vector<16xi32>
    %broadcast_in_dim3A_1312 = arith.constant 7.569000e-01 : f32
    %broadcast_in_dim3A_1313 = vector.broadcast %broadcast_in_dim3A_1312 : f32 to vector<16xf32>
    %add3A_1314 = arith.addf %mul3A_1260, %mul3A_1281 : vector<16xf32>
    %add3A_1315 = arith.addf %add3A_1314, %mul3A_1302 : vector<16xf32>
    %add3A_1316 = arith.addi %shift_left3A_1308, %shift_left3A_1310 : vector<16xi32>
    %add3A_1317 = arith.addi %add3A_1316, %min3A_1295 : vector<16xi32>
    %lt3A_1318 = arith.cmpf olt, %add3A_1315, %broadcast_in_dim3A_1313 : vector<16xf32>
    %broadcast_in_dim3A_1319 = arith.constant 0 : i32
    %broadcast_in_dim3A_1320 = vector.broadcast %broadcast_in_dim3A_1319 : i32 to vector<16xi32>
    %add3A_1321 = arith.addi %add3A_55, %broadcast_in_dim3A_1320 : vector<16xi32>
    %select_n3A_1322 = arith.select %lt3A_1318, %add3A_1317, %add3A_1321 : vector<16xi1>, vector<16xi32>
    %swap3A_1323 = arith.constant 0 : index
    %swap3A_1324 = tpu.vector_load %arg11[%swap3A_1323] {strides = array<i32>} : memref<128xi32, #tpu.memory_space<vmem>>, vector<16xi32>,
    %swap3A_1325 = vector.shape_cast %swap3A_1324 : vector<16xi32> to vector<16xi32>
    %swap3A_1326 = vector.shape_cast %select_n3A_1322 : vector<16xi32> to vector<16xi32>
    tpu.vector_store %arg11[%swap3A_1323], %swap3A_1326 {strides = array<i32>} : memref<128xi32, #tpu.memory_space<vmem>>, vector<16xi32>,
    %swap3A_1327 = arith.constant 0 : index
    %swap3A_1328 = tpu.vector_load %arg12[%swap3A_1327] {strides = array<i32>} : memref<128xf32, #tpu.memory_space<vmem>>, vector<16xf32>,
    %swap3A_1329 = vector.shape_cast %swap3A_1328 : vector<16xf32> to vector<16xf32>
    %swap3A_1330 = vector.shape_cast %sub3A_1257 : vector<16xf32> to vector<16xf32>
    tpu.vector_store %arg12[%swap3A_1327], %swap3A_1330 {strides = array<i32>} : memref<128xf32, #tpu.memory_space<vmem>>, vector<16xf32>,
    %swap3A_1331 = arith.constant 0 : index
    %swap3A_1332 = tpu.vector_load %arg13[%swap3A_1331] {strides = array<i32>} : memref<128xf32, #tpu.memory_space<vmem>>, vector<16xf32>,
    %swap3A_1333 = vector.shape_cast %swap3A_1332 : vector<16xf32> to vector<16xf32>
    %swap3A_1334 = vector.shape_cast %sub3A_1278 : vector<16xf32> to vector<16xf32>
    tpu.vector_store %arg13[%swap3A_1331], %swap3A_1334 {strides = array<i32>} : memref<128xf32, #tpu.memory_space<vmem>>, vector<16xf32>,
    %swap3A_1335 = arith.constant 0 : index
    %swap3A_1336 = tpu.vector_load %arg14[%swap3A_1335] {strides = array<i32>} : memref<128xf32, #tpu.memory_space<vmem>>, vector<16xf32>,
    %swap3A_1337 = vector.shape_cast %swap3A_1336 : vector<16xf32> to vector<16xf32>
    %swap3A_1338 = vector.shape_cast %sub3A_1299 : vector<16xf32> to vector<16xf32>
    tpu.vector_store %arg14[%swap3A_1335], %swap3A_1338 {strides = array<i32>} : memref<128xf32, #tpu.memory_space<vmem>>, vector<16xf32>,
    %add3A_1339 = arith.addf %mul3A_1260, %mul3A_1281 : vector<16xf32>
    %add3A_1340 = arith.addf %add3A_1339, %mul3A_1303 : vector<16xf32>
    %add3A_1341 = arith.addi %shift_left3A_1308, %shift_left3A_1310 : vector<16xi32>
    %add3A_1342 = arith.addi %add3A_1341, %min3A_1297 : vector<16xi32>
    %lt3A_1343 = arith.cmpf olt, %add3A_1340, %broadcast_in_dim3A_1313 : vector<16xf32>
    %broadcast_in_dim3A_1344 = arith.constant 16 : i32
    %broadcast_in_dim3A_1345 = vector.broadcast %broadcast_in_dim3A_1344 : i32 to vector<16xi32>
    %add3A_1346 = arith.addi %add3A_55, %broadcast_in_dim3A_1345 : vector<16xi32>
    %select_n3A_1347 = arith.select %lt3A_1343, %add3A_1342, %add3A_1346 : vector<16xi1>, vector<16xi32>
    %swap3A_1348 = arith.constant 16 : index
    %swap3A_1349 = tpu.vector_load %arg11[%swap3A_1348] {strides = array<i32>} : memref<128xi32, #tpu.memory_space<vmem>>, vector<16xi32>,
    %swap3A_1350 = vector.shape_cast %swap3A_1349 : vector<16xi32> to vector<16xi32>
    %swap3A_1351 = vector.shape_cast %select_n3A_1347 : vector<16xi32> to vector<16xi32>
    tpu.vector_store %arg11[%swap3A_1348], %swap3A_1351 {strides = array<i32>} : memref<128xi32, #tpu.memory_space<vmem>>, vector<16xi32>,
    %swap3A_1352 = arith.constant 16 : index
    %swap3A_1353 = tpu.vector_load %arg12[%swap3A_1352] {strides = array<i32>} : memref<128xf32, #tpu.memory_space<vmem>>, vector<16xf32>,
    %swap3A_1354 = vector.shape_cast %swap3A_1353 : vector<16xf32> to vector<16xf32>
    %swap3A_1355 = vector.shape_cast %sub3A_1257 : vector<16xf32> to vector<16xf32>
    tpu.vector_store %arg12[%swap3A_1352], %swap3A_1355 {strides = array<i32>} : memref<128xf32, #tpu.memory_space<vmem>>, vector<16xf32>,
    %swap3A_1356 = arith.constant 16 : index
    %swap3A_1357 = tpu.vector_load %arg13[%swap3A_1356] {strides = array<i32>} : memref<128xf32, #tpu.memory_space<vmem>>, vector<16xf32>,
    %swap3A_1358 = vector.shape_cast %swap3A_1357 : vector<16xf32> to vector<16xf32>
    %swap3A_1359 = vector.shape_cast %sub3A_1278 : vector<16xf32> to vector<16xf32>
    tpu.vector_store %arg13[%swap3A_1356], %swap3A_1359 {strides = array<i32>} : memref<128xf32, #tpu.memory_space<vmem>>, vector<16xf32>,
    %swap3A_1360 = arith.constant 16 : index
    %swap3A_1361 = tpu.vector_load %arg14[%swap3A_1360] {strides = array<i32>} : memref<128xf32, #tpu.memory_space<vmem>>, vector<16xf32>,
    %swap3A_1362 = vector.shape_cast %swap3A_1361 : vector<16xf32> to vector<16xf32>
    %swap3A_1363 = vector.shape_cast %sub3A_1301 : vector<16xf32> to vector<16xf32>
    tpu.vector_store %arg14[%swap3A_1360], %swap3A_1363 {strides = array<i32>} : memref<128xf32, #tpu.memory_space<vmem>>, vector<16xf32>,
    %add3A_1364 = arith.addf %mul3A_1260, %mul3A_1282 : vector<16xf32>
    %add3A_1365 = arith.addf %add3A_1364, %mul3A_1302 : vector<16xf32>
    %add3A_1366 = arith.addi %shift_left3A_1308, %shift_left3A_1311 : vector<16xi32>
    %add3A_1367 = arith.addi %add3A_1366, %min3A_1295 : vector<16xi32>
    %lt3A_1368 = arith.cmpf olt, %add3A_1365, %broadcast_in_dim3A_1313 : vector<16xf32>
    %broadcast_in_dim3A_1369 = arith.constant 32 : i32
    %broadcast_in_dim3A_1370 = vector.broadcast %broadcast_in_dim3A_1369 : i32 to vector<16xi32>
    %add3A_1371 = arith.addi %add3A_55, %broadcast_in_dim3A_1370 : vector<16xi32>
    %select_n3A_1372 = arith.select %lt3A_1368, %add3A_1367, %add3A_1371 : vector<16xi1>, vector<16xi32>
    %swap3A_1373 = arith.constant 32 : index
    %swap3A_1374 = tpu.vector_load %arg11[%swap3A_1373] {strides = array<i32>} : memref<128xi32, #tpu.memory_space<vmem>>, vector<16xi32>,
    %swap3A_1375 = vector.shape_cast %swap3A_1374 : vector<16xi32> to vector<16xi32>
    %swap3A_1376 = vector.shape_cast %select_n3A_1372 : vector<16xi32> to vector<16xi32>
    tpu.vector_store %arg11[%swap3A_1373], %swap3A_1376 {strides = array<i32>} : memref<128xi32, #tpu.memory_space<vmem>>, vector<16xi32>,
    %swap3A_1377 = arith.constant 32 : index
    %swap3A_1378 = tpu.vector_load %arg12[%swap3A_1377] {strides = array<i32>} : memref<128xf32, #tpu.memory_space<vmem>>, vector<16xf32>,
    %swap3A_1379 = vector.shape_cast %swap3A_1378 : vector<16xf32> to vector<16xf32>
    %swap3A_1380 = vector.shape_cast %sub3A_1257 : vector<16xf32> to vector<16xf32>
    tpu.vector_store %arg12[%swap3A_1377], %swap3A_1380 {strides = array<i32>} : memref<128xf32, #tpu.memory_space<vmem>>, vector<16xf32>,
    %swap3A_1381 = arith.constant 32 : index
    %swap3A_1382 = tpu.vector_load %arg13[%swap3A_1381] {strides = array<i32>} : memref<128xf32, #tpu.memory_space<vmem>>, vector<16xf32>,
    %swap3A_1383 = vector.shape_cast %swap3A_1382 : vector<16xf32> to vector<16xf32>
    %swap3A_1384 = vector.shape_cast %sub3A_1280 : vector<16xf32> to vector<16xf32>
    tpu.vector_store %arg13[%swap3A_1381], %swap3A_1384 {strides = array<i32>} : memref<128xf32, #tpu.memory_space<vmem>>, vector<16xf32>,
    %swap3A_1385 = arith.constant 32 : index
    %swap3A_1386 = tpu.vector_load %arg14[%swap3A_1385] {strides = array<i32>} : memref<128xf32, #tpu.memory_space<vmem>>, vector<16xf32>,
    %swap3A_1387 = vector.shape_cast %swap3A_1386 : vector<16xf32> to vector<16xf32>
    %swap3A_1388 = vector.shape_cast %sub3A_1299 : vector<16xf32> to vector<16xf32>
    tpu.vector_store %arg14[%swap3A_1385], %swap3A_1388 {strides = array<i32>} : memref<128xf32, #tpu.memory_space<vmem>>, vector<16xf32>,
    %add3A_1389 = arith.addf %mul3A_1260, %mul3A_1282 : vector<16xf32>
    %add3A_1390 = arith.addf %add3A_1389, %mul3A_1303 : vector<16xf32>
    %add3A_1391 = arith.addi %shift_left3A_1308, %shift_left3A_1311 : vector<16xi32>
    %add3A_1392 = arith.addi %add3A_1391, %min3A_1297 : vector<16xi32>
    %lt3A_1393 = arith.cmpf olt, %add3A_1390, %broadcast_in_dim3A_1313 : vector<16xf32>
    %broadcast_in_dim3A_1394 = arith.constant 48 : i32
    %broadcast_in_dim3A_1395 = vector.broadcast %broadcast_in_dim3A_1394 : i32 to vector<16xi32>
    %add3A_1396 = arith.addi %add3A_55, %broadcast_in_dim3A_1395 : vector<16xi32>
    %select_n3A_1397 = arith.select %lt3A_1393, %add3A_1392, %add3A_1396 : vector<16xi1>, vector<16xi32>
    %swap3A_1398 = arith.constant 48 : index
    %swap3A_1399 = tpu.vector_load %arg11[%swap3A_1398] {strides = array<i32>} : memref<128xi32, #tpu.memory_space<vmem>>, vector<16xi32>,
    %swap3A_1400 = vector.shape_cast %swap3A_1399 : vector<16xi32> to vector<16xi32>
    %swap3A_1401 = vector.shape_cast %select_n3A_1397 : vector<16xi32> to vector<16xi32>
    tpu.vector_store %arg11[%swap3A_1398], %swap3A_1401 {strides = array<i32>} : memref<128xi32, #tpu.memory_space<vmem>>, vector<16xi32>,
    %swap3A_1402 = arith.constant 48 : index
    %swap3A_1403 = tpu.vector_load %arg12[%swap3A_1402] {strides = array<i32>} : memref<128xf32, #tpu.memory_space<vmem>>, vector<16xf32>,
    %swap3A_1404 = vector.shape_cast %swap3A_1403 : vector<16xf32> to vector<16xf32>
    %swap3A_1405 = vector.shape_cast %sub3A_1257 : vector<16xf32> to vector<16xf32>
    tpu.vector_store %arg12[%swap3A_1402], %swap3A_1405 {strides = array<i32>} : memref<128xf32, #tpu.memory_space<vmem>>, vector<16xf32>,
    %swap3A_1406 = arith.constant 48 : index
    %swap3A_1407 = tpu.vector_load %arg13[%swap3A_1406] {strides = array<i32>} : memref<128xf32, #tpu.memory_space<vmem>>, vector<16xf32>,
    %swap3A_1408 = vector.shape_cast %swap3A_1407 : vector<16xf32> to vector<16xf32>
    %swap3A_1409 = vector.shape_cast %sub3A_1280 : vector<16xf32> to vector<16xf32>
    tpu.vector_store %arg13[%swap3A_1406], %swap3A_1409 {strides = array<i32>} : memref<128xf32, #tpu.memory_space<vmem>>, vector<16xf32>,
    %swap3A_1410 = arith.constant 48 : index
    %swap3A_1411 = tpu.vector_load %arg14[%swap3A_1410] {strides = array<i32>} : memref<128xf32, #tpu.memory_space<vmem>>, vector<16xf32>,
    %swap3A_1412 = vector.shape_cast %swap3A_1411 : vector<16xf32> to vector<16xf32>
    %swap3A_1413 = vector.shape_cast %sub3A_1301 : vector<16xf32> to vector<16xf32>
    tpu.vector_store %arg14[%swap3A_1410], %swap3A_1413 {strides = array<i32>} : memref<128xf32, #tpu.memory_space<vmem>>, vector<16xf32>,
    %add3A_1414 = arith.addf %mul3A_1261, %mul3A_1281 : vector<16xf32>
    %add3A_1415 = arith.addf %add3A_1414, %mul3A_1302 : vector<16xf32>
    %add3A_1416 = arith.addi %shift_left3A_1309, %shift_left3A_1310 : vector<16xi32>
    %add3A_1417 = arith.addi %add3A_1416, %min3A_1295 : vector<16xi32>
    %lt3A_1418 = arith.cmpf olt, %add3A_1415, %broadcast_in_dim3A_1313 : vector<16xf32>
    %broadcast_in_dim3A_1419 = arith.constant 64 : i32
    %broadcast_in_dim3A_1420 = vector.broadcast %broadcast_in_dim3A_1419 : i32 to vector<16xi32>
    %add3A_1421 = arith.addi %add3A_55, %broadcast_in_dim3A_1420 : vector<16xi32>
    %select_n3A_1422 = arith.select %lt3A_1418, %add3A_1417, %add3A_1421 : vector<16xi1>, vector<16xi32>
    %swap3A_1423 = arith.constant 64 : index
    %swap3A_1424 = tpu.vector_load %arg11[%swap3A_1423] {strides = array<i32>} : memref<128xi32, #tpu.memory_space<vmem>>, vector<16xi32>,
    %swap3A_1425 = vector.shape_cast %swap3A_1424 : vector<16xi32> to vector<16xi32>
    %swap3A_1426 = vector.shape_cast %select_n3A_1422 : vector<16xi32> to vector<16xi32>
    tpu.vector_store %arg11[%swap3A_1423], %swap3A_1426 {strides = array<i32>} : memref<128xi32, #tpu.memory_space<vmem>>, vector<16xi32>,
    %swap3A_1427 = arith.constant 64 : index
    %swap3A_1428 = tpu.vector_load %arg12[%swap3A_1427] {strides = array<i32>} : memref<128xf32, #tpu.memory_space<vmem>>, vector<16xf32>,
    %swap3A_1429 = vector.shape_cast %swap3A_1428 : vector<16xf32> to vector<16xf32>
    %swap3A_1430 = vector.shape_cast %sub3A_1259 : vector<16xf32> to vector<16xf32>
    tpu.vector_store %arg12[%swap3A_1427], %swap3A_1430 {strides = array<i32>} : memref<128xf32, #tpu.memory_space<vmem>>, vector<16xf32>,
    %swap3A_1431 = arith.constant 64 : index
    %swap3A_1432 = tpu.vector_load %arg13[%swap3A_1431] {strides = array<i32>} : memref<128xf32, #tpu.memory_space<vmem>>, vector<16xf32>,
    %swap3A_1433 = vector.shape_cast %swap3A_1432 : vector<16xf32> to vector<16xf32>
    %swap3A_1434 = vector.shape_cast %sub3A_1278 : vector<16xf32> to vector<16xf32>
    tpu.vector_store %arg13[%swap3A_1431], %swap3A_1434 {strides = array<i32>} : memref<128xf32, #tpu.memory_space<vmem>>, vector<16xf32>,
    %swap3A_1435 = arith.constant 64 : index
    %swap3A_1436 = tpu.vector_load %arg14[%swap3A_1435] {strides = array<i32>} : memref<128xf32, #tpu.memory_space<vmem>>, vector<16xf32>,
    %swap3A_1437 = vector.shape_cast %swap3A_1436 : vector<16xf32> to vector<16xf32>
    %swap3A_1438 = vector.shape_cast %sub3A_1299 : vector<16xf32> to vector<16xf32>
    tpu.vector_store %arg14[%swap3A_1435], %swap3A_1438 {strides = array<i32>} : memref<128xf32, #tpu.memory_space<vmem>>, vector<16xf32>,
    %add3A_1439 = arith.addf %mul3A_1261, %mul3A_1281 : vector<16xf32>
    %add3A_1440 = arith.addf %add3A_1439, %mul3A_1303 : vector<16xf32>
    %add3A_1441 = arith.addi %shift_left3A_1309, %shift_left3A_1310 : vector<16xi32>
    %add3A_1442 = arith.addi %add3A_1441, %min3A_1297 : vector<16xi32>
    %lt3A_1443 = arith.cmpf olt, %add3A_1440, %broadcast_in_dim3A_1313 : vector<16xf32>
    %broadcast_in_dim3A_1444 = arith.constant 80 : i32
    %broadcast_in_dim3A_1445 = vector.broadcast %broadcast_in_dim3A_1444 : i32 to vector<16xi32>
    %add3A_1446 = arith.addi %add3A_55, %broadcast_in_dim3A_1445 : vector<16xi32>
    %select_n3A_1447 = arith.select %lt3A_1443, %add3A_1442, %add3A_1446 : vector<16xi1>, vector<16xi32>
    %swap3A_1448 = arith.constant 80 : index
    %swap3A_1449 = tpu.vector_load %arg11[%swap3A_1448] {strides = array<i32>} : memref<128xi32, #tpu.memory_space<vmem>>, vector<16xi32>,
    %swap3A_1450 = vector.shape_cast %swap3A_1449 : vector<16xi32> to vector<16xi32>
    %swap3A_1451 = vector.shape_cast %select_n3A_1447 : vector<16xi32> to vector<16xi32>
    tpu.vector_store %arg11[%swap3A_1448], %swap3A_1451 {strides = array<i32>} : memref<128xi32, #tpu.memory_space<vmem>>, vector<16xi32>,
    %swap3A_1452 = arith.constant 80 : index
    %swap3A_1453 = tpu.vector_load %arg12[%swap3A_1452] {strides = array<i32>} : memref<128xf32, #tpu.memory_space<vmem>>, vector<16xf32>,
    %swap3A_1454 = vector.shape_cast %swap3A_1453 : vector<16xf32> to vector<16xf32>
    %swap3A_1455 = vector.shape_cast %sub3A_1259 : vector<16xf32> to vector<16xf32>
    tpu.vector_store %arg12[%swap3A_1452], %swap3A_1455 {strides = array<i32>} : memref<128xf32, #tpu.memory_space<vmem>>, vector<16xf32>,
    %swap3A_1456 = arith.constant 80 : index
    %swap3A_1457 = tpu.vector_load %arg13[%swap3A_1456] {strides = array<i32>} : memref<128xf32, #tpu.memory_space<vmem>>, vector<16xf32>,
    %swap3A_1458 = vector.shape_cast %swap3A_1457 : vector<16xf32> to vector<16xf32>
    %swap3A_1459 = vector.shape_cast %sub3A_1278 : vector<16xf32> to vector<16xf32>
    tpu.vector_store %arg13[%swap3A_1456], %swap3A_1459 {strides = array<i32>} : memref<128xf32, #tpu.memory_space<vmem>>, vector<16xf32>,
    %swap3A_1460 = arith.constant 80 : index
    %swap3A_1461 = tpu.vector_load %arg14[%swap3A_1460] {strides = array<i32>} : memref<128xf32, #tpu.memory_space<vmem>>, vector<16xf32>,
    %swap3A_1462 = vector.shape_cast %swap3A_1461 : vector<16xf32> to vector<16xf32>
    %swap3A_1463 = vector.shape_cast %sub3A_1301 : vector<16xf32> to vector<16xf32>
    tpu.vector_store %arg14[%swap3A_1460], %swap3A_1463 {strides = array<i32>} : memref<128xf32, #tpu.memory_space<vmem>>, vector<16xf32>,
    %add3A_1464 = arith.addf %mul3A_1261, %mul3A_1282 : vector<16xf32>
    %add3A_1465 = arith.addf %add3A_1464, %mul3A_1302 : vector<16xf32>
    %add3A_1466 = arith.addi %shift_left3A_1309, %shift_left3A_1311 : vector<16xi32>
    %add3A_1467 = arith.addi %add3A_1466, %min3A_1295 : vector<16xi32>
    %lt3A_1468 = arith.cmpf olt, %add3A_1465, %broadcast_in_dim3A_1313 : vector<16xf32>
    %broadcast_in_dim3A_1469 = arith.constant 96 : i32
    %broadcast_in_dim3A_1470 = vector.broadcast %broadcast_in_dim3A_1469 : i32 to vector<16xi32>
    %add3A_1471 = arith.addi %add3A_55, %broadcast_in_dim3A_1470 : vector<16xi32>
    %select_n3A_1472 = arith.select %lt3A_1468, %add3A_1467, %add3A_1471 : vector<16xi1>, vector<16xi32>
    %swap3A_1473 = arith.constant 96 : index
    %swap3A_1474 = tpu.vector_load %arg11[%swap3A_1473] {strides = array<i32>} : memref<128xi32, #tpu.memory_space<vmem>>, vector<16xi32>,
    %swap3A_1475 = vector.shape_cast %swap3A_1474 : vector<16xi32> to vector<16xi32>
    %swap3A_1476 = vector.shape_cast %select_n3A_1472 : vector<16xi32> to vector<16xi32>
    tpu.vector_store %arg11[%swap3A_1473], %swap3A_1476 {strides = array<i32>} : memref<128xi32, #tpu.memory_space<vmem>>, vector<16xi32>,
    %swap3A_1477 = arith.constant 96 : index
    %swap3A_1478 = tpu.vector_load %arg12[%swap3A_1477] {strides = array<i32>} : memref<128xf32, #tpu.memory_space<vmem>>, vector<16xf32>,
    %swap3A_1479 = vector.shape_cast %swap3A_1478 : vector<16xf32> to vector<16xf32>
    %swap3A_1480 = vector.shape_cast %sub3A_1259 : vector<16xf32> to vector<16xf32>
    tpu.vector_store %arg12[%swap3A_1477], %swap3A_1480 {strides = array<i32>} : memref<128xf32, #tpu.memory_space<vmem>>, vector<16xf32>,
    %swap3A_1481 = arith.constant 96 : index
    %swap3A_1482 = tpu.vector_load %arg13[%swap3A_1481] {strides = array<i32>} : memref<128xf32, #tpu.memory_space<vmem>>, vector<16xf32>,
    %swap3A_1483 = vector.shape_cast %swap3A_1482 : vector<16xf32> to vector<16xf32>
    %swap3A_1484 = vector.shape_cast %sub3A_1280 : vector<16xf32> to vector<16xf32>
    tpu.vector_store %arg13[%swap3A_1481], %swap3A_1484 {strides = array<i32>} : memref<128xf32, #tpu.memory_space<vmem>>, vector<16xf32>,
    %swap3A_1485 = arith.constant 96 : index
    %swap3A_1486 = tpu.vector_load %arg14[%swap3A_1485] {strides = array<i32>} : memref<128xf32, #tpu.memory_space<vmem>>, vector<16xf32>,
    %swap3A_1487 = vector.shape_cast %swap3A_1486 : vector<16xf32> to vector<16xf32>
    %swap3A_1488 = vector.shape_cast %sub3A_1299 : vector<16xf32> to vector<16xf32>
    tpu.vector_store %arg14[%swap3A_1485], %swap3A_1488 {strides = array<i32>} : memref<128xf32, #tpu.memory_space<vmem>>, vector<16xf32>,
    %add3A_1489 = arith.addf %mul3A_1261, %mul3A_1282 : vector<16xf32>
    %add3A_1490 = arith.addf %add3A_1489, %mul3A_1303 : vector<16xf32>
    %add3A_1491 = arith.addi %shift_left3A_1309, %shift_left3A_1311 : vector<16xi32>
    %add3A_1492 = arith.addi %add3A_1491, %min3A_1297 : vector<16xi32>
    %lt3A_1493 = arith.cmpf olt, %add3A_1490, %broadcast_in_dim3A_1313 : vector<16xf32>
    %broadcast_in_dim3A_1494 = arith.constant 112 : i32
    %broadcast_in_dim3A_1495 = vector.broadcast %broadcast_in_dim3A_1494 : i32 to vector<16xi32>
    %add3A_1496 = arith.addi %add3A_55, %broadcast_in_dim3A_1495 : vector<16xi32>
    %select_n3A_1497 = arith.select %lt3A_1493, %add3A_1492, %add3A_1496 : vector<16xi1>, vector<16xi32>
    %swap3A_1498 = arith.constant 112 : index
    %swap3A_1499 = tpu.vector_load %arg11[%swap3A_1498] {strides = array<i32>} : memref<128xi32, #tpu.memory_space<vmem>>, vector<16xi32>,
    %swap3A_1500 = vector.shape_cast %swap3A_1499 : vector<16xi32> to vector<16xi32>
    %swap3A_1501 = vector.shape_cast %select_n3A_1497 : vector<16xi32> to vector<16xi32>
    tpu.vector_store %arg11[%swap3A_1498], %swap3A_1501 {strides = array<i32>} : memref<128xi32, #tpu.memory_space<vmem>>, vector<16xi32>,
    %swap3A_1502 = arith.constant 112 : index
    %swap3A_1503 = tpu.vector_load %arg12[%swap3A_1502] {strides = array<i32>} : memref<128xf32, #tpu.memory_space<vmem>>, vector<16xf32>,
    %swap3A_1504 = vector.shape_cast %swap3A_1503 : vector<16xf32> to vector<16xf32>
    %swap3A_1505 = vector.shape_cast %sub3A_1259 : vector<16xf32> to vector<16xf32>
    tpu.vector_store %arg12[%swap3A_1502], %swap3A_1505 {strides = array<i32>} : memref<128xf32, #tpu.memory_space<vmem>>, vector<16xf32>,
    %swap3A_1506 = arith.constant 112 : index
    %swap3A_1507 = tpu.vector_load %arg13[%swap3A_1506] {strides = array<i32>} : memref<128xf32, #tpu.memory_space<vmem>>, vector<16xf32>,
    %swap3A_1508 = vector.shape_cast %swap3A_1507 : vector<16xf32> to vector<16xf32>
    %swap3A_1509 = vector.shape_cast %sub3A_1280 : vector<16xf32> to vector<16xf32>
    tpu.vector_store %arg13[%swap3A_1506], %swap3A_1509 {strides = array<i32>} : memref<128xf32, #tpu.memory_space<vmem>>, vector<16xf32>,
    %swap3A_1510 = arith.constant 112 : index
    %swap3A_1511 = tpu.vector_load %arg14[%swap3A_1510] {strides = array<i32>} : memref<128xf32, #tpu.memory_space<vmem>>, vector<16xf32>,
    %swap3A_1512 = vector.shape_cast %swap3A_1511 : vector<16xf32> to vector<16xf32>
    %swap3A_1513 = vector.shape_cast %sub3A_1301 : vector<16xf32> to vector<16xf32>
    tpu.vector_store %arg14[%swap3A_1510], %swap3A_1513 {strides = array<i32>} : memref<128xf32, #tpu.memory_space<vmem>>, vector<16xf32>,
    %dma_start3A_1514 = arith.constant 0 : i32
    %dma_start3A_1515 = tpu.memref_slice %arg39[%dma_start3A_1514] : memref<264192xf32, #tpu.memory_space<vmem_shared>> -> memref<264192xf32, #tpu.memory_space<vmem_shared>>
    tpu.enqueue_indirect_dma source(%arg12 : memref<128xf32, #tpu.memory_space<vmem>>) target(%dma_start3A_1515 : memref<264192xf32, #tpu.memory_space<vmem_shared>>) offsets(%arg11 : memref<128xi32, #tpu.memory_space<vmem>>) semaphore(%arg32 : memref<!tpu.dma_semaphore, #tpu.memory_space<semaphore_mem>>) {add = true}
    %dma_start3A_1516 = arith.constant 0 : i32
    %dma_start3A_1517 = tpu.memref_slice %arg40[%dma_start3A_1516] : memref<264192xf32, #tpu.memory_space<vmem_shared>> -> memref<264192xf32, #tpu.memory_space<vmem_shared>>
    tpu.enqueue_indirect_dma source(%arg13 : memref<128xf32, #tpu.memory_space<vmem>>) target(%dma_start3A_1517 : memref<264192xf32, #tpu.memory_space<vmem_shared>>) offsets(%arg11 : memref<128xi32, #tpu.memory_space<vmem>>) semaphore(%arg32 : memref<!tpu.dma_semaphore, #tpu.memory_space<semaphore_mem>>) {add = true}
    %dma_start3A_1518 = arith.constant 0 : i32
    %dma_start3A_1519 = tpu.memref_slice %arg41[%dma_start3A_1518] : memref<264192xf32, #tpu.memory_space<vmem_shared>> -> memref<264192xf32, #tpu.memory_space<vmem_shared>>
    tpu.enqueue_indirect_dma source(%arg14 : memref<128xf32, #tpu.memory_space<vmem>>) target(%dma_start3A_1519 : memref<264192xf32, #tpu.memory_space<vmem_shared>>) offsets(%arg11 : memref<128xi32, #tpu.memory_space<vmem>>) semaphore(%arg32 : memref<!tpu.dma_semaphore, #tpu.memory_space<semaphore_mem>>) {add = true}
    %dma_start3A_1520 = arith.constant 0 : i32
    %dma_start3A_1521 = tpu.memref_slice %arg42[%dma_start3A_1520] : memref<264192xf32, #tpu.memory_space<vmem_shared>> -> memref<264192xf32, #tpu.memory_space<vmem_shared>>
    tpu.enqueue_indirect_dma source(%arg15 : memref<128xf32, #tpu.memory_space<vmem>>) target(%dma_start3A_1521 : memref<264192xf32, #tpu.memory_space<vmem_shared>>) offsets(%arg11 : memref<128xi32, #tpu.memory_space<vmem>>) semaphore(%arg32 : memref<!tpu.dma_semaphore, #tpu.memory_space<semaphore_mem>>) {add = true}
    %scan3A_1522 = arith.constant 0 : i32
    %scan3A_1523 = arith.constant 1 : i32
    %scan3A_1524 = arith.constant 195 : i32
    %scan3A_1525 = arith.addi %scan3A_1523, %scan3A_1524 : i32
    %scan3A_1526 = arith.constant 1 : i32
    %scan3A_1527 = scf.for %scan3A_1627 = %scan3A_1523 to %scan3A_1525 step %scan3A_1526 iter_args(%scan3A_1628 = %scan3A_1522) -> (i32)  : i32 {
      %dma_wait3A_1629 = arith.constant 0 : i32
      %dma_wait3A_1630 = tpu.memref_slice %arg39[%dma_wait3A_1629] : memref<264192xf32, #tpu.memory_space<vmem_shared>> -> memref<264192xf32, #tpu.memory_space<vmem_shared>>
      tpu.wait_indirect_dma semaphore(%arg31 : memref<!tpu.dma_semaphore, #tpu.memory_space<semaphore_mem>>) src(%arg8 : memref<128xf32, #tpu.memory_space<vmem>>) dst(%dma_wait3A_1630 : memref<264192xf32, #tpu.memory_space<vmem_shared>>)
      %dma_wait3A_1631 = arith.constant 0 : i32
      %dma_wait3A_1632 = tpu.memref_slice %arg40[%dma_wait3A_1631] : memref<264192xf32, #tpu.memory_space<vmem_shared>> -> memref<264192xf32, #tpu.memory_space<vmem_shared>>
      tpu.wait_indirect_dma semaphore(%arg31 : memref<!tpu.dma_semaphore, #tpu.memory_space<semaphore_mem>>) src(%arg9 : memref<128xf32, #tpu.memory_space<vmem>>) dst(%dma_wait3A_1632 : memref<264192xf32, #tpu.memory_space<vmem_shared>>)
      %dma_wait3A_1633 = arith.constant 0 : i32
      %dma_wait3A_1634 = tpu.memref_slice %arg41[%dma_wait3A_1633] : memref<264192xf32, #tpu.memory_space<vmem_shared>> -> memref<264192xf32, #tpu.memory_space<vmem_shared>>
      tpu.wait_indirect_dma semaphore(%arg31 : memref<!tpu.dma_semaphore, #tpu.memory_space<semaphore_mem>>) src(%arg10 : memref<128xf32, #tpu.memory_space<vmem>>) dst(%dma_wait3A_1634 : memref<264192xf32, #tpu.memory_space<vmem_shared>>)
      %dma_wait3A_1635 = arith.constant 0 : i32
      %dma_wait3A_1636 = tpu.memref_slice %arg42[%dma_wait3A_1635] : memref<264192xf32, #tpu.memory_space<vmem_shared>> -> memref<264192xf32, #tpu.memory_space<vmem_shared>>
      tpu.wait_indirect_dma semaphore(%arg31 : memref<!tpu.dma_semaphore, #tpu.memory_space<semaphore_mem>>) src(%arg15 : memref<128xf32, #tpu.memory_space<vmem>>) dst(%dma_wait3A_1636 : memref<264192xf32, #tpu.memory_space<vmem_shared>>)
      %mul3A_1637 = arith.constant 2 : i32
      %mul3A_1638 = arith.muli %mul3A_1637, %scan3A_1627 : i32
      %mul3A_1639 = arith.constant 16 : i32
      %mul3A_1640 = arith.muli %mul3A_1638, %mul3A_1639 : i32
      %broadcast_in_dim3A_1641 = arith.constant 5.000000e-01 : f32
      %broadcast_in_dim3A_1642 = vector.broadcast %broadcast_in_dim3A_1641 : f32 to vector<16xf32>
      %broadcast_in_dim3A_1643 = arith.constant 6.400000e+01 : f32
      %broadcast_in_dim3A_1644 = vector.broadcast %broadcast_in_dim3A_1643 : f32 to vector<16xf32>
      %broadcast_in_dim3A_1645 = arith.constant 0 : i32
      %broadcast_in_dim3A_1646 = vector.broadcast %broadcast_in_dim3A_1645 : i32 to vector<16xi32>
      %broadcast_in_dim3A_1647 = arith.constant 63 : i32
      %broadcast_in_dim3A_1648 = vector.broadcast %broadcast_in_dim3A_1647 : i32 to vector<16xi32>
      %broadcast_in_dim3A_1649 = arith.constant 1 : i32
      %broadcast_in_dim3A_1650 = vector.broadcast %broadcast_in_dim3A_1649 : i32 to vector<16xi32>
      %get3A_1651 = arith.index_cast %mul3A_1640 : i32 to index
      %get3A_1652 = tpu.vector_load %arg4[%get3A_1651] {strides = array<i32>} : memref<6272xf32, #tpu.memory_space<vmem>>, vector<16xf32>,
      %get3A_1653 = vector.shape_cast %get3A_1652 : vector<16xf32> to vector<16xf32>
      %add3A_1654 = arith.addf %get3A_1653, %broadcast_in_dim3A_1642 : vector<16xf32>
      %mul3A_1655 = arith.mulf %add3A_1654, %broadcast_in_dim3A_1644 : vector<16xf32>
      %sub3A_1656 = arith.subf %mul3A_1655, %broadcast_in_dim3A_1642 : vector<16xf32>
      %convert_element_type3A_1657 = arith.fptosi %sub3A_1656 : vector<16xf32> to vector<16xi32>
      %convert_element_type3A_1658 = arith.sitofp %convert_element_type3A_1657 : vector<16xi32> to vector<16xf32>
      %gt3A_1659 = arith.cmpf ogt, %sub3A_1656, %convert_element_type3A_1658 : vector<16xf32>
      %select_n3A_1660 = arith.select %gt3A_1659, %broadcast_in_dim3A_1650, %broadcast_in_dim3A_1646 : vector<16xi1>, vector<16xi32>
      %add3A_1661 = arith.addi %convert_element_type3A_1657, %select_n3A_1660 : vector<16xi32>
      %max3A_1662 = arith.maxsi %convert_element_type3A_1657, %broadcast_in_dim3A_1646 : vector<16xi32>
      %min3A_1663 = arith.minsi %max3A_1662, %broadcast_in_dim3A_1648 : vector<16xi32>
      %max3A_1664 = arith.maxsi %add3A_1661, %broadcast_in_dim3A_1646 : vector<16xi32>
      %min3A_1665 = arith.minsi %max3A_1664, %broadcast_in_dim3A_1648 : vector<16xi32>
      %convert_element_type3A_1666 = arith.sitofp %min3A_1663 : vector<16xi32> to vector<16xf32>
      %sub3A_1667 = arith.subf %sub3A_1656, %convert_element_type3A_1666 : vector<16xf32>
      %convert_element_type3A_1668 = arith.sitofp %min3A_1665 : vector<16xi32> to vector<16xf32>
      %sub3A_1669 = arith.subf %sub3A_1656, %convert_element_type3A_1668 : vector<16xf32>
      %mul3A_1670 = arith.mulf %sub3A_1667, %sub3A_1667 : vector<16xf32>
      %mul3A_1671 = arith.mulf %sub3A_1669, %sub3A_1669 : vector<16xf32>
      %get3A_1672 = arith.index_cast %mul3A_1640 : i32 to index
      %get3A_1673 = tpu.vector_load %arg5[%get3A_1672] {strides = array<i32>} : memref<6272xf32, #tpu.memory_space<vmem>>, vector<16xf32>,
      %get3A_1674 = vector.shape_cast %get3A_1673 : vector<16xf32> to vector<16xf32>
      %add3A_1675 = arith.addf %get3A_1674, %broadcast_in_dim3A_1642 : vector<16xf32>
      %mul3A_1676 = arith.mulf %add3A_1675, %broadcast_in_dim3A_1644 : vector<16xf32>
      %sub3A_1677 = arith.subf %mul3A_1676, %broadcast_in_dim3A_1642 : vector<16xf32>
      %convert_element_type3A_1678 = arith.fptosi %sub3A_1677 : vector<16xf32> to vector<16xi32>
      %convert_element_type3A_1679 = arith.sitofp %convert_element_type3A_1678 : vector<16xi32> to vector<16xf32>
      %gt3A_1680 = arith.cmpf ogt, %sub3A_1677, %convert_element_type3A_1679 : vector<16xf32>
      %select_n3A_1681 = arith.select %gt3A_1680, %broadcast_in_dim3A_1650, %broadcast_in_dim3A_1646 : vector<16xi1>, vector<16xi32>
      %add3A_1682 = arith.addi %convert_element_type3A_1678, %select_n3A_1681 : vector<16xi32>
      %max3A_1683 = arith.maxsi %convert_element_type3A_1678, %broadcast_in_dim3A_1646 : vector<16xi32>
      %min3A_1684 = arith.minsi %max3A_1683, %broadcast_in_dim3A_1648 : vector<16xi32>
      %max3A_1685 = arith.maxsi %add3A_1682, %broadcast_in_dim3A_1646 : vector<16xi32>
      %min3A_1686 = arith.minsi %max3A_1685, %broadcast_in_dim3A_1648 : vector<16xi32>
      %convert_element_type3A_1687 = arith.sitofp %min3A_1684 : vector<16xi32> to vector<16xf32>
      %sub3A_1688 = arith.subf %sub3A_1677, %convert_element_type3A_1687 : vector<16xf32>
      %convert_element_type3A_1689 = arith.sitofp %min3A_1686 : vector<16xi32> to vector<16xf32>
      %sub3A_1690 = arith.subf %sub3A_1677, %convert_element_type3A_1689 : vector<16xf32>
      %mul3A_1691 = arith.mulf %sub3A_1688, %sub3A_1688 : vector<16xf32>
      %mul3A_1692 = arith.mulf %sub3A_1690, %sub3A_1690 : vector<16xf32>
      %get3A_1693 = arith.index_cast %mul3A_1640 : i32 to index
      %get3A_1694 = tpu.vector_load %arg6[%get3A_1693] {strides = array<i32>} : memref<6272xf32, #tpu.memory_space<vmem>>, vector<16xf32>,
      %get3A_1695 = vector.shape_cast %get3A_1694 : vector<16xf32> to vector<16xf32>
      %add3A_1696 = arith.addf %get3A_1695, %broadcast_in_dim3A_1642 : vector<16xf32>
      %mul3A_1697 = arith.mulf %add3A_1696, %broadcast_in_dim3A_1644 : vector<16xf32>
      %sub3A_1698 = arith.subf %mul3A_1697, %broadcast_in_dim3A_1642 : vector<16xf32>
      %convert_element_type3A_1699 = arith.fptosi %sub3A_1698 : vector<16xf32> to vector<16xi32>
      %convert_element_type3A_1700 = arith.sitofp %convert_element_type3A_1699 : vector<16xi32> to vector<16xf32>
      %gt3A_1701 = arith.cmpf ogt, %sub3A_1698, %convert_element_type3A_1700 : vector<16xf32>
      %select_n3A_1702 = arith.select %gt3A_1701, %broadcast_in_dim3A_1650, %broadcast_in_dim3A_1646 : vector<16xi1>, vector<16xi32>
      %add3A_1703 = arith.addi %convert_element_type3A_1699, %select_n3A_1702 : vector<16xi32>
      %max3A_1704 = arith.maxsi %convert_element_type3A_1699, %broadcast_in_dim3A_1646 : vector<16xi32>
      %min3A_1705 = arith.minsi %max3A_1704, %broadcast_in_dim3A_1648 : vector<16xi32>
      %max3A_1706 = arith.maxsi %add3A_1703, %broadcast_in_dim3A_1646 : vector<16xi32>
      %min3A_1707 = arith.minsi %max3A_1706, %broadcast_in_dim3A_1648 : vector<16xi32>
      %convert_element_type3A_1708 = arith.sitofp %min3A_1705 : vector<16xi32> to vector<16xf32>
      %sub3A_1709 = arith.subf %sub3A_1698, %convert_element_type3A_1708 : vector<16xf32>
      %convert_element_type3A_1710 = arith.sitofp %min3A_1707 : vector<16xi32> to vector<16xf32>
      %sub3A_1711 = arith.subf %sub3A_1698, %convert_element_type3A_1710 : vector<16xf32>
      %mul3A_1712 = arith.mulf %sub3A_1709, %sub3A_1709 : vector<16xf32>
      %mul3A_1713 = arith.mulf %sub3A_1711, %sub3A_1711 : vector<16xf32>
      %broadcast_in_dim3A_1714 = arith.constant 12 : i32
      %broadcast_in_dim3A_1715 = vector.broadcast %broadcast_in_dim3A_1714 : i32 to vector<16xi32>
      %broadcast_in_dim3A_1716 = arith.constant 6 : i32
      %broadcast_in_dim3A_1717 = vector.broadcast %broadcast_in_dim3A_1716 : i32 to vector<16xi32>
      %shift_left3A_1718 = arith.shli %min3A_1663, %broadcast_in_dim3A_1715 : vector<16xi32>
      %shift_left3A_1719 = arith.shli %min3A_1665, %broadcast_in_dim3A_1715 : vector<16xi32>
      %shift_left3A_1720 = arith.shli %min3A_1684, %broadcast_in_dim3A_1717 : vector<16xi32>
      %shift_left3A_1721 = arith.shli %min3A_1686, %broadcast_in_dim3A_1717 : vector<16xi32>
      %broadcast_in_dim3A_1722 = arith.constant 7.569000e-01 : f32
      %broadcast_in_dim3A_1723 = vector.broadcast %broadcast_in_dim3A_1722 : f32 to vector<16xf32>
      %add3A_1724 = arith.addf %mul3A_1670, %mul3A_1691 : vector<16xf32>
      %add3A_1725 = arith.addf %add3A_1724, %mul3A_1712 : vector<16xf32>
      %add3A_1726 = arith.addi %shift_left3A_1718, %shift_left3A_1720 : vector<16xi32>
      %add3A_1727 = arith.addi %add3A_1726, %min3A_1705 : vector<16xi32>
      %lt3A_1728 = arith.cmpf olt, %add3A_1725, %broadcast_in_dim3A_1723 : vector<16xf32>
      %broadcast_in_dim3A_1729 = arith.constant 0 : i32
      %broadcast_in_dim3A_1730 = vector.broadcast %broadcast_in_dim3A_1729 : i32 to vector<16xi32>
      %add3A_1731 = arith.addi %add3A_55, %broadcast_in_dim3A_1730 : vector<16xi32>
      %select_n3A_1732 = arith.select %lt3A_1728, %add3A_1727, %add3A_1731 : vector<16xi1>, vector<16xi32>
      %swap3A_1733 = arith.constant 0 : index
      %swap3A_1734 = tpu.vector_load %arg7[%swap3A_1733] {strides = array<i32>} : memref<128xi32, #tpu.memory_space<vmem>>, vector<16xi32>,
      %swap3A_1735 = vector.shape_cast %swap3A_1734 : vector<16xi32> to vector<16xi32>
      %swap3A_1736 = vector.shape_cast %select_n3A_1732 : vector<16xi32> to vector<16xi32>
      tpu.vector_store %arg7[%swap3A_1733], %swap3A_1736 {strides = array<i32>} : memref<128xi32, #tpu.memory_space<vmem>>, vector<16xi32>,
      %swap3A_1737 = arith.constant 0 : index
      %swap3A_1738 = tpu.vector_load %arg8[%swap3A_1737] {strides = array<i32>} : memref<128xf32, #tpu.memory_space<vmem>>, vector<16xf32>,
      %swap3A_1739 = vector.shape_cast %swap3A_1738 : vector<16xf32> to vector<16xf32>
      %swap3A_1740 = vector.shape_cast %sub3A_1667 : vector<16xf32> to vector<16xf32>
      tpu.vector_store %arg8[%swap3A_1737], %swap3A_1740 {strides = array<i32>} : memref<128xf32, #tpu.memory_space<vmem>>, vector<16xf32>,
      %swap3A_1741 = arith.constant 0 : index
      %swap3A_1742 = tpu.vector_load %arg9[%swap3A_1741] {strides = array<i32>} : memref<128xf32, #tpu.memory_space<vmem>>, vector<16xf32>,
      %swap3A_1743 = vector.shape_cast %swap3A_1742 : vector<16xf32> to vector<16xf32>
      %swap3A_1744 = vector.shape_cast %sub3A_1688 : vector<16xf32> to vector<16xf32>
      tpu.vector_store %arg9[%swap3A_1741], %swap3A_1744 {strides = array<i32>} : memref<128xf32, #tpu.memory_space<vmem>>, vector<16xf32>,
      %swap3A_1745 = arith.constant 0 : index
      %swap3A_1746 = tpu.vector_load %arg10[%swap3A_1745] {strides = array<i32>} : memref<128xf32, #tpu.memory_space<vmem>>, vector<16xf32>,
      %swap3A_1747 = vector.shape_cast %swap3A_1746 : vector<16xf32> to vector<16xf32>
      %swap3A_1748 = vector.shape_cast %sub3A_1709 : vector<16xf32> to vector<16xf32>
      tpu.vector_store %arg10[%swap3A_1745], %swap3A_1748 {strides = array<i32>} : memref<128xf32, #tpu.memory_space<vmem>>, vector<16xf32>,
      %add3A_1749 = arith.addf %mul3A_1670, %mul3A_1691 : vector<16xf32>
      %add3A_1750 = arith.addf %add3A_1749, %mul3A_1713 : vector<16xf32>
      %add3A_1751 = arith.addi %shift_left3A_1718, %shift_left3A_1720 : vector<16xi32>
      %add3A_1752 = arith.addi %add3A_1751, %min3A_1707 : vector<16xi32>
      %lt3A_1753 = arith.cmpf olt, %add3A_1750, %broadcast_in_dim3A_1723 : vector<16xf32>
      %broadcast_in_dim3A_1754 = arith.constant 16 : i32
      %broadcast_in_dim3A_1755 = vector.broadcast %broadcast_in_dim3A_1754 : i32 to vector<16xi32>
      %add3A_1756 = arith.addi %add3A_55, %broadcast_in_dim3A_1755 : vector<16xi32>
      %select_n3A_1757 = arith.select %lt3A_1753, %add3A_1752, %add3A_1756 : vector<16xi1>, vector<16xi32>
      %swap3A_1758 = arith.constant 16 : index
      %swap3A_1759 = tpu.vector_load %arg7[%swap3A_1758] {strides = array<i32>} : memref<128xi32, #tpu.memory_space<vmem>>, vector<16xi32>,
      %swap3A_1760 = vector.shape_cast %swap3A_1759 : vector<16xi32> to vector<16xi32>
      %swap3A_1761 = vector.shape_cast %select_n3A_1757 : vector<16xi32> to vector<16xi32>
      tpu.vector_store %arg7[%swap3A_1758], %swap3A_1761 {strides = array<i32>} : memref<128xi32, #tpu.memory_space<vmem>>, vector<16xi32>,
      %swap3A_1762 = arith.constant 16 : index
      %swap3A_1763 = tpu.vector_load %arg8[%swap3A_1762] {strides = array<i32>} : memref<128xf32, #tpu.memory_space<vmem>>, vector<16xf32>,
      %swap3A_1764 = vector.shape_cast %swap3A_1763 : vector<16xf32> to vector<16xf32>
      %swap3A_1765 = vector.shape_cast %sub3A_1667 : vector<16xf32> to vector<16xf32>
      tpu.vector_store %arg8[%swap3A_1762], %swap3A_1765 {strides = array<i32>} : memref<128xf32, #tpu.memory_space<vmem>>, vector<16xf32>,
      %swap3A_1766 = arith.constant 16 : index
      %swap3A_1767 = tpu.vector_load %arg9[%swap3A_1766] {strides = array<i32>} : memref<128xf32, #tpu.memory_space<vmem>>, vector<16xf32>,
      %swap3A_1768 = vector.shape_cast %swap3A_1767 : vector<16xf32> to vector<16xf32>
      %swap3A_1769 = vector.shape_cast %sub3A_1688 : vector<16xf32> to vector<16xf32>
      tpu.vector_store %arg9[%swap3A_1766], %swap3A_1769 {strides = array<i32>} : memref<128xf32, #tpu.memory_space<vmem>>, vector<16xf32>,
      %swap3A_1770 = arith.constant 16 : index
      %swap3A_1771 = tpu.vector_load %arg10[%swap3A_1770] {strides = array<i32>} : memref<128xf32, #tpu.memory_space<vmem>>, vector<16xf32>,
      %swap3A_1772 = vector.shape_cast %swap3A_1771 : vector<16xf32> to vector<16xf32>
      %swap3A_1773 = vector.shape_cast %sub3A_1711 : vector<16xf32> to vector<16xf32>
      tpu.vector_store %arg10[%swap3A_1770], %swap3A_1773 {strides = array<i32>} : memref<128xf32, #tpu.memory_space<vmem>>, vector<16xf32>,
      %add3A_1774 = arith.addf %mul3A_1670, %mul3A_1692 : vector<16xf32>
      %add3A_1775 = arith.addf %add3A_1774, %mul3A_1712 : vector<16xf32>
      %add3A_1776 = arith.addi %shift_left3A_1718, %shift_left3A_1721 : vector<16xi32>
      %add3A_1777 = arith.addi %add3A_1776, %min3A_1705 : vector<16xi32>
      %lt3A_1778 = arith.cmpf olt, %add3A_1775, %broadcast_in_dim3A_1723 : vector<16xf32>
      %broadcast_in_dim3A_1779 = arith.constant 32 : i32
      %broadcast_in_dim3A_1780 = vector.broadcast %broadcast_in_dim3A_1779 : i32 to vector<16xi32>
      %add3A_1781 = arith.addi %add3A_55, %broadcast_in_dim3A_1780 : vector<16xi32>
      %select_n3A_1782 = arith.select %lt3A_1778, %add3A_1777, %add3A_1781 : vector<16xi1>, vector<16xi32>
      %swap3A_1783 = arith.constant 32 : index
      %swap3A_1784 = tpu.vector_load %arg7[%swap3A_1783] {strides = array<i32>} : memref<128xi32, #tpu.memory_space<vmem>>, vector<16xi32>,
      %swap3A_1785 = vector.shape_cast %swap3A_1784 : vector<16xi32> to vector<16xi32>
      %swap3A_1786 = vector.shape_cast %select_n3A_1782 : vector<16xi32> to vector<16xi32>
      tpu.vector_store %arg7[%swap3A_1783], %swap3A_1786 {strides = array<i32>} : memref<128xi32, #tpu.memory_space<vmem>>, vector<16xi32>,
      %swap3A_1787 = arith.constant 32 : index
      %swap3A_1788 = tpu.vector_load %arg8[%swap3A_1787] {strides = array<i32>} : memref<128xf32, #tpu.memory_space<vmem>>, vector<16xf32>,
      %swap3A_1789 = vector.shape_cast %swap3A_1788 : vector<16xf32> to vector<16xf32>
      %swap3A_1790 = vector.shape_cast %sub3A_1667 : vector<16xf32> to vector<16xf32>
      tpu.vector_store %arg8[%swap3A_1787], %swap3A_1790 {strides = array<i32>} : memref<128xf32, #tpu.memory_space<vmem>>, vector<16xf32>,
      %swap3A_1791 = arith.constant 32 : index
      %swap3A_1792 = tpu.vector_load %arg9[%swap3A_1791] {strides = array<i32>} : memref<128xf32, #tpu.memory_space<vmem>>, vector<16xf32>,
      %swap3A_1793 = vector.shape_cast %swap3A_1792 : vector<16xf32> to vector<16xf32>
      %swap3A_1794 = vector.shape_cast %sub3A_1690 : vector<16xf32> to vector<16xf32>
      tpu.vector_store %arg9[%swap3A_1791], %swap3A_1794 {strides = array<i32>} : memref<128xf32, #tpu.memory_space<vmem>>, vector<16xf32>,
      %swap3A_1795 = arith.constant 32 : index
      %swap3A_1796 = tpu.vector_load %arg10[%swap3A_1795] {strides = array<i32>} : memref<128xf32, #tpu.memory_space<vmem>>, vector<16xf32>,
      %swap3A_1797 = vector.shape_cast %swap3A_1796 : vector<16xf32> to vector<16xf32>
      %swap3A_1798 = vector.shape_cast %sub3A_1709 : vector<16xf32> to vector<16xf32>
      tpu.vector_store %arg10[%swap3A_1795], %swap3A_1798 {strides = array<i32>} : memref<128xf32, #tpu.memory_space<vmem>>, vector<16xf32>,
      %add3A_1799 = arith.addf %mul3A_1670, %mul3A_1692 : vector<16xf32>
      %add3A_1800 = arith.addf %add3A_1799, %mul3A_1713 : vector<16xf32>
      %add3A_1801 = arith.addi %shift_left3A_1718, %shift_left3A_1721 : vector<16xi32>
      %add3A_1802 = arith.addi %add3A_1801, %min3A_1707 : vector<16xi32>
      %lt3A_1803 = arith.cmpf olt, %add3A_1800, %broadcast_in_dim3A_1723 : vector<16xf32>
      %broadcast_in_dim3A_1804 = arith.constant 48 : i32
      %broadcast_in_dim3A_1805 = vector.broadcast %broadcast_in_dim3A_1804 : i32 to vector<16xi32>
      %add3A_1806 = arith.addi %add3A_55, %broadcast_in_dim3A_1805 : vector<16xi32>
      %select_n3A_1807 = arith.select %lt3A_1803, %add3A_1802, %add3A_1806 : vector<16xi1>, vector<16xi32>
      %swap3A_1808 = arith.constant 48 : index
      %swap3A_1809 = tpu.vector_load %arg7[%swap3A_1808] {strides = array<i32>} : memref<128xi32, #tpu.memory_space<vmem>>, vector<16xi32>,
      %swap3A_1810 = vector.shape_cast %swap3A_1809 : vector<16xi32> to vector<16xi32>
      %swap3A_1811 = vector.shape_cast %select_n3A_1807 : vector<16xi32> to vector<16xi32>
      tpu.vector_store %arg7[%swap3A_1808], %swap3A_1811 {strides = array<i32>} : memref<128xi32, #tpu.memory_space<vmem>>, vector<16xi32>,
      %swap3A_1812 = arith.constant 48 : index
      %swap3A_1813 = tpu.vector_load %arg8[%swap3A_1812] {strides = array<i32>} : memref<128xf32, #tpu.memory_space<vmem>>, vector<16xf32>,
      %swap3A_1814 = vector.shape_cast %swap3A_1813 : vector<16xf32> to vector<16xf32>
      %swap3A_1815 = vector.shape_cast %sub3A_1667 : vector<16xf32> to vector<16xf32>
      tpu.vector_store %arg8[%swap3A_1812], %swap3A_1815 {strides = array<i32>} : memref<128xf32, #tpu.memory_space<vmem>>, vector<16xf32>,
      %swap3A_1816 = arith.constant 48 : index
      %swap3A_1817 = tpu.vector_load %arg9[%swap3A_1816] {strides = array<i32>} : memref<128xf32, #tpu.memory_space<vmem>>, vector<16xf32>,
      %swap3A_1818 = vector.shape_cast %swap3A_1817 : vector<16xf32> to vector<16xf32>
      %swap3A_1819 = vector.shape_cast %sub3A_1690 : vector<16xf32> to vector<16xf32>
      tpu.vector_store %arg9[%swap3A_1816], %swap3A_1819 {strides = array<i32>} : memref<128xf32, #tpu.memory_space<vmem>>, vector<16xf32>,
      %swap3A_1820 = arith.constant 48 : index
      %swap3A_1821 = tpu.vector_load %arg10[%swap3A_1820] {strides = array<i32>} : memref<128xf32, #tpu.memory_space<vmem>>, vector<16xf32>,
      %swap3A_1822 = vector.shape_cast %swap3A_1821 : vector<16xf32> to vector<16xf32>
      %swap3A_1823 = vector.shape_cast %sub3A_1711 : vector<16xf32> to vector<16xf32>
      tpu.vector_store %arg10[%swap3A_1820], %swap3A_1823 {strides = array<i32>} : memref<128xf32, #tpu.memory_space<vmem>>, vector<16xf32>,
      %add3A_1824 = arith.addf %mul3A_1671, %mul3A_1691 : vector<16xf32>
      %add3A_1825 = arith.addf %add3A_1824, %mul3A_1712 : vector<16xf32>
      %add3A_1826 = arith.addi %shift_left3A_1719, %shift_left3A_1720 : vector<16xi32>
      %add3A_1827 = arith.addi %add3A_1826, %min3A_1705 : vector<16xi32>
      %lt3A_1828 = arith.cmpf olt, %add3A_1825, %broadcast_in_dim3A_1723 : vector<16xf32>
      %broadcast_in_dim3A_1829 = arith.constant 64 : i32
      %broadcast_in_dim3A_1830 = vector.broadcast %broadcast_in_dim3A_1829 : i32 to vector<16xi32>
      %add3A_1831 = arith.addi %add3A_55, %broadcast_in_dim3A_1830 : vector<16xi32>
      %select_n3A_1832 = arith.select %lt3A_1828, %add3A_1827, %add3A_1831 : vector<16xi1>, vector<16xi32>
      %swap3A_1833 = arith.constant 64 : index
      %swap3A_1834 = tpu.vector_load %arg7[%swap3A_1833] {strides = array<i32>} : memref<128xi32, #tpu.memory_space<vmem>>, vector<16xi32>,
      %swap3A_1835 = vector.shape_cast %swap3A_1834 : vector<16xi32> to vector<16xi32>
      %swap3A_1836 = vector.shape_cast %select_n3A_1832 : vector<16xi32> to vector<16xi32>
      tpu.vector_store %arg7[%swap3A_1833], %swap3A_1836 {strides = array<i32>} : memref<128xi32, #tpu.memory_space<vmem>>, vector<16xi32>,
      %swap3A_1837 = arith.constant 64 : index
      %swap3A_1838 = tpu.vector_load %arg8[%swap3A_1837] {strides = array<i32>} : memref<128xf32, #tpu.memory_space<vmem>>, vector<16xf32>,
      %swap3A_1839 = vector.shape_cast %swap3A_1838 : vector<16xf32> to vector<16xf32>
      %swap3A_1840 = vector.shape_cast %sub3A_1669 : vector<16xf32> to vector<16xf32>
      tpu.vector_store %arg8[%swap3A_1837], %swap3A_1840 {strides = array<i32>} : memref<128xf32, #tpu.memory_space<vmem>>, vector<16xf32>,
      %swap3A_1841 = arith.constant 64 : index
      %swap3A_1842 = tpu.vector_load %arg9[%swap3A_1841] {strides = array<i32>} : memref<128xf32, #tpu.memory_space<vmem>>, vector<16xf32>,
      %swap3A_1843 = vector.shape_cast %swap3A_1842 : vector<16xf32> to vector<16xf32>
      %swap3A_1844 = vector.shape_cast %sub3A_1688 : vector<16xf32> to vector<16xf32>
      tpu.vector_store %arg9[%swap3A_1841], %swap3A_1844 {strides = array<i32>} : memref<128xf32, #tpu.memory_space<vmem>>, vector<16xf32>,
      %swap3A_1845 = arith.constant 64 : index
      %swap3A_1846 = tpu.vector_load %arg10[%swap3A_1845] {strides = array<i32>} : memref<128xf32, #tpu.memory_space<vmem>>, vector<16xf32>,
      %swap3A_1847 = vector.shape_cast %swap3A_1846 : vector<16xf32> to vector<16xf32>
      %swap3A_1848 = vector.shape_cast %sub3A_1709 : vector<16xf32> to vector<16xf32>
      tpu.vector_store %arg10[%swap3A_1845], %swap3A_1848 {strides = array<i32>} : memref<128xf32, #tpu.memory_space<vmem>>, vector<16xf32>,
      %add3A_1849 = arith.addf %mul3A_1671, %mul3A_1691 : vector<16xf32>
      %add3A_1850 = arith.addf %add3A_1849, %mul3A_1713 : vector<16xf32>
      %add3A_1851 = arith.addi %shift_left3A_1719, %shift_left3A_1720 : vector<16xi32>
      %add3A_1852 = arith.addi %add3A_1851, %min3A_1707 : vector<16xi32>
      %lt3A_1853 = arith.cmpf olt, %add3A_1850, %broadcast_in_dim3A_1723 : vector<16xf32>
      %broadcast_in_dim3A_1854 = arith.constant 80 : i32
      %broadcast_in_dim3A_1855 = vector.broadcast %broadcast_in_dim3A_1854 : i32 to vector<16xi32>
      %add3A_1856 = arith.addi %add3A_55, %broadcast_in_dim3A_1855 : vector<16xi32>
      %select_n3A_1857 = arith.select %lt3A_1853, %add3A_1852, %add3A_1856 : vector<16xi1>, vector<16xi32>
      %swap3A_1858 = arith.constant 80 : index
      %swap3A_1859 = tpu.vector_load %arg7[%swap3A_1858] {strides = array<i32>} : memref<128xi32, #tpu.memory_space<vmem>>, vector<16xi32>,
      %swap3A_1860 = vector.shape_cast %swap3A_1859 : vector<16xi32> to vector<16xi32>
      %swap3A_1861 = vector.shape_cast %select_n3A_1857 : vector<16xi32> to vector<16xi32>
      tpu.vector_store %arg7[%swap3A_1858], %swap3A_1861 {strides = array<i32>} : memref<128xi32, #tpu.memory_space<vmem>>, vector<16xi32>,
      %swap3A_1862 = arith.constant 80 : index
      %swap3A_1863 = tpu.vector_load %arg8[%swap3A_1862] {strides = array<i32>} : memref<128xf32, #tpu.memory_space<vmem>>, vector<16xf32>,
      %swap3A_1864 = vector.shape_cast %swap3A_1863 : vector<16xf32> to vector<16xf32>
      %swap3A_1865 = vector.shape_cast %sub3A_1669 : vector<16xf32> to vector<16xf32>
      tpu.vector_store %arg8[%swap3A_1862], %swap3A_1865 {strides = array<i32>} : memref<128xf32, #tpu.memory_space<vmem>>, vector<16xf32>,
      %swap3A_1866 = arith.constant 80 : index
      %swap3A_1867 = tpu.vector_load %arg9[%swap3A_1866] {strides = array<i32>} : memref<128xf32, #tpu.memory_space<vmem>>, vector<16xf32>,
      %swap3A_1868 = vector.shape_cast %swap3A_1867 : vector<16xf32> to vector<16xf32>
      %swap3A_1869 = vector.shape_cast %sub3A_1688 : vector<16xf32> to vector<16xf32>
      tpu.vector_store %arg9[%swap3A_1866], %swap3A_1869 {strides = array<i32>} : memref<128xf32, #tpu.memory_space<vmem>>, vector<16xf32>,
      %swap3A_1870 = arith.constant 80 : index
      %swap3A_1871 = tpu.vector_load %arg10[%swap3A_1870] {strides = array<i32>} : memref<128xf32, #tpu.memory_space<vmem>>, vector<16xf32>,
      %swap3A_1872 = vector.shape_cast %swap3A_1871 : vector<16xf32> to vector<16xf32>
      %swap3A_1873 = vector.shape_cast %sub3A_1711 : vector<16xf32> to vector<16xf32>
      tpu.vector_store %arg10[%swap3A_1870], %swap3A_1873 {strides = array<i32>} : memref<128xf32, #tpu.memory_space<vmem>>, vector<16xf32>,
      %add3A_1874 = arith.addf %mul3A_1671, %mul3A_1692 : vector<16xf32>
      %add3A_1875 = arith.addf %add3A_1874, %mul3A_1712 : vector<16xf32>
      %add3A_1876 = arith.addi %shift_left3A_1719, %shift_left3A_1721 : vector<16xi32>
      %add3A_1877 = arith.addi %add3A_1876, %min3A_1705 : vector<16xi32>
      %lt3A_1878 = arith.cmpf olt, %add3A_1875, %broadcast_in_dim3A_1723 : vector<16xf32>
      %broadcast_in_dim3A_1879 = arith.constant 96 : i32
      %broadcast_in_dim3A_1880 = vector.broadcast %broadcast_in_dim3A_1879 : i32 to vector<16xi32>
      %add3A_1881 = arith.addi %add3A_55, %broadcast_in_dim3A_1880 : vector<16xi32>
      %select_n3A_1882 = arith.select %lt3A_1878, %add3A_1877, %add3A_1881 : vector<16xi1>, vector<16xi32>
      %swap3A_1883 = arith.constant 96 : index
      %swap3A_1884 = tpu.vector_load %arg7[%swap3A_1883] {strides = array<i32>} : memref<128xi32, #tpu.memory_space<vmem>>, vector<16xi32>,
      %swap3A_1885 = vector.shape_cast %swap3A_1884 : vector<16xi32> to vector<16xi32>
      %swap3A_1886 = vector.shape_cast %select_n3A_1882 : vector<16xi32> to vector<16xi32>
      tpu.vector_store %arg7[%swap3A_1883], %swap3A_1886 {strides = array<i32>} : memref<128xi32, #tpu.memory_space<vmem>>, vector<16xi32>,
      %swap3A_1887 = arith.constant 96 : index
      %swap3A_1888 = tpu.vector_load %arg8[%swap3A_1887] {strides = array<i32>} : memref<128xf32, #tpu.memory_space<vmem>>, vector<16xf32>,
      %swap3A_1889 = vector.shape_cast %swap3A_1888 : vector<16xf32> to vector<16xf32>
      %swap3A_1890 = vector.shape_cast %sub3A_1669 : vector<16xf32> to vector<16xf32>
      tpu.vector_store %arg8[%swap3A_1887], %swap3A_1890 {strides = array<i32>} : memref<128xf32, #tpu.memory_space<vmem>>, vector<16xf32>,
      %swap3A_1891 = arith.constant 96 : index
      %swap3A_1892 = tpu.vector_load %arg9[%swap3A_1891] {strides = array<i32>} : memref<128xf32, #tpu.memory_space<vmem>>, vector<16xf32>,
      %swap3A_1893 = vector.shape_cast %swap3A_1892 : vector<16xf32> to vector<16xf32>
      %swap3A_1894 = vector.shape_cast %sub3A_1690 : vector<16xf32> to vector<16xf32>
      tpu.vector_store %arg9[%swap3A_1891], %swap3A_1894 {strides = array<i32>} : memref<128xf32, #tpu.memory_space<vmem>>, vector<16xf32>,
      %swap3A_1895 = arith.constant 96 : index
      %swap3A_1896 = tpu.vector_load %arg10[%swap3A_1895] {strides = array<i32>} : memref<128xf32, #tpu.memory_space<vmem>>, vector<16xf32>,
      %swap3A_1897 = vector.shape_cast %swap3A_1896 : vector<16xf32> to vector<16xf32>
      %swap3A_1898 = vector.shape_cast %sub3A_1709 : vector<16xf32> to vector<16xf32>
      tpu.vector_store %arg10[%swap3A_1895], %swap3A_1898 {strides = array<i32>} : memref<128xf32, #tpu.memory_space<vmem>>, vector<16xf32>,
      %add3A_1899 = arith.addf %mul3A_1671, %mul3A_1692 : vector<16xf32>
      %add3A_1900 = arith.addf %add3A_1899, %mul3A_1713 : vector<16xf32>
      %add3A_1901 = arith.addi %shift_left3A_1719, %shift_left3A_1721 : vector<16xi32>
      %add3A_1902 = arith.addi %add3A_1901, %min3A_1707 : vector<16xi32>
      %lt3A_1903 = arith.cmpf olt, %add3A_1900, %broadcast_in_dim3A_1723 : vector<16xf32>
      %broadcast_in_dim3A_1904 = arith.constant 112 : i32
      %broadcast_in_dim3A_1905 = vector.broadcast %broadcast_in_dim3A_1904 : i32 to vector<16xi32>
      %add3A_1906 = arith.addi %add3A_55, %broadcast_in_dim3A_1905 : vector<16xi32>
      %select_n3A_1907 = arith.select %lt3A_1903, %add3A_1902, %add3A_1906 : vector<16xi1>, vector<16xi32>
      %swap3A_1908 = arith.constant 112 : index
      %swap3A_1909 = tpu.vector_load %arg7[%swap3A_1908] {strides = array<i32>} : memref<128xi32, #tpu.memory_space<vmem>>, vector<16xi32>,
      %swap3A_1910 = vector.shape_cast %swap3A_1909 : vector<16xi32> to vector<16xi32>
      %swap3A_1911 = vector.shape_cast %select_n3A_1907 : vector<16xi32> to vector<16xi32>
      tpu.vector_store %arg7[%swap3A_1908], %swap3A_1911 {strides = array<i32>} : memref<128xi32, #tpu.memory_space<vmem>>, vector<16xi32>,
      %swap3A_1912 = arith.constant 112 : index
      %swap3A_1913 = tpu.vector_load %arg8[%swap3A_1912] {strides = array<i32>} : memref<128xf32, #tpu.memory_space<vmem>>, vector<16xf32>,
      %swap3A_1914 = vector.shape_cast %swap3A_1913 : vector<16xf32> to vector<16xf32>
      %swap3A_1915 = vector.shape_cast %sub3A_1669 : vector<16xf32> to vector<16xf32>
      tpu.vector_store %arg8[%swap3A_1912], %swap3A_1915 {strides = array<i32>} : memref<128xf32, #tpu.memory_space<vmem>>, vector<16xf32>,
      %swap3A_1916 = arith.constant 112 : index
      %swap3A_1917 = tpu.vector_load %arg9[%swap3A_1916] {strides = array<i32>} : memref<128xf32, #tpu.memory_space<vmem>>, vector<16xf32>,
      %swap3A_1918 = vector.shape_cast %swap3A_1917 : vector<16xf32> to vector<16xf32>
      %swap3A_1919 = vector.shape_cast %sub3A_1690 : vector<16xf32> to vector<16xf32>
      tpu.vector_store %arg9[%swap3A_1916], %swap3A_1919 {strides = array<i32>} : memref<128xf32, #tpu.memory_space<vmem>>, vector<16xf32>,
      %swap3A_1920 = arith.constant 112 : index
      %swap3A_1921 = tpu.vector_load %arg10[%swap3A_1920] {strides = array<i32>} : memref<128xf32, #tpu.memory_space<vmem>>, vector<16xf32>,
      %swap3A_1922 = vector.shape_cast %swap3A_1921 : vector<16xf32> to vector<16xf32>
      %swap3A_1923 = vector.shape_cast %sub3A_1711 : vector<16xf32> to vector<16xf32>
      tpu.vector_store %arg10[%swap3A_1920], %swap3A_1923 {strides = array<i32>} : memref<128xf32, #tpu.memory_space<vmem>>, vector<16xf32>,
      %dma_start3A_1924 = arith.constant 0 : i32
      %dma_start3A_1925 = tpu.memref_slice %arg39[%dma_start3A_1924] : memref<264192xf32, #tpu.memory_space<vmem_shared>> -> memref<264192xf32, #tpu.memory_space<vmem_shared>>
      tpu.enqueue_indirect_dma source(%arg8 : memref<128xf32, #tpu.memory_space<vmem>>) target(%dma_start3A_1925 : memref<264192xf32, #tpu.memory_space<vmem_shared>>) offsets(%arg7 : memref<128xi32, #tpu.memory_space<vmem>>) semaphore(%arg31 : memref<!tpu.dma_semaphore, #tpu.memory_space<semaphore_mem>>) {add = true}
      %dma_start3A_1926 = arith.constant 0 : i32
      %dma_start3A_1927 = tpu.memref_slice %arg40[%dma_start3A_1926] : memref<264192xf32, #tpu.memory_space<vmem_shared>> -> memref<264192xf32, #tpu.memory_space<vmem_shared>>
      tpu.enqueue_indirect_dma source(%arg9 : memref<128xf32, #tpu.memory_space<vmem>>) target(%dma_start3A_1927 : memref<264192xf32, #tpu.memory_space<vmem_shared>>) offsets(%arg7 : memref<128xi32, #tpu.memory_space<vmem>>) semaphore(%arg31 : memref<!tpu.dma_semaphore, #tpu.memory_space<semaphore_mem>>) {add = true}
      %dma_start3A_1928 = arith.constant 0 : i32
      %dma_start3A_1929 = tpu.memref_slice %arg41[%dma_start3A_1928] : memref<264192xf32, #tpu.memory_space<vmem_shared>> -> memref<264192xf32, #tpu.memory_space<vmem_shared>>
      tpu.enqueue_indirect_dma source(%arg10 : memref<128xf32, #tpu.memory_space<vmem>>) target(%dma_start3A_1929 : memref<264192xf32, #tpu.memory_space<vmem_shared>>) offsets(%arg7 : memref<128xi32, #tpu.memory_space<vmem>>) semaphore(%arg31 : memref<!tpu.dma_semaphore, #tpu.memory_space<semaphore_mem>>) {add = true}
      %dma_start3A_1930 = arith.constant 0 : i32
      %dma_start3A_1931 = tpu.memref_slice %arg42[%dma_start3A_1930] : memref<264192xf32, #tpu.memory_space<vmem_shared>> -> memref<264192xf32, #tpu.memory_space<vmem_shared>>
      tpu.enqueue_indirect_dma source(%arg15 : memref<128xf32, #tpu.memory_space<vmem>>) target(%dma_start3A_1931 : memref<264192xf32, #tpu.memory_space<vmem_shared>>) offsets(%arg7 : memref<128xi32, #tpu.memory_space<vmem>>) semaphore(%arg31 : memref<!tpu.dma_semaphore, #tpu.memory_space<semaphore_mem>>) {add = true}
      %dma_wait3A_1932 = arith.constant 0 : i32
      %dma_wait3A_1933 = tpu.memref_slice %arg39[%dma_wait3A_1932] : memref<264192xf32, #tpu.memory_space<vmem_shared>> -> memref<264192xf32, #tpu.memory_space<vmem_shared>>
      tpu.wait_indirect_dma semaphore(%arg32 : memref<!tpu.dma_semaphore, #tpu.memory_space<semaphore_mem>>) src(%arg12 : memref<128xf32, #tpu.memory_space<vmem>>) dst(%dma_wait3A_1933 : memref<264192xf32, #tpu.memory_space<vmem_shared>>)
      %dma_wait3A_1934 = arith.constant 0 : i32
      %dma_wait3A_1935 = tpu.memref_slice %arg40[%dma_wait3A_1934] : memref<264192xf32, #tpu.memory_space<vmem_shared>> -> memref<264192xf32, #tpu.memory_space<vmem_shared>>
      tpu.wait_indirect_dma semaphore(%arg32 : memref<!tpu.dma_semaphore, #tpu.memory_space<semaphore_mem>>) src(%arg13 : memref<128xf32, #tpu.memory_space<vmem>>) dst(%dma_wait3A_1935 : memref<264192xf32, #tpu.memory_space<vmem_shared>>)
      %dma_wait3A_1936 = arith.constant 0 : i32
      %dma_wait3A_1937 = tpu.memref_slice %arg41[%dma_wait3A_1936] : memref<264192xf32, #tpu.memory_space<vmem_shared>> -> memref<264192xf32, #tpu.memory_space<vmem_shared>>
      tpu.wait_indirect_dma semaphore(%arg32 : memref<!tpu.dma_semaphore, #tpu.memory_space<semaphore_mem>>) src(%arg14 : memref<128xf32, #tpu.memory_space<vmem>>) dst(%dma_wait3A_1937 : memref<264192xf32, #tpu.memory_space<vmem_shared>>)
      %dma_wait3A_1938 = arith.constant 0 : i32
      %dma_wait3A_1939 = tpu.memref_slice %arg42[%dma_wait3A_1938] : memref<264192xf32, #tpu.memory_space<vmem_shared>> -> memref<264192xf32, #tpu.memory_space<vmem_shared>>
      tpu.wait_indirect_dma semaphore(%arg32 : memref<!tpu.dma_semaphore, #tpu.memory_space<semaphore_mem>>) src(%arg15 : memref<128xf32, #tpu.memory_space<vmem>>) dst(%dma_wait3A_1939 : memref<264192xf32, #tpu.memory_space<vmem_shared>>)
      %mul3A_1940 = arith.constant 2 : i32
      %mul3A_1941 = arith.muli %mul3A_1940, %scan3A_1627 : i32
      %add3A_1942 = arith.constant 1 : i32
      %add3A_1943 = arith.addi %mul3A_1941, %add3A_1942 : i32
      %mul3A_1944 = arith.constant 16 : i32
      %mul3A_1945 = arith.muli %add3A_1943, %mul3A_1944 : i32
      %broadcast_in_dim3A_1946 = arith.constant 5.000000e-01 : f32
      %broadcast_in_dim3A_1947 = vector.broadcast %broadcast_in_dim3A_1946 : f32 to vector<16xf32>
      %broadcast_in_dim3A_1948 = arith.constant 6.400000e+01 : f32
      %broadcast_in_dim3A_1949 = vector.broadcast %broadcast_in_dim3A_1948 : f32 to vector<16xf32>
      %broadcast_in_dim3A_1950 = arith.constant 0 : i32
      %broadcast_in_dim3A_1951 = vector.broadcast %broadcast_in_dim3A_1950 : i32 to vector<16xi32>
      %broadcast_in_dim3A_1952 = arith.constant 63 : i32
      %broadcast_in_dim3A_1953 = vector.broadcast %broadcast_in_dim3A_1952 : i32 to vector<16xi32>
      %broadcast_in_dim3A_1954 = arith.constant 1 : i32
      %broadcast_in_dim3A_1955 = vector.broadcast %broadcast_in_dim3A_1954 : i32 to vector<16xi32>
      %get3A_1956 = arith.index_cast %mul3A_1945 : i32 to index
      %get3A_1957 = tpu.vector_load %arg4[%get3A_1956] {strides = array<i32>} : memref<6272xf32, #tpu.memory_space<vmem>>, vector<16xf32>,
      %get3A_1958 = vector.shape_cast %get3A_1957 : vector<16xf32> to vector<16xf32>
      %add3A_1959 = arith.addf %get3A_1958, %broadcast_in_dim3A_1947 : vector<16xf32>
      %mul3A_1960 = arith.mulf %add3A_1959, %broadcast_in_dim3A_1949 : vector<16xf32>
      %sub3A_1961 = arith.subf %mul3A_1960, %broadcast_in_dim3A_1947 : vector<16xf32>
      %convert_element_type3A_1962 = arith.fptosi %sub3A_1961 : vector<16xf32> to vector<16xi32>
      %convert_element_type3A_1963 = arith.sitofp %convert_element_type3A_1962 : vector<16xi32> to vector<16xf32>
      %gt3A_1964 = arith.cmpf ogt, %sub3A_1961, %convert_element_type3A_1963 : vector<16xf32>
      %select_n3A_1965 = arith.select %gt3A_1964, %broadcast_in_dim3A_1955, %broadcast_in_dim3A_1951 : vector<16xi1>, vector<16xi32>
      %add3A_1966 = arith.addi %convert_element_type3A_1962, %select_n3A_1965 : vector<16xi32>
      %max3A_1967 = arith.maxsi %convert_element_type3A_1962, %broadcast_in_dim3A_1951 : vector<16xi32>
      %min3A_1968 = arith.minsi %max3A_1967, %broadcast_in_dim3A_1953 : vector<16xi32>
      %max3A_1969 = arith.maxsi %add3A_1966, %broadcast_in_dim3A_1951 : vector<16xi32>
      %min3A_1970 = arith.minsi %max3A_1969, %broadcast_in_dim3A_1953 : vector<16xi32>
      %convert_element_type3A_1971 = arith.sitofp %min3A_1968 : vector<16xi32> to vector<16xf32>
      %sub3A_1972 = arith.subf %sub3A_1961, %convert_element_type3A_1971 : vector<16xf32>
      %convert_element_type3A_1973 = arith.sitofp %min3A_1970 : vector<16xi32> to vector<16xf32>
      %sub3A_1974 = arith.subf %sub3A_1961, %convert_element_type3A_1973 : vector<16xf32>
      %mul3A_1975 = arith.mulf %sub3A_1972, %sub3A_1972 : vector<16xf32>
      %mul3A_1976 = arith.mulf %sub3A_1974, %sub3A_1974 : vector<16xf32>
      %get3A_1977 = arith.index_cast %mul3A_1945 : i32 to index
      %get3A_1978 = tpu.vector_load %arg5[%get3A_1977] {strides = array<i32>} : memref<6272xf32, #tpu.memory_space<vmem>>, vector<16xf32>,
      %get3A_1979 = vector.shape_cast %get3A_1978 : vector<16xf32> to vector<16xf32>
      %add3A_1980 = arith.addf %get3A_1979, %broadcast_in_dim3A_1947 : vector<16xf32>
      %mul3A_1981 = arith.mulf %add3A_1980, %broadcast_in_dim3A_1949 : vector<16xf32>
      %sub3A_1982 = arith.subf %mul3A_1981, %broadcast_in_dim3A_1947 : vector<16xf32>
      %convert_element_type3A_1983 = arith.fptosi %sub3A_1982 : vector<16xf32> to vector<16xi32>
      %convert_element_type3A_1984 = arith.sitofp %convert_element_type3A_1983 : vector<16xi32> to vector<16xf32>
      %gt3A_1985 = arith.cmpf ogt, %sub3A_1982, %convert_element_type3A_1984 : vector<16xf32>
      %select_n3A_1986 = arith.select %gt3A_1985, %broadcast_in_dim3A_1955, %broadcast_in_dim3A_1951 : vector<16xi1>, vector<16xi32>
      %add3A_1987 = arith.addi %convert_element_type3A_1983, %select_n3A_1986 : vector<16xi32>
      %max3A_1988 = arith.maxsi %convert_element_type3A_1983, %broadcast_in_dim3A_1951 : vector<16xi32>
      %min3A_1989 = arith.minsi %max3A_1988, %broadcast_in_dim3A_1953 : vector<16xi32>
      %max3A_1990 = arith.maxsi %add3A_1987, %broadcast_in_dim3A_1951 : vector<16xi32>
      %min3A_1991 = arith.minsi %max3A_1990, %broadcast_in_dim3A_1953 : vector<16xi32>
      %convert_element_type3A_1992 = arith.sitofp %min3A_1989 : vector<16xi32> to vector<16xf32>
      %sub3A_1993 = arith.subf %sub3A_1982, %convert_element_type3A_1992 : vector<16xf32>
      %convert_element_type3A_1994 = arith.sitofp %min3A_1991 : vector<16xi32> to vector<16xf32>
      %sub3A_1995 = arith.subf %sub3A_1982, %convert_element_type3A_1994 : vector<16xf32>
      %mul3A_1996 = arith.mulf %sub3A_1993, %sub3A_1993 : vector<16xf32>
      %mul3A_1997 = arith.mulf %sub3A_1995, %sub3A_1995 : vector<16xf32>
      %get3A_1998 = arith.index_cast %mul3A_1945 : i32 to index
      %get3A_1999 = tpu.vector_load %arg6[%get3A_1998] {strides = array<i32>} : memref<6272xf32, #tpu.memory_space<vmem>>, vector<16xf32>,
      %get3A_2000 = vector.shape_cast %get3A_1999 : vector<16xf32> to vector<16xf32>
      %add3A_2001 = arith.addf %get3A_2000, %broadcast_in_dim3A_1947 : vector<16xf32>
      %mul3A_2002 = arith.mulf %add3A_2001, %broadcast_in_dim3A_1949 : vector<16xf32>
      %sub3A_2003 = arith.subf %mul3A_2002, %broadcast_in_dim3A_1947 : vector<16xf32>
      %convert_element_type3A_2004 = arith.fptosi %sub3A_2003 : vector<16xf32> to vector<16xi32>
      %convert_element_type3A_2005 = arith.sitofp %convert_element_type3A_2004 : vector<16xi32> to vector<16xf32>
      %gt3A_2006 = arith.cmpf ogt, %sub3A_2003, %convert_element_type3A_2005 : vector<16xf32>
      %select_n3A_2007 = arith.select %gt3A_2006, %broadcast_in_dim3A_1955, %broadcast_in_dim3A_1951 : vector<16xi1>, vector<16xi32>
      %add3A_2008 = arith.addi %convert_element_type3A_2004, %select_n3A_2007 : vector<16xi32>
      %max3A_2009 = arith.maxsi %convert_element_type3A_2004, %broadcast_in_dim3A_1951 : vector<16xi32>
      %min3A_2010 = arith.minsi %max3A_2009, %broadcast_in_dim3A_1953 : vector<16xi32>
      %max3A_2011 = arith.maxsi %add3A_2008, %broadcast_in_dim3A_1951 : vector<16xi32>
      %min3A_2012 = arith.minsi %max3A_2011, %broadcast_in_dim3A_1953 : vector<16xi32>
      %convert_element_type3A_2013 = arith.sitofp %min3A_2010 : vector<16xi32> to vector<16xf32>
      %sub3A_2014 = arith.subf %sub3A_2003, %convert_element_type3A_2013 : vector<16xf32>
      %convert_element_type3A_2015 = arith.sitofp %min3A_2012 : vector<16xi32> to vector<16xf32>
      %sub3A_2016 = arith.subf %sub3A_2003, %convert_element_type3A_2015 : vector<16xf32>
      %mul3A_2017 = arith.mulf %sub3A_2014, %sub3A_2014 : vector<16xf32>
      %mul3A_2018 = arith.mulf %sub3A_2016, %sub3A_2016 : vector<16xf32>
      %broadcast_in_dim3A_2019 = arith.constant 12 : i32
      %broadcast_in_dim3A_2020 = vector.broadcast %broadcast_in_dim3A_2019 : i32 to vector<16xi32>
      %broadcast_in_dim3A_2021 = arith.constant 6 : i32
      %broadcast_in_dim3A_2022 = vector.broadcast %broadcast_in_dim3A_2021 : i32 to vector<16xi32>
      %shift_left3A_2023 = arith.shli %min3A_1968, %broadcast_in_dim3A_2020 : vector<16xi32>
      %shift_left3A_2024 = arith.shli %min3A_1970, %broadcast_in_dim3A_2020 : vector<16xi32>
      %shift_left3A_2025 = arith.shli %min3A_1989, %broadcast_in_dim3A_2022 : vector<16xi32>
      %shift_left3A_2026 = arith.shli %min3A_1991, %broadcast_in_dim3A_2022 : vector<16xi32>
      %broadcast_in_dim3A_2027 = arith.constant 7.569000e-01 : f32
      %broadcast_in_dim3A_2028 = vector.broadcast %broadcast_in_dim3A_2027 : f32 to vector<16xf32>
      %add3A_2029 = arith.addf %mul3A_1975, %mul3A_1996 : vector<16xf32>
      %add3A_2030 = arith.addf %add3A_2029, %mul3A_2017 : vector<16xf32>
      %add3A_2031 = arith.addi %shift_left3A_2023, %shift_left3A_2025 : vector<16xi32>
      %add3A_2032 = arith.addi %add3A_2031, %min3A_2010 : vector<16xi32>
      %lt3A_2033 = arith.cmpf olt, %add3A_2030, %broadcast_in_dim3A_2028 : vector<16xf32>
      %broadcast_in_dim3A_2034 = arith.constant 0 : i32
      %broadcast_in_dim3A_2035 = vector.broadcast %broadcast_in_dim3A_2034 : i32 to vector<16xi32>
      %add3A_2036 = arith.addi %add3A_55, %broadcast_in_dim3A_2035 : vector<16xi32>
      %select_n3A_2037 = arith.select %lt3A_2033, %add3A_2032, %add3A_2036 : vector<16xi1>, vector<16xi32>
      %swap3A_2038 = arith.constant 0 : index
      %swap3A_2039 = tpu.vector_load %arg11[%swap3A_2038] {strides = array<i32>} : memref<128xi32, #tpu.memory_space<vmem>>, vector<16xi32>,
      %swap3A_2040 = vector.shape_cast %swap3A_2039 : vector<16xi32> to vector<16xi32>
      %swap3A_2041 = vector.shape_cast %select_n3A_2037 : vector<16xi32> to vector<16xi32>
      tpu.vector_store %arg11[%swap3A_2038], %swap3A_2041 {strides = array<i32>} : memref<128xi32, #tpu.memory_space<vmem>>, vector<16xi32>,
      %swap3A_2042 = arith.constant 0 : index
      %swap3A_2043 = tpu.vector_load %arg12[%swap3A_2042] {strides = array<i32>} : memref<128xf32, #tpu.memory_space<vmem>>, vector<16xf32>,
      %swap3A_2044 = vector.shape_cast %swap3A_2043 : vector<16xf32> to vector<16xf32>
      %swap3A_2045 = vector.shape_cast %sub3A_1972 : vector<16xf32> to vector<16xf32>
      tpu.vector_store %arg12[%swap3A_2042], %swap3A_2045 {strides = array<i32>} : memref<128xf32, #tpu.memory_space<vmem>>, vector<16xf32>,
      %swap3A_2046 = arith.constant 0 : index
      %swap3A_2047 = tpu.vector_load %arg13[%swap3A_2046] {strides = array<i32>} : memref<128xf32, #tpu.memory_space<vmem>>, vector<16xf32>,
      %swap3A_2048 = vector.shape_cast %swap3A_2047 : vector<16xf32> to vector<16xf32>
      %swap3A_2049 = vector.shape_cast %sub3A_1993 : vector<16xf32> to vector<16xf32>
      tpu.vector_store %arg13[%swap3A_2046], %swap3A_2049 {strides = array<i32>} : memref<128xf32, #tpu.memory_space<vmem>>, vector<16xf32>,
      %swap3A_2050 = arith.constant 0 : index
      %swap3A_2051 = tpu.vector_load %arg14[%swap3A_2050] {strides = array<i32>} : memref<128xf32, #tpu.memory_space<vmem>>, vector<16xf32>,
      %swap3A_2052 = vector.shape_cast %swap3A_2051 : vector<16xf32> to vector<16xf32>
      %swap3A_2053 = vector.shape_cast %sub3A_2014 : vector<16xf32> to vector<16xf32>
      tpu.vector_store %arg14[%swap3A_2050], %swap3A_2053 {strides = array<i32>} : memref<128xf32, #tpu.memory_space<vmem>>, vector<16xf32>,
      %add3A_2054 = arith.addf %mul3A_1975, %mul3A_1996 : vector<16xf32>
      %add3A_2055 = arith.addf %add3A_2054, %mul3A_2018 : vector<16xf32>
      %add3A_2056 = arith.addi %shift_left3A_2023, %shift_left3A_2025 : vector<16xi32>
      %add3A_2057 = arith.addi %add3A_2056, %min3A_2012 : vector<16xi32>
      %lt3A_2058 = arith.cmpf olt, %add3A_2055, %broadcast_in_dim3A_2028 : vector<16xf32>
      %broadcast_in_dim3A_2059 = arith.constant 16 : i32
      %broadcast_in_dim3A_2060 = vector.broadcast %broadcast_in_dim3A_2059 : i32 to vector<16xi32>
      %add3A_2061 = arith.addi %add3A_55, %broadcast_in_dim3A_2060 : vector<16xi32>
      %select_n3A_2062 = arith.select %lt3A_2058, %add3A_2057, %add3A_2061 : vector<16xi1>, vector<16xi32>
      %swap3A_2063 = arith.constant 16 : index
      %swap3A_2064 = tpu.vector_load %arg11[%swap3A_2063] {strides = array<i32>} : memref<128xi32, #tpu.memory_space<vmem>>, vector<16xi32>,
      %swap3A_2065 = vector.shape_cast %swap3A_2064 : vector<16xi32> to vector<16xi32>
      %swap3A_2066 = vector.shape_cast %select_n3A_2062 : vector<16xi32> to vector<16xi32>
      tpu.vector_store %arg11[%swap3A_2063], %swap3A_2066 {strides = array<i32>} : memref<128xi32, #tpu.memory_space<vmem>>, vector<16xi32>,
      %swap3A_2067 = arith.constant 16 : index
      %swap3A_2068 = tpu.vector_load %arg12[%swap3A_2067] {strides = array<i32>} : memref<128xf32, #tpu.memory_space<vmem>>, vector<16xf32>,
      %swap3A_2069 = vector.shape_cast %swap3A_2068 : vector<16xf32> to vector<16xf32>
      %swap3A_2070 = vector.shape_cast %sub3A_1972 : vector<16xf32> to vector<16xf32>
      tpu.vector_store %arg12[%swap3A_2067], %swap3A_2070 {strides = array<i32>} : memref<128xf32, #tpu.memory_space<vmem>>, vector<16xf32>,
      %swap3A_2071 = arith.constant 16 : index
      %swap3A_2072 = tpu.vector_load %arg13[%swap3A_2071] {strides = array<i32>} : memref<128xf32, #tpu.memory_space<vmem>>, vector<16xf32>,
      %swap3A_2073 = vector.shape_cast %swap3A_2072 : vector<16xf32> to vector<16xf32>
      %swap3A_2074 = vector.shape_cast %sub3A_1993 : vector<16xf32> to vector<16xf32>
      tpu.vector_store %arg13[%swap3A_2071], %swap3A_2074 {strides = array<i32>} : memref<128xf32, #tpu.memory_space<vmem>>, vector<16xf32>,
      %swap3A_2075 = arith.constant 16 : index
      %swap3A_2076 = tpu.vector_load %arg14[%swap3A_2075] {strides = array<i32>} : memref<128xf32, #tpu.memory_space<vmem>>, vector<16xf32>,
      %swap3A_2077 = vector.shape_cast %swap3A_2076 : vector<16xf32> to vector<16xf32>
      %swap3A_2078 = vector.shape_cast %sub3A_2016 : vector<16xf32> to vector<16xf32>
      tpu.vector_store %arg14[%swap3A_2075], %swap3A_2078 {strides = array<i32>} : memref<128xf32, #tpu.memory_space<vmem>>, vector<16xf32>,
      %add3A_2079 = arith.addf %mul3A_1975, %mul3A_1997 : vector<16xf32>
      %add3A_2080 = arith.addf %add3A_2079, %mul3A_2017 : vector<16xf32>
      %add3A_2081 = arith.addi %shift_left3A_2023, %shift_left3A_2026 : vector<16xi32>
      %add3A_2082 = arith.addi %add3A_2081, %min3A_2010 : vector<16xi32>
      %lt3A_2083 = arith.cmpf olt, %add3A_2080, %broadcast_in_dim3A_2028 : vector<16xf32>
      %broadcast_in_dim3A_2084 = arith.constant 32 : i32
      %broadcast_in_dim3A_2085 = vector.broadcast %broadcast_in_dim3A_2084 : i32 to vector<16xi32>
      %add3A_2086 = arith.addi %add3A_55, %broadcast_in_dim3A_2085 : vector<16xi32>
      %select_n3A_2087 = arith.select %lt3A_2083, %add3A_2082, %add3A_2086 : vector<16xi1>, vector<16xi32>
      %swap3A_2088 = arith.constant 32 : index
      %swap3A_2089 = tpu.vector_load %arg11[%swap3A_2088] {strides = array<i32>} : memref<128xi32, #tpu.memory_space<vmem>>, vector<16xi32>,
      %swap3A_2090 = vector.shape_cast %swap3A_2089 : vector<16xi32> to vector<16xi32>
      %swap3A_2091 = vector.shape_cast %select_n3A_2087 : vector<16xi32> to vector<16xi32>
      tpu.vector_store %arg11[%swap3A_2088], %swap3A_2091 {strides = array<i32>} : memref<128xi32, #tpu.memory_space<vmem>>, vector<16xi32>,
      %swap3A_2092 = arith.constant 32 : index
      %swap3A_2093 = tpu.vector_load %arg12[%swap3A_2092] {strides = array<i32>} : memref<128xf32, #tpu.memory_space<vmem>>, vector<16xf32>,
      %swap3A_2094 = vector.shape_cast %swap3A_2093 : vector<16xf32> to vector<16xf32>
      %swap3A_2095 = vector.shape_cast %sub3A_1972 : vector<16xf32> to vector<16xf32>
      tpu.vector_store %arg12[%swap3A_2092], %swap3A_2095 {strides = array<i32>} : memref<128xf32, #tpu.memory_space<vmem>>, vector<16xf32>,
      %swap3A_2096 = arith.constant 32 : index
      %swap3A_2097 = tpu.vector_load %arg13[%swap3A_2096] {strides = array<i32>} : memref<128xf32, #tpu.memory_space<vmem>>, vector<16xf32>,
      %swap3A_2098 = vector.shape_cast %swap3A_2097 : vector<16xf32> to vector<16xf32>
      %swap3A_2099 = vector.shape_cast %sub3A_1995 : vector<16xf32> to vector<16xf32>
      tpu.vector_store %arg13[%swap3A_2096], %swap3A_2099 {strides = array<i32>} : memref<128xf32, #tpu.memory_space<vmem>>, vector<16xf32>,
      %swap3A_2100 = arith.constant 32 : index
      %swap3A_2101 = tpu.vector_load %arg14[%swap3A_2100] {strides = array<i32>} : memref<128xf32, #tpu.memory_space<vmem>>, vector<16xf32>,
      %swap3A_2102 = vector.shape_cast %swap3A_2101 : vector<16xf32> to vector<16xf32>
      %swap3A_2103 = vector.shape_cast %sub3A_2014 : vector<16xf32> to vector<16xf32>
      tpu.vector_store %arg14[%swap3A_2100], %swap3A_2103 {strides = array<i32>} : memref<128xf32, #tpu.memory_space<vmem>>, vector<16xf32>,
      %add3A_2104 = arith.addf %mul3A_1975, %mul3A_1997 : vector<16xf32>
      %add3A_2105 = arith.addf %add3A_2104, %mul3A_2018 : vector<16xf32>
      %add3A_2106 = arith.addi %shift_left3A_2023, %shift_left3A_2026 : vector<16xi32>
      %add3A_2107 = arith.addi %add3A_2106, %min3A_2012 : vector<16xi32>
      %lt3A_2108 = arith.cmpf olt, %add3A_2105, %broadcast_in_dim3A_2028 : vector<16xf32>
      %broadcast_in_dim3A_2109 = arith.constant 48 : i32
      %broadcast_in_dim3A_2110 = vector.broadcast %broadcast_in_dim3A_2109 : i32 to vector<16xi32>
      %add3A_2111 = arith.addi %add3A_55, %broadcast_in_dim3A_2110 : vector<16xi32>
      %select_n3A_2112 = arith.select %lt3A_2108, %add3A_2107, %add3A_2111 : vector<16xi1>, vector<16xi32>
      %swap3A_2113 = arith.constant 48 : index
      %swap3A_2114 = tpu.vector_load %arg11[%swap3A_2113] {strides = array<i32>} : memref<128xi32, #tpu.memory_space<vmem>>, vector<16xi32>,
      %swap3A_2115 = vector.shape_cast %swap3A_2114 : vector<16xi32> to vector<16xi32>
      %swap3A_2116 = vector.shape_cast %select_n3A_2112 : vector<16xi32> to vector<16xi32>
      tpu.vector_store %arg11[%swap3A_2113], %swap3A_2116 {strides = array<i32>} : memref<128xi32, #tpu.memory_space<vmem>>, vector<16xi32>,
      %swap3A_2117 = arith.constant 48 : index
      %swap3A_2118 = tpu.vector_load %arg12[%swap3A_2117] {strides = array<i32>} : memref<128xf32, #tpu.memory_space<vmem>>, vector<16xf32>,
      %swap3A_2119 = vector.shape_cast %swap3A_2118 : vector<16xf32> to vector<16xf32>
      %swap3A_2120 = vector.shape_cast %sub3A_1972 : vector<16xf32> to vector<16xf32>
      tpu.vector_store %arg12[%swap3A_2117], %swap3A_2120 {strides = array<i32>} : memref<128xf32, #tpu.memory_space<vmem>>, vector<16xf32>,
      %swap3A_2121 = arith.constant 48 : index
      %swap3A_2122 = tpu.vector_load %arg13[%swap3A_2121] {strides = array<i32>} : memref<128xf32, #tpu.memory_space<vmem>>, vector<16xf32>,
      %swap3A_2123 = vector.shape_cast %swap3A_2122 : vector<16xf32> to vector<16xf32>
      %swap3A_2124 = vector.shape_cast %sub3A_1995 : vector<16xf32> to vector<16xf32>
      tpu.vector_store %arg13[%swap3A_2121], %swap3A_2124 {strides = array<i32>} : memref<128xf32, #tpu.memory_space<vmem>>, vector<16xf32>,
      %swap3A_2125 = arith.constant 48 : index
      %swap3A_2126 = tpu.vector_load %arg14[%swap3A_2125] {strides = array<i32>} : memref<128xf32, #tpu.memory_space<vmem>>, vector<16xf32>,
      %swap3A_2127 = vector.shape_cast %swap3A_2126 : vector<16xf32> to vector<16xf32>
      %swap3A_2128 = vector.shape_cast %sub3A_2016 : vector<16xf32> to vector<16xf32>
      tpu.vector_store %arg14[%swap3A_2125], %swap3A_2128 {strides = array<i32>} : memref<128xf32, #tpu.memory_space<vmem>>, vector<16xf32>,
      %add3A_2129 = arith.addf %mul3A_1976, %mul3A_1996 : vector<16xf32>
      %add3A_2130 = arith.addf %add3A_2129, %mul3A_2017 : vector<16xf32>
      %add3A_2131 = arith.addi %shift_left3A_2024, %shift_left3A_2025 : vector<16xi32>
      %add3A_2132 = arith.addi %add3A_2131, %min3A_2010 : vector<16xi32>
      %lt3A_2133 = arith.cmpf olt, %add3A_2130, %broadcast_in_dim3A_2028 : vector<16xf32>
      %broadcast_in_dim3A_2134 = arith.constant 64 : i32
      %broadcast_in_dim3A_2135 = vector.broadcast %broadcast_in_dim3A_2134 : i32 to vector<16xi32>
      %add3A_2136 = arith.addi %add3A_55, %broadcast_in_dim3A_2135 : vector<16xi32>
      %select_n3A_2137 = arith.select %lt3A_2133, %add3A_2132, %add3A_2136 : vector<16xi1>, vector<16xi32>
      %swap3A_2138 = arith.constant 64 : index
      %swap3A_2139 = tpu.vector_load %arg11[%swap3A_2138] {strides = array<i32>} : memref<128xi32, #tpu.memory_space<vmem>>, vector<16xi32>,
      %swap3A_2140 = vector.shape_cast %swap3A_2139 : vector<16xi32> to vector<16xi32>
      %swap3A_2141 = vector.shape_cast %select_n3A_2137 : vector<16xi32> to vector<16xi32>
      tpu.vector_store %arg11[%swap3A_2138], %swap3A_2141 {strides = array<i32>} : memref<128xi32, #tpu.memory_space<vmem>>, vector<16xi32>,
      %swap3A_2142 = arith.constant 64 : index
      %swap3A_2143 = tpu.vector_load %arg12[%swap3A_2142] {strides = array<i32>} : memref<128xf32, #tpu.memory_space<vmem>>, vector<16xf32>,
      %swap3A_2144 = vector.shape_cast %swap3A_2143 : vector<16xf32> to vector<16xf32>
      %swap3A_2145 = vector.shape_cast %sub3A_1974 : vector<16xf32> to vector<16xf32>
      tpu.vector_store %arg12[%swap3A_2142], %swap3A_2145 {strides = array<i32>} : memref<128xf32, #tpu.memory_space<vmem>>, vector<16xf32>,
      %swap3A_2146 = arith.constant 64 : index
      %swap3A_2147 = tpu.vector_load %arg13[%swap3A_2146] {strides = array<i32>} : memref<128xf32, #tpu.memory_space<vmem>>, vector<16xf32>,
      %swap3A_2148 = vector.shape_cast %swap3A_2147 : vector<16xf32> to vector<16xf32>
      %swap3A_2149 = vector.shape_cast %sub3A_1993 : vector<16xf32> to vector<16xf32>
      tpu.vector_store %arg13[%swap3A_2146], %swap3A_2149 {strides = array<i32>} : memref<128xf32, #tpu.memory_space<vmem>>, vector<16xf32>,
      %swap3A_2150 = arith.constant 64 : index
      %swap3A_2151 = tpu.vector_load %arg14[%swap3A_2150] {strides = array<i32>} : memref<128xf32, #tpu.memory_space<vmem>>, vector<16xf32>,
      %swap3A_2152 = vector.shape_cast %swap3A_2151 : vector<16xf32> to vector<16xf32>
      %swap3A_2153 = vector.shape_cast %sub3A_2014 : vector<16xf32> to vector<16xf32>
      tpu.vector_store %arg14[%swap3A_2150], %swap3A_2153 {strides = array<i32>} : memref<128xf32, #tpu.memory_space<vmem>>, vector<16xf32>,
      %add3A_2154 = arith.addf %mul3A_1976, %mul3A_1996 : vector<16xf32>
      %add3A_2155 = arith.addf %add3A_2154, %mul3A_2018 : vector<16xf32>
      %add3A_2156 = arith.addi %shift_left3A_2024, %shift_left3A_2025 : vector<16xi32>
      %add3A_2157 = arith.addi %add3A_2156, %min3A_2012 : vector<16xi32>
      %lt3A_2158 = arith.cmpf olt, %add3A_2155, %broadcast_in_dim3A_2028 : vector<16xf32>
      %broadcast_in_dim3A_2159 = arith.constant 80 : i32
      %broadcast_in_dim3A_2160 = vector.broadcast %broadcast_in_dim3A_2159 : i32 to vector<16xi32>
      %add3A_2161 = arith.addi %add3A_55, %broadcast_in_dim3A_2160 : vector<16xi32>
      %select_n3A_2162 = arith.select %lt3A_2158, %add3A_2157, %add3A_2161 : vector<16xi1>, vector<16xi32>
      %swap3A_2163 = arith.constant 80 : index
      %swap3A_2164 = tpu.vector_load %arg11[%swap3A_2163] {strides = array<i32>} : memref<128xi32, #tpu.memory_space<vmem>>, vector<16xi32>,
      %swap3A_2165 = vector.shape_cast %swap3A_2164 : vector<16xi32> to vector<16xi32>
      %swap3A_2166 = vector.shape_cast %select_n3A_2162 : vector<16xi32> to vector<16xi32>
      tpu.vector_store %arg11[%swap3A_2163], %swap3A_2166 {strides = array<i32>} : memref<128xi32, #tpu.memory_space<vmem>>, vector<16xi32>,
      %swap3A_2167 = arith.constant 80 : index
      %swap3A_2168 = tpu.vector_load %arg12[%swap3A_2167] {strides = array<i32>} : memref<128xf32, #tpu.memory_space<vmem>>, vector<16xf32>,
      %swap3A_2169 = vector.shape_cast %swap3A_2168 : vector<16xf32> to vector<16xf32>
      %swap3A_2170 = vector.shape_cast %sub3A_1974 : vector<16xf32> to vector<16xf32>
      tpu.vector_store %arg12[%swap3A_2167], %swap3A_2170 {strides = array<i32>} : memref<128xf32, #tpu.memory_space<vmem>>, vector<16xf32>,
      %swap3A_2171 = arith.constant 80 : index
      %swap3A_2172 = tpu.vector_load %arg13[%swap3A_2171] {strides = array<i32>} : memref<128xf32, #tpu.memory_space<vmem>>, vector<16xf32>,
      %swap3A_2173 = vector.shape_cast %swap3A_2172 : vector<16xf32> to vector<16xf32>
      %swap3A_2174 = vector.shape_cast %sub3A_1993 : vector<16xf32> to vector<16xf32>
      tpu.vector_store %arg13[%swap3A_2171], %swap3A_2174 {strides = array<i32>} : memref<128xf32, #tpu.memory_space<vmem>>, vector<16xf32>,
      %swap3A_2175 = arith.constant 80 : index
      %swap3A_2176 = tpu.vector_load %arg14[%swap3A_2175] {strides = array<i32>} : memref<128xf32, #tpu.memory_space<vmem>>, vector<16xf32>,
      %swap3A_2177 = vector.shape_cast %swap3A_2176 : vector<16xf32> to vector<16xf32>
      %swap3A_2178 = vector.shape_cast %sub3A_2016 : vector<16xf32> to vector<16xf32>
      tpu.vector_store %arg14[%swap3A_2175], %swap3A_2178 {strides = array<i32>} : memref<128xf32, #tpu.memory_space<vmem>>, vector<16xf32>,
      %add3A_2179 = arith.addf %mul3A_1976, %mul3A_1997 : vector<16xf32>
      %add3A_2180 = arith.addf %add3A_2179, %mul3A_2017 : vector<16xf32>
      %add3A_2181 = arith.addi %shift_left3A_2024, %shift_left3A_2026 : vector<16xi32>
      %add3A_2182 = arith.addi %add3A_2181, %min3A_2010 : vector<16xi32>
      %lt3A_2183 = arith.cmpf olt, %add3A_2180, %broadcast_in_dim3A_2028 : vector<16xf32>
      %broadcast_in_dim3A_2184 = arith.constant 96 : i32
      %broadcast_in_dim3A_2185 = vector.broadcast %broadcast_in_dim3A_2184 : i32 to vector<16xi32>
      %add3A_2186 = arith.addi %add3A_55, %broadcast_in_dim3A_2185 : vector<16xi32>
      %select_n3A_2187 = arith.select %lt3A_2183, %add3A_2182, %add3A_2186 : vector<16xi1>, vector<16xi32>
      %swap3A_2188 = arith.constant 96 : index
      %swap3A_2189 = tpu.vector_load %arg11[%swap3A_2188] {strides = array<i32>} : memref<128xi32, #tpu.memory_space<vmem>>, vector<16xi32>,
      %swap3A_2190 = vector.shape_cast %swap3A_2189 : vector<16xi32> to vector<16xi32>
      %swap3A_2191 = vector.shape_cast %select_n3A_2187 : vector<16xi32> to vector<16xi32>
      tpu.vector_store %arg11[%swap3A_2188], %swap3A_2191 {strides = array<i32>} : memref<128xi32, #tpu.memory_space<vmem>>, vector<16xi32>,
      %swap3A_2192 = arith.constant 96 : index
      %swap3A_2193 = tpu.vector_load %arg12[%swap3A_2192] {strides = array<i32>} : memref<128xf32, #tpu.memory_space<vmem>>, vector<16xf32>,
      %swap3A_2194 = vector.shape_cast %swap3A_2193 : vector<16xf32> to vector<16xf32>
      %swap3A_2195 = vector.shape_cast %sub3A_1974 : vector<16xf32> to vector<16xf32>
      tpu.vector_store %arg12[%swap3A_2192], %swap3A_2195 {strides = array<i32>} : memref<128xf32, #tpu.memory_space<vmem>>, vector<16xf32>,
      %swap3A_2196 = arith.constant 96 : index
      %swap3A_2197 = tpu.vector_load %arg13[%swap3A_2196] {strides = array<i32>} : memref<128xf32, #tpu.memory_space<vmem>>, vector<16xf32>,
      %swap3A_2198 = vector.shape_cast %swap3A_2197 : vector<16xf32> to vector<16xf32>
      %swap3A_2199 = vector.shape_cast %sub3A_1995 : vector<16xf32> to vector<16xf32>
      tpu.vector_store %arg13[%swap3A_2196], %swap3A_2199 {strides = array<i32>} : memref<128xf32, #tpu.memory_space<vmem>>, vector<16xf32>,
      %swap3A_2200 = arith.constant 96 : index
      %swap3A_2201 = tpu.vector_load %arg14[%swap3A_2200] {strides = array<i32>} : memref<128xf32, #tpu.memory_space<vmem>>, vector<16xf32>,
      %swap3A_2202 = vector.shape_cast %swap3A_2201 : vector<16xf32> to vector<16xf32>
      %swap3A_2203 = vector.shape_cast %sub3A_2014 : vector<16xf32> to vector<16xf32>
      tpu.vector_store %arg14[%swap3A_2200], %swap3A_2203 {strides = array<i32>} : memref<128xf32, #tpu.memory_space<vmem>>, vector<16xf32>,
      %add3A_2204 = arith.addf %mul3A_1976, %mul3A_1997 : vector<16xf32>
      %add3A_2205 = arith.addf %add3A_2204, %mul3A_2018 : vector<16xf32>
      %add3A_2206 = arith.addi %shift_left3A_2024, %shift_left3A_2026 : vector<16xi32>
      %add3A_2207 = arith.addi %add3A_2206, %min3A_2012 : vector<16xi32>
      %lt3A_2208 = arith.cmpf olt, %add3A_2205, %broadcast_in_dim3A_2028 : vector<16xf32>
      %broadcast_in_dim3A_2209 = arith.constant 112 : i32
      %broadcast_in_dim3A_2210 = vector.broadcast %broadcast_in_dim3A_2209 : i32 to vector<16xi32>
      %add3A_2211 = arith.addi %add3A_55, %broadcast_in_dim3A_2210 : vector<16xi32>
      %select_n3A_2212 = arith.select %lt3A_2208, %add3A_2207, %add3A_2211 : vector<16xi1>, vector<16xi32>
      %swap3A_2213 = arith.constant 112 : index
      %swap3A_2214 = tpu.vector_load %arg11[%swap3A_2213] {strides = array<i32>} : memref<128xi32, #tpu.memory_space<vmem>>, vector<16xi32>,
      %swap3A_2215 = vector.shape_cast %swap3A_2214 : vector<16xi32> to vector<16xi32>
      %swap3A_2216 = vector.shape_cast %select_n3A_2212 : vector<16xi32> to vector<16xi32>
      tpu.vector_store %arg11[%swap3A_2213], %swap3A_2216 {strides = array<i32>} : memref<128xi32, #tpu.memory_space<vmem>>, vector<16xi32>,
      %swap3A_2217 = arith.constant 112 : index
      %swap3A_2218 = tpu.vector_load %arg12[%swap3A_2217] {strides = array<i32>} : memref<128xf32, #tpu.memory_space<vmem>>, vector<16xf32>,
      %swap3A_2219 = vector.shape_cast %swap3A_2218 : vector<16xf32> to vector<16xf32>
      %swap3A_2220 = vector.shape_cast %sub3A_1974 : vector<16xf32> to vector<16xf32>
      tpu.vector_store %arg12[%swap3A_2217], %swap3A_2220 {strides = array<i32>} : memref<128xf32, #tpu.memory_space<vmem>>, vector<16xf32>,
      %swap3A_2221 = arith.constant 112 : index
      %swap3A_2222 = tpu.vector_load %arg13[%swap3A_2221] {strides = array<i32>} : memref<128xf32, #tpu.memory_space<vmem>>, vector<16xf32>,
      %swap3A_2223 = vector.shape_cast %swap3A_2222 : vector<16xf32> to vector<16xf32>
      %swap3A_2224 = vector.shape_cast %sub3A_1995 : vector<16xf32> to vector<16xf32>
      tpu.vector_store %arg13[%swap3A_2221], %swap3A_2224 {strides = array<i32>} : memref<128xf32, #tpu.memory_space<vmem>>, vector<16xf32>,
      %swap3A_2225 = arith.constant 112 : index
      %swap3A_2226 = tpu.vector_load %arg14[%swap3A_2225] {strides = array<i32>} : memref<128xf32, #tpu.memory_space<vmem>>, vector<16xf32>,
      %swap3A_2227 = vector.shape_cast %swap3A_2226 : vector<16xf32> to vector<16xf32>
      %swap3A_2228 = vector.shape_cast %sub3A_2016 : vector<16xf32> to vector<16xf32>
      tpu.vector_store %arg14[%swap3A_2225], %swap3A_2228 {strides = array<i32>} : memref<128xf32, #tpu.memory_space<vmem>>, vector<16xf32>,
      %dma_start3A_2229 = arith.constant 0 : i32
      %dma_start3A_2230 = tpu.memref_slice %arg39[%dma_start3A_2229] : memref<264192xf32, #tpu.memory_space<vmem_shared>> -> memref<264192xf32, #tpu.memory_space<vmem_shared>>
      tpu.enqueue_indirect_dma source(%arg12 : memref<128xf32, #tpu.memory_space<vmem>>) target(%dma_start3A_2230 : memref<264192xf32, #tpu.memory_space<vmem_shared>>) offsets(%arg11 : memref<128xi32, #tpu.memory_space<vmem>>) semaphore(%arg32 : memref<!tpu.dma_semaphore, #tpu.memory_space<semaphore_mem>>) {add = true}
      %dma_start3A_2231 = arith.constant 0 : i32
      %dma_start3A_2232 = tpu.memref_slice %arg40[%dma_start3A_2231] : memref<264192xf32, #tpu.memory_space<vmem_shared>> -> memref<264192xf32, #tpu.memory_space<vmem_shared>>
      tpu.enqueue_indirect_dma source(%arg13 : memref<128xf32, #tpu.memory_space<vmem>>) target(%dma_start3A_2232 : memref<264192xf32, #tpu.memory_space<vmem_shared>>) offsets(%arg11 : memref<128xi32, #tpu.memory_space<vmem>>) semaphore(%arg32 : memref<!tpu.dma_semaphore, #tpu.memory_space<semaphore_mem>>) {add = true}
      %dma_start3A_2233 = arith.constant 0 : i32
      %dma_start3A_2234 = tpu.memref_slice %arg41[%dma_start3A_2233] : memref<264192xf32, #tpu.memory_space<vmem_shared>> -> memref<264192xf32, #tpu.memory_space<vmem_shared>>
      tpu.enqueue_indirect_dma source(%arg14 : memref<128xf32, #tpu.memory_space<vmem>>) target(%dma_start3A_2234 : memref<264192xf32, #tpu.memory_space<vmem_shared>>) offsets(%arg11 : memref<128xi32, #tpu.memory_space<vmem>>) semaphore(%arg32 : memref<!tpu.dma_semaphore, #tpu.memory_space<semaphore_mem>>) {add = true}
      %dma_start3A_2235 = arith.constant 0 : i32
      %dma_start3A_2236 = tpu.memref_slice %arg42[%dma_start3A_2235] : memref<264192xf32, #tpu.memory_space<vmem_shared>> -> memref<264192xf32, #tpu.memory_space<vmem_shared>>
      tpu.enqueue_indirect_dma source(%arg15 : memref<128xf32, #tpu.memory_space<vmem>>) target(%dma_start3A_2236 : memref<264192xf32, #tpu.memory_space<vmem_shared>>) offsets(%arg11 : memref<128xi32, #tpu.memory_space<vmem>>) semaphore(%arg32 : memref<!tpu.dma_semaphore, #tpu.memory_space<semaphore_mem>>) {add = true}
      %scan3A_2237 = arith.constant 0 : i32
      scf.yield %scan3A_2237 : i32
    }
    %scan3A_1528 = arith.constant 195 : i32
    %dma_wait3A_1529 = arith.constant 0 : i32
    %dma_wait3A_1530 = tpu.memref_slice %arg39[%dma_wait3A_1529] : memref<264192xf32, #tpu.memory_space<vmem_shared>> -> memref<264192xf32, #tpu.memory_space<vmem_shared>>
    tpu.wait_indirect_dma semaphore(%arg31 : memref<!tpu.dma_semaphore, #tpu.memory_space<semaphore_mem>>) src(%arg8 : memref<128xf32, #tpu.memory_space<vmem>>) dst(%dma_wait3A_1530 : memref<264192xf32, #tpu.memory_space<vmem_shared>>)
    %dma_wait3A_1531 = arith.constant 0 : i32
    %dma_wait3A_1532 = tpu.memref_slice %arg40[%dma_wait3A_1531] : memref<264192xf32, #tpu.memory_space<vmem_shared>> -> memref<264192xf32, #tpu.memory_space<vmem_shared>>
    tpu.wait_indirect_dma semaphore(%arg31 : memref<!tpu.dma_semaphore, #tpu.memory_space<semaphore_mem>>) src(%arg9 : memref<128xf32, #tpu.memory_space<vmem>>) dst(%dma_wait3A_1532 : memref<264192xf32, #tpu.memory_space<vmem_shared>>)
    %dma_wait3A_1533 = arith.constant 0 : i32
    %dma_wait3A_1534 = tpu.memref_slice %arg41[%dma_wait3A_1533] : memref<264192xf32, #tpu.memory_space<vmem_shared>> -> memref<264192xf32, #tpu.memory_space<vmem_shared>>
    tpu.wait_indirect_dma semaphore(%arg31 : memref<!tpu.dma_semaphore, #tpu.memory_space<semaphore_mem>>) src(%arg10 : memref<128xf32, #tpu.memory_space<vmem>>) dst(%dma_wait3A_1534 : memref<264192xf32, #tpu.memory_space<vmem_shared>>)
    %dma_wait3A_1535 = arith.constant 0 : i32
    %dma_wait3A_1536 = tpu.memref_slice %arg42[%dma_wait3A_1535] : memref<264192xf32, #tpu.memory_space<vmem_shared>> -> memref<264192xf32, #tpu.memory_space<vmem_shared>>
    tpu.wait_indirect_dma semaphore(%arg31 : memref<!tpu.dma_semaphore, #tpu.memory_space<semaphore_mem>>) src(%arg15 : memref<128xf32, #tpu.memory_space<vmem>>) dst(%dma_wait3A_1536 : memref<264192xf32, #tpu.memory_space<vmem_shared>>)
    %dma_wait3A_1537 = arith.constant 0 : i32
    %dma_wait3A_1538 = tpu.memref_slice %arg39[%dma_wait3A_1537] : memref<264192xf32, #tpu.memory_space<vmem_shared>> -> memref<264192xf32, #tpu.memory_space<vmem_shared>>
    tpu.wait_indirect_dma semaphore(%arg32 : memref<!tpu.dma_semaphore, #tpu.memory_space<semaphore_mem>>) src(%arg12 : memref<128xf32, #tpu.memory_space<vmem>>) dst(%dma_wait3A_1538 : memref<264192xf32, #tpu.memory_space<vmem_shared>>)
    %dma_wait3A_1539 = arith.constant 0 : i32
    %dma_wait3A_1540 = tpu.memref_slice %arg40[%dma_wait3A_1539] : memref<264192xf32, #tpu.memory_space<vmem_shared>> -> memref<264192xf32, #tpu.memory_space<vmem_shared>>
    tpu.wait_indirect_dma semaphore(%arg32 : memref<!tpu.dma_semaphore, #tpu.memory_space<semaphore_mem>>) src(%arg13 : memref<128xf32, #tpu.memory_space<vmem>>) dst(%dma_wait3A_1540 : memref<264192xf32, #tpu.memory_space<vmem_shared>>)
    %dma_wait3A_1541 = arith.constant 0 : i32
    %dma_wait3A_1542 = tpu.memref_slice %arg41[%dma_wait3A_1541] : memref<264192xf32, #tpu.memory_space<vmem_shared>> -> memref<264192xf32, #tpu.memory_space<vmem_shared>>
    tpu.wait_indirect_dma semaphore(%arg32 : memref<!tpu.dma_semaphore, #tpu.memory_space<semaphore_mem>>) src(%arg14 : memref<128xf32, #tpu.memory_space<vmem>>) dst(%dma_wait3A_1542 : memref<264192xf32, #tpu.memory_space<vmem_shared>>)
    %dma_wait3A_1543 = arith.constant 0 : i32
    %dma_wait3A_1544 = tpu.memref_slice %arg42[%dma_wait3A_1543] : memref<264192xf32, #tpu.memory_space<vmem_shared>> -> memref<264192xf32, #tpu.memory_space<vmem_shared>>
    tpu.wait_indirect_dma semaphore(%arg32 : memref<!tpu.dma_semaphore, #tpu.memory_space<semaphore_mem>>) src(%arg15 : memref<128xf32, #tpu.memory_space<vmem>>) dst(%dma_wait3A_1544 : memref<264192xf32, #tpu.memory_space<vmem_shared>>)
    %barrier3A_1545 = arith.constant 0 : index
    tpu.barrier barrier_id(%barrier3A_1545)
    %mul3A_1546 = arith.constant 16384 : i32
    %mul3A_1547 = arith.muli %arg1, %mul3A_1546 : i32
    %add3A_1548 = arith.constant 0 : i32
    %add3A_1549 = arith.addi %mul3A_1547, %add3A_1548 : i32
    %dma_start3A_1550 = tpu.memref_slice %arg39[%add3A_1549] : memref<264192xf32, #tpu.memory_space<vmem_shared>> -> memref<2048xf32, #tpu.memory_space<vmem_shared>>
    %dma_start3A_1551 = tpu.memref_slice %arg39[%add3A_1549] : memref<264192xf32, #tpu.memory_space<vmem_shared>> -> memref<2048xf32, #tpu.memory_space<vmem_shared>>
    tpu.enqueue_dma source(%dma_start3A_1551 : memref<2048xf32, #tpu.memory_space<vmem_shared>>) target(%arg17 : memref<2048xf32, #tpu.memory_space<vmem>>) target_semaphore(%arg35 : memref<!tpu.dma_semaphore, #tpu.memory_space<semaphore_mem>>)
    %dma_start3A_1552 = tpu.memref_slice %arg40[%add3A_1549] : memref<264192xf32, #tpu.memory_space<vmem_shared>> -> memref<2048xf32, #tpu.memory_space<vmem_shared>>
    %dma_start3A_1553 = tpu.memref_slice %arg40[%add3A_1549] : memref<264192xf32, #tpu.memory_space<vmem_shared>> -> memref<2048xf32, #tpu.memory_space<vmem_shared>>
    tpu.enqueue_dma source(%dma_start3A_1553 : memref<2048xf32, #tpu.memory_space<vmem_shared>>) target(%arg18 : memref<2048xf32, #tpu.memory_space<vmem>>) target_semaphore(%arg35 : memref<!tpu.dma_semaphore, #tpu.memory_space<semaphore_mem>>)
    %dma_start3A_1554 = tpu.memref_slice %arg41[%add3A_1549] : memref<264192xf32, #tpu.memory_space<vmem_shared>> -> memref<2048xf32, #tpu.memory_space<vmem_shared>>
    %dma_start3A_1555 = tpu.memref_slice %arg41[%add3A_1549] : memref<264192xf32, #tpu.memory_space<vmem_shared>> -> memref<2048xf32, #tpu.memory_space<vmem_shared>>
    tpu.enqueue_dma source(%dma_start3A_1555 : memref<2048xf32, #tpu.memory_space<vmem_shared>>) target(%arg19 : memref<2048xf32, #tpu.memory_space<vmem>>) target_semaphore(%arg35 : memref<!tpu.dma_semaphore, #tpu.memory_space<semaphore_mem>>)
    %dma_start3A_1556 = tpu.memref_slice %arg42[%add3A_1549] : memref<264192xf32, #tpu.memory_space<vmem_shared>> -> memref<2048xf32, #tpu.memory_space<vmem_shared>>
    %dma_start3A_1557 = tpu.memref_slice %arg42[%add3A_1549] : memref<264192xf32, #tpu.memory_space<vmem_shared>> -> memref<2048xf32, #tpu.memory_space<vmem_shared>>
    tpu.enqueue_dma source(%dma_start3A_1557 : memref<2048xf32, #tpu.memory_space<vmem_shared>>) target(%arg20 : memref<2048xf32, #tpu.memory_space<vmem>>) target_semaphore(%arg35 : memref<!tpu.dma_semaphore, #tpu.memory_space<semaphore_mem>>)
    %scan3A_1558 = arith.constant 0 : i32
    %scan3A_1559 = arith.constant 0 : i32
    %scan3A_1560 = arith.constant 4 : i32
    %scan3A_1561 = arith.addi %scan3A_1559, %scan3A_1560 : i32
    %scan3A_1562 = arith.constant 1 : i32
    %scan3A_1563 = scf.for %scan3A_1627 = %scan3A_1559 to %scan3A_1561 step %scan3A_1562 iter_args(%scan3A_1628 = %scan3A_1558) -> (i32)  : i32 {
      %mul3A_1629 = arith.constant 2 : i32
      %mul3A_1630 = arith.muli %mul3A_1629, %scan3A_1627 : i32
      %add3A_1631 = arith.constant 0 : i32
      %add3A_1632 = arith.addi %mul3A_1630, %add3A_1631 : i32
      %mul3A_1633 = arith.constant 16384 : i32
      %mul3A_1634 = arith.muli %arg1, %mul3A_1633 : i32
      %mul3A_1635 = arith.constant 2048 : i32
      %mul3A_1636 = arith.muli %add3A_1632, %mul3A_1635 : i32
      %add3A_1637 = arith.addi %mul3A_1634, %mul3A_1636 : i32
      %dma_wait3A_1638 = tpu.memref_slice %arg39[%add3A_1637] : memref<264192xf32, #tpu.memory_space<vmem_shared>> -> memref<2048xf32, #tpu.memory_space<vmem_shared>>
      %dma_wait3A_1639 = tpu.memref_slice %arg39[%add3A_1637] : memref<264192xf32, #tpu.memory_space<vmem_shared>> -> memref<2048xf32, #tpu.memory_space<vmem_shared>>
      tpu.wait_dma2 semaphore(%arg35 : memref<!tpu.dma_semaphore, #tpu.memory_space<semaphore_mem>>) src(%dma_wait3A_1639 : memref<2048xf32, #tpu.memory_space<vmem_shared>>) dst(%arg17 : memref<2048xf32, #tpu.memory_space<vmem>>)
      %dma_wait3A_1640 = tpu.memref_slice %arg40[%add3A_1637] : memref<264192xf32, #tpu.memory_space<vmem_shared>> -> memref<2048xf32, #tpu.memory_space<vmem_shared>>
      %dma_wait3A_1641 = tpu.memref_slice %arg40[%add3A_1637] : memref<264192xf32, #tpu.memory_space<vmem_shared>> -> memref<2048xf32, #tpu.memory_space<vmem_shared>>
      tpu.wait_dma2 semaphore(%arg35 : memref<!tpu.dma_semaphore, #tpu.memory_space<semaphore_mem>>) src(%dma_wait3A_1641 : memref<2048xf32, #tpu.memory_space<vmem_shared>>) dst(%arg18 : memref<2048xf32, #tpu.memory_space<vmem>>)
      %dma_wait3A_1642 = tpu.memref_slice %arg41[%add3A_1637] : memref<264192xf32, #tpu.memory_space<vmem_shared>> -> memref<2048xf32, #tpu.memory_space<vmem_shared>>
      %dma_wait3A_1643 = tpu.memref_slice %arg41[%add3A_1637] : memref<264192xf32, #tpu.memory_space<vmem_shared>> -> memref<2048xf32, #tpu.memory_space<vmem_shared>>
      tpu.wait_dma2 semaphore(%arg35 : memref<!tpu.dma_semaphore, #tpu.memory_space<semaphore_mem>>) src(%dma_wait3A_1643 : memref<2048xf32, #tpu.memory_space<vmem_shared>>) dst(%arg19 : memref<2048xf32, #tpu.memory_space<vmem>>)
      %dma_wait3A_1644 = tpu.memref_slice %arg42[%add3A_1637] : memref<264192xf32, #tpu.memory_space<vmem_shared>> -> memref<2048xf32, #tpu.memory_space<vmem_shared>>
      %dma_wait3A_1645 = tpu.memref_slice %arg42[%add3A_1637] : memref<264192xf32, #tpu.memory_space<vmem_shared>> -> memref<2048xf32, #tpu.memory_space<vmem_shared>>
      tpu.wait_dma2 semaphore(%arg35 : memref<!tpu.dma_semaphore, #tpu.memory_space<semaphore_mem>>) src(%dma_wait3A_1645 : memref<2048xf32, #tpu.memory_space<vmem_shared>>) dst(%arg20 : memref<2048xf32, #tpu.memory_space<vmem>>)
      %add3A_1646 = arith.constant 1 : i32
      %add3A_1647 = arith.addi %add3A_1632, %add3A_1646 : i32
      %lt3A_1648 = arith.constant 8 : i32
      %lt3A_1649 = arith.cmpi slt, %add3A_1647, %lt3A_1648 : i32
      %convert_element_type3A_1650 = arith.extui %lt3A_1649 : i1 to i32
      %cond3A = arith.constant 0 : i32
      %cond3A_1651 = arith.cmpi ne, %convert_element_type3A_1650, %cond3A : i32
      scf.if %cond3A_1651 {
        %add3A_1764 = arith.constant 1 : i32
        %add3A_1765 = arith.addi %add3A_1632, %add3A_1764 : i32
        %mul3A_1766 = arith.constant 16384 : i32
        %mul3A_1767 = arith.muli %arg1, %mul3A_1766 : i32
        %mul3A_1768 = arith.constant 2048 : i32
        %mul3A_1769 = arith.muli %add3A_1765, %mul3A_1768 : i32
        %add3A_1770 = arith.addi %mul3A_1767, %mul3A_1769 : i32
        %dma_start3A_1771 = tpu.memref_slice %arg39[%add3A_1770] : memref<264192xf32, #tpu.memory_space<vmem_shared>> -> memref<2048xf32, #tpu.memory_space<vmem_shared>>
        %dma_start3A_1772 = tpu.memref_slice %arg39[%add3A_1770] : memref<264192xf32, #tpu.memory_space<vmem_shared>> -> memref<2048xf32, #tpu.memory_space<vmem_shared>>
        tpu.enqueue_dma source(%dma_start3A_1772 : memref<2048xf32, #tpu.memory_space<vmem_shared>>) target(%arg24 : memref<2048xf32, #tpu.memory_space<vmem>>) target_semaphore(%arg36 : memref<!tpu.dma_semaphore, #tpu.memory_space<semaphore_mem>>)
        %dma_start3A_1773 = tpu.memref_slice %arg40[%add3A_1770] : memref<264192xf32, #tpu.memory_space<vmem_shared>> -> memref<2048xf32, #tpu.memory_space<vmem_shared>>
        %dma_start3A_1774 = tpu.memref_slice %arg40[%add3A_1770] : memref<264192xf32, #tpu.memory_space<vmem_shared>> -> memref<2048xf32, #tpu.memory_space<vmem_shared>>
        tpu.enqueue_dma source(%dma_start3A_1774 : memref<2048xf32, #tpu.memory_space<vmem_shared>>) target(%arg25 : memref<2048xf32, #tpu.memory_space<vmem>>) target_semaphore(%arg36 : memref<!tpu.dma_semaphore, #tpu.memory_space<semaphore_mem>>)
        %dma_start3A_1775 = tpu.memref_slice %arg41[%add3A_1770] : memref<264192xf32, #tpu.memory_space<vmem_shared>> -> memref<2048xf32, #tpu.memory_space<vmem_shared>>
        %dma_start3A_1776 = tpu.memref_slice %arg41[%add3A_1770] : memref<264192xf32, #tpu.memory_space<vmem_shared>> -> memref<2048xf32, #tpu.memory_space<vmem_shared>>
        tpu.enqueue_dma source(%dma_start3A_1776 : memref<2048xf32, #tpu.memory_space<vmem_shared>>) target(%arg26 : memref<2048xf32, #tpu.memory_space<vmem>>) target_semaphore(%arg36 : memref<!tpu.dma_semaphore, #tpu.memory_space<semaphore_mem>>)
        %dma_start3A_1777 = tpu.memref_slice %arg42[%add3A_1770] : memref<264192xf32, #tpu.memory_space<vmem_shared>> -> memref<2048xf32, #tpu.memory_space<vmem_shared>>
        %dma_start3A_1778 = tpu.memref_slice %arg42[%add3A_1770] : memref<264192xf32, #tpu.memory_space<vmem_shared>> -> memref<2048xf32, #tpu.memory_space<vmem_shared>>
        tpu.enqueue_dma source(%dma_start3A_1778 : memref<2048xf32, #tpu.memory_space<vmem_shared>>) target(%arg27 : memref<2048xf32, #tpu.memory_space<vmem>>) target_semaphore(%arg36 : memref<!tpu.dma_semaphore, #tpu.memory_space<semaphore_mem>>)
      } else {
      }
      %ge3A = arith.constant 2 : i32
      %ge3A_1652 = arith.cmpi sge, %add3A_1632, %ge3A : i32
      %convert_element_type3A_1653 = arith.extui %ge3A_1652 : i1 to i32
      %cond3A_1654 = arith.constant 0 : i32
      %cond3A_1655 = arith.cmpi ne, %convert_element_type3A_1653, %cond3A_1654 : i32
      scf.if %cond3A_1655 {
        %sub3A_1764 = arith.constant 2 : i32
        %sub3A_1765 = arith.subi %add3A_1632, %sub3A_1764 : i32
        %mul3A_1766 = arith.constant 16384 : i32
        %mul3A_1767 = arith.muli %arg1, %mul3A_1766 : i32
        %mul3A_1768 = arith.constant 2048 : i32
        %mul3A_1769 = arith.muli %sub3A_1765, %mul3A_1768 : i32
        %add3A_1770 = arith.addi %mul3A_1767, %mul3A_1769 : i32
        %mul3A_1771 = arith.constant 3 : i32
        %mul3A_1772 = arith.muli %add3A_885, %mul3A_1771 : i32
        %add3A_1773 = arith.constant 0 : i32
        %add3A_1774 = arith.addi %mul3A_1772, %add3A_1773 : i32
        %mul3A_1775 = arith.constant 262144 : i32
        %mul3A_1776 = arith.muli %add3A_1774, %mul3A_1775 : i32
        %add3A_1777 = arith.addi %mul3A_1776, %add3A_1770 : i32
        %dma_wait3A_1778 = tpu.memref_slice %arg3[%add3A_1777] : memref<3145728xf32, #tpu.memory_space<hbm>> -> memref<2048xf32, #tpu.memory_space<hbm>>
        %dma_wait3A_1779 = tpu.memref_slice %arg3[%add3A_1777] : memref<3145728xf32, #tpu.memory_space<hbm>> -> memref<2048xf32, #tpu.memory_space<hbm>>
        tpu.wait_dma2 semaphore(%arg37 : memref<!tpu.dma_semaphore, #tpu.memory_space<semaphore_mem>>) src(%arg21 : memref<2048xf32, #tpu.memory_space<vmem>>) dst(%dma_wait3A_1779 : memref<2048xf32, #tpu.memory_space<hbm>>)
        %mul3A_1780 = arith.constant 3 : i32
        %mul3A_1781 = arith.muli %add3A_885, %mul3A_1780 : i32
        %add3A_1782 = arith.constant 1 : i32
        %add3A_1783 = arith.addi %mul3A_1781, %add3A_1782 : i32
        %mul3A_1784 = arith.constant 262144 : i32
        %mul3A_1785 = arith.muli %add3A_1783, %mul3A_1784 : i32
        %add3A_1786 = arith.addi %mul3A_1785, %add3A_1770 : i32
        %dma_wait3A_1787 = tpu.memref_slice %arg3[%add3A_1786] : memref<3145728xf32, #tpu.memory_space<hbm>> -> memref<2048xf32, #tpu.memory_space<hbm>>
        %dma_wait3A_1788 = tpu.memref_slice %arg3[%add3A_1786] : memref<3145728xf32, #tpu.memory_space<hbm>> -> memref<2048xf32, #tpu.memory_space<hbm>>
        tpu.wait_dma2 semaphore(%arg37 : memref<!tpu.dma_semaphore, #tpu.memory_space<semaphore_mem>>) src(%arg22 : memref<2048xf32, #tpu.memory_space<vmem>>) dst(%dma_wait3A_1788 : memref<2048xf32, #tpu.memory_space<hbm>>)
        %mul3A_1789 = arith.constant 3 : i32
        %mul3A_1790 = arith.muli %add3A_885, %mul3A_1789 : i32
        %add3A_1791 = arith.constant 2 : i32
        %add3A_1792 = arith.addi %mul3A_1790, %add3A_1791 : i32
        %mul3A_1793 = arith.constant 262144 : i32
        %mul3A_1794 = arith.muli %add3A_1792, %mul3A_1793 : i32
        %add3A_1795 = arith.addi %mul3A_1794, %add3A_1770 : i32
        %dma_wait3A_1796 = tpu.memref_slice %arg3[%add3A_1795] : memref<3145728xf32, #tpu.memory_space<hbm>> -> memref<2048xf32, #tpu.memory_space<hbm>>
        %dma_wait3A_1797 = tpu.memref_slice %arg3[%add3A_1795] : memref<3145728xf32, #tpu.memory_space<hbm>> -> memref<2048xf32, #tpu.memory_space<hbm>>
        tpu.wait_dma2 semaphore(%arg37 : memref<!tpu.dma_semaphore, #tpu.memory_space<semaphore_mem>>) src(%arg23 : memref<2048xf32, #tpu.memory_space<vmem>>) dst(%dma_wait3A_1797 : memref<2048xf32, #tpu.memory_space<hbm>>)
      } else {
      }
      %scan3A_1656 = arith.constant 0 : i32
      %scan3A_1657 = arith.constant 0 : i32
      %scan3A_1658 = arith.constant 128 : i32
      %scan3A_1659 = arith.addi %scan3A_1657, %scan3A_1658 : i32
      %scan3A_1660 = arith.constant 1 : i32
      %scan3A_1661 = scf.for %scan3A_1764 = %scan3A_1657 to %scan3A_1659 step %scan3A_1660 iter_args(%scan3A_1765 = %scan3A_1656) -> (i32)  : i32 {
        %mul3A_1766 = arith.constant 16 : i32
        %mul3A_1767 = arith.muli %scan3A_1764, %mul3A_1766 : i32
        %get3A_1768 = arith.index_cast %mul3A_1767 : i32 to index
        %get3A_1769 = tpu.vector_load %arg20[%get3A_1768] {strides = array<i32>} : memref<2048xf32, #tpu.memory_space<vmem>>, vector<16xf32>,
        %get3A_1770 = vector.shape_cast %get3A_1769 : vector<16xf32> to vector<16xf32>
        %broadcast_in_dim3A_1771 = arith.constant 1.000000e+00 : f32
        %broadcast_in_dim3A_1772 = vector.broadcast %broadcast_in_dim3A_1771 : f32 to vector<16xf32>
        %max3A_1773 = arith.maximumf %get3A_1770, %broadcast_in_dim3A_1772 : vector<16xf32>
        %get3A_1774 = arith.index_cast %mul3A_1767 : i32 to index
        %get3A_1775 = tpu.vector_load %arg17[%get3A_1774] {strides = array<i32>} : memref<2048xf32, #tpu.memory_space<vmem>>, vector<16xf32>,
        %get3A_1776 = vector.shape_cast %get3A_1775 : vector<16xf32> to vector<16xf32>
        %div3A = arith.divf %get3A_1776, %max3A_1773 : vector<16xf32>
        %swap3A_1777 = arith.index_cast %mul3A_1767 : i32 to index
        %swap3A_1778 = tpu.vector_load %arg21[%swap3A_1777] {strides = array<i32>} : memref<2048xf32, #tpu.memory_space<vmem>>, vector<16xf32>,
        %swap3A_1779 = vector.shape_cast %swap3A_1778 : vector<16xf32> to vector<16xf32>
        %swap3A_1780 = vector.shape_cast %div3A : vector<16xf32> to vector<16xf32>
        tpu.vector_store %arg21[%swap3A_1777], %swap3A_1780 {strides = array<i32>} : memref<2048xf32, #tpu.memory_space<vmem>>, vector<16xf32>,
        %get3A_1781 = arith.index_cast %mul3A_1767 : i32 to index
        %get3A_1782 = tpu.vector_load %arg18[%get3A_1781] {strides = array<i32>} : memref<2048xf32, #tpu.memory_space<vmem>>, vector<16xf32>,
        %get3A_1783 = vector.shape_cast %get3A_1782 : vector<16xf32> to vector<16xf32>
        %div3A_1784 = arith.divf %get3A_1783, %max3A_1773 : vector<16xf32>
        %swap3A_1785 = arith.index_cast %mul3A_1767 : i32 to index
        %swap3A_1786 = tpu.vector_load %arg22[%swap3A_1785] {strides = array<i32>} : memref<2048xf32, #tpu.memory_space<vmem>>, vector<16xf32>,
        %swap3A_1787 = vector.shape_cast %swap3A_1786 : vector<16xf32> to vector<16xf32>
        %swap3A_1788 = vector.shape_cast %div3A_1784 : vector<16xf32> to vector<16xf32>
        tpu.vector_store %arg22[%swap3A_1785], %swap3A_1788 {strides = array<i32>} : memref<2048xf32, #tpu.memory_space<vmem>>, vector<16xf32>,
        %get3A_1789 = arith.index_cast %mul3A_1767 : i32 to index
        %get3A_1790 = tpu.vector_load %arg19[%get3A_1789] {strides = array<i32>} : memref<2048xf32, #tpu.memory_space<vmem>>, vector<16xf32>,
        %get3A_1791 = vector.shape_cast %get3A_1790 : vector<16xf32> to vector<16xf32>
        %div3A_1792 = arith.divf %get3A_1791, %max3A_1773 : vector<16xf32>
        %swap3A_1793 = arith.index_cast %mul3A_1767 : i32 to index
        %swap3A_1794 = tpu.vector_load %arg23[%swap3A_1793] {strides = array<i32>} : memref<2048xf32, #tpu.memory_space<vmem>>, vector<16xf32>,
        %swap3A_1795 = vector.shape_cast %swap3A_1794 : vector<16xf32> to vector<16xf32>
        %swap3A_1796 = vector.shape_cast %div3A_1792 : vector<16xf32> to vector<16xf32>
        tpu.vector_store %arg23[%swap3A_1793], %swap3A_1796 {strides = array<i32>} : memref<2048xf32, #tpu.memory_space<vmem>>, vector<16xf32>,
        %scan3A_1797 = arith.constant 0 : i32
        scf.yield %scan3A_1797 : i32
      }
      %scan3A_1662 = arith.constant 128 : i32
      %mul3A_1663 = arith.constant 16384 : i32
      %mul3A_1664 = arith.muli %arg1, %mul3A_1663 : i32
      %mul3A_1665 = arith.constant 2048 : i32
      %mul3A_1666 = arith.muli %add3A_1632, %mul3A_1665 : i32
      %add3A_1667 = arith.addi %mul3A_1664, %mul3A_1666 : i32
      %mul3A_1668 = arith.constant 3 : i32
      %mul3A_1669 = arith.muli %add3A_885, %mul3A_1668 : i32
      %add3A_1670 = arith.constant 0 : i32
      %add3A_1671 = arith.addi %mul3A_1669, %add3A_1670 : i32
      %mul3A_1672 = arith.constant 262144 : i32
      %mul3A_1673 = arith.muli %add3A_1671, %mul3A_1672 : i32
      %add3A_1674 = arith.addi %mul3A_1673, %add3A_1667 : i32
      %dma_start3A_1675 = tpu.memref_slice %arg3[%add3A_1674] : memref<3145728xf32, #tpu.memory_space<hbm>> -> memref<2048xf32, #tpu.memory_space<hbm>>
      %dma_start3A_1676 = tpu.memref_slice %arg3[%add3A_1674] : memref<3145728xf32, #tpu.memory_space<hbm>> -> memref<2048xf32, #tpu.memory_space<hbm>>
      tpu.enqueue_dma source(%arg21 : memref<2048xf32, #tpu.memory_space<vmem>>) target(%dma_start3A_1676 : memref<2048xf32, #tpu.memory_space<hbm>>) target_semaphore(%arg37 : memref<!tpu.dma_semaphore, #tpu.memory_space<semaphore_mem>>)
      %mul3A_1677 = arith.constant 3 : i32
      %mul3A_1678 = arith.muli %add3A_885, %mul3A_1677 : i32
      %add3A_1679 = arith.constant 1 : i32
      %add3A_1680 = arith.addi %mul3A_1678, %add3A_1679 : i32
      %mul3A_1681 = arith.constant 262144 : i32
      %mul3A_1682 = arith.muli %add3A_1680, %mul3A_1681 : i32
      %add3A_1683 = arith.addi %mul3A_1682, %add3A_1667 : i32
      %dma_start3A_1684 = tpu.memref_slice %arg3[%add3A_1683] : memref<3145728xf32, #tpu.memory_space<hbm>> -> memref<2048xf32, #tpu.memory_space<hbm>>
      %dma_start3A_1685 = tpu.memref_slice %arg3[%add3A_1683] : memref<3145728xf32, #tpu.memory_space<hbm>> -> memref<2048xf32, #tpu.memory_space<hbm>>
      tpu.enqueue_dma source(%arg22 : memref<2048xf32, #tpu.memory_space<vmem>>) target(%dma_start3A_1685 : memref<2048xf32, #tpu.memory_space<hbm>>) target_semaphore(%arg37 : memref<!tpu.dma_semaphore, #tpu.memory_space<semaphore_mem>>)
      %mul3A_1686 = arith.constant 3 : i32
      %mul3A_1687 = arith.muli %add3A_885, %mul3A_1686 : i32
      %add3A_1688 = arith.constant 2 : i32
      %add3A_1689 = arith.addi %mul3A_1687, %add3A_1688 : i32
      %mul3A_1690 = arith.constant 262144 : i32
      %mul3A_1691 = arith.muli %add3A_1689, %mul3A_1690 : i32
      %add3A_1692 = arith.addi %mul3A_1691, %add3A_1667 : i32
      %dma_start3A_1693 = tpu.memref_slice %arg3[%add3A_1692] : memref<3145728xf32, #tpu.memory_space<hbm>> -> memref<2048xf32, #tpu.memory_space<hbm>>
      %dma_start3A_1694 = tpu.memref_slice %arg3[%add3A_1692] : memref<3145728xf32, #tpu.memory_space<hbm>> -> memref<2048xf32, #tpu.memory_space<hbm>>
      tpu.enqueue_dma source(%arg23 : memref<2048xf32, #tpu.memory_space<vmem>>) target(%dma_start3A_1694 : memref<2048xf32, #tpu.memory_space<hbm>>) target_semaphore(%arg37 : memref<!tpu.dma_semaphore, #tpu.memory_space<semaphore_mem>>)
      %mul3A_1695 = arith.constant 2 : i32
      %mul3A_1696 = arith.muli %mul3A_1695, %scan3A_1627 : i32
      %add3A_1697 = arith.constant 1 : i32
      %add3A_1698 = arith.addi %mul3A_1696, %add3A_1697 : i32
      %mul3A_1699 = arith.constant 16384 : i32
      %mul3A_1700 = arith.muli %arg1, %mul3A_1699 : i32
      %mul3A_1701 = arith.constant 2048 : i32
      %mul3A_1702 = arith.muli %add3A_1698, %mul3A_1701 : i32
      %add3A_1703 = arith.addi %mul3A_1700, %mul3A_1702 : i32
      %dma_wait3A_1704 = tpu.memref_slice %arg39[%add3A_1703] : memref<264192xf32, #tpu.memory_space<vmem_shared>> -> memref<2048xf32, #tpu.memory_space<vmem_shared>>
      %dma_wait3A_1705 = tpu.memref_slice %arg39[%add3A_1703] : memref<264192xf32, #tpu.memory_space<vmem_shared>> -> memref<2048xf32, #tpu.memory_space<vmem_shared>>
      tpu.wait_dma2 semaphore(%arg36 : memref<!tpu.dma_semaphore, #tpu.memory_space<semaphore_mem>>) src(%dma_wait3A_1705 : memref<2048xf32, #tpu.memory_space<vmem_shared>>) dst(%arg24 : memref<2048xf32, #tpu.memory_space<vmem>>)
      %dma_wait3A_1706 = tpu.memref_slice %arg40[%add3A_1703] : memref<264192xf32, #tpu.memory_space<vmem_shared>> -> memref<2048xf32, #tpu.memory_space<vmem_shared>>
      %dma_wait3A_1707 = tpu.memref_slice %arg40[%add3A_1703] : memref<264192xf32, #tpu.memory_space<vmem_shared>> -> memref<2048xf32, #tpu.memory_space<vmem_shared>>
      tpu.wait_dma2 semaphore(%arg36 : memref<!tpu.dma_semaphore, #tpu.memory_space<semaphore_mem>>) src(%dma_wait3A_1707 : memref<2048xf32, #tpu.memory_space<vmem_shared>>) dst(%arg25 : memref<2048xf32, #tpu.memory_space<vmem>>)
      %dma_wait3A_1708 = tpu.memref_slice %arg41[%add3A_1703] : memref<264192xf32, #tpu.memory_space<vmem_shared>> -> memref<2048xf32, #tpu.memory_space<vmem_shared>>
      %dma_wait3A_1709 = tpu.memref_slice %arg41[%add3A_1703] : memref<264192xf32, #tpu.memory_space<vmem_shared>> -> memref<2048xf32, #tpu.memory_space<vmem_shared>>
      tpu.wait_dma2 semaphore(%arg36 : memref<!tpu.dma_semaphore, #tpu.memory_space<semaphore_mem>>) src(%dma_wait3A_1709 : memref<2048xf32, #tpu.memory_space<vmem_shared>>) dst(%arg26 : memref<2048xf32, #tpu.memory_space<vmem>>)
      %dma_wait3A_1710 = tpu.memref_slice %arg42[%add3A_1703] : memref<264192xf32, #tpu.memory_space<vmem_shared>> -> memref<2048xf32, #tpu.memory_space<vmem_shared>>
      %dma_wait3A_1711 = tpu.memref_slice %arg42[%add3A_1703] : memref<264192xf32, #tpu.memory_space<vmem_shared>> -> memref<2048xf32, #tpu.memory_space<vmem_shared>>
      tpu.wait_dma2 semaphore(%arg36 : memref<!tpu.dma_semaphore, #tpu.memory_space<semaphore_mem>>) src(%dma_wait3A_1711 : memref<2048xf32, #tpu.memory_space<vmem_shared>>) dst(%arg27 : memref<2048xf32, #tpu.memory_space<vmem>>)
      %add3A_1712 = arith.constant 1 : i32
      %add3A_1713 = arith.addi %add3A_1698, %add3A_1712 : i32
      %lt3A_1714 = arith.constant 8 : i32
      %lt3A_1715 = arith.cmpi slt, %add3A_1713, %lt3A_1714 : i32
      %convert_element_type3A_1716 = arith.extui %lt3A_1715 : i1 to i32
      %cond3A_1717 = arith.constant 0 : i32
      %cond3A_1718 = arith.cmpi ne, %convert_element_type3A_1716, %cond3A_1717 : i32
      scf.if %cond3A_1718 {
        %add3A_1764 = arith.constant 1 : i32
        %add3A_1765 = arith.addi %add3A_1698, %add3A_1764 : i32
        %mul3A_1766 = arith.constant 16384 : i32
        %mul3A_1767 = arith.muli %arg1, %mul3A_1766 : i32
        %mul3A_1768 = arith.constant 2048 : i32
        %mul3A_1769 = arith.muli %add3A_1765, %mul3A_1768 : i32
        %add3A_1770 = arith.addi %mul3A_1767, %mul3A_1769 : i32
        %dma_start3A_1771 = tpu.memref_slice %arg39[%add3A_1770] : memref<264192xf32, #tpu.memory_space<vmem_shared>> -> memref<2048xf32, #tpu.memory_space<vmem_shared>>
        %dma_start3A_1772 = tpu.memref_slice %arg39[%add3A_1770] : memref<264192xf32, #tpu.memory_space<vmem_shared>> -> memref<2048xf32, #tpu.memory_space<vmem_shared>>
        tpu.enqueue_dma source(%dma_start3A_1772 : memref<2048xf32, #tpu.memory_space<vmem_shared>>) target(%arg17 : memref<2048xf32, #tpu.memory_space<vmem>>) target_semaphore(%arg35 : memref<!tpu.dma_semaphore, #tpu.memory_space<semaphore_mem>>)
        %dma_start3A_1773 = tpu.memref_slice %arg40[%add3A_1770] : memref<264192xf32, #tpu.memory_space<vmem_shared>> -> memref<2048xf32, #tpu.memory_space<vmem_shared>>
        %dma_start3A_1774 = tpu.memref_slice %arg40[%add3A_1770] : memref<264192xf32, #tpu.memory_space<vmem_shared>> -> memref<2048xf32, #tpu.memory_space<vmem_shared>>
        tpu.enqueue_dma source(%dma_start3A_1774 : memref<2048xf32, #tpu.memory_space<vmem_shared>>) target(%arg18 : memref<2048xf32, #tpu.memory_space<vmem>>) target_semaphore(%arg35 : memref<!tpu.dma_semaphore, #tpu.memory_space<semaphore_mem>>)
        %dma_start3A_1775 = tpu.memref_slice %arg41[%add3A_1770] : memref<264192xf32, #tpu.memory_space<vmem_shared>> -> memref<2048xf32, #tpu.memory_space<vmem_shared>>
        %dma_start3A_1776 = tpu.memref_slice %arg41[%add3A_1770] : memref<264192xf32, #tpu.memory_space<vmem_shared>> -> memref<2048xf32, #tpu.memory_space<vmem_shared>>
        tpu.enqueue_dma source(%dma_start3A_1776 : memref<2048xf32, #tpu.memory_space<vmem_shared>>) target(%arg19 : memref<2048xf32, #tpu.memory_space<vmem>>) target_semaphore(%arg35 : memref<!tpu.dma_semaphore, #tpu.memory_space<semaphore_mem>>)
        %dma_start3A_1777 = tpu.memref_slice %arg42[%add3A_1770] : memref<264192xf32, #tpu.memory_space<vmem_shared>> -> memref<2048xf32, #tpu.memory_space<vmem_shared>>
        %dma_start3A_1778 = tpu.memref_slice %arg42[%add3A_1770] : memref<264192xf32, #tpu.memory_space<vmem_shared>> -> memref<2048xf32, #tpu.memory_space<vmem_shared>>
        tpu.enqueue_dma source(%dma_start3A_1778 : memref<2048xf32, #tpu.memory_space<vmem_shared>>) target(%arg20 : memref<2048xf32, #tpu.memory_space<vmem>>) target_semaphore(%arg35 : memref<!tpu.dma_semaphore, #tpu.memory_space<semaphore_mem>>)
      } else {
      }
      %ge3A_1719 = arith.constant 2 : i32
      %ge3A_1720 = arith.cmpi sge, %add3A_1698, %ge3A_1719 : i32
      %convert_element_type3A_1721 = arith.extui %ge3A_1720 : i1 to i32
      %cond3A_1722 = arith.constant 0 : i32
      %cond3A_1723 = arith.cmpi ne, %convert_element_type3A_1721, %cond3A_1722 : i32
      scf.if %cond3A_1723 {
        %sub3A_1764 = arith.constant 2 : i32
        %sub3A_1765 = arith.subi %add3A_1698, %sub3A_1764 : i32
        %mul3A_1766 = arith.constant 16384 : i32
        %mul3A_1767 = arith.muli %arg1, %mul3A_1766 : i32
        %mul3A_1768 = arith.constant 2048 : i32
        %mul3A_1769 = arith.muli %sub3A_1765, %mul3A_1768 : i32
        %add3A_1770 = arith.addi %mul3A_1767, %mul3A_1769 : i32
        %mul3A_1771 = arith.constant 3 : i32
        %mul3A_1772 = arith.muli %add3A_885, %mul3A_1771 : i32
        %add3A_1773 = arith.constant 0 : i32
        %add3A_1774 = arith.addi %mul3A_1772, %add3A_1773 : i32
        %mul3A_1775 = arith.constant 262144 : i32
        %mul3A_1776 = arith.muli %add3A_1774, %mul3A_1775 : i32
        %add3A_1777 = arith.addi %mul3A_1776, %add3A_1770 : i32
        %dma_wait3A_1778 = tpu.memref_slice %arg3[%add3A_1777] : memref<3145728xf32, #tpu.memory_space<hbm>> -> memref<2048xf32, #tpu.memory_space<hbm>>
        %dma_wait3A_1779 = tpu.memref_slice %arg3[%add3A_1777] : memref<3145728xf32, #tpu.memory_space<hbm>> -> memref<2048xf32, #tpu.memory_space<hbm>>
        tpu.wait_dma2 semaphore(%arg38 : memref<!tpu.dma_semaphore, #tpu.memory_space<semaphore_mem>>) src(%arg28 : memref<2048xf32, #tpu.memory_space<vmem>>) dst(%dma_wait3A_1779 : memref<2048xf32, #tpu.memory_space<hbm>>)
        %mul3A_1780 = arith.constant 3 : i32
        %mul3A_1781 = arith.muli %add3A_885, %mul3A_1780 : i32
        %add3A_1782 = arith.constant 1 : i32
        %add3A_1783 = arith.addi %mul3A_1781, %add3A_1782 : i32
        %mul3A_1784 = arith.constant 262144 : i32
        %mul3A_1785 = arith.muli %add3A_1783, %mul3A_1784 : i32
        %add3A_1786 = arith.addi %mul3A_1785, %add3A_1770 : i32
        %dma_wait3A_1787 = tpu.memref_slice %arg3[%add3A_1786] : memref<3145728xf32, #tpu.memory_space<hbm>> -> memref<2048xf32, #tpu.memory_space<hbm>>
        %dma_wait3A_1788 = tpu.memref_slice %arg3[%add3A_1786] : memref<3145728xf32, #tpu.memory_space<hbm>> -> memref<2048xf32, #tpu.memory_space<hbm>>
        tpu.wait_dma2 semaphore(%arg38 : memref<!tpu.dma_semaphore, #tpu.memory_space<semaphore_mem>>) src(%arg29 : memref<2048xf32, #tpu.memory_space<vmem>>) dst(%dma_wait3A_1788 : memref<2048xf32, #tpu.memory_space<hbm>>)
        %mul3A_1789 = arith.constant 3 : i32
        %mul3A_1790 = arith.muli %add3A_885, %mul3A_1789 : i32
        %add3A_1791 = arith.constant 2 : i32
        %add3A_1792 = arith.addi %mul3A_1790, %add3A_1791 : i32
        %mul3A_1793 = arith.constant 262144 : i32
        %mul3A_1794 = arith.muli %add3A_1792, %mul3A_1793 : i32
        %add3A_1795 = arith.addi %mul3A_1794, %add3A_1770 : i32
        %dma_wait3A_1796 = tpu.memref_slice %arg3[%add3A_1795] : memref<3145728xf32, #tpu.memory_space<hbm>> -> memref<2048xf32, #tpu.memory_space<hbm>>
        %dma_wait3A_1797 = tpu.memref_slice %arg3[%add3A_1795] : memref<3145728xf32, #tpu.memory_space<hbm>> -> memref<2048xf32, #tpu.memory_space<hbm>>
        tpu.wait_dma2 semaphore(%arg38 : memref<!tpu.dma_semaphore, #tpu.memory_space<semaphore_mem>>) src(%arg30 : memref<2048xf32, #tpu.memory_space<vmem>>) dst(%dma_wait3A_1797 : memref<2048xf32, #tpu.memory_space<hbm>>)
      } else {
      }
      %scan3A_1724 = arith.constant 0 : i32
      %scan3A_1725 = arith.constant 0 : i32
      %scan3A_1726 = arith.constant 128 : i32
      %scan3A_1727 = arith.addi %scan3A_1725, %scan3A_1726 : i32
      %scan3A_1728 = arith.constant 1 : i32
      %scan3A_1729 = scf.for %scan3A_1764 = %scan3A_1725 to %scan3A_1727 step %scan3A_1728 iter_args(%scan3A_1765 = %scan3A_1724) -> (i32)  : i32 {
        %mul3A_1766 = arith.constant 16 : i32
        %mul3A_1767 = arith.muli %scan3A_1764, %mul3A_1766 : i32
        %get3A_1768 = arith.index_cast %mul3A_1767 : i32 to index
        %get3A_1769 = tpu.vector_load %arg27[%get3A_1768] {strides = array<i32>} : memref<2048xf32, #tpu.memory_space<vmem>>, vector<16xf32>,
        %get3A_1770 = vector.shape_cast %get3A_1769 : vector<16xf32> to vector<16xf32>
        %broadcast_in_dim3A_1771 = arith.constant 1.000000e+00 : f32
        %broadcast_in_dim3A_1772 = vector.broadcast %broadcast_in_dim3A_1771 : f32 to vector<16xf32>
        %max3A_1773 = arith.maximumf %get3A_1770, %broadcast_in_dim3A_1772 : vector<16xf32>
        %get3A_1774 = arith.index_cast %mul3A_1767 : i32 to index
        %get3A_1775 = tpu.vector_load %arg24[%get3A_1774] {strides = array<i32>} : memref<2048xf32, #tpu.memory_space<vmem>>, vector<16xf32>,
        %get3A_1776 = vector.shape_cast %get3A_1775 : vector<16xf32> to vector<16xf32>
        %div3A = arith.divf %get3A_1776, %max3A_1773 : vector<16xf32>
        %swap3A_1777 = arith.index_cast %mul3A_1767 : i32 to index
        %swap3A_1778 = tpu.vector_load %arg28[%swap3A_1777] {strides = array<i32>} : memref<2048xf32, #tpu.memory_space<vmem>>, vector<16xf32>,
        %swap3A_1779 = vector.shape_cast %swap3A_1778 : vector<16xf32> to vector<16xf32>
        %swap3A_1780 = vector.shape_cast %div3A : vector<16xf32> to vector<16xf32>
        tpu.vector_store %arg28[%swap3A_1777], %swap3A_1780 {strides = array<i32>} : memref<2048xf32, #tpu.memory_space<vmem>>, vector<16xf32>,
        %get3A_1781 = arith.index_cast %mul3A_1767 : i32 to index
        %get3A_1782 = tpu.vector_load %arg25[%get3A_1781] {strides = array<i32>} : memref<2048xf32, #tpu.memory_space<vmem>>, vector<16xf32>,
        %get3A_1783 = vector.shape_cast %get3A_1782 : vector<16xf32> to vector<16xf32>
        %div3A_1784 = arith.divf %get3A_1783, %max3A_1773 : vector<16xf32>
        %swap3A_1785 = arith.index_cast %mul3A_1767 : i32 to index
        %swap3A_1786 = tpu.vector_load %arg29[%swap3A_1785] {strides = array<i32>} : memref<2048xf32, #tpu.memory_space<vmem>>, vector<16xf32>,
        %swap3A_1787 = vector.shape_cast %swap3A_1786 : vector<16xf32> to vector<16xf32>
        %swap3A_1788 = vector.shape_cast %div3A_1784 : vector<16xf32> to vector<16xf32>
        tpu.vector_store %arg29[%swap3A_1785], %swap3A_1788 {strides = array<i32>} : memref<2048xf32, #tpu.memory_space<vmem>>, vector<16xf32>,
        %get3A_1789 = arith.index_cast %mul3A_1767 : i32 to index
        %get3A_1790 = tpu.vector_load %arg26[%get3A_1789] {strides = array<i32>} : memref<2048xf32, #tpu.memory_space<vmem>>, vector<16xf32>,
        %get3A_1791 = vector.shape_cast %get3A_1790 : vector<16xf32> to vector<16xf32>
        %div3A_1792 = arith.divf %get3A_1791, %max3A_1773 : vector<16xf32>
        %swap3A_1793 = arith.index_cast %mul3A_1767 : i32 to index
        %swap3A_1794 = tpu.vector_load %arg30[%swap3A_1793] {strides = array<i32>} : memref<2048xf32, #tpu.memory_space<vmem>>, vector<16xf32>,
        %swap3A_1795 = vector.shape_cast %swap3A_1794 : vector<16xf32> to vector<16xf32>
        %swap3A_1796 = vector.shape_cast %div3A_1792 : vector<16xf32> to vector<16xf32>
        tpu.vector_store %arg30[%swap3A_1793], %swap3A_1796 {strides = array<i32>} : memref<2048xf32, #tpu.memory_space<vmem>>, vector<16xf32>,
        %scan3A_1797 = arith.constant 0 : i32
        scf.yield %scan3A_1797 : i32
      }
      %scan3A_1730 = arith.constant 128 : i32
      %mul3A_1731 = arith.constant 16384 : i32
      %mul3A_1732 = arith.muli %arg1, %mul3A_1731 : i32
      %mul3A_1733 = arith.constant 2048 : i32
      %mul3A_1734 = arith.muli %add3A_1698, %mul3A_1733 : i32
      %add3A_1735 = arith.addi %mul3A_1732, %mul3A_1734 : i32
      %mul3A_1736 = arith.constant 3 : i32
      %mul3A_1737 = arith.muli %add3A_885, %mul3A_1736 : i32
      %add3A_1738 = arith.constant 0 : i32
      %add3A_1739 = arith.addi %mul3A_1737, %add3A_1738 : i32
      %mul3A_1740 = arith.constant 262144 : i32
      %mul3A_1741 = arith.muli %add3A_1739, %mul3A_1740 : i32
      %add3A_1742 = arith.addi %mul3A_1741, %add3A_1735 : i32
      %dma_start3A_1743 = tpu.memref_slice %arg3[%add3A_1742] : memref<3145728xf32, #tpu.memory_space<hbm>> -> memref<2048xf32, #tpu.memory_space<hbm>>
      %dma_start3A_1744 = tpu.memref_slice %arg3[%add3A_1742] : memref<3145728xf32, #tpu.memory_space<hbm>> -> memref<2048xf32, #tpu.memory_space<hbm>>
      tpu.enqueue_dma source(%arg28 : memref<2048xf32, #tpu.memory_space<vmem>>) target(%dma_start3A_1744 : memref<2048xf32, #tpu.memory_space<hbm>>) target_semaphore(%arg38 : memref<!tpu.dma_semaphore, #tpu.memory_space<semaphore_mem>>)
      %mul3A_1745 = arith.constant 3 : i32
      %mul3A_1746 = arith.muli %add3A_885, %mul3A_1745 : i32
      %add3A_1747 = arith.constant 1 : i32
      %add3A_1748 = arith.addi %mul3A_1746, %add3A_1747 : i32
      %mul3A_1749 = arith.constant 262144 : i32
      %mul3A_1750 = arith.muli %add3A_1748, %mul3A_1749 : i32
      %add3A_1751 = arith.addi %mul3A_1750, %add3A_1735 : i32
      %dma_start3A_1752 = tpu.memref_slice %arg3[%add3A_1751] : memref<3145728xf32, #tpu.memory_space<hbm>> -> memref<2048xf32, #tpu.memory_space<hbm>>
      %dma_start3A_1753 = tpu.memref_slice %arg3[%add3A_1751] : memref<3145728xf32, #tpu.memory_space<hbm>> -> memref<2048xf32, #tpu.memory_space<hbm>>
      tpu.enqueue_dma source(%arg29 : memref<2048xf32, #tpu.memory_space<vmem>>) target(%dma_start3A_1753 : memref<2048xf32, #tpu.memory_space<hbm>>) target_semaphore(%arg38 : memref<!tpu.dma_semaphore, #tpu.memory_space<semaphore_mem>>)
      %mul3A_1754 = arith.constant 3 : i32
      %mul3A_1755 = arith.muli %add3A_885, %mul3A_1754 : i32
      %add3A_1756 = arith.constant 2 : i32
      %add3A_1757 = arith.addi %mul3A_1755, %add3A_1756 : i32
      %mul3A_1758 = arith.constant 262144 : i32
      %mul3A_1759 = arith.muli %add3A_1757, %mul3A_1758 : i32
      %add3A_1760 = arith.addi %mul3A_1759, %add3A_1735 : i32
      %dma_start3A_1761 = tpu.memref_slice %arg3[%add3A_1760] : memref<3145728xf32, #tpu.memory_space<hbm>> -> memref<2048xf32, #tpu.memory_space<hbm>>
      %dma_start3A_1762 = tpu.memref_slice %arg3[%add3A_1760] : memref<3145728xf32, #tpu.memory_space<hbm>> -> memref<2048xf32, #tpu.memory_space<hbm>>
      tpu.enqueue_dma source(%arg30 : memref<2048xf32, #tpu.memory_space<vmem>>) target(%dma_start3A_1762 : memref<2048xf32, #tpu.memory_space<hbm>>) target_semaphore(%arg38 : memref<!tpu.dma_semaphore, #tpu.memory_space<semaphore_mem>>)
      %scan3A_1763 = arith.constant 0 : i32
      scf.yield %scan3A_1763 : i32
    }
    %scan3A_1564 = arith.constant 4 : i32
    %mul3A_1565 = arith.constant 16384 : i32
    %mul3A_1566 = arith.muli %arg1, %mul3A_1565 : i32
    %add3A_1567 = arith.constant 12288 : i32
    %add3A_1568 = arith.addi %mul3A_1566, %add3A_1567 : i32
    %mul3A_1569 = arith.constant 3 : i32
    %mul3A_1570 = arith.muli %add3A_885, %mul3A_1569 : i32
    %add3A_1571 = arith.constant 0 : i32
    %add3A_1572 = arith.addi %mul3A_1570, %add3A_1571 : i32
    %mul3A_1573 = arith.constant 262144 : i32
    %mul3A_1574 = arith.muli %add3A_1572, %mul3A_1573 : i32
    %add3A_1575 = arith.addi %mul3A_1574, %add3A_1568 : i32
    %dma_wait3A_1576 = tpu.memref_slice %arg3[%add3A_1575] : memref<3145728xf32, #tpu.memory_space<hbm>> -> memref<2048xf32, #tpu.memory_space<hbm>>
    %dma_wait3A_1577 = tpu.memref_slice %arg3[%add3A_1575] : memref<3145728xf32, #tpu.memory_space<hbm>> -> memref<2048xf32, #tpu.memory_space<hbm>>
    tpu.wait_dma2 semaphore(%arg37 : memref<!tpu.dma_semaphore, #tpu.memory_space<semaphore_mem>>) src(%arg21 : memref<2048xf32, #tpu.memory_space<vmem>>) dst(%dma_wait3A_1577 : memref<2048xf32, #tpu.memory_space<hbm>>)
    %mul3A_1578 = arith.constant 3 : i32
    %mul3A_1579 = arith.muli %add3A_885, %mul3A_1578 : i32
    %add3A_1580 = arith.constant 1 : i32
    %add3A_1581 = arith.addi %mul3A_1579, %add3A_1580 : i32
    %mul3A_1582 = arith.constant 262144 : i32
    %mul3A_1583 = arith.muli %add3A_1581, %mul3A_1582 : i32
    %add3A_1584 = arith.addi %mul3A_1583, %add3A_1568 : i32
    %dma_wait3A_1585 = tpu.memref_slice %arg3[%add3A_1584] : memref<3145728xf32, #tpu.memory_space<hbm>> -> memref<2048xf32, #tpu.memory_space<hbm>>
    %dma_wait3A_1586 = tpu.memref_slice %arg3[%add3A_1584] : memref<3145728xf32, #tpu.memory_space<hbm>> -> memref<2048xf32, #tpu.memory_space<hbm>>
    tpu.wait_dma2 semaphore(%arg37 : memref<!tpu.dma_semaphore, #tpu.memory_space<semaphore_mem>>) src(%arg22 : memref<2048xf32, #tpu.memory_space<vmem>>) dst(%dma_wait3A_1586 : memref<2048xf32, #tpu.memory_space<hbm>>)
    %mul3A_1587 = arith.constant 3 : i32
    %mul3A_1588 = arith.muli %add3A_885, %mul3A_1587 : i32
    %add3A_1589 = arith.constant 2 : i32
    %add3A_1590 = arith.addi %mul3A_1588, %add3A_1589 : i32
    %mul3A_1591 = arith.constant 262144 : i32
    %mul3A_1592 = arith.muli %add3A_1590, %mul3A_1591 : i32
    %add3A_1593 = arith.addi %mul3A_1592, %add3A_1568 : i32
    %dma_wait3A_1594 = tpu.memref_slice %arg3[%add3A_1593] : memref<3145728xf32, #tpu.memory_space<hbm>> -> memref<2048xf32, #tpu.memory_space<hbm>>
    %dma_wait3A_1595 = tpu.memref_slice %arg3[%add3A_1593] : memref<3145728xf32, #tpu.memory_space<hbm>> -> memref<2048xf32, #tpu.memory_space<hbm>>
    tpu.wait_dma2 semaphore(%arg37 : memref<!tpu.dma_semaphore, #tpu.memory_space<semaphore_mem>>) src(%arg23 : memref<2048xf32, #tpu.memory_space<vmem>>) dst(%dma_wait3A_1595 : memref<2048xf32, #tpu.memory_space<hbm>>)
    %mul3A_1596 = arith.constant 16384 : i32
    %mul3A_1597 = arith.muli %arg1, %mul3A_1596 : i32
    %add3A_1598 = arith.constant 14336 : i32
    %add3A_1599 = arith.addi %mul3A_1597, %add3A_1598 : i32
    %mul3A_1600 = arith.constant 3 : i32
    %mul3A_1601 = arith.muli %add3A_885, %mul3A_1600 : i32
    %add3A_1602 = arith.constant 0 : i32
    %add3A_1603 = arith.addi %mul3A_1601, %add3A_1602 : i32
    %mul3A_1604 = arith.constant 262144 : i32
    %mul3A_1605 = arith.muli %add3A_1603, %mul3A_1604 : i32
    %add3A_1606 = arith.addi %mul3A_1605, %add3A_1599 : i32
    %dma_wait3A_1607 = tpu.memref_slice %arg3[%add3A_1606] : memref<3145728xf32, #tpu.memory_space<hbm>> -> memref<2048xf32, #tpu.memory_space<hbm>>
    %dma_wait3A_1608 = tpu.memref_slice %arg3[%add3A_1606] : memref<3145728xf32, #tpu.memory_space<hbm>> -> memref<2048xf32, #tpu.memory_space<hbm>>
    tpu.wait_dma2 semaphore(%arg38 : memref<!tpu.dma_semaphore, #tpu.memory_space<semaphore_mem>>) src(%arg28 : memref<2048xf32, #tpu.memory_space<vmem>>) dst(%dma_wait3A_1608 : memref<2048xf32, #tpu.memory_space<hbm>>)
    %mul3A_1609 = arith.constant 3 : i32
    %mul3A_1610 = arith.muli %add3A_885, %mul3A_1609 : i32
    %add3A_1611 = arith.constant 1 : i32
    %add3A_1612 = arith.addi %mul3A_1610, %add3A_1611 : i32
    %mul3A_1613 = arith.constant 262144 : i32
    %mul3A_1614 = arith.muli %add3A_1612, %mul3A_1613 : i32
    %add3A_1615 = arith.addi %mul3A_1614, %add3A_1599 : i32
    %dma_wait3A_1616 = tpu.memref_slice %arg3[%add3A_1615] : memref<3145728xf32, #tpu.memory_space<hbm>> -> memref<2048xf32, #tpu.memory_space<hbm>>
    %dma_wait3A_1617 = tpu.memref_slice %arg3[%add3A_1615] : memref<3145728xf32, #tpu.memory_space<hbm>> -> memref<2048xf32, #tpu.memory_space<hbm>>
    tpu.wait_dma2 semaphore(%arg38 : memref<!tpu.dma_semaphore, #tpu.memory_space<semaphore_mem>>) src(%arg29 : memref<2048xf32, #tpu.memory_space<vmem>>) dst(%dma_wait3A_1617 : memref<2048xf32, #tpu.memory_space<hbm>>)
    %mul3A_1618 = arith.constant 3 : i32
    %mul3A_1619 = arith.muli %add3A_885, %mul3A_1618 : i32
    %add3A_1620 = arith.constant 2 : i32
    %add3A_1621 = arith.addi %mul3A_1619, %add3A_1620 : i32
    %mul3A_1622 = arith.constant 262144 : i32
    %mul3A_1623 = arith.muli %add3A_1621, %mul3A_1622 : i32
    %add3A_1624 = arith.addi %mul3A_1623, %add3A_1599 : i32
    %dma_wait3A_1625 = tpu.memref_slice %arg3[%add3A_1624] : memref<3145728xf32, #tpu.memory_space<hbm>> -> memref<2048xf32, #tpu.memory_space<hbm>>
    %dma_wait3A_1626 = tpu.memref_slice %arg3[%add3A_1624] : memref<3145728xf32, #tpu.memory_space<hbm>> -> memref<2048xf32, #tpu.memory_space<hbm>>
    tpu.wait_dma2 semaphore(%arg38 : memref<!tpu.dma_semaphore, #tpu.memory_space<semaphore_mem>>) src(%arg30 : memref<2048xf32, #tpu.memory_space<vmem>>) dst(%dma_wait3A_1626 : memref<2048xf32, #tpu.memory_space<hbm>>)
    return
  }
}

</mosaic_0001>

<sc_bundles>
// kernel: _run.3.cloned.1.call-start
scs
__scs_entry_jumppad:
0x0: {  	(pc) =	sbr.rel $0x88, $3  }
0x1: {  	(tag) =	ssettag $0x0;
	lr =	simm.s32 $0x1  }
0x2: {  	[smem:$0x3FA0] =	sst lr;
	_ =	strace $0xD0000000  }
0x3: {  	_ = 	snop  }
0x4: {  	_ = 	snop  }
0x5: {  	_ = 	snop  }
0x6: {  	_ = 	snop  }
0x7: {  	_ = 	snop  }
__scs_overlays_trampoline_lowered:
0x8: {  	[smem:$0x3FAF] =	sst s0  }
0x9: {  	[smem:$0x3FB0] =	sst s1  }
0xa: {  	[smem:$0x3FB1] =	sst s2  }
0xb: {  	[smem:$0x3FB2] =	sst s3  }
0xc: {  	[smem:$0x3FB3] =	sst s4  }
0xd: {  	[smem:$0x3FB4] =	sst s5  }
0xe: {  	[smem:$0x3FB5] =	sst s6  }
0xf: {  	[smem:$0x3FB6] =	sst s7  }
0x10: {  	[smem:$0x3FB7] =	sst s8  }
0x11: {  	[smem:$0x3FB8] =	sst s9;
	s0 =	simm.s32 @!p0 $0x0  }
0x12: {  	s1 =	sld [smem:$0x3F9E];
	s0 =	simm.s32 @p0 $0x1  }
0x13: {  	[smem:$0x3FB9] =	sst s0;
	s0 =	simm.s32 @!p1 $0x0  }
0x14: {  	s2 =	sld [smem:$0x3F9D];
	s0 =	simm.s32 @p1 $0x1  }
0x15: {  	[smem:$0x3FBA] =	sst s0;
	s0 =	simm.s32 @!p2 $0x0  }
0x16: {  	s3 =	sld [smem:$0x3FDB];
	s0 =	simm.s32 @p2 $0x1  }
0x17: {  	s4 =	simm.s32 $0x1BF5;
	[smem:$0x3FBC] =	sst s0  }
0x18: {  	s0 =	sld [smem:$0x3F9F];
	_ =	swait.ge [sflag:s4], $0x0  }
0x19: {  	s7 =	sld [smem:$0x3FA0]  }
0x1a: {  	s8 =	sadd.s32 $0xFFFFE003, lr  }
0x1b: {  	s9 =	sadd.s32 $0xFFFFFEF7, lr;
	s5 =	simm.s32 $0xFFFFFFFF;
	p2 =	slt.u32 s8, $0xFFFFF086  }
0x1c: {  	p1 =	slt.u32 s9, $0xF7A;
	s5 =	simm.s32 @!p2 $0x0  }
0x1d: {  	s5 =	simm.s32 @p1 $0x1;
	p0 =	seq.s32 s7, s2  }
0x1e: {  	s7 =	smul.u32 @!p0 $0xF7A, s2;
	p2 =	seq.s32 @!p0 s5, $0x0  }
0x1f: {  	s9 =	smul.u32 $0xF7A, s1;
	s8 =	simm.s32 @!p0 $0x1BF5;
	p2 =	por !p2, p0  }
0x20: {  	[sflag:s8] =	ssyncset.s32 @!p0 $0xFFFFF086;
	s6 =	sadd.s32 @!p0 s3, s7;
	s7 =	simm.s32 @!p0 $0x108  }
0x21: {  	s3 =	sadd.s32 s3, s9;
	s6 =	sadd.s32 @!p0 $0x88, s6;
	s7 =	simm.s32 @p2 $0x1082  }
0x22: {  	[simem:s7], [sflag:s8] =	dma.local @!p0 [hbm:s6], $0xF7A  }
0x23: {  	s9 =	sor.u32 $0xD0000000, s2;
	s6 =	simm.s32 $0x108;
	_ =	swait.ge @!p0 [sflag:s8], $0x0  }
0x24: {  	s3 =	sadd.s32 $0x88, s3;
	s6 =	simm.s32 @!p1 $0x1082;
	[sflag:s4] =	ssyncset.s32 $0xFFFFF086  }
0x25: {  	[simem:s6], [sflag:s4] =	dma.local [hbm:s3], $0xF7A  }
0x26: {  	[smem:$0x3FA0] =	sst s1;
	(tag) =	ssettag s2;
	_ =	strace s9  }
0x27: {  	s1 =	sld [smem:$0x3FB0]  }
0x28: {  	s2 =	sld [smem:$0x3FB1]  }
0x29: {  	s4 =	sld [smem:$0x3FB3]  }
0x2a: {  	p0 =	seq.s32 s5, $0x0;
	s5 =	sld [smem:$0x3FB4]  }
0x2b: {  	s6 =	sld [smem:$0x3FB5]  }
0x2c: {  	s7 =	sld [smem:$0x3FB6]  }
0x2d: {  	s3 =	simm.s32 $0x108;
	s8 =	sld [smem:$0x3FB7]  }
0x2e: {  	s3 =	simm.s32 @!p0 $0x1082;
	s9 =	sld [smem:$0x3FB8]  }
0x2f: {  	lr =	sadd.s32 s0, s3;
	s0 =	sld [smem:$0x3FAF]  }
0x30: {  	s3 =	sld [smem:$0x3FB2]  }
0x31: {  	[smem:$0x3FBB] =	sst s10  }
0x32: {  	s10 =	sld [smem:$0x3FB9];
	_ =	sdelay $0x3  }
0x33: {  	p0 =	seq.s32 s10, $0x1;
	s10 =	sld [smem:$0x3FBB];
	_ =	sdelay $0x3  }
0x34: {  	[smem:$0x3FBB] =	sst s10  }
0x35: {  	s10 =	sld [smem:$0x3FBA];
	_ =	sdelay $0x3  }
0x36: {  	p1 =	seq.s32 s10, $0x1;
	s10 =	sld [smem:$0x3FBB];
	_ =	sdelay $0x3  }
0x37: {  	[smem:$0x3FBB] =	sst s10  }
0x38: {  	s10 =	sld [smem:$0x3FBC]  }
0x39: {  	_ = 	snop;
	(pc) =	sbr.ind lr, $3  }
0x3a: {  	_ = 	snop  }
0x3b: {  	_ = 	snop  }
0x3c: {  	p2 =	seq.s32 s10, $0x1;
	s10 =	sld [smem:$0x3FBB]  }
0x3d: {  	_ =	shalt  }
0x3e: {  	_ =	shalt  }
0x3f: {  	_ =	shalt  }
0x40: {  	_ =	shalt  }
0x41: {  	_ =	shalt  }
0x42: {  	_ =	shalt  }
0x43: {  	_ =	shalt  }
0x44: {  	_ =	shalt  }
0x45: {  	_ =	shalt  }
0x46: {  	_ =	shalt  }
0x47: {  	_ =	shalt  }
0x48: {  	_ =	shalt  }
0x49: {  	_ =	shalt  }
0x4a: {  	_ =	shalt  }
0x4b: {  	_ =	shalt  }
0x4c: {  	_ =	shalt  }
0x4d: {  	_ =	shalt  }
0x4e: {  	_ =	shalt  }
0x4f: {  	_ =	shalt  }
0x50: {  	_ =	shalt  }
0x51: {  	_ =	shalt  }
0x52: {  	_ =	shalt  }
0x53: {  	_ =	shalt  }
0x54: {  	_ =	shalt  }
0x55: {  	_ =	shalt  }
0x56: {  	_ =	shalt  }
0x57: {  	_ =	shalt  }
0x58: {  	_ =	shalt  }
0x59: {  	_ =	shalt  }
0x5a: {  	_ =	shalt  }
0x5b: {  	_ =	shalt  }
0x5c: {  	_ =	shalt  }
0x5d: {  	_ =	shalt  }
0x5e: {  	_ =	shalt  }
0x5f: {  	_ =	shalt  }
0x60: {  	_ =	shalt  }
0x61: {  	_ =	shalt  }
0x62: {  	_ =	shalt  }
0x63: {  	_ =	shalt  }
0x64: {  	_ =	shalt  }
0x65: {  	_ =	shalt  }
0x66: {  	_ =	shalt  }
0x67: {  	_ =	shalt  }
0x68: {  	_ =	shalt  }
0x69: {  	_ =	shalt  }
0x6a: {  	_ =	shalt  }
0x6b: {  	_ =	shalt  }
0x6c: {  	_ =	shalt  }
0x6d: {  	_ =	shalt  }
0x6e: {  	_ =	shalt  }
0x6f: {  	_ =	shalt  }
0x70: {  	_ =	shalt  }
0x71: {  	_ =	shalt  }
0x72: {  	_ =	shalt  }
0x73: {  	_ =	shalt  }
0x74: {  	_ =	shalt  }
0x75: {  	_ =	shalt  }
0x76: {  	_ =	shalt  }
0x77: {  	_ =	shalt  }
0x78: {  	_ =	shalt  }
0x79: {  	_ =	shalt  }
0x7a: {  	_ =	shalt  }
0x7b: {  	_ =	shalt  }
0x7c: {  	_ =	shalt  }
0x7d: {  	_ =	shalt  }
0x7e: {  	_ =	shalt  }
0x7f: {  	_ =	shalt  }
0x80: {  	_ =	shalt  }
0x81: {  	_ =	shalt  }
0x82: {  	_ =	shalt  }
0x83: {  	_ =	shalt  }
0x84: {  	_ =	shalt  }
0x85: {  	_ =	shalt  }
0x86: {  	_ =	shalt  }
0x87: {  	_ =	shalt  }
.Lfunc_end0:
.L_simem_size_0:
called_computation_lowered:
.L_overlay_start_0:
0x88: {  	s2 =	sld [smem:$0x3FD9]  }
0x89: {  	s3 =	sld [smem:$0x3FFE];
	_ =	sdelay $0x1  }
0x8a: {  	s1 =	srdreg.scid  }
0x8b: {  	s0 =	sand.u32 $0x1, s1  }
0x8c: {  	s18 =	sshll.u32 s0, $0xA;
	s2 =	sadd.s32 s3, s2  }
0x8d: {  	s2 =	sadd.s32 s2, s18  }
0x8e: {  	[smem:$0x3FC7] =	sst s2  }
0x8f: {  	_ = 	snop  }
0x90: {  	s2 =	sld [smem:$0x3FC9]  }
0x91: {  	s19 =	sld [smem:$0x3FD0];
	(tm) =	ssettm $0x1  }
0x92: {  	s4 =	sld [smem:$0x3FFB];
	_ =	sdelay $0x3  }
0x93: {  	_ =	strace s4  }
0x94: {  	s4 =	sld [smem:$0x3FFC];
	_ =	sdelay $0x3  }
0x95: {  	_ =	strace s4  }
0x96: {  	s4 =	sld [smem:$0x3FFD];
	_ =	sdelay $0x3  }
0x97: {  	_ =	strace s4  }
0x98: {  	_ =	strace $0x8FFFFFFF  }
0x99: {  	s20 =	sld [smem:$0x3FDB];
	_ =	sdelay $0x1  }
0x9a: {  	s5 =	simm.s32 $_scs_section_size  }
0x9b: {  	s6 =	simm.s32 $_size__tile_overlayer_lowered;
	s7 =	simm.s32 $_tile_overlayer_lowered  }
0x9c: {  	s23 =	simm.s32 $0x1BFF;
	s22 =	sshll.u32 s7, $0x1;
	s4 =	sadd.s32 s5, s20  }
0x9d: {  	s8 =	simm.s32 $0x0;
	s21 =	sshll.u32 s6, $0x1;
	s6 =	sadd.s32 s22, s4  }
0x9e: {  	[timem:s8], [sflag:s23] =	dma.local [hbm:s6], s21  }
0x9f: {  	_ =	swait.ge [sflag:s23], s21  }
0xa0: {  	s5 =	ssub.s32 $0x0, s21;
	[sflag:s23] =	ssyncset.done $0x0  }
0xa1: {  	[sflag:s23] =	ssyncadd.s32 s5;
	_ =	sdelay $0x1  }
0xa2: {  	s24 =	simm.s32 $0x1B8B  }
0xa3: {  	_ =	swait.ge [sflag:s24], $0x1  }
0xa4: {  	[sflag:s24] =	ssyncset.done $0x0  }
0xa5: {  	s25 =	simm.s32 $0x1B8E;
	[sflag:s24] =	ssyncadd.s32 $0xFFFFFFFF  }
0xa6: {  	s26 =	simm.s32 $execute0_lowered;
	[smem:$0x3FD2] =	sst s25  }
0xa7: {  	s5 =	sshll.u32 s26, $0x1;
	_ =	strace $0x80000046;
	[dreg:$0x1] =	wrdreg $0xFFFFFFFF  }
0xa8: {  	s28 =	simm.s32 $_size_execute0_lowered;
	s4 =	sadd.s32 s4, s5;
	[dreg:$0x0] =	wrdreg $0x0  }
0xa9: {  	s5 =	sshll.u32 s28, $0x1;
	[dreg:$0x2] =	wrdreg s4  }
0xaa: {  	[dreg:$0x3] =	wrdreg s5  }
0xab: {  	[dreg:$0x4] =	wrdreg $0xC0  }
0xac: {  	_ =	task [dreg:s8], $0x5FFFF  }
0xad: {  	[dreg:$0x1] =	wrdreg $0xFFFFFFFF  }
0xae: {  	[dreg:$0x0] =	wrdreg $0x60  }
0xaf: {  	[dreg:$0x2] =	wrdreg s2  }
0xb0: {  	[dreg:$0x3] =	wrdreg s19  }
0xb1: {  	[dreg:$0x4] =	wrdreg $0xC6000  }
0xb2: {  	[dreg:$0x5] =	wrdreg $0x106800  }
0xb3: {  	[dreg:$0x6] =	wrdreg $0x147000  }
0xb4: {  	[dreg:$0x7] =	wrdreg $0x187800  }
0xb5: {  	[dreg:$0x8] =	wrdreg $0x9  }
0xb6: {  	_ =	task.clear_ibuf [dreg:s8], $0x9FFFF;
	_ =	strace $0x90000046  }
0xb7: {  	s29 =	simm.s32 $0x9;
	_ =	strace $0x80000048  }
0xb8: {  	_ =	swait.ge [sflag:s29], $0x1  }
0xb9: {  	[sflag:s29] =	ssyncadd.s32 $0xFFFFFFFF  }
0xba: {  	_ =	strace $0x90000048  }
0xbb: {  	_ =	sfence  }
0xbc: {  	s30 =	sld [smem:$0x0];
	_ =	sdelay $0x2  }
0xbd: {  	s31 =	sshll.u32 s1, $0xD;
	s1 =	sshrl.u32 s1, $0x2  }
0xbe: {  	s3 =	sand.u32 $0x4000, s31;
	s1 =	sadd.s32 s1, s30  }
0xbf: {  	s0 =	sor.u32 s3, s0;
	s1 =	sshll.u32 s1, $0x11  }
0xc0: {  	s0 =	sor.u32 s1, s0  }
0xc1: {  	s0 =	sadd.s32 $0x8F2B, s0  }
0xc2: {  	[sflag:s0] =	ssyncadd.remote.s32 $0x1  }
0xc3: {  	_ =	sfence.sel $0xFFFF  }
0xc4: {  	[dreg:$0x0] =	wrdreg $0xFFFFFFFF;
	(pc) =	sbr.abs _section_cstart, $3  }
0xc5: {  	[dreg:$0x1] =	wrdreg $0xFFFFFFFF  }
0xc6: {  	_ =	task.clear_ibuf [dreg:s8], $0x2FFFF;
	_ =	strace $0x9FFFFFFF  }
0xc7: {  	(tm) =	ssettm $0x7FFFFFFF  }
tec
execute0_lowered:
.L_overlay_start_1:
0x0: {  	(tag) =	ssettag $0x1  }
0x1: {  	s6 =	rddreg [dreg:$0x0]  }
0x2: {  	s1 =	rddreg [dreg:$0x1]  }
0x3: {  	s2 =	rddreg [dreg:$0x2]  }
0x4: {  	s3 =	rddreg [dreg:$0x3]  }
0x5: {  	s0 =	srdreg.scid;
	s21 =	stileid.u32  }
0x6: {  	s4 =	rddreg [dreg:$0x4];
	s8 =	sand.u32 $0x1, s0;
	s9 =	smul.u32 $0x1880, s21  }
0x7: {  	s5 =	rddreg [dreg:$0x5];
	s7 =	simm.s32 $0x0;
	s0 =	smul.u32 $0x6, s8  }
0x8: {  	[smem:$0x7FF] =	sst s7;
	s23 =	sshll.u32 s21, $0x7;
	s11 =	smul.u32 $0x93000, s8  }
0x9: {  	s31 =	sshll.u32 s21, $0xE;
	s16 =	sshllo.u32 s8, $0x1;
	s30 =	smul.u32 $0x180000, s8  }
0xa: {  	_ =	strace $0x80000047;
	s10 =	ssub.s32 $0x2, s8;
	s17 =	smul.u32 $0x3, s16  }
0xb: {  	s8 =	sor.u32 $0x2000, s31;
	s13 =	sshrl.u32 s10, $0x1;
	s18 =	smul.u32 $0x49800, s16  }
0xc: {  	s12 =	sor.u32 $0x1, s0;
	s15 =	sadd.s32 $0x2, s0;
	s10 =	ssub.s32 s10, s13  }
0xd: {  	s11 =	sadd.s32 s9, s11;
	s0 =	sor.u32 $0x40000, s23;
	s14 =	smul.u32 $0x18800, s12  }
0xe: {  	s22 =	smul.u32 $0x18800, s15;
	s11 =	sshrl.u32 s11, $0x3;
	s19 =	sadd.s32 $0x1, s17  }
0xf: {  	s26 =	sadd.s32 s9, s18;
	s18 =	smov.u32 s2;
	s29 =	sshll.u32 s12, $0x12  }
0x10: {  	s23 =	smax.u32 s10, $0x1;
	s12 =	sadd.s32 s8, s4;
	s20 =	smul.u32 $0x18800, s19  }
0x11: {  	s11 =	sadd.s32 s6, s11;
	s2 =	sshrl.u32 s26, $0x3;
	[dreg:$0x10] =	wrdreg s23  }
0x12: {  	[dreg:$0x17] =	wrdreg s12;
	s12 =	sor.u32 $0x1000, s31;
	s14 =	sadd.s32 s9, s14  }
0x13: {  	s13 =	sadd.s32 s9, s22;
	[dreg:$0x7] =	wrdreg s11;
	s11 =	sadd.s32 $0x31000, s26  }
0x14: {  	s7 =	sadd.s32 s6, s2;
	s22 =	sor.u32 $0x1800, s31;
	[smem:$0x7F9] =	sst s12  }
0x15: {  	s2 =	smul.u32 $0xC0000, s16;
	[dreg:$0xa] =	wrdreg s7;
	s26 =	sadd.s32 s22, s4  }
0x16: {  	s14 =	sshrl.u32 s14, $0x3;
	s13 =	sshrl.u32 s13, $0x3;
	[dreg:$0x13] =	wrdreg s26  }
0x17: {  	s9 =	sadd.s32 s9, s20;
	s24 =	sadd.s32 s6, s14;
	[dreg:$0xd] =	wrdreg s2  }
0x18: {  	s25 =	sadd.s32 s6, s13;
	s9 =	sshrl.u32 s9, $0x3;
	[dreg:$0x8] =	wrdreg s24  }
0x19: {  	s14 =	sshrl.u32 s11, $0x3;
	[dreg:$0x9] =	wrdreg s25;
	s13 =	sadd.s32 s6, s9  }
0x1a: {  	s21 =	sadd.s32 s6, s14;
	[dreg:$0xb] =	wrdreg s13  }
0x1b: {  	s24 =	sadd.s32 s22, s18;
	[dreg:$0xc] =	wrdreg s21  }
0x1c: {  	s6 =	sadd.s32 s22, s5;
	[dreg:$0x11] =	wrdreg s24  }
0x1d: {  	s11 =	sor.u32 $0x2800, s31;
	s9 =	sadd.s32 s8, s18;
	[dreg:$0x14] =	wrdreg s6  }
0x1e: {  	s16 =	sadd.s32 s11, s4;
	[dreg:$0x15] =	wrdreg s9  }
0x1f: {  	s17 =	sshll.u32 s17, $0x12;
	s14 =	sshll.u32 s19, $0x12;
	[dreg:$0x1b] =	wrdreg s16  }
0x20: {  	s19 =	smov.u32 s3;
	s3 =	sadd.s32 $0x80000, s17;
	[dreg:$0xe] =	wrdreg s14  }
0x21: {  	s25 =	sadd.s32 s22, s19;
	[dreg:$0xf] =	wrdreg s3  }
0x22: {  	s10 =	sadd.s32 s8, s19;
	[dreg:$0x12] =	wrdreg s25  }
0x23: {  	s6 =	sadd.s32 s8, s5;
	[dreg:$0x16] =	wrdreg s10  }
0x24: {  	s13 =	sadd.s32 s11, s18;
	[dreg:$0x18] =	wrdreg s6  }
0x25: {  	s20 =	sshll.u32 s15, $0x12;
	s15 =	sadd.s32 s11, s19;
	[dreg:$0x19] =	wrdreg s13  }
0x26: {  	s17 =	sor.u32 $0x3000, s31;
	s21 =	sadd.s32 s11, s5;
	[dreg:$0x1a] =	wrdreg s15  }
0x27: {  	s22 =	sadd.s32 s17, s18;
	[dreg:$0x1c] =	wrdreg s21  }
0x28: {  	s23 =	sadd.s32 s17, s19;
	[dreg:$0x1d] =	wrdreg s22  }
0x29: {  	s24 =	sadd.s32 s17, s4;
	[dreg:$0x1e] =	wrdreg s23  }
0x2a: {  	s11 =	sor.u32 $0x800, s31;
	[dreg:$0x1f] =	wrdreg s24  }
0x2b: {  	s6 =	sadd.s32 s17, s5;
	[smem:$0x7F4] =	sst s11  }
0x2c: {  	s10 =	sadd.s32 s31, s5;
	[smem:$0x7EB] =	sst s6  }
0x2d: {  	s13 =	sadd.s32 s11, s18;
	[smem:$0x7F0] =	sst s10  }
0x2e: {  	s15 =	sadd.s32 s11, s19;
	[smem:$0x7F1] =	sst s13  }
0x2f: {  	s16 =	sadd.s32 s11, s4;
	[smem:$0x7F2] =	sst s15  }
0x30: {  	s22 =	sadd.s32 s12, s18;
	[smem:$0x7F3] =	sst s16  }
0x31: {  	s23 =	sadd.s32 s12, s19;
	[smem:$0x7F6] =	sst s22  }
0x32: {  	s28 =	simm.s32 $0x5;
	s17 =	sadd.s32 s31, s18;
	[smem:$0x7F7] =	sst s23  }
0x33: {  	s7 =	simm.s32 $0x1880;
	s21 =	sadd.s32 s31, s19;
	[smem:$0x7FB] =	sst s17  }
0x34: {  	s25 =	sor.u32 $0x3800, s31;
	s24 =	sadd.s32 s31, s4;
	[smem:$0x7FC] =	sst s21  }
0x35: {  	s26 =	sadd.s32 s25, s18;
	s8 =	sadd.s32 s25, s19;
	[smem:$0x7FD] =	sst s24  }
0x36: {  	s9 =	sadd.s32 s25, s4;
	s6 =	sadd.s32 s25, s5;
	[smem:$0x7EC] =	sst s26  }
0x37: {  	v5 =	vlaneseq.u32;
	s25 =	sadd.s32 s12, s4;
	s23 =	simm.s32 $0x80;
	[smem:$0x7ED] =	sst s8  }
0x38: {  	v9 =	vimm.f32 $1.000000000e+00;
	v10 =	vimm.s32 $0x0;
	v1 =	vor.u32 $0x10, v5;
	s10 =	simm.s32 $0x4980;
	s13 =	simm.s32 $0x4B00;
	[smem:$0x7EE] =	sst s9  }
0x39: {  	v2 =	vor.u32 $0x20, v5;
	v3 =	vor.u32 $0x30, v5;
	v4 =	vor.u32 $0x40, v5;
	s15 =	simm.s32 $0x4D80;
	s16 =	simm.s32 $0x4B80;
	[smem:$0x7EF] =	sst s6  }
0x3a: {  	v6 =	vor.u32 $0x50, v5;
	v7 =	vor.u32 $0x60, v5;
	v8 =	vor.u32 $0x70, v5;
	s22 =	simm.s32 $0x6;
	s6 =	sadd.s32 s11, s5;
	[smem:$0x7F8] =	sst s25  }
0x3b: {  	v0 =	vor.u32 s0, v5;
	v1 =	vor.u32 s0, v1;
	v2 =	vor.u32 s0, v2;
	s26 =	sadd.s32 s12, s5;
	s9 =	simm.s32 $0x3100;
	s11 =	simm.s32 $0x4A00  }
0x3c: {  	v3 =	vor.u32 s0, v3;
	v4 =	vor.u32 s0, v4;
	v5 =	vor.u32 s0, v6;
	s12 =	simm.s32 $0x4A80;
	s25 =	simm.s32 $0x1;
	[smem:$0x7F5] =	sst s6  }
0x3d: {  	v6 =	vor.u32 s0, v7;
	v7 =	vor.u32 s0, v8;
	v8 =	vimm.f32 $0.0e+00;
	s8 =	simm.s32 $0x0;
	[smem:$0x7FA] =	sst s26;
	s26 =	simm.s32 $0x2  }
.LBB2_1:
0x3e: {  	[smem:$0x7EA] =	sst s8;
	s6 =	simm.s32 $0x40;
	s8 =	simm.s32 $0x0  }
.LBB2_2:
0x3f: {  	p0 =	sne.s32 s6, $0x1FC0;
	[tilespmem:s8+$0x4E00] =	vst v8;
	s8 =	smov.u32 s6;
	s6 =	sadd.s32 $0x40, s6  }
.Ltmp0:
0x40: {  	(pc) =	sbr.rel @p0 .LBB2_2-.Ltmp0, $2  }
0x41: {  	_ =	sdelay $0x2  }
0x42: {  	s8 =	sshra.s32 s8, $0x2  }
0x43: {  	[tilespmem:s8+$0x4E00] =	vst v8  }
0x44: {  	[tilespmem:$0x4D80] =	vst v9  }
0x45: {  	[tilespmem:$0x4D90] =	vst v9  }
0x46: {  	[tilespmem:$0x4DA0] =	vst v9  }
0x47: {  	[tilespmem:$0x4DB0] =	vst v9  }
0x48: {  	[tilespmem:$0x4DC0] =	vst v9  }
0x49: {  	[tilespmem:$0x4DD0] =	vst v9  }
0x4a: {  	[tilespmem:$0x4DE0] =	vst v9  }
0x4b: {  	s6 =	simm.s32 $0x0;
	s0 =	rddreg [dreg:$0x7];
	[tilespmem:$0x4DF0] =	vst v9  }
0x4c: {  	[tilespmem:s6], [sflag:$0x4] =	stream.linear.gather [hbm4b:s0+s6], $0x1880, $0x38;
	[tilespmem:$0x1C800] =	vst v63  }
0x4d: {  	s2 =	rddreg [dreg:$0x8]  }
0x4e: {  	[tilespmem:s7], [sflag:$0x4] =	stream.linear.gather [hbm4b:s2+s6], $0x1880, $0x38;
	[tilespmem:$0x1C800] =	vst v63  }
0x4f: {  	s3 =	rddreg [dreg:$0x9]  }
0x50: {  	[tilespmem:s9], [sflag:$0x4] =	stream.linear.gather [hbm4b:s3+s6], $0x1880, $0x38;
	[tilespmem:$0x1C800] =	vst v63  }
0x51: {  	s2 =	simm.s32 $0x4E00  }
0x52: {  	[spmem:s17] =	stream.linear.scatter [tilespmem:s2], [sflag:$0x3], $0x800, $0x38;
	[tilespmem:$0x1C800] =	vst v63  }
0x53: {  	_ = 	snop  }
0x54: {  	[spmem:s21] =	stream.linear.scatter [tilespmem:s2], [sflag:$0x3], $0x800, $0x38;
	[tilespmem:$0x1C800] =	vst v63  }
0x55: {  	s0 =	sld [smem:$0x7F0]  }
0x56: {  	[spmem:s24] =	stream.linear.scatter [tilespmem:s2], [sflag:$0x3], $0x800, $0x38;
	[tilespmem:$0x1C800] =	vst v63  }
0x57: {  	s8 =	sld [smem:$0x7F1]  }
0x58: {  	[spmem:s0] =	stream.linear.scatter [tilespmem:s2], [sflag:$0x3], $0x800, $0x38;
	[tilespmem:$0x1C800] =	vst v63  }
0x59: {  	s14 =	sld [smem:$0x7F2]  }
0x5a: {  	[spmem:s8] =	stream.linear.scatter [tilespmem:s2], [sflag:$0x3], $0x800, $0x38;
	[tilespmem:$0x1C800] =	vst v63  }
0x5b: {  	s3 =	sld [smem:$0x7F3]  }
0x5c: {  	[spmem:s14] =	stream.linear.scatter [tilespmem:s2], [sflag:$0x3], $0x800, $0x38;
	[tilespmem:$0x1C800] =	vst v63  }
0x5d: {  	s8 =	sld [smem:$0x7F5]  }
0x5e: {  	[spmem:s3] =	stream.linear.scatter [tilespmem:s2], [sflag:$0x3], $0x800, $0x38;
	[tilespmem:$0x1C800] =	vst v63  }
0x5f: {  	s3 =	simm.s32 $0x3  }
0x60: {  	[spmem:s8] =	stream.linear.scatter [tilespmem:s2], [sflag:$0x3], $0x800, $0x38;
	[tilespmem:$0x1C800] =	vst v63  }
0x61: {  	_ =	swait.ge [sflag:s3], $0x800  }
0x62: {  	[sflag:s3] =	ssyncset.done $0x0  }
0x63: {  	[sflag:s3] =	ssyncadd.s32 $0xFFFFF800  }
0x64: {  	_ =	swait.ge [sflag:s3], $0x800  }
0x65: {  	[sflag:s3] =	ssyncset.done $0x0  }
0x66: {  	[sflag:s3] =	ssyncadd.s32 $0xFFFFF800  }
0x67: {  	_ =	swait.ge [sflag:s3], $0x800  }
0x68: {  	[sflag:s3] =	ssyncset.done $0x0  }
0x69: {  	[sflag:s3] =	ssyncadd.s32 $0xFFFFF800  }
0x6a: {  	_ =	swait.ge [sflag:s3], $0x800  }
0x6b: {  	s14 =	sld [smem:$0x7F6]  }
0x6c: {  	[sflag:s3] =	ssyncset.done $0x0  }
0x6d: {  	s8 =	sld [smem:$0x7F7];
	[sflag:s3] =	ssyncadd.s32 $0xFFFFF800  }
0x6e: {  	[spmem:s14] =	stream.linear.scatter [tilespmem:s2], [sflag:$0x3], $0x800, $0x38;
	[tilespmem:$0x1C800] =	vst v63  }
0x6f: {  	s14 =	sld [smem:$0x7F8]  }
0x70: {  	[spmem:s8] =	stream.linear.scatter [tilespmem:s2], [sflag:$0x3], $0x800, $0x38;
	[tilespmem:$0x1C800] =	vst v63  }
0x71: {  	s8 =	sld [smem:$0x7FA]  }
0x72: {  	[spmem:s14] =	stream.linear.scatter [tilespmem:s2], [sflag:$0x3], $0x800, $0x38;
	[tilespmem:$0x1C800] =	vst v63  }
0x73: {  	_ = 	snop  }
0x74: {  	[spmem:s8] =	stream.linear.scatter [tilespmem:s2], [sflag:$0x3], $0x800, $0x38;
	[tilespmem:$0x1C800] =	vst v63  }
0x75: {  	_ =	swait.ge [sflag:s3], $0x800  }
0x76: {  	[sflag:s3] =	ssyncset.done $0x0  }
0x77: {  	[sflag:s3] =	ssyncadd.s32 $0xFFFFF800  }
0x78: {  	_ =	swait.ge [sflag:s3], $0x800  }
0x79: {  	[sflag:s3] =	ssyncset.done $0x0  }
0x7a: {  	[sflag:s3] =	ssyncadd.s32 $0xFFFFF800  }
0x7b: {  	_ =	swait.ge [sflag:s3], $0x800  }
0x7c: {  	[sflag:s3] =	ssyncset.done $0x0  }
0x7d: {  	[sflag:s3] =	ssyncadd.s32 $0xFFFFF800  }
0x7e: {  	_ =	swait.ge [sflag:s3], $0x800  }
0x7f: {  	[sflag:s3] =	ssyncset.done $0x0  }
0x80: {  	s14 =	rddreg [dreg:$0x11];
	[sflag:s3] =	ssyncadd.s32 $0xFFFFF800  }
0x81: {  	[spmem:s14] =	stream.linear.scatter [tilespmem:s2], [sflag:$0x3], $0x800, $0x38;
	[tilespmem:$0x1C800] =	vst v63  }
0x82: {  	s8 =	rddreg [dreg:$0x12]  }
0x83: {  	[spmem:s8] =	stream.linear.scatter [tilespmem:s2], [sflag:$0x3], $0x800, $0x38;
	[tilespmem:$0x1C800] =	vst v63  }
0x84: {  	s14 =	rddreg [dreg:$0x13]  }
0x85: {  	[spmem:s14] =	stream.linear.scatter [tilespmem:s2], [sflag:$0x3], $0x800, $0x38;
	[tilespmem:$0x1C800] =	vst v63  }
0x86: {  	s8 =	rddreg [dreg:$0x14]  }
0x87: {  	[spmem:s8] =	stream.linear.scatter [tilespmem:s2], [sflag:$0x3], $0x800, $0x38;
	[tilespmem:$0x1C800] =	vst v63  }
0x88: {  	_ =	swait.ge [sflag:s3], $0x800  }
0x89: {  	[sflag:s3] =	ssyncset.done $0x0  }
0x8a: {  	[sflag:s3] =	ssyncadd.s32 $0xFFFFF800  }
0x8b: {  	_ =	swait.ge [sflag:s3], $0x800  }
0x8c: {  	[sflag:s3] =	ssyncset.done $0x0  }
0x8d: {  	[sflag:s3] =	ssyncadd.s32 $0xFFFFF800  }
0x8e: {  	_ =	swait.ge [sflag:s3], $0x800  }
0x8f: {  	[sflag:s3] =	ssyncset.done $0x0  }
0x90: {  	[sflag:s3] =	ssyncadd.s32 $0xFFFFF800  }
0x91: {  	_ =	swait.ge [sflag:s3], $0x800  }
0x92: {  	[sflag:s3] =	ssyncset.done $0x0  }
0x93: {  	s14 =	rddreg [dreg:$0x15];
	[sflag:s3] =	ssyncadd.s32 $0xFFFFF800  }
0x94: {  	[spmem:s14] =	stream.linear.scatter [tilespmem:s2], [sflag:$0x3], $0x800, $0x38;
	[tilespmem:$0x1C800] =	vst v63  }
0x95: {  	s8 =	rddreg [dreg:$0x16]  }
0x96: {  	[spmem:s8] =	stream.linear.scatter [tilespmem:s2], [sflag:$0x3], $0x800, $0x38;
	[tilespmem:$0x1C800] =	vst v63  }
0x97: {  	s14 =	rddreg [dreg:$0x17]  }
0x98: {  	[spmem:s14] =	stream.linear.scatter [tilespmem:s2], [sflag:$0x3], $0x800, $0x38;
	[tilespmem:$0x1C800] =	vst v63  }
0x99: {  	s8 =	rddreg [dreg:$0x18]  }
0x9a: {  	[spmem:s8] =	stream.linear.scatter [tilespmem:s2], [sflag:$0x3], $0x800, $0x38;
	[tilespmem:$0x1C800] =	vst v63  }
0x9b: {  	_ =	swait.ge [sflag:s3], $0x800  }
0x9c: {  	[sflag:s3] =	ssyncset.done $0x0  }
0x9d: {  	[sflag:s3] =	ssyncadd.s32 $0xFFFFF800  }
0x9e: {  	_ =	swait.ge [sflag:s3], $0x800  }
0x9f: {  	[sflag:s3] =	ssyncset.done $0x0  }
0xa0: {  	[sflag:s3] =	ssyncadd.s32 $0xFFFFF800  }
0xa1: {  	_ =	swait.ge [sflag:s3], $0x800  }
0xa2: {  	[sflag:s3] =	ssyncset.done $0x0  }
0xa3: {  	[sflag:s3] =	ssyncadd.s32 $0xFFFFF800  }
0xa4: {  	_ =	swait.ge [sflag:s3], $0x800  }
0xa5: {  	[sflag:s3] =	ssyncset.done $0x0  }
0xa6: {  	s14 =	rddreg [dreg:$0x19];
	[sflag:s3] =	ssyncadd.s32 $0xFFFFF800  }
0xa7: {  	[spmem:s14] =	stream.linear.scatter [tilespmem:s2], [sflag:$0x3], $0x800, $0x38;
	[tilespmem:$0x1C800] =	vst v63  }
0xa8: {  	s8 =	rddreg [dreg:$0x1a]  }
0xa9: {  	[spmem:s8] =	stream.linear.scatter [tilespmem:s2], [sflag:$0x3], $0x800, $0x38;
	[tilespmem:$0x1C800] =	vst v63  }
0xaa: {  	s14 =	rddreg [dreg:$0x1b]  }
0xab: {  	[spmem:s14] =	stream.linear.scatter [tilespmem:s2], [sflag:$0x3], $0x800, $0x38;
	[tilespmem:$0x1C800] =	vst v63  }
0xac: {  	s8 =	rddreg [dreg:$0x1c]  }
0xad: {  	[spmem:s8] =	stream.linear.scatter [tilespmem:s2], [sflag:$0x3], $0x800, $0x38;
	[tilespmem:$0x1C800] =	vst v63  }
0xae: {  	_ =	swait.ge [sflag:s3], $0x800  }
0xaf: {  	[sflag:s3] =	ssyncset.done $0x0  }
0xb0: {  	[sflag:s3] =	ssyncadd.s32 $0xFFFFF800  }
0xb1: {  	_ =	swait.ge [sflag:s3], $0x800  }
0xb2: {  	[sflag:s3] =	ssyncset.done $0x0  }
0xb3: {  	[sflag:s3] =	ssyncadd.s32 $0xFFFFF800  }
0xb4: {  	_ =	swait.ge [sflag:s3], $0x800  }
0xb5: {  	[sflag:s3] =	ssyncset.done $0x0  }
0xb6: {  	[sflag:s3] =	ssyncadd.s32 $0xFFFFF800  }
0xb7: {  	_ =	swait.ge [sflag:s3], $0x800  }
0xb8: {  	[sflag:s3] =	ssyncset.done $0x0;
	s14 =	rddreg [dreg:$0x1d]  }
0xb9: {  	s8 =	rddreg [dreg:$0x1e];
	[sflag:s3] =	ssyncadd.s32 $0xFFFFF800  }
0xba: {  	[spmem:s14] =	stream.linear.scatter [tilespmem:s2], [sflag:$0x3], $0x800, $0x38;
	[tilespmem:$0x1C800] =	vst v63  }
0xbb: {  	s14 =	rddreg [dreg:$0x1f]  }
0xbc: {  	[spmem:s8] =	stream.linear.scatter [tilespmem:s2], [sflag:$0x3], $0x800, $0x38;
	[tilespmem:$0x1C800] =	vst v63  }
0xbd: {  	s8 =	sld [smem:$0x7EB]  }
0xbe: {  	[spmem:s14] =	stream.linear.scatter [tilespmem:s2], [sflag:$0x3], $0x800, $0x38;
	[tilespmem:$0x1C800] =	vst v63  }
0xbf: {  	_ = 	snop  }
0xc0: {  	[spmem:s8] =	stream.linear.scatter [tilespmem:s2], [sflag:$0x3], $0x800, $0x38;
	[tilespmem:$0x1C800] =	vst v63  }
0xc1: {  	_ =	swait.ge [sflag:s3], $0x800  }
0xc2: {  	[sflag:s3] =	ssyncset.done $0x0  }
0xc3: {  	[sflag:s3] =	ssyncadd.s32 $0xFFFFF800  }
0xc4: {  	_ =	swait.ge [sflag:s3], $0x800  }
0xc5: {  	[sflag:s3] =	ssyncset.done $0x0  }
0xc6: {  	[sflag:s3] =	ssyncadd.s32 $0xFFFFF800  }
0xc7: {  	_ =	swait.ge [sflag:s3], $0x800  }
0xc8: {  	[sflag:s3] =	ssyncset.done $0x0  }
0xc9: {  	[sflag:s3] =	ssyncadd.s32 $0xFFFFF800  }
0xca: {  	_ =	swait.ge [sflag:s3], $0x800  }
0xcb: {  	s14 =	sld [smem:$0x7EC]  }
0xcc: {  	[sflag:s3] =	ssyncset.done $0x0  }
0xcd: {  	s8 =	sld [smem:$0x7ED];
	[sflag:s3] =	ssyncadd.s32 $0xFFFFF800  }
0xce: {  	[spmem:s14] =	stream.linear.scatter [tilespmem:s2], [sflag:$0x3], $0x800, $0x38;
	[tilespmem:$0x1C800] =	vst v63  }
0xcf: {  	s14 =	sld [smem:$0x7EE]  }
0xd0: {  	[spmem:s8] =	stream.linear.scatter [tilespmem:s2], [sflag:$0x3], $0x800, $0x38;
	[tilespmem:$0x1C800] =	vst v63  }
0xd1: {  	s8 =	sld [smem:$0x7EF]  }
0xd2: {  	[spmem:s14] =	stream.linear.scatter [tilespmem:s2], [sflag:$0x3], $0x800, $0x38;
	[tilespmem:$0x1C800] =	vst v63  }
0xd3: {  	_ = 	snop  }
0xd4: {  	[spmem:s8] =	stream.linear.scatter [tilespmem:s2], [sflag:$0x3], $0x800, $0x38;
	[tilespmem:$0x1C800] =	vst v63  }
0xd5: {  	_ =	swait.ge [sflag:s3], $0x800  }
0xd6: {  	[sflag:s3] =	ssyncset.done $0x0  }
0xd7: {  	[sflag:s3] =	ssyncadd.s32 $0xFFFFF800  }
0xd8: {  	_ =	swait.ge [sflag:s3], $0x800  }
0xd9: {  	[sflag:s3] =	ssyncset.done $0x0  }
0xda: {  	[sflag:s3] =	ssyncadd.s32 $0xFFFFF800  }
0xdb: {  	_ =	swait.ge [sflag:s3], $0x800  }
0xdc: {  	[sflag:s3] =	ssyncset.done $0x0  }
0xdd: {  	[sflag:s3] =	ssyncadd.s32 $0xFFFFF800  }
0xde: {  	_ =	swait.ge [sflag:s3], $0x800  }
0xdf: {  	[sflag:s3] =	ssyncset.done $0x0  }
0xe0: {  	[sflag:s3] =	ssyncadd.s32 $0xFFFFF800  }
0xe1: {  	_ =	swait.ge [sflag:s3], $0x800  }
0xe2: {  	[sflag:s3] =	ssyncset.done $0x0  }
0xe3: {  	[sflag:s3] =	ssyncadd.s32 $0xFFFFF800  }
0xe4: {  	_ =	swait.ge [sflag:s3], $0x800  }
0xe5: {  	[sflag:s3] =	ssyncset.done $0x0  }
0xe6: {  	[sflag:s3] =	ssyncadd.s32 $0xFFFFF800  }
0xe7: {  	_ =	swait.ge [sflag:s3], $0x800  }
0xe8: {  	[sflag:s3] =	ssyncset.done $0x0  }
0xe9: {  	[sflag:s3] =	ssyncadd.s32 $0xFFFFF800  }
0xea: {  	_ =	swait.ge [sflag:s3], $0x800  }
0xeb: {  	[sflag:s3] =	ssyncset.done $0x0  }
0xec: {  	s14 =	simm.s32 $0x4;
	[sflag:s3] =	ssyncadd.s32 $0xFFFFF800  }
0xed: {  	_ =	swait.ge [sflag:s14], $0x1880  }
0xee: {  	[sflag:s14] =	ssyncset.done $0x0  }
0xef: {  	[sflag:s14] =	ssyncadd.s32 $0xFFFFE780  }
0xf0: {  	_ =	swait.ge [sflag:s14], $0x1880  }
0xf1: {  	[sflag:s14] =	ssyncset.done $0x0  }
0xf2: {  	[sflag:s14] =	ssyncadd.s32 $0xFFFFE780  }
0xf3: {  	_ =	swait.ge [sflag:s14], $0x1880  }
0xf4: {  	[sflag:s14] =	ssyncset.done $0x0  }
0xf5: {  	[sflag:s14] =	ssyncadd.s32 $0xFFFFE780  }
0xf6: {  	[bflag:$0x0] =	sbarrier.arrive $0xFFFF  }
0xf7: {  	v11 =	vld [tilespmem:$0x0]  }
0xf8: {  	v12 =	vld [tilespmem:$0x1880]  }
0xf9: {  	v13 =	vld [tilespmem:$0x3100];
	_ =	sdelay $0x2  }
0xfa: {  	v11 =	vadd.f32 $5.000000000e-01, v11  }
0xfb: {  	v12 =	vadd.f32 $5.000000000e-01, v12  }
0xfc: {  	v13 =	vadd.f32 $5.000000000e-01, v13;
	v11 =	vmul.f32 $6.400000000e+01, v11  }
0xfd: {  	v12 =	vmul.f32 $6.400000000e+01, v12  }
0xfe: {  	v13 =	vmul.f32 $6.400000000e+01, v13;
	v11 =	vadd.f32 $-5.000000000e-01, v11  }
0xff: {  	v12 =	vadd.f32 $-5.000000000e-01, v12  }
0x100: {  	v13 =	vadd.f32 $-5.000000000e-01, v13;
	v14 =	vtrunc.f32 v11  }
0x101: {  	v16 =	vtrunc.f32 v12;
	v15 =	vcvt.f32.s32 v14  }
0x102: {  	v33 =	vtrunc.f32 v13;
	v18 =	vcvt.f32.s32 v16  }
0x103: {  	v20 =	vcvt.f32.s32 v33;
	vm0 =	vgt.s32 v15, $0x0  }
0x104: {  	vm8 =	vgt.s32 v18, $0x0;
	v17 =	vnsel vm0, $0x0, v15  }
0x105: {  	vm10 =	vgt.s32 v20, $0x0;
	v22 =	vnsel vm8, $0x0, v18;
	v17 =	vmin.u32 v17, $0x3F  }
0x106: {  	v24 =	vnsel vm10, $0x0, v20;
	v34 =	vmin.u32 v22, $0x3F;
	v21 =	vcvt.s32.f32 v17  }
0x107: {  	v37 =	vmin.u32 v24, $0x3F;
	v23 =	vcvt.s32.f32 v34  }
0x108: {  	v39 =	vcvt.s32.f32 v37;
	v21 =	vsub.f32 v11, v21  }
0x109: {  	v38 =	vsub.f32 v12, v23  }
0x10a: {  	v23 =	vsub.f32 v13, v39;
	[tilespmem:$0x4A00] =	vst v21  }
0x10b: {  	[tilespmem:$0x4A80] =	vst v38  }
0x10c: {  	vm9 =	vgt.f32 v13, v33;
	[tilespmem:$0x4B00] =	vst v23  }
0x10d: {  	v35 =	vsel vm9, $0x1, v10;
	[tilespmem:$0x4A10] =	vst v21  }
0x10e: {  	vm7 =	vgt.f32 v12, v16;
	v36 =	vadd.s32 v20, v35;
	[tilespmem:$0x4A90] =	vst v38  }
0x10f: {  	v19 =	vsel vm7, $0x1, v10;
	vm11 =	vgt.s32 v36, $0x0;
	[tilespmem:$0x4A20] =	vst v21  }
0x110: {  	v18 =	vadd.s32 v18, v19;
	v19 =	vnsel vm11, $0x0, v36;
	[tilespmem:$0x4B20] =	vst v23  }
0x111: {  	vm13 =	vgt.f32 v11, v14;
	v19 =	vmin.u32 v19, $0x3F;
	[tilespmem:$0x4A30] =	vst v21  }
0x112: {  	v29 =	vsel vm13, $0x1, v10;
	v26 =	vcvt.s32.f32 v19;
	[tilespmem:$0x4AC0] =	vst v38  }
0x113: {  	v15 =	vadd.s32 v15, v29;
	vm12 =	vgt.s32 v18, $0x0;
	[tilespmem:$0x4B40] =	vst v23  }
0x114: {  	vm15 =	vgt.s32 v15, $0x0;
	v18 =	vnsel vm12, $0x0, v18;
	v13 =	vsub.f32 v13, v26;
	[tilespmem:$0x4AD0] =	vst v38  }
0x115: {  	v17 =	vshll.u32 v17, $0xC;
	v16 =	vshll.u32 v34, $0x6;
	v18 =	vmin.u32 v18, $0x3F;
	[tilespmem:$0x4B60] =	vst v23  }
0x116: {  	v15 =	vnsel vm15, $0x0, v15;
	v43 =	vor.u32 v17, v16;
	v41 =	vcvt.s32.f32 v18;
	[tilespmem:$0x4B10] =	vst v13  }
0x117: {  	v15 =	vmin.u32 v15, $0x3F;
	v31 =	vor.u32 v37, v43;
	[tilespmem:$0x4B30] =	vst v13  }
0x118: {  	v46 =	vcvt.s32.f32 v15;
	v18 =	vshll.u32 v18, $0x6;
	v12 =	vsub.f32 v12, v41;
	[tilespmem:$0x4B50] =	vst v13  }
0x119: {  	v14 =	vor.u32 v43, v19;
	v15 =	vshll.u32 v15, $0xC;
	v17 =	vor.u32 v17, v18;
	[tilespmem:$0x4B70] =	vst v13  }
0x11a: {  	v40 =	vmul.f32 v21, v21;
	v25 =	vmul.f32 v38, v38;
	v11 =	vsub.f32 v11, v46;
	[tilespmem:$0x4AA0] =	vst v12  }
0x11b: {  	v16 =	vor.u32 v16, v15;
	v15 =	vor.u32 v15, v18;
	v44 =	vmul.f32 v12, v12;
	[tilespmem:$0x4AB0] =	vst v12  }
0x11c: {  	v27 =	vmul.f32 v23, v23;
	v30 =	vmul.f32 v13, v13;
	v28 =	vadd.f32 v25, v40;
	[tilespmem:$0x4A40] =	vst v11  }
0x11d: {  	v48 =	vor.u32 v37, v17;
	v17 =	vor.u32 v19, v17;
	[tilespmem:$0x4A50] =	vst v11;
	v24 =	vadd.f32 v44, v40  }
0x11e: {  	v53 =	vor.u32 v37, v16;
	v49 =	vmul.f32 v11, v11;
	[tilespmem:$0x4A60] =	vst v11;
	v45 =	vadd.f32 v30, v28  }
0x11f: {  	v16 =	vor.u32 v19, v16;
	[tilespmem:$0x4AE0] =	vst v12;
	v42 =	vadd.f32 v27, v28;
	v47 =	vadd.f32 v24, v27  }
0x120: {  	[tilespmem:$0x4A70] =	vst v11;
	v51 =	vadd.f32 v49, v25;
	v54 =	vadd.f32 v44, v49;
	vm4 =	vlt.f32 v45, $7.569000120e-01  }
0x121: {  	[tilespmem:$0x4AF0] =	vst v12;
	v50 =	vadd.f32 v30, v24;
	v14 =	vsel vm4, v14, v1;
	vm5 =	vlt.f32 v47, $7.569000120e-01  }
0x122: {  	vm14 =	vlt.f32 v42, $7.569000120e-01;
	v52 =	vadd.f32 v51, v27;
	[tilespmem:$0x4990] =	vst v14;
	v14 =	vsel vm5, v48, v2  }
0x123: {  	v26 =	vsel vm14, v31, v0;
	vm6 =	vlt.f32 v50, $7.569000120e-01;
	[tilespmem:$0x49A0] =	vst v14;
	v14 =	vadd.f32 v30, v51  }
0x124: {  	v55 =	vadd.f32 v54, v27;
	[tilespmem:$0x4980] =	vst v26;
	vm7 =	vlt.f32 v52, $7.569000120e-01;
	v17 =	vsel vm6, v17, v3  }
0x125: {  	[tilespmem:$0x49B0] =	vst v17;
	v17 =	vsel vm7, v53, v4;
	vm8 =	vlt.f32 v14, $7.569000120e-01;
	v14 =	vadd.f32 v30, v54  }
0x126: {  	v56 =	vor.u32 v37, v15;
	vm9 =	vlt.f32 v55, $7.569000120e-01;
	[tilespmem:$0x49C0] =	vst v17;
	v16 =	vsel vm8, v16, v5  }
0x127: {  	v15 =	vor.u32 v19, v15;
	[tilespmem:$0x49D0] =	vst v16;
	v16 =	vsel vm9, v56, v6;
	vm10 =	vlt.f32 v14, $7.569000120e-01  }
0x128: {  	[tilespmem:$0x49E0] =	vst v16;
	v14 =	vsel vm10, v15, v7  }
0x129: {  	[tilespmem:$0x49F0] =	vst v14  }
0x12a: {  	[spmem:s18] =	stream.indirect.scatter.add.f32 [tilespmem:s11], [sflag:$0x1], $0x1, s10, s23, $0xb8;
	[tilespmem:$0x1C800] =	vst v63  }
0x12b: {  	_ = 	snop  }
0x12c: {  	[spmem:s19] =	stream.indirect.scatter.add.f32 [tilespmem:s12], [sflag:$0x1], $0x1, s10, s23, $0xb8;
	[tilespmem:$0x1C800] =	vst v63  }
0x12d: {  	_ = 	snop  }
0x12e: {  	[spmem:s4] =	stream.indirect.scatter.add.f32 [tilespmem:s13], [sflag:$0x1], $0x1, s10, s23, $0xb8;
	[tilespmem:$0x1C800] =	vst v63  }
0x12f: {  	_ = 	snop  }
0x130: {  	[spmem:s5] =	stream.indirect.scatter.add.f32 [tilespmem:s15], [sflag:$0x1], $0x1, s10, s23, $0xb8;
	[tilespmem:$0x1C800] =	vst v63  }
0x131: {  	v11 =	vld [tilespmem:$0x10]  }
0x132: {  	v57 =	vld [tilespmem:$0x1890]  }
0x133: {  	v58 =	vld [tilespmem:$0x3110];
	_ =	sdelay $0x2  }
0x134: {  	v11 =	vadd.f32 $5.000000000e-01, v11  }
0x135: {  	v12 =	vadd.f32 $5.000000000e-01, v57  }
0x136: {  	v13 =	vadd.f32 $5.000000000e-01, v58;
	v11 =	vmul.f32 $6.400000000e+01, v11  }
0x137: {  	v12 =	vmul.f32 $6.400000000e+01, v12  }
0x138: {  	v13 =	vmul.f32 $6.400000000e+01, v13;
	v11 =	vadd.f32 $-5.000000000e-01, v11  }
0x139: {  	v12 =	vadd.f32 $-5.000000000e-01, v12  }
0x13a: {  	v13 =	vadd.f32 $-5.000000000e-01, v13;
	v59 =	vtrunc.f32 v11  }
0x13b: {  	v61 =	vtrunc.f32 v12;
	v60 =	vcvt.f32.s32 v59  }
0x13c: {  	v27 =	vtrunc.f32 v13;
	v63 =	vcvt.f32.s32 v61  }
0x13d: {  	v29 =	vcvt.f32.s32 v27;
	vm11 =	vgt.s32 v60, $0x0  }
0x13e: {  	vm13 =	vgt.s32 v63, $0x0;
	v62 =	vnsel vm11, $0x0, v60  }
0x13f: {  	vm15 =	vgt.s32 v29, $0x0;
	v31 =	vnsel vm13, $0x0, v63;
	v17 =	vmin.u32 v62, $0x3F  }
0x140: {  	v35 =	vnsel vm15, $0x0, v29;
	v32 =	vmin.u32 v31, $0x3F;
	v30 =	vcvt.s32.f32 v17  }
0x141: {  	v37 =	vmin.u32 v35, $0x3F;
	v34 =	vcvt.s32.f32 v32  }
0x142: {  	v39 =	vcvt.s32.f32 v37;
	v21 =	vsub.f32 v11, v30  }
0x143: {  	v38 =	vsub.f32 v12, v34  }
0x144: {  	v23 =	vsub.f32 v13, v39;
	[tilespmem:$0x4C00] =	vst v21  }
0x145: {  	[tilespmem:$0x4C80] =	vst v38  }
0x146: {  	vm14 =	vgt.f32 v13, v27;
	[tilespmem:$0x4D00] =	vst v23  }
0x147: {  	vm12 =	vgt.f32 v12, v61;
	v33 =	vsel vm14, $0x1, v10;
	[tilespmem:$0x4C10] =	vst v21  }
0x148: {  	v28 =	vsel vm12, $0x1, v10;
	v36 =	vadd.s32 v29, v33;
	[tilespmem:$0x4C90] =	vst v38  }
0x149: {  	v18 =	vadd.s32 v63, v28;
	vm4 =	vgt.s32 v36, $0x0;
	[tilespmem:$0x4C20] =	vst v21  }
0x14a: {  	vm6 =	vgt.f32 v11, v59;
	vm5 =	vgt.s32 v18, $0x0;
	v19 =	vnsel vm4, $0x0, v36;
	[tilespmem:$0x4D20] =	vst v23  }
0x14b: {  	v47 =	vsel vm6, $0x1, v10;
	v18 =	vnsel vm5, $0x0, v18;
	v19 =	vmin.u32 v19, $0x3F;
	[tilespmem:$0x4C30] =	vst v21  }
0x14c: {  	v15 =	vadd.s32 v60, v47;
	v18 =	vmin.u32 v18, $0x3F;
	v42 =	vcvt.s32.f32 v19;
	[tilespmem:$0x4CC0] =	vst v38  }
0x14d: {  	vm8 =	vgt.s32 v15, $0x0;
	v45 =	vcvt.s32.f32 v18;
	[tilespmem:$0x4D40] =	vst v23  }
0x14e: {  	v15 =	vnsel vm8, $0x0, v15;
	v13 =	vsub.f32 v13, v42;
	[tilespmem:$0x4CD0] =	vst v38  }
0x14f: {  	v15 =	vmin.u32 v15, $0x3F;
	v12 =	vsub.f32 v12, v45;
	[tilespmem:$0x4D60] =	vst v23  }
0x150: {  	v53 =	vcvt.s32.f32 v15;
	[tilespmem:$0x4D10] =	vst v13  }
0x151: {  	v17 =	vshll.u32 v17, $0xC;
	v16 =	vshll.u32 v32, $0x6;
	[tilespmem:$0x4CA0] =	vst v12  }
0x152: {  	v48 =	vor.u32 v17, v16;
	v18 =	vshll.u32 v18, $0x6;
	v11 =	vsub.f32 v11, v53;
	[tilespmem:$0x4CB0] =	vst v12  }
0x153: {  	v15 =	vshll.u32 v15, $0xC;
	v50 =	vor.u32 v37, v48;
	v14 =	vor.u32 v48, v19;
	[tilespmem:$0x4D30] =	vst v13  }
0x154: {  	v17 =	vor.u32 v17, v18;
	v40 =	vmul.f32 v21, v21;
	v41 =	vmul.f32 v38, v38;
	[tilespmem:$0x4C40] =	vst v11  }
0x155: {  	v16 =	vor.u32 v16, v15;
	v15 =	vor.u32 v15, v18;
	v51 =	vmul.f32 v12, v12;
	[tilespmem:$0x4C50] =	vst v11  }
0x156: {  	v55 =	vor.u32 v37, v17;
	v49 =	vmul.f32 v13, v13;
	[tilespmem:$0x4D50] =	vst v13;
	v44 =	vadd.f32 v41, v40  }
0x157: {  	v43 =	vmul.f32 v23, v23;
	v56 =	vmul.f32 v11, v11;
	[tilespmem:$0x4C60] =	vst v11;
	v24 =	vadd.f32 v51, v40  }
0x158: {  	v17 =	vor.u32 v19, v17;
	v60 =	vor.u32 v37, v16;
	[tilespmem:$0x4CE0] =	vst v12;
	v52 =	vadd.f32 v49, v44  }
0x159: {  	v16 =	vor.u32 v19, v16;
	[tilespmem:$0x4C70] =	vst v11;
	v58 =	vadd.f32 v56, v41;
	v54 =	vadd.f32 v24, v43  }
0x15a: {  	[tilespmem:$0x4CF0] =	vst v12;
	v61 =	vadd.f32 v51, v56;
	v46 =	vadd.f32 v43, v44;
	vm9 =	vlt.f32 v52, $7.569000120e-01  }
0x15b: {  	[tilespmem:$0x4D70] =	vst v13;
	v57 =	vadd.f32 v49, v24;
	v14 =	vsel vm9, v14, v1;
	vm10 =	vlt.f32 v54, $7.569000120e-01  }
0x15c: {  	v59 =	vadd.f32 v58, v43;
	vm7 =	vlt.f32 v46, $7.569000120e-01;
	[tilespmem:$0x4B90] =	vst v14;
	v14 =	vsel vm10, v55, v2  }
0x15d: {  	v26 =	vsel vm7, v50, v0;
	vm11 =	vlt.f32 v57, $7.569000120e-01;
	[tilespmem:$0x4BA0] =	vst v14;
	v14 =	vadd.f32 v49, v58  }
0x15e: {  	v62 =	vadd.f32 v61, v43;
	vm12 =	vlt.f32 v59, $7.569000120e-01;
	[tilespmem:$0x4B80] =	vst v26;
	v17 =	vsel vm11, v17, v3  }
0x15f: {  	[tilespmem:$0x4BB0] =	vst v17;
	v17 =	vsel vm12, v60, v4;
	vm13 =	vlt.f32 v14, $7.569000120e-01;
	v14 =	vadd.f32 v49, v61  }
0x160: {  	v63 =	vor.u32 v37, v15;
	vm14 =	vlt.f32 v62, $7.569000120e-01;
	[tilespmem:$0x4BC0] =	vst v17;
	v16 =	vsel vm13, v16, v5  }
0x161: {  	v15 =	vor.u32 v19, v15;
	[tilespmem:$0x4BD0] =	vst v16;
	v16 =	vsel vm14, v63, v6;
	vm15 =	vlt.f32 v14, $7.569000120e-01  }
0x162: {  	[tilespmem:$0x4BE0] =	vst v16;
	v14 =	vsel vm15, v15, v7  }
0x163: {  	s0 =	simm.s32 $0x4C00;
	[tilespmem:$0x4BF0] =	vst v14  }
0x164: {  	[spmem:s18] =	stream.indirect.scatter.add.f32 [tilespmem:s0], [sflag:$0x2], $0x1, s16, s23, $0xb8;
	[tilespmem:$0x1C800] =	vst v63  }
0x165: {  	s2 =	simm.s32 $0x4C80  }
0x166: {  	[spmem:s19] =	stream.indirect.scatter.add.f32 [tilespmem:s2], [sflag:$0x2], $0x1, s16, s23, $0xb8;
	[tilespmem:$0x1C800] =	vst v63  }
0x167: {  	s3 =	simm.s32 $0x4D00  }
0x168: {  	[spmem:s4] =	stream.indirect.scatter.add.f32 [tilespmem:s3], [sflag:$0x2], $0x1, s16, s23, $0xb8;
	[tilespmem:$0x1C800] =	vst v63  }
0x169: {  	_ = 	snop  }
0x16a: {  	[spmem:s5] =	stream.indirect.scatter.add.f32 [tilespmem:s15], [sflag:$0x2], $0x1, s16, s23, $0xb8;
	[tilespmem:$0x1C800] =	vst v63  }
.LBB2_4:
0x16b: {  	_ =	swait.ge [sflag:s25], $0x80  }
0x16c: {  	[sflag:s25] =	ssyncset.done $0x0  }
0x16d: {  	[sflag:s25] =	ssyncadd.s32 $0xFFFFFF80  }
0x16e: {  	_ =	swait.ge [sflag:s25], $0x80  }
0x16f: {  	[sflag:s25] =	ssyncset.done $0x0  }
0x170: {  	[sflag:s25] =	ssyncadd.s32 $0xFFFFFF80  }
0x171: {  	_ =	swait.ge [sflag:s25], $0x80  }
0x172: {  	[sflag:s25] =	ssyncset.done $0x0  }
0x173: {  	[sflag:s25] =	ssyncadd.s32 $0xFFFFFF80  }
0x174: {  	_ =	swait.ge [sflag:s25], $0x80  }
0x175: {  	[sflag:s25] =	ssyncset.done $0x0  }
0x176: {  	s8 =	sshra.s32 s6, $0x2;
	[sflag:s25] =	ssyncadd.s32 $0xFFFFFF80  }
0x177: {  	v11 =	vld [tilespmem:s8+$0x20]  }
0x178: {  	v12 =	vld [tilespmem:s8+$0x18A0]  }
0x179: {  	v13 =	vld [tilespmem:s8+$0x3120];
	_ =	sdelay $0x2  }
0x17a: {  	v11 =	vadd.f32 $5.000000000e-01, v11  }
0x17b: {  	v12 =	vadd.f32 $5.000000000e-01, v12  }
0x17c: {  	v13 =	vadd.f32 $5.000000000e-01, v13;
	v11 =	vmul.f32 $6.400000000e+01, v11  }
0x17d: {  	v12 =	vmul.f32 $6.400000000e+01, v12  }
0x17e: {  	v13 =	vmul.f32 $6.400000000e+01, v13;
	v11 =	vadd.f32 $-5.000000000e-01, v11  }
0x17f: {  	v12 =	vadd.f32 $-5.000000000e-01, v12  }
0x180: {  	v13 =	vadd.f32 $-5.000000000e-01, v13;
	v14 =	vtrunc.f32 v11  }
0x181: {  	v16 =	vtrunc.f32 v12;
	v15 =	vcvt.f32.s32 v14  }
0x182: {  	v33 =	vtrunc.f32 v13;
	v18 =	vcvt.f32.s32 v16  }
0x183: {  	v20 =	vcvt.f32.s32 v33;
	vm0 =	vgt.s32 v15, $0x0  }
0x184: {  	vm8 =	vgt.s32 v18, $0x0;
	v17 =	vnsel vm0, $0x0, v15  }
0x185: {  	vm10 =	vgt.s32 v20, $0x0;
	v22 =	vnsel vm8, $0x0, v18;
	v17 =	vmin.u32 v17, $0x3F  }
0x186: {  	v24 =	vnsel vm10, $0x0, v20;
	v34 =	vmin.u32 v22, $0x3F;
	v21 =	vcvt.s32.f32 v17  }
0x187: {  	v37 =	vmin.u32 v24, $0x3F;
	v23 =	vcvt.s32.f32 v34  }
0x188: {  	v39 =	vcvt.s32.f32 v37;
	v21 =	vsub.f32 v11, v21  }
0x189: {  	v38 =	vsub.f32 v12, v23  }
0x18a: {  	v23 =	vsub.f32 v13, v39;
	[tilespmem:$0x4A00] =	vst v21  }
0x18b: {  	[tilespmem:$0x4A80] =	vst v38  }
0x18c: {  	vm9 =	vgt.f32 v13, v33;
	[tilespmem:$0x4B00] =	vst v23  }
0x18d: {  	v35 =	vsel vm9, $0x1, v10;
	[tilespmem:$0x4A10] =	vst v21  }
0x18e: {  	vm7 =	vgt.f32 v12, v16;
	v36 =	vadd.s32 v20, v35;
	[tilespmem:$0x4A90] =	vst v38  }
0x18f: {  	v19 =	vsel vm7, $0x1, v10;
	vm11 =	vgt.s32 v36, $0x0;
	[tilespmem:$0x4A20] =	vst v21  }
0x190: {  	v18 =	vadd.s32 v18, v19;
	v19 =	vnsel vm11, $0x0, v36;
	[tilespmem:$0x4B20] =	vst v23  }
0x191: {  	vm13 =	vgt.f32 v11, v14;
	v19 =	vmin.u32 v19, $0x3F;
	[tilespmem:$0x4A30] =	vst v21  }
0x192: {  	v29 =	vsel vm13, $0x1, v10;
	v26 =	vcvt.s32.f32 v19;
	[tilespmem:$0x4AC0] =	vst v38  }
0x193: {  	v15 =	vadd.s32 v15, v29;
	vm12 =	vgt.s32 v18, $0x0;
	[tilespmem:$0x4B40] =	vst v23  }
0x194: {  	vm15 =	vgt.s32 v15, $0x0;
	v18 =	vnsel vm12, $0x0, v18;
	v13 =	vsub.f32 v13, v26;
	[tilespmem:$0x4AD0] =	vst v38  }
0x195: {  	v17 =	vshll.u32 v17, $0xC;
	v16 =	vshll.u32 v34, $0x6;
	v18 =	vmin.u32 v18, $0x3F;
	[tilespmem:$0x4B60] =	vst v23  }
0x196: {  	v15 =	vnsel vm15, $0x0, v15;
	v43 =	vor.u32 v17, v16;
	v41 =	vcvt.s32.f32 v18;
	[tilespmem:$0x4B10] =	vst v13  }
0x197: {  	v15 =	vmin.u32 v15, $0x3F;
	v31 =	vor.u32 v37, v43;
	[tilespmem:$0x4B30] =	vst v13  }
0x198: {  	v46 =	vcvt.s32.f32 v15;
	v18 =	vshll.u32 v18, $0x6;
	v12 =	vsub.f32 v12, v41;
	[tilespmem:$0x4B50] =	vst v13  }
0x199: {  	v14 =	vor.u32 v43, v19;
	v15 =	vshll.u32 v15, $0xC;
	v17 =	vor.u32 v17, v18;
	[tilespmem:$0x4B70] =	vst v13  }
0x19a: {  	v40 =	vmul.f32 v21, v21;
	v25 =	vmul.f32 v38, v38;
	v11 =	vsub.f32 v11, v46;
	[tilespmem:$0x4AA0] =	vst v12  }
0x19b: {  	v16 =	vor.u32 v16, v15;
	v15 =	vor.u32 v15, v18;
	v44 =	vmul.f32 v12, v12;
	[tilespmem:$0x4AB0] =	vst v12  }
0x19c: {  	v27 =	vmul.f32 v23, v23;
	v30 =	vmul.f32 v13, v13;
	v28 =	vadd.f32 v25, v40;
	[tilespmem:$0x4A40] =	vst v11  }
0x19d: {  	v48 =	vor.u32 v37, v17;
	v17 =	vor.u32 v19, v17;
	[tilespmem:$0x4A50] =	vst v11;
	v24 =	vadd.f32 v44, v40  }
0x19e: {  	v53 =	vor.u32 v37, v16;
	v49 =	vmul.f32 v11, v11;
	[tilespmem:$0x4A60] =	vst v11;
	v45 =	vadd.f32 v30, v28  }
0x19f: {  	v16 =	vor.u32 v19, v16;
	[tilespmem:$0x4AE0] =	vst v12;
	v42 =	vadd.f32 v27, v28;
	v47 =	vadd.f32 v24, v27  }
0x1a0: {  	[tilespmem:$0x4A70] =	vst v11;
	v51 =	vadd.f32 v49, v25;
	v54 =	vadd.f32 v44, v49;
	vm4 =	vlt.f32 v45, $7.569000120e-01  }
0x1a1: {  	[tilespmem:$0x4AF0] =	vst v12;
	v50 =	vadd.f32 v30, v24;
	v14 =	vsel vm4, v14, v1;
	vm5 =	vlt.f32 v47, $7.569000120e-01  }
0x1a2: {  	vm14 =	vlt.f32 v42, $7.569000120e-01;
	v52 =	vadd.f32 v51, v27;
	[tilespmem:$0x4990] =	vst v14;
	v14 =	vsel vm5, v48, v2  }
0x1a3: {  	v26 =	vsel vm14, v31, v0;
	vm6 =	vlt.f32 v50, $7.569000120e-01;
	[tilespmem:$0x49A0] =	vst v14;
	v14 =	vadd.f32 v30, v51  }
0x1a4: {  	v55 =	vadd.f32 v54, v27;
	[tilespmem:$0x4980] =	vst v26;
	vm7 =	vlt.f32 v52, $7.569000120e-01;
	v17 =	vsel vm6, v17, v3  }
0x1a5: {  	[tilespmem:$0x49B0] =	vst v17;
	v17 =	vsel vm7, v53, v4;
	vm8 =	vlt.f32 v14, $7.569000120e-01;
	v14 =	vadd.f32 v30, v54  }
0x1a6: {  	v56 =	vor.u32 v37, v15;
	vm9 =	vlt.f32 v55, $7.569000120e-01;
	[tilespmem:$0x49C0] =	vst v17;
	v16 =	vsel vm8, v16, v5  }
0x1a7: {  	v15 =	vor.u32 v19, v15;
	[tilespmem:$0x49D0] =	vst v16;
	v16 =	vsel vm9, v56, v6;
	vm10 =	vlt.f32 v14, $7.569000120e-01  }
0x1a8: {  	[tilespmem:$0x49E0] =	vst v16;
	v14 =	vsel vm10, v15, v7  }
0x1a9: {  	[tilespmem:$0x49F0] =	vst v14  }
0x1aa: {  	[spmem:s18] =	stream.indirect.scatter.add.f32 [tilespmem:s11], [sflag:$0x1], $0x1, s10, s23, $0xb8;
	[tilespmem:$0x1C800] =	vst v63  }
0x1ab: {  	_ = 	snop  }
0x1ac: {  	[spmem:s19] =	stream.indirect.scatter.add.f32 [tilespmem:s12], [sflag:$0x1], $0x1, s10, s23, $0xb8;
	[tilespmem:$0x1C800] =	vst v63  }
0x1ad: {  	_ = 	snop  }
0x1ae: {  	[spmem:s4] =	stream.indirect.scatter.add.f32 [tilespmem:s13], [sflag:$0x1], $0x1, s10, s23, $0xb8;
	[tilespmem:$0x1C800] =	vst v63  }
0x1af: {  	_ = 	snop  }
0x1b0: {  	[spmem:s5] =	stream.indirect.scatter.add.f32 [tilespmem:s15], [sflag:$0x1], $0x1, s10, s23, $0xb8;
	[tilespmem:$0x1C800] =	vst v63  }
0x1b1: {  	_ =	swait.ge [sflag:s26], $0x80  }
0x1b2: {  	[sflag:s26] =	ssyncset.done $0x0  }
0x1b3: {  	[sflag:s26] =	ssyncadd.s32 $0xFFFFFF80  }
0x1b4: {  	_ =	swait.ge [sflag:s26], $0x80  }
0x1b5: {  	[sflag:s26] =	ssyncset.done $0x0  }
0x1b6: {  	[sflag:s26] =	ssyncadd.s32 $0xFFFFFF80  }
0x1b7: {  	_ =	swait.ge [sflag:s26], $0x80  }
0x1b8: {  	[sflag:s26] =	ssyncset.done $0x0  }
0x1b9: {  	[sflag:s26] =	ssyncadd.s32 $0xFFFFFF80  }
0x1ba: {  	_ =	swait.ge [sflag:s26], $0x80  }
0x1bb: {  	[sflag:s26] =	ssyncset.done $0x0  }
0x1bc: {  	[sflag:s26] =	ssyncadd.s32 $0xFFFFFF80  }
0x1bd: {  	v11 =	vld [tilespmem:s8+$0x30]  }
0x1be: {  	v57 =	vld [tilespmem:s8+$0x18B0]  }
0x1bf: {  	v58 =	vld [tilespmem:s8+$0x3130];
	_ =	sdelay $0x2  }
0x1c0: {  	v11 =	vadd.f32 $5.000000000e-01, v11  }
0x1c1: {  	v12 =	vadd.f32 $5.000000000e-01, v57  }
0x1c2: {  	v13 =	vadd.f32 $5.000000000e-01, v58;
	v11 =	vmul.f32 $6.400000000e+01, v11  }
0x1c3: {  	v12 =	vmul.f32 $6.400000000e+01, v12  }
0x1c4: {  	v13 =	vmul.f32 $6.400000000e+01, v13;
	v11 =	vadd.f32 $-5.000000000e-01, v11  }
0x1c5: {  	v12 =	vadd.f32 $-5.000000000e-01, v12  }
0x1c6: {  	v13 =	vadd.f32 $-5.000000000e-01, v13;
	v59 =	vtrunc.f32 v11  }
0x1c7: {  	v61 =	vtrunc.f32 v12;
	v60 =	vcvt.f32.s32 v59  }
0x1c8: {  	v27 =	vtrunc.f32 v13;
	v63 =	vcvt.f32.s32 v61  }
0x1c9: {  	v29 =	vcvt.f32.s32 v27;
	vm11 =	vgt.s32 v60, $0x0  }
0x1ca: {  	vm13 =	vgt.s32 v63, $0x0;
	v62 =	vnsel vm11, $0x0, v60  }
0x1cb: {  	vm15 =	vgt.s32 v29, $0x0;
	v31 =	vnsel vm13, $0x0, v63;
	v17 =	vmin.u32 v62, $0x3F  }
0x1cc: {  	v35 =	vnsel vm15, $0x0, v29;
	v32 =	vmin.u32 v31, $0x3F;
	v30 =	vcvt.s32.f32 v17  }
0x1cd: {  	v37 =	vmin.u32 v35, $0x3F;
	v34 =	vcvt.s32.f32 v32  }
0x1ce: {  	v39 =	vcvt.s32.f32 v37;
	v21 =	vsub.f32 v11, v30  }
0x1cf: {  	v38 =	vsub.f32 v12, v34  }
0x1d0: {  	v23 =	vsub.f32 v13, v39;
	[tilespmem:$0x4C00] =	vst v21  }
0x1d1: {  	[tilespmem:$0x4C80] =	vst v38  }
0x1d2: {  	vm14 =	vgt.f32 v13, v27;
	[tilespmem:$0x4D00] =	vst v23  }
0x1d3: {  	vm12 =	vgt.f32 v12, v61;
	v33 =	vsel vm14, $0x1, v10;
	[tilespmem:$0x4C10] =	vst v21  }
0x1d4: {  	v28 =	vsel vm12, $0x1, v10;
	v36 =	vadd.s32 v29, v33;
	[tilespmem:$0x4C90] =	vst v38  }
0x1d5: {  	v18 =	vadd.s32 v63, v28;
	vm4 =	vgt.s32 v36, $0x0;
	[tilespmem:$0x4C20] =	vst v21  }
0x1d6: {  	vm6 =	vgt.f32 v11, v59;
	vm5 =	vgt.s32 v18, $0x0;
	v19 =	vnsel vm4, $0x0, v36;
	[tilespmem:$0x4D20] =	vst v23  }
0x1d7: {  	v47 =	vsel vm6, $0x1, v10;
	v18 =	vnsel vm5, $0x0, v18;
	v19 =	vmin.u32 v19, $0x3F;
	[tilespmem:$0x4C30] =	vst v21  }
0x1d8: {  	v15 =	vadd.s32 v60, v47;
	v18 =	vmin.u32 v18, $0x3F;
	v42 =	vcvt.s32.f32 v19;
	[tilespmem:$0x4CC0] =	vst v38  }
0x1d9: {  	vm8 =	vgt.s32 v15, $0x0;
	v45 =	vcvt.s32.f32 v18;
	[tilespmem:$0x4D40] =	vst v23  }
0x1da: {  	v15 =	vnsel vm8, $0x0, v15;
	v13 =	vsub.f32 v13, v42;
	[tilespmem:$0x4CD0] =	vst v38  }
0x1db: {  	v15 =	vmin.u32 v15, $0x3F;
	v12 =	vsub.f32 v12, v45;
	[tilespmem:$0x4D60] =	vst v23  }
0x1dc: {  	v53 =	vcvt.s32.f32 v15;
	[tilespmem:$0x4D10] =	vst v13  }
0x1dd: {  	v17 =	vshll.u32 v17, $0xC;
	v16 =	vshll.u32 v32, $0x6;
	[tilespmem:$0x4CA0] =	vst v12  }
0x1de: {  	v48 =	vor.u32 v17, v16;
	v18 =	vshll.u32 v18, $0x6;
	v11 =	vsub.f32 v11, v53;
	[tilespmem:$0x4CB0] =	vst v12  }
0x1df: {  	v15 =	vshll.u32 v15, $0xC;
	v50 =	vor.u32 v37, v48;
	v14 =	vor.u32 v48, v19;
	[tilespmem:$0x4D30] =	vst v13  }
0x1e0: {  	v17 =	vor.u32 v17, v18;
	v40 =	vmul.f32 v21, v21;
	v41 =	vmul.f32 v38, v38;
	[tilespmem:$0x4C40] =	vst v11  }
0x1e1: {  	v16 =	vor.u32 v16, v15;
	v15 =	vor.u32 v15, v18;
	v51 =	vmul.f32 v12, v12;
	[tilespmem:$0x4C50] =	vst v11  }
0x1e2: {  	v55 =	vor.u32 v37, v17;
	v49 =	vmul.f32 v13, v13;
	[tilespmem:$0x4D50] =	vst v13;
	v44 =	vadd.f32 v41, v40  }
0x1e3: {  	v43 =	vmul.f32 v23, v23;
	v56 =	vmul.f32 v11, v11;
	[tilespmem:$0x4C60] =	vst v11;
	v24 =	vadd.f32 v51, v40  }
0x1e4: {  	v17 =	vor.u32 v19, v17;
	v60 =	vor.u32 v37, v16;
	[tilespmem:$0x4CE0] =	vst v12;
	v52 =	vadd.f32 v49, v44  }
0x1e5: {  	v16 =	vor.u32 v19, v16;
	[tilespmem:$0x4C70] =	vst v11;
	v58 =	vadd.f32 v56, v41;
	v54 =	vadd.f32 v24, v43  }
0x1e6: {  	[tilespmem:$0x4CF0] =	vst v12;
	v61 =	vadd.f32 v51, v56;
	v46 =	vadd.f32 v43, v44;
	vm9 =	vlt.f32 v52, $7.569000120e-01  }
0x1e7: {  	[tilespmem:$0x4D70] =	vst v13;
	v57 =	vadd.f32 v49, v24;
	v14 =	vsel vm9, v14, v1;
	vm10 =	vlt.f32 v54, $7.569000120e-01  }
0x1e8: {  	v59 =	vadd.f32 v58, v43;
	vm7 =	vlt.f32 v46, $7.569000120e-01;
	[tilespmem:$0x4B90] =	vst v14;
	v14 =	vsel vm10, v55, v2  }
0x1e9: {  	v26 =	vsel vm7, v50, v0;
	vm11 =	vlt.f32 v57, $7.569000120e-01;
	[tilespmem:$0x4BA0] =	vst v14;
	v14 =	vadd.f32 v49, v58  }
0x1ea: {  	v62 =	vadd.f32 v61, v43;
	vm12 =	vlt.f32 v59, $7.569000120e-01;
	[tilespmem:$0x4B80] =	vst v26;
	v17 =	vsel vm11, v17, v3  }
0x1eb: {  	[tilespmem:$0x4BB0] =	vst v17;
	v17 =	vsel vm12, v60, v4;
	vm13 =	vlt.f32 v14, $7.569000120e-01;
	v14 =	vadd.f32 v49, v61  }
0x1ec: {  	v63 =	vor.u32 v37, v15;
	vm14 =	vlt.f32 v62, $7.569000120e-01;
	[tilespmem:$0x4BC0] =	vst v17;
	v16 =	vsel vm13, v16, v5  }
0x1ed: {  	v15 =	vor.u32 v19, v15;
	[tilespmem:$0x4BD0] =	vst v16;
	v16 =	vsel vm14, v63, v6;
	vm15 =	vlt.f32 v14, $7.569000120e-01  }
0x1ee: {  	[tilespmem:$0x4BE0] =	vst v16;
	v14 =	vsel vm15, v15, v7  }
0x1ef: {  	[tilespmem:$0x4BF0] =	vst v14  }
0x1f0: {  	[spmem:s18] =	stream.indirect.scatter.add.f32 [tilespmem:s0], [sflag:$0x2], $0x1, s16, s23, $0xb8;
	[tilespmem:$0x1C800] =	vst v63  }
0x1f1: {  	p0 =	sne.s32 s6, $0x6100  }
0x1f2: {  	[spmem:s19] =	stream.indirect.scatter.add.f32 [tilespmem:s2], [sflag:$0x2], $0x1, s16, s23, $0xb8;
	[tilespmem:$0x1C800] =	vst v63  }
.Ltmp1:
0x1f3: {  	_ = 	snop;
	(pc) =	sbr.rel @p0 .LBB2_4-.Ltmp1, $4  }
0x1f4: {  	_ = 	snop  }
0x1f5: {  	[spmem:s4] =	stream.indirect.scatter.add.f32 [tilespmem:s3], [sflag:$0x2], $0x1, s16, s23, $0xb8;
	[tilespmem:$0x1C800] =	vst v63  }
0x1f6: {  	s6 =	sadd.s32 $0x80, s6  }
0x1f7: {  	[spmem:s5] =	stream.indirect.scatter.add.f32 [tilespmem:s15], [sflag:$0x2], $0x1, s16, s23, $0xb8;
	[tilespmem:$0x1C800] =	vst v63  }
0x1f8: {  	_ =	swait.ge [sflag:s25], $0x80  }
0x1f9: {  	[sflag:s25] =	ssyncset.done $0x0  }
0x1fa: {  	[sflag:s25] =	ssyncadd.s32 $0xFFFFFF80  }
0x1fb: {  	_ =	swait.ge [sflag:s25], $0x80  }
0x1fc: {  	[sflag:s25] =	ssyncset.done $0x0  }
0x1fd: {  	[sflag:s25] =	ssyncadd.s32 $0xFFFFFF80  }
0x1fe: {  	_ =	swait.ge [sflag:s25], $0x80  }
0x1ff: {  	[sflag:s25] =	ssyncset.done $0x0  }
0x200: {  	[sflag:s25] =	ssyncadd.s32 $0xFFFFFF80  }
0x201: {  	_ =	swait.ge [sflag:s25], $0x80  }
0x202: {  	[sflag:s25] =	ssyncset.done $0x0  }
0x203: {  	[sflag:s25] =	ssyncadd.s32 $0xFFFFFF80  }
0x204: {  	_ =	swait.ge [sflag:s26], $0x80  }
0x205: {  	[sflag:s26] =	ssyncset.done $0x0  }
0x206: {  	[sflag:s26] =	ssyncadd.s32 $0xFFFFFF80  }
0x207: {  	_ =	swait.ge [sflag:s26], $0x80  }
0x208: {  	[sflag:s26] =	ssyncset.done $0x0  }
0x209: {  	[sflag:s26] =	ssyncadd.s32 $0xFFFFFF80  }
0x20a: {  	_ =	swait.ge [sflag:s26], $0x80  }
0x20b: {  	[sflag:s26] =	ssyncset.done $0x0  }
0x20c: {  	[sflag:s26] =	ssyncadd.s32 $0xFFFFFF80  }
0x20d: {  	_ =	swait.ge [sflag:s26], $0x80  }
0x20e: {  	[sflag:s26] =	ssyncset.done $0x0  }
0x20f: {  	[sflag:s26] =	ssyncadd.s32 $0xFFFFFF80  }
0x210: {  	[bflag:$0x0] =	sbarrier.arrive $0xFFFF  }
0x211: {  	s6 =	simm.s32 $0x0;
	s2 =	rddreg [dreg:$0xa]  }
0x212: {  	[tilespmem:s6], [sflag:$0x4] =	stream.linear.gather [hbm4b:s2+s6], $0x1880, $0x38;
	[tilespmem:$0x1C800] =	vst v63  }
0x213: {  	s14 =	rddreg [dreg:$0xb]  }
0x214: {  	[tilespmem:s7], [sflag:$0x4] =	stream.linear.gather [hbm4b:s14+s6], $0x1880, $0x38;
	[tilespmem:$0x1C800] =	vst v63  }
0x215: {  	s15 =	rddreg [dreg:$0xc]  }
0x216: {  	[tilespmem:s9], [sflag:$0x4] =	stream.linear.gather [hbm4b:s15+s6], $0x1880, $0x38;
	[tilespmem:$0x1C800] =	vst v63  }
0x217: {  	s0 =	simm.s32 $0x5600  }
0x218: {  	[tilespmem:s0], [sflag:$0x5] =	stream.linear.gather [spmem:s17], $0x800, $0x38;
	[tilespmem:$0x1C800] =	vst v63  }
0x219: {  	s16 =	simm.s32 $0x5E00  }
0x21a: {  	[tilespmem:s16], [sflag:$0x5] =	stream.linear.gather [spmem:s21], $0x800, $0x38;
	[tilespmem:$0x1C800] =	vst v63  }
0x21b: {  	s17 =	simm.s32 $0x6600;
	s21 =	sld [smem:$0x7F0]  }
0x21c: {  	[tilespmem:s17], [sflag:$0x5] =	stream.linear.gather [spmem:s24], $0x800, $0x38;
	[tilespmem:$0x1C800] =	vst v63  }
0x21d: {  	s24 =	simm.s32 $0x6E00  }
0x21e: {  	[tilespmem:s24], [sflag:$0x5] =	stream.linear.gather [spmem:s21], $0x800, $0x38;
	[tilespmem:$0x1C800] =	vst v63  }
.LBB2_6:
0x21f: {  	_ =	swait.ge [sflag:s28], $0x800  }
0x220: {  	[sflag:s28] =	ssyncset.done $0x0  }
0x221: {  	[sflag:s28] =	ssyncadd.s32 $0xFFFFF800  }
0x222: {  	_ =	swait.ge [sflag:s28], $0x800  }
0x223: {  	[sflag:s28] =	ssyncset.done $0x0  }
0x224: {  	[sflag:s28] =	ssyncadd.s32 $0xFFFFF800  }
0x225: {  	_ =	swait.ge [sflag:s28], $0x800  }
0x226: {  	[sflag:s28] =	ssyncset.done $0x0  }
0x227: {  	[sflag:s28] =	ssyncadd.s32 $0xFFFFF800  }
0x228: {  	_ =	swait.ge [sflag:s28], $0x800  }
0x229: {  	s2 =	sld [smem:$0x7F4];
	_ =	sdelay $0x1  }
0x22a: {  	s11 =	sshll.u32 s6, $0xC  }
0x22b: {  	[sflag:s28] =	ssyncset.done $0x0;
	s15 =	sadd.s32 s2, s11  }
0x22c: {  	s14 =	simm.s32 $0x8E00;
	[sflag:s28] =	ssyncadd.s32 $0xFFFFF800;
	s8 =	sadd.s32 s15, s18  }
0x22d: {  	[tilespmem:s14], [sflag:$0x6] =	stream.linear.gather [spmem:s8], $0x800, $0x38;
	[tilespmem:$0x1C800] =	vst v63  }
0x22e: {  	s21 =	smov.u32 s20;
	s16 =	simm.s32 $0x9600;
	s12 =	sadd.s32 s15, s19  }
0x22f: {  	[tilespmem:s16], [sflag:$0x6] =	stream.linear.gather [spmem:s12], $0x800, $0x38;
	[tilespmem:$0x1C800] =	vst v63  }
0x230: {  	s17 =	simm.s32 $0x9E00;
	p0 =	seq.s32 s6, $0x0;
	s13 =	sadd.s32 s15, s4  }
0x231: {  	[tilespmem:s17], [sflag:$0x6] =	stream.linear.gather [spmem:s13], $0x800, $0x38;
	[tilespmem:$0x1C800] =	vst v63  }
0x232: {  	s20 =	simm.s32 $0xA600;
	s9 =	simm.s32 @!p0 $0x7;
	s24 =	sadd.s32 s15, s5  }
0x233: {  	[tilespmem:s20], [sflag:$0x6] =	stream.linear.gather [spmem:s24], $0x800, $0x38;
	[tilespmem:$0x1C800] =	vst v63  }
0x234: {  	_ =	swait.ge @!p0 [sflag:s9], $0x800  }
0x235: {  	[sflag:s9] =	ssyncset.done @!p0 $0x0  }
0x236: {  	[sflag:s9] =	ssyncadd.s32 @!p0 $0xFFFFF800  }
0x237: {  	_ =	swait.ge @!p0 [sflag:s9], $0x800  }
0x238: {  	[sflag:s9] =	ssyncset.done @!p0 $0x0  }
0x239: {  	[sflag:s9] =	ssyncadd.s32 @!p0 $0xFFFFF800  }
0x23a: {  	_ =	swait.ge @!p0 [sflag:s9], $0x800  }
0x23b: {  	[sflag:s9] =	ssyncset.done @!p0 $0x0  }
0x23c: {  	[sflag:s9] =	ssyncadd.s32 @!p0 $0xFFFFF800;
	s9 =	simm.s32 $0x0  }
0x23d: {  	v11 =	vld [tilespmem:s9+$0x6E00];
	_ =	sdelay $0x4  }
0x23e: {  	s7 =	smov.u32 s1;
	s1 =	smov.u32 s30;
	s30 =	simm.s32 $0x10;
	v11 =	vmax.f32 v11, $1.000000000e+00  }
0x23f: {  	v12 =	vld [tilespmem:s30+$0x6E00];
	(erf) = vrcp.f32 v11;
	_ =	sdelay $0x1  }
0x240: {  	v17 =	vld [tilespmem:s9+$0x5600]  }
0x241: {  	v13 =	vld [tilespmem:s9+$0x5E00]  }
0x242: {  	v19 =	vld [tilespmem:s9+$0x6600]  }
0x243: {  	s0 =	smov.u32 s29;
	s29 =	simm.s32 $0x20;
	v15 =	vld [tilespmem:s30+$0x5E00];
	v12 =	vmax.f32 v12, $1.000000000e+00  }
0x244: {  	v16 =	vld [tilespmem:s29+$0x6E00];
	(erf) = vrcp.f32 v12  }
0x245: {  	s3 =	smov.u32 s18;
	s2 =	smov.u32 s31;
	v12 =	vld [tilespmem:s29+$0x5600]  }
0x246: {  	s20 =	sor.u32 s31, s11;
	s31 =	smov.u32 s5;
	s5 =	smov.u32 s19;
	v14 =	vld [tilespmem:s29+$0x5E00]  }
0x247: {  	s16 =	sadd.s32 s20, s18;
	s17 =	sadd.s32 s20, s19;
	s18 =	sadd.s32 s20, s4;
	v18 =	vpop (erf)  }
0x248: {  	s14 =	smov.u32 s31;
	s19 =	sadd.s32 s20, s31;
	s31 =	simm.s32 $0xC0;
	v11 =	vld [tilespmem:s30+$0x5600];
	v17 =	vmul.f32 v18, v17;
	v19 =	vmul.f32 v19, v18  }
.LBB2_7:
0x249: {  	s10 =	sshra.s32 s31, $0x2;
	p1 =	sne.s32 s31, $0x1FC0;
	s31 =	sadd.s32 $0x40, s31;
	v22 =	vmax.f32 v16, $1.000000000e+00;
	v21 =	vld [tilespmem:s30+$0x6600];
	v18 =	vmul.f32 v13, v18;
	v13 =	vmov v15  }
.Ltmp2:
0x24a: {  	v16 =	vld [tilespmem:s10+$0x6E00];
	(erf) = vrcp.f32 v22;
	[tilespmem:s9+$0x8600] =	vst v19;
	v20 =	vmov v12;
	(pc) =	sbr.rel @p1 .LBB2_7-.Ltmp2, $4  }
0x24b: {  	v12 =	vld [tilespmem:s10+$0x5600];
	[tilespmem:s9+$0x7600] =	vst v17;
	v15 =	vmov v14  }
0x24c: {  	v14 =	vld [tilespmem:s10+$0x5E00];
	[tilespmem:s9+$0x7E00] =	vst v18;
	s9 =	smov.u32 s30;
	s30 =	smov.u32 s29;
	s29 =	smov.u32 s10  }
0x24d: {  	v18 =	vpop (erf)  }
0x24e: {  	v17 =	vmul.f32 v18, v11;
	v19 =	vmul.f32 v21, v18;
	v11 =	vmov v20  }
0x24f: {  	v16 =	vmax.f32 v16, $1.000000000e+00  }
0x250: {  	(erf) = vrcp.f32 v16;
	v16 =	vld [tilespmem:s30+$0x6600];
	_ =	sdelay $0x1  }
0x251: {  	v13 =	vmul.f32 v13, v18;
	[tilespmem:s9+$0x8600] =	vst v19  }
0x252: {  	[tilespmem:s9+$0x7600] =	vst v17  }
0x253: {  	[tilespmem:s9+$0x7E00] =	vst v13;
	v17 =	vpop (erf)  }
0x254: {  	v13 =	vld [tilespmem:s29+$0x6600];
	v16 =	vmul.f32 v16, v17;
	_ =	sdelay $0x2  }
0x255: {  	v11 =	vmul.f32 v17, v11  }
0x256: {  	v15 =	vmul.f32 v15, v17;
	[tilespmem:s30+$0x8600] =	vst v16;
	v16 =	vpop (erf)  }
0x257: {  	[tilespmem:s30+$0x7600] =	vst v11;
	v11 =	vmul.f32 v13, v16  }
0x258: {  	s10 =	sor.u32 s1, s20;
	[tilespmem:s30+$0x7E00] =	vst v15;
	v12 =	vmul.f32 v16, v12  }
0x259: {  	s9 =	sshrl.u32 s10, $0x3;
	s10 =	simm.s32 $0x7600;
	v13 =	vmul.f32 v14, v16;
	[tilespmem:s29+$0x8600] =	vst v11  }
0x25a: {  	s9 =	sadd.s32 s7, s9;
	s30 =	smov.u32 s1;
	s1 =	smov.u32 s7;
	[tilespmem:s29+$0x7600] =	vst v12  }
0x25b: {  	s7 =	simm.s32 $0x0;
	[tilespmem:s29+$0x7E00] =	vst v13;
	s29 =	smov.u32 s0;
	s0 =	sor.u32 s0, s20  }
0x25c: {  	[hbm4b:s9+s7] =	stream.linear.scatter [tilespmem:s10], [sflag:$0x7], $0x800, $0x38;
	[tilespmem:$0x1C800] =	vst v63  }
0x25d: {  	s9 =	sshrl.u32 s0, $0x3  }
0x25e: {  	s10 =	simm.s32 $0x7E00;
	s0 =	sor.u32 s21, s20;
	s9 =	sadd.s32 s1, s9  }
0x25f: {  	[hbm4b:s9+s7] =	stream.linear.scatter [tilespmem:s10], [sflag:$0x7], $0x800, $0x38;
	[tilespmem:$0x1C800] =	vst v63  }
0x260: {  	s9 =	sshrl.u32 s0, $0x3  }
0x261: {  	s10 =	simm.s32 $0x8600;
	s9 =	sadd.s32 s1, s9  }
0x262: {  	[hbm4b:s9+s7] =	stream.linear.scatter [tilespmem:s10], [sflag:$0x7], $0x800, $0x38;
	[tilespmem:$0x1C800] =	vst v63  }
0x263: {  	s9 =	simm.s32 @!p0 $0x3  }
0x264: {  	_ =	swait.ge @!p0 [sflag:s9], $0x800  }
0x265: {  	[sflag:s9] =	ssyncset.done @!p0 $0x0  }
0x266: {  	[sflag:s9] =	ssyncadd.s32 @!p0 $0xFFFFF800  }
0x267: {  	_ =	swait.ge @!p0 [sflag:s9], $0x800  }
0x268: {  	[sflag:s9] =	ssyncset.done @!p0 $0x0  }
0x269: {  	[sflag:s9] =	ssyncadd.s32 @!p0 $0xFFFFF800  }
0x26a: {  	_ =	swait.ge @!p0 [sflag:s9], $0x800  }
0x26b: {  	[sflag:s9] =	ssyncset.done @!p0 $0x0  }
0x26c: {  	[sflag:s9] =	ssyncadd.s32 @!p0 $0xFFFFF800  }
0x26d: {  	_ =	swait.ge @!p0 [sflag:s9], $0x800  }
0x26e: {  	[sflag:s9] =	ssyncset.done @!p0 $0x0  }
0x26f: {  	s20 =	smov.u32 s21;
	s21 =	simm.s32 $0x4E00;
	[sflag:s9] =	ssyncadd.s32 @!p0 $0xFFFFF800  }
0x270: {  	[spmem:s16] =	stream.linear.scatter [tilespmem:s21], [sflag:$0x3], $0x800, $0x38;
	[tilespmem:$0x1C800] =	vst v63  }
0x271: {  	_ = 	snop  }
0x272: {  	[spmem:s17] =	stream.linear.scatter [tilespmem:s21], [sflag:$0x3], $0x800, $0x38;
	[tilespmem:$0x1C800] =	vst v63  }
0x273: {  	_ = 	snop  }
0x274: {  	[spmem:s18] =	stream.linear.scatter [tilespmem:s21], [sflag:$0x3], $0x800, $0x38;
	[tilespmem:$0x1C800] =	vst v63  }
0x275: {  	_ = 	snop  }
0x276: {  	[spmem:s19] =	stream.linear.scatter [tilespmem:s21], [sflag:$0x3], $0x800, $0x38;
	[tilespmem:$0x1C800] =	vst v63  }
0x277: {  	_ =	swait.ge [sflag:s22], $0x800  }
0x278: {  	[sflag:s22] =	ssyncset.done $0x0  }
0x279: {  	[sflag:s22] =	ssyncadd.s32 $0xFFFFF800  }
0x27a: {  	_ =	swait.ge [sflag:s22], $0x800  }
0x27b: {  	[sflag:s22] =	ssyncset.done $0x0  }
0x27c: {  	[sflag:s22] =	ssyncadd.s32 $0xFFFFF800  }
0x27d: {  	_ =	swait.ge [sflag:s22], $0x800  }
0x27e: {  	[sflag:s22] =	ssyncset.done $0x0  }
0x27f: {  	[sflag:s22] =	ssyncadd.s32 $0xFFFFF800  }
0x280: {  	_ =	swait.ge [sflag:s22], $0x800  }
0x281: {  	s0 =	sld [smem:$0x7F9];
	_ =	sdelay $0x1  }
0x282: {  	p0 =	seq.s32 s6, $0x3  }
0x283: {  	[sflag:s22] =	ssyncset.done $0x0;
	s9 =	sadd.s32 @!p0 s11, s0  }
0x284: {  	[sflag:s22] =	ssyncadd.s32 $0xFFFFF800;
	s11 =	simm.s32 @!p0 $0x5600;
	s10 =	sadd.s32 @!p0 s9, s3  }
0x285: {  	[tilespmem:s11], [sflag:$0x5] =	stream.linear.gather @!p0 [spmem:s10], $0x800, $0x38;
	[tilespmem:$0x1C800] =	vst v63  }
0x286: {  	s10 =	sadd.s32 @!p0 s9, s5;
	s11 =	simm.s32 @!p0 $0x5E00  }
0x287: {  	[tilespmem:s11], [sflag:$0x5] =	stream.linear.gather @!p0 [spmem:s10], $0x800, $0x38;
	[tilespmem:$0x1C800] =	vst v63  }
0x288: {  	s10 =	sadd.s32 @!p0 s9, s4;
	s11 =	simm.s32 @!p0 $0x6600  }
0x289: {  	[tilespmem:s11], [sflag:$0x5] =	stream.linear.gather @!p0 [spmem:s10], $0x800, $0x38;
	[tilespmem:$0x1C800] =	vst v63  }
0x28a: {  	p1 =	seq.s32 @!p0 s6, $0x0;
	s9 =	sadd.s32 @!p0 s9, s14;
	s10 =	simm.s32 @!p0 $0x6E00  }
0x28b: {  	[tilespmem:s10], [sflag:$0x5] =	stream.linear.gather @!p0 [spmem:s9], $0x800, $0x38;
	[tilespmem:$0x1C800] =	vst v63  }
0x28c: {  	p0 =	por p0, !p1  }
0x28d: {  	s0 =	simm.s32 @p0 $0x8  }
0x28e: {  	_ =	swait.ge @p0 [sflag:s0], $0x800  }
0x28f: {  	[sflag:s0] =	ssyncset.done @p0 $0x0  }
0x290: {  	[sflag:s0] =	ssyncadd.s32 @p0 $0xFFFFF800  }
0x291: {  	_ =	swait.ge @p0 [sflag:s0], $0x800  }
0x292: {  	[sflag:s0] =	ssyncset.done @p0 $0x0  }
0x293: {  	[sflag:s0] =	ssyncadd.s32 @p0 $0xFFFFF800  }
0x294: {  	_ =	swait.ge @p0 [sflag:s0], $0x800  }
0x295: {  	[sflag:s0] =	ssyncset.done @p0 $0x0  }
0x296: {  	s16 =	simm.s32 $0x0;
	[sflag:s0] =	ssyncadd.s32 @p0 $0xFFFFF800  }
0x297: {  	v11 =	vld [tilespmem:s16+$0xA600];
	_ =	sdelay $0x4  }
0x298: {  	s9 =	simm.s32 $0x10;
	v11 =	vmax.f32 v11, $1.000000000e+00  }
0x299: {  	(erf) = vrcp.f32 v11;
	v11 =	vld [tilespmem:s9+$0xA600];
	_ =	sdelay $0x1  }
0x29a: {  	v17 =	vld [tilespmem:s16+$0x8E00]  }
0x29b: {  	v14 =	vld [tilespmem:s16+$0x9600]  }
0x29c: {  	v19 =	vld [tilespmem:s16+$0x9E00]  }
0x29d: {  	s11 =	simm.s32 $0x20;
	v15 =	vld [tilespmem:s9+$0x9600];
	v11 =	vmax.f32 v11, $1.000000000e+00  }
0x29e: {  	v16 =	vld [tilespmem:s11+$0xA600];
	(erf) = vrcp.f32 v11  }
0x29f: {  	v11 =	vld [tilespmem:s11+$0x8E00]  }
0x2a0: {  	v13 =	vld [tilespmem:s11+$0x9600]  }
0x2a1: {  	s31 =	smov.u32 s2;
	s17 =	simm.s32 $0xC0;
	s18 =	smov.u32 s3;
	v18 =	vpop (erf)  }
0x2a2: {  	s19 =	smov.u32 s5;
	s5 =	smov.u32 s14;
	s14 =	simm.s32 $0x4C00;
	v12 =	vld [tilespmem:s9+$0x8E00];
	v17 =	vmul.f32 v18, v17;
	v19 =	vmul.f32 v19, v18  }
.LBB2_9:
0x2a3: {  	s10 =	sshra.s32 s17, $0x2;
	p0 =	sne.s32 s17, $0x1FC0;
	s17 =	sadd.s32 $0x40, s17;
	v22 =	vmax.f32 v16, $1.000000000e+00;
	v21 =	vld [tilespmem:s9+$0x9E00];
	v18 =	vmul.f32 v14, v18;
	v14 =	vmov v15  }
.Ltmp3:
0x2a4: {  	v16 =	vld [tilespmem:s10+$0xA600];
	(erf) = vrcp.f32 v22;
	[tilespmem:s16+$0xBE00] =	vst v19;
	v20 =	vmov v11;
	(pc) =	sbr.rel @p0 .LBB2_9-.Ltmp3, $4  }
0x2a5: {  	v11 =	vld [tilespmem:s10+$0x8E00];
	[tilespmem:s16+$0xAE00] =	vst v17;
	v15 =	vmov v13  }
0x2a6: {  	v13 =	vld [tilespmem:s10+$0x9600];
	[tilespmem:s16+$0xB600] =	vst v18;
	s16 =	smov.u32 s9;
	s9 =	smov.u32 s11;
	s11 =	smov.u32 s10  }
0x2a7: {  	v18 =	vpop (erf)  }
0x2a8: {  	v17 =	vmul.f32 v18, v12;
	v19 =	vmul.f32 v21, v18;
	v12 =	vmov v20  }
0x2a9: {  	v16 =	vmax.f32 v16, $1.000000000e+00  }
0x2aa: {  	(erf) = vrcp.f32 v16;
	_ =	sdelay $0x1  }
0x2ab: {  	v60 =	vld [tilespmem:s9+$0x9E00];
	v14 =	vmul.f32 v14, v18;
	[tilespmem:s16+$0xBE00] =	vst v19  }
0x2ac: {  	[tilespmem:s16+$0xAE00] =	vst v17  }
0x2ad: {  	[tilespmem:s16+$0xB600] =	vst v14  }
0x2ae: {  	v14 =	vld [tilespmem:s11+$0x9E00]  }
0x2af: {  	v61 =	vpop (erf)  }
0x2b0: {  	v16 =	vmul.f32 v60, v61  }
0x2b1: {  	v12 =	vmul.f32 v61, v12  }
0x2b2: {  	v15 =	vmul.f32 v15, v61;
	[tilespmem:s9+$0xBE00] =	vst v16;
	v62 =	vpop (erf)  }
0x2b3: {  	[tilespmem:s9+$0xAE00] =	vst v12;
	v63 =	vmul.f32 v14, v62  }
0x2b4: {  	[tilespmem:s9+$0xB600] =	vst v15;
	v11 =	vmul.f32 v62, v11  }
0x2b5: {  	s3 =	sor.u32 s30, s15;
	v13 =	vmul.f32 v13, v62;
	[tilespmem:s11+$0xBE00] =	vst v63  }
0x2b6: {  	s9 =	sshrl.u32 s3, $0x3;
	[tilespmem:s11+$0xAE00] =	vst v11  }
0x2b7: {  	s0 =	simm.s32 $0xAE00;
	s10 =	sor.u32 s29, s15;
	s9 =	sadd.s32 s1, s9;
	[tilespmem:s11+$0xB600] =	vst v13  }
0x2b8: {  	[hbm4b:s9+s7] =	stream.linear.scatter [tilespmem:s0], [sflag:$0x8], $0x800, $0x38;
	[tilespmem:$0x1C800] =	vst v63  }
0x2b9: {  	s9 =	sshrl.u32 s10, $0x3  }
0x2ba: {  	s15 =	sor.u32 s20, s15;
	s11 =	simm.s32 $0xB600;
	s9 =	sadd.s32 s1, s9  }
0x2bb: {  	[hbm4b:s9+s7] =	stream.linear.scatter [tilespmem:s11], [sflag:$0x8], $0x800, $0x38;
	[tilespmem:$0x1C800] =	vst v63  }
0x2bc: {  	s9 =	sshrl.u32 s15, $0x3  }
0x2bd: {  	s17 =	simm.s32 $0x3;
	s16 =	simm.s32 $0xBE00;
	s9 =	sadd.s32 s1, s9  }
0x2be: {  	[hbm4b:s9+s7] =	stream.linear.scatter [tilespmem:s16], [sflag:$0x8], $0x800, $0x38;
	[tilespmem:$0x1C800] =	vst v63  }
0x2bf: {  	_ =	swait.ge [sflag:s17], $0x800  }
0x2c0: {  	[sflag:s17] =	ssyncset.done $0x0  }
0x2c1: {  	[sflag:s17] =	ssyncadd.s32 $0xFFFFF800  }
0x2c2: {  	_ =	swait.ge [sflag:s17], $0x800  }
0x2c3: {  	[sflag:s17] =	ssyncset.done $0x0  }
0x2c4: {  	[sflag:s17] =	ssyncadd.s32 $0xFFFFF800  }
0x2c5: {  	_ =	swait.ge [sflag:s17], $0x800  }
0x2c6: {  	[sflag:s17] =	ssyncset.done $0x0  }
0x2c7: {  	[sflag:s17] =	ssyncadd.s32 $0xFFFFF800  }
0x2c8: {  	_ =	swait.ge [sflag:s17], $0x800  }
0x2c9: {  	[sflag:s17] =	ssyncset.done $0x0  }
0x2ca: {  	s21 =	simm.s32 $0x4E00;
	s6 =	sadd.s32 $0x1, s6;
	[sflag:s17] =	ssyncadd.s32 $0xFFFFF800  }
0x2cb: {  	[spmem:s8] =	stream.linear.scatter [tilespmem:s21], [sflag:$0x3], $0x800, $0x38;
	[tilespmem:$0x1C800] =	vst v63  }
0x2cc: {  	p0 =	sne.s32 s6, $0x4  }
0x2cd: {  	[spmem:s12] =	stream.linear.scatter [tilespmem:s21], [sflag:$0x3], $0x800, $0x38;
	[tilespmem:$0x1C800] =	vst v63  }
.Ltmp4:
0x2ce: {  	_ = 	snop;
	(pc) =	sbr.rel @p0 .LBB2_6-.Ltmp4, $4  }
0x2cf: {  	_ = 	snop  }
0x2d0: {  	[spmem:s13] =	stream.linear.scatter [tilespmem:s21], [sflag:$0x3], $0x800, $0x38;
	[tilespmem:$0x1C800] =	vst v63  }
0x2d1: {  	_ = 	snop  }
0x2d2: {  	[spmem:s24] =	stream.linear.scatter [tilespmem:s21], [sflag:$0x3], $0x800, $0x38;
	[tilespmem:$0x1C800] =	vst v63  }
0x2d3: {  	s0 =	simm.s32 $0x7  }
0x2d4: {  	_ =	swait.ge [sflag:s0], $0x800  }
0x2d5: {  	[sflag:s0] =	ssyncset.done $0x0  }
0x2d6: {  	[sflag:s0] =	ssyncadd.s32 $0xFFFFF800  }
0x2d7: {  	_ =	swait.ge [sflag:s0], $0x800  }
0x2d8: {  	[sflag:s0] =	ssyncset.done $0x0  }
0x2d9: {  	[sflag:s0] =	ssyncadd.s32 $0xFFFFF800  }
0x2da: {  	_ =	swait.ge [sflag:s0], $0x800  }
0x2db: {  	[sflag:s0] =	ssyncset.done $0x0  }
0x2dc: {  	s17 =	simm.s32 $0x8;
	[sflag:s0] =	ssyncadd.s32 $0xFFFFF800  }
0x2dd: {  	_ =	swait.ge [sflag:s17], $0x800  }
0x2de: {  	[sflag:s17] =	ssyncset.done $0x0  }
0x2df: {  	[sflag:s17] =	ssyncadd.s32 $0xFFFFF800  }
0x2e0: {  	_ =	swait.ge [sflag:s17], $0x800  }
0x2e1: {  	[sflag:s17] =	ssyncset.done $0x0  }
0x2e2: {  	[sflag:s17] =	ssyncadd.s32 $0xFFFFF800  }
0x2e3: {  	_ =	swait.ge [sflag:s17], $0x800  }
0x2e4: {  	[sflag:s17] =	ssyncset.done $0x0  }
0x2e5: {  	s21 =	simm.s32 $0x4;
	[sflag:s17] =	ssyncadd.s32 $0xFFFFF800  }
0x2e6: {  	_ =	swait.ge [sflag:s21], $0x1880  }
0x2e7: {  	[sflag:s21] =	ssyncset.done $0x0  }
0x2e8: {  	[sflag:s21] =	ssyncadd.s32 $0xFFFFE780  }
0x2e9: {  	_ =	swait.ge [sflag:s21], $0x1880  }
0x2ea: {  	[sflag:s21] =	ssyncset.done $0x0  }
0x2eb: {  	[sflag:s21] =	ssyncadd.s32 $0xFFFFE780  }
0x2ec: {  	_ =	swait.ge [sflag:s21], $0x1880  }
0x2ed: {  	[sflag:s21] =	ssyncset.done $0x0  }
0x2ee: {  	s24 =	simm.s32 $0x3;
	[sflag:s21] =	ssyncadd.s32 $0xFFFFE780  }
0x2ef: {  	_ =	swait.ge [sflag:s24], $0x800  }
0x2f0: {  	[sflag:s24] =	ssyncset.done $0x0  }
0x2f1: {  	[sflag:s24] =	ssyncadd.s32 $0xFFFFF800  }
0x2f2: {  	_ =	swait.ge [sflag:s24], $0x800  }
0x2f3: {  	[sflag:s24] =	ssyncset.done $0x0  }
0x2f4: {  	[sflag:s24] =	ssyncadd.s32 $0xFFFFF800  }
0x2f5: {  	_ =	swait.ge [sflag:s24], $0x800  }
0x2f6: {  	[sflag:s24] =	ssyncset.done $0x0  }
0x2f7: {  	[sflag:s24] =	ssyncadd.s32 $0xFFFFF800  }
0x2f8: {  	_ =	swait.ge [sflag:s24], $0x800  }
0x2f9: {  	[sflag:s24] =	ssyncset.done $0x0  }
0x2fa: {  	[sflag:s24] =	ssyncadd.s32 $0xFFFFF800  }
0x2fb: {  	[bflag:$0x0] =	sbarrier.arrive $0xFFFF  }
0x2fc: {  	v11 =	vld [tilespmem:$0x0]  }
0x2fd: {  	v12 =	vld [tilespmem:$0x1880]  }
0x2fe: {  	v13 =	vld [tilespmem:$0x3100];
	_ =	sdelay $0x2  }
0x2ff: {  	v11 =	vadd.f32 $5.000000000e-01, v11  }
0x300: {  	v12 =	vadd.f32 $5.000000000e-01, v12  }
0x301: {  	v13 =	vadd.f32 $5.000000000e-01, v13;
	v11 =	vmul.f32 $6.400000000e+01, v11  }
0x302: {  	v12 =	vmul.f32 $6.400000000e+01, v12  }
0x303: {  	v13 =	vmul.f32 $6.400000000e+01, v13;
	v11 =	vadd.f32 $-5.000000000e-01, v11  }
0x304: {  	v12 =	vadd.f32 $-5.000000000e-01, v12  }
0x305: {  	v13 =	vadd.f32 $-5.000000000e-01, v13;
	v14 =	vtrunc.f32 v11  }
0x306: {  	v16 =	vtrunc.f32 v12;
	v15 =	vcvt.f32.s32 v14  }
0x307: {  	v33 =	vtrunc.f32 v13;
	v18 =	vcvt.f32.s32 v16  }
0x308: {  	v20 =	vcvt.f32.s32 v33;
	vm0 =	vgt.s32 v15, $0x0  }
0x309: {  	vm8 =	vgt.s32 v18, $0x0;
	v17 =	vnsel vm0, $0x0, v15  }
0x30a: {  	vm10 =	vgt.s32 v20, $0x0;
	v22 =	vnsel vm8, $0x0, v18;
	v17 =	vmin.u32 v17, $0x3F  }
0x30b: {  	v24 =	vnsel vm10, $0x0, v20;
	v34 =	vmin.u32 v22, $0x3F;
	v21 =	vcvt.s32.f32 v17  }
0x30c: {  	v37 =	vmin.u32 v24, $0x3F;
	v23 =	vcvt.s32.f32 v34  }
0x30d: {  	v39 =	vcvt.s32.f32 v37;
	v21 =	vsub.f32 v11, v21  }
0x30e: {  	v38 =	vsub.f32 v12, v23  }
0x30f: {  	v23 =	vsub.f32 v13, v39;
	[tilespmem:$0x4A00] =	vst v21  }
0x310: {  	[tilespmem:$0x4A80] =	vst v38  }
0x311: {  	vm9 =	vgt.f32 v13, v33;
	[tilespmem:$0x4B00] =	vst v23  }
0x312: {  	v35 =	vsel vm9, $0x1, v10;
	[tilespmem:$0x4A10] =	vst v21  }
0x313: {  	vm7 =	vgt.f32 v12, v16;
	v36 =	vadd.s32 v20, v35;
	[tilespmem:$0x4A90] =	vst v38  }
0x314: {  	v19 =	vsel vm7, $0x1, v10;
	vm11 =	vgt.s32 v36, $0x0;
	[tilespmem:$0x4A20] =	vst v21  }
0x315: {  	v18 =	vadd.s32 v18, v19;
	v19 =	vnsel vm11, $0x0, v36;
	[tilespmem:$0x4B20] =	vst v23  }
0x316: {  	vm13 =	vgt.f32 v11, v14;
	v19 =	vmin.u32 v19, $0x3F;
	[tilespmem:$0x4A30] =	vst v21  }
0x317: {  	v29 =	vsel vm13, $0x1, v10;
	v26 =	vcvt.s32.f32 v19;
	[tilespmem:$0x4AC0] =	vst v38  }
0x318: {  	v15 =	vadd.s32 v15, v29;
	vm12 =	vgt.s32 v18, $0x0;
	[tilespmem:$0x4B40] =	vst v23  }
0x319: {  	vm15 =	vgt.s32 v15, $0x0;
	v18 =	vnsel vm12, $0x0, v18;
	v13 =	vsub.f32 v13, v26;
	[tilespmem:$0x4AD0] =	vst v38  }
0x31a: {  	v17 =	vshll.u32 v17, $0xC;
	v16 =	vshll.u32 v34, $0x6;
	v18 =	vmin.u32 v18, $0x3F;
	[tilespmem:$0x4B60] =	vst v23  }
0x31b: {  	v15 =	vnsel vm15, $0x0, v15;
	v43 =	vor.u32 v17, v16;
	v41 =	vcvt.s32.f32 v18;
	[tilespmem:$0x4B10] =	vst v13  }
0x31c: {  	v15 =	vmin.u32 v15, $0x3F;
	v31 =	vor.u32 v37, v43;
	[tilespmem:$0x4B30] =	vst v13  }
0x31d: {  	v46 =	vcvt.s32.f32 v15;
	v18 =	vshll.u32 v18, $0x6;
	v12 =	vsub.f32 v12, v41;
	[tilespmem:$0x4B50] =	vst v13  }
0x31e: {  	v14 =	vor.u32 v43, v19;
	v15 =	vshll.u32 v15, $0xC;
	v17 =	vor.u32 v17, v18;
	[tilespmem:$0x4B70] =	vst v13  }
0x31f: {  	v40 =	vmul.f32 v21, v21;
	v25 =	vmul.f32 v38, v38;
	v11 =	vsub.f32 v11, v46;
	[tilespmem:$0x4AA0] =	vst v12  }
0x320: {  	v16 =	vor.u32 v16, v15;
	v15 =	vor.u32 v15, v18;
	v44 =	vmul.f32 v12, v12;
	[tilespmem:$0x4AB0] =	vst v12  }
0x321: {  	v27 =	vmul.f32 v23, v23;
	v30 =	vmul.f32 v13, v13;
	v28 =	vadd.f32 v25, v40;
	[tilespmem:$0x4A40] =	vst v11  }
0x322: {  	v48 =	vor.u32 v37, v17;
	v17 =	vor.u32 v19, v17;
	[tilespmem:$0x4A50] =	vst v11;
	v24 =	vadd.f32 v44, v40  }
0x323: {  	v53 =	vor.u32 v37, v16;
	v49 =	vmul.f32 v11, v11;
	[tilespmem:$0x4A60] =	vst v11;
	v45 =	vadd.f32 v30, v28  }
0x324: {  	v16 =	vor.u32 v19, v16;
	[tilespmem:$0x4AE0] =	vst v12;
	v42 =	vadd.f32 v27, v28;
	v47 =	vadd.f32 v24, v27  }
0x325: {  	[tilespmem:$0x4A70] =	vst v11;
	v51 =	vadd.f32 v49, v25;
	v54 =	vadd.f32 v44, v49;
	vm4 =	vlt.f32 v45, $7.569000120e-01  }
0x326: {  	[tilespmem:$0x4AF0] =	vst v12;
	v50 =	vadd.f32 v30, v24;
	v14 =	vsel vm4, v14, v1;
	vm5 =	vlt.f32 v47, $7.569000120e-01  }
0x327: {  	vm14 =	vlt.f32 v42, $7.569000120e-01;
	v52 =	vadd.f32 v51, v27;
	[tilespmem:$0x4990] =	vst v14;
	v14 =	vsel vm5, v48, v2  }
0x328: {  	v26 =	vsel vm14, v31, v0;
	vm6 =	vlt.f32 v50, $7.569000120e-01;
	[tilespmem:$0x49A0] =	vst v14;
	v14 =	vadd.f32 v30, v51  }
0x329: {  	v55 =	vadd.f32 v54, v27;
	[tilespmem:$0x4980] =	vst v26;
	vm7 =	vlt.f32 v52, $7.569000120e-01;
	v17 =	vsel vm6, v17, v3  }
0x32a: {  	[tilespmem:$0x49B0] =	vst v17;
	v17 =	vsel vm7, v53, v4;
	vm8 =	vlt.f32 v14, $7.569000120e-01;
	v14 =	vadd.f32 v30, v54  }
0x32b: {  	v56 =	vor.u32 v37, v15;
	vm9 =	vlt.f32 v55, $7.569000120e-01;
	[tilespmem:$0x49C0] =	vst v17;
	v16 =	vsel vm8, v16, v5  }
0x32c: {  	v15 =	vor.u32 v19, v15;
	[tilespmem:$0x49D0] =	vst v16;
	v16 =	vsel vm9, v56, v6;
	vm10 =	vlt.f32 v14, $7.569000120e-01  }
0x32d: {  	[tilespmem:$0x49E0] =	vst v16;
	v14 =	vsel vm10, v15, v7  }
0x32e: {  	s3 =	simm.s32 $0x4A00;
	s0 =	simm.s32 $0x4980;
	[tilespmem:$0x49F0] =	vst v14  }
0x32f: {  	[spmem:s18] =	stream.indirect.scatter.add.f32 [tilespmem:s3], [sflag:$0x1], $0x1, s0, s23, $0xb8;
	[tilespmem:$0x1C800] =	vst v63  }
0x330: {  	s9 =	simm.s32 $0x4A80  }
0x331: {  	[spmem:s19] =	stream.indirect.scatter.add.f32 [tilespmem:s9], [sflag:$0x1], $0x1, s0, s23, $0xb8;
	[tilespmem:$0x1C800] =	vst v63  }
0x332: {  	s10 =	simm.s32 $0x4B00  }
0x333: {  	[spmem:s4] =	stream.indirect.scatter.add.f32 [tilespmem:s10], [sflag:$0x1], $0x1, s0, s23, $0xb8;
	[tilespmem:$0x1C800] =	vst v63  }
0x334: {  	s11 =	simm.s32 $0x4D80  }
0x335: {  	[spmem:s5] =	stream.indirect.scatter.add.f32 [tilespmem:s11], [sflag:$0x1], $0x1, s0, s23, $0xb8;
	[tilespmem:$0x1C800] =	vst v63  }
0x336: {  	v11 =	vld [tilespmem:$0x10]  }
0x337: {  	v57 =	vld [tilespmem:$0x1890]  }
0x338: {  	v58 =	vld [tilespmem:$0x3110];
	_ =	sdelay $0x2  }
0x339: {  	v11 =	vadd.f32 $5.000000000e-01, v11  }
0x33a: {  	v12 =	vadd.f32 $5.000000000e-01, v57  }
0x33b: {  	v13 =	vadd.f32 $5.000000000e-01, v58;
	v11 =	vmul.f32 $6.400000000e+01, v11  }
0x33c: {  	v12 =	vmul.f32 $6.400000000e+01, v12  }
0x33d: {  	v13 =	vmul.f32 $6.400000000e+01, v13;
	v11 =	vadd.f32 $-5.000000000e-01, v11  }
0x33e: {  	v12 =	vadd.f32 $-5.000000000e-01, v12  }
0x33f: {  	v13 =	vadd.f32 $-5.000000000e-01, v13;
	v59 =	vtrunc.f32 v11  }
0x340: {  	v61 =	vtrunc.f32 v12;
	v60 =	vcvt.f32.s32 v59  }
0x341: {  	v27 =	vtrunc.f32 v13;
	v63 =	vcvt.f32.s32 v61  }
0x342: {  	v29 =	vcvt.f32.s32 v27;
	vm11 =	vgt.s32 v60, $0x0  }
0x343: {  	vm13 =	vgt.s32 v63, $0x0;
	v62 =	vnsel vm11, $0x0, v60  }
0x344: {  	vm15 =	vgt.s32 v29, $0x0;
	v31 =	vnsel vm13, $0x0, v63;
	v17 =	vmin.u32 v62, $0x3F  }
0x345: {  	v35 =	vnsel vm15, $0x0, v29;
	v32 =	vmin.u32 v31, $0x3F;
	v30 =	vcvt.s32.f32 v17  }
0x346: {  	v37 =	vmin.u32 v35, $0x3F;
	v34 =	vcvt.s32.f32 v32  }
0x347: {  	v39 =	vcvt.s32.f32 v37;
	v21 =	vsub.f32 v11, v30  }
0x348: {  	v38 =	vsub.f32 v12, v34  }
0x349: {  	v23 =	vsub.f32 v13, v39;
	[tilespmem:$0x4C00] =	vst v21  }
0x34a: {  	[tilespmem:$0x4C80] =	vst v38  }
0x34b: {  	vm14 =	vgt.f32 v13, v27;
	[tilespmem:$0x4D00] =	vst v23  }
0x34c: {  	vm12 =	vgt.f32 v12, v61;
	v33 =	vsel vm14, $0x1, v10;
	[tilespmem:$0x4C10] =	vst v21  }
0x34d: {  	v28 =	vsel vm12, $0x1, v10;
	v36 =	vadd.s32 v29, v33;
	[tilespmem:$0x4C90] =	vst v38  }
0x34e: {  	v18 =	vadd.s32 v63, v28;
	vm4 =	vgt.s32 v36, $0x0;
	[tilespmem:$0x4C20] =	vst v21  }
0x34f: {  	vm6 =	vgt.f32 v11, v59;
	vm5 =	vgt.s32 v18, $0x0;
	v19 =	vnsel vm4, $0x0, v36;
	[tilespmem:$0x4D20] =	vst v23  }
0x350: {  	v47 =	vsel vm6, $0x1, v10;
	v18 =	vnsel vm5, $0x0, v18;
	v19 =	vmin.u32 v19, $0x3F;
	[tilespmem:$0x4C30] =	vst v21  }
0x351: {  	v15 =	vadd.s32 v60, v47;
	v18 =	vmin.u32 v18, $0x3F;
	v42 =	vcvt.s32.f32 v19;
	[tilespmem:$0x4CC0] =	vst v38  }
0x352: {  	vm8 =	vgt.s32 v15, $0x0;
	v45 =	vcvt.s32.f32 v18;
	[tilespmem:$0x4D40] =	vst v23  }
0x353: {  	v15 =	vnsel vm8, $0x0, v15;
	v13 =	vsub.f32 v13, v42;
	[tilespmem:$0x4CD0] =	vst v38  }
0x354: {  	v15 =	vmin.u32 v15, $0x3F;
	v12 =	vsub.f32 v12, v45;
	[tilespmem:$0x4D60] =	vst v23  }
0x355: {  	v53 =	vcvt.s32.f32 v15;
	[tilespmem:$0x4D10] =	vst v13  }
0x356: {  	v17 =	vshll.u32 v17, $0xC;
	v16 =	vshll.u32 v32, $0x6;
	[tilespmem:$0x4CA0] =	vst v12  }
0x357: {  	v48 =	vor.u32 v17, v16;
	v18 =	vshll.u32 v18, $0x6;
	v11 =	vsub.f32 v11, v53;
	[tilespmem:$0x4CB0] =	vst v12  }
0x358: {  	v15 =	vshll.u32 v15, $0xC;
	v50 =	vor.u32 v37, v48;
	v14 =	vor.u32 v48, v19;
	[tilespmem:$0x4D30] =	vst v13  }
0x359: {  	v17 =	vor.u32 v17, v18;
	v40 =	vmul.f32 v21, v21;
	v41 =	vmul.f32 v38, v38;
	[tilespmem:$0x4C40] =	vst v11  }
0x35a: {  	v16 =	vor.u32 v16, v15;
	v15 =	vor.u32 v15, v18;
	v51 =	vmul.f32 v12, v12;
	[tilespmem:$0x4C50] =	vst v11  }
0x35b: {  	v55 =	vor.u32 v37, v17;
	v49 =	vmul.f32 v13, v13;
	[tilespmem:$0x4D50] =	vst v13;
	v44 =	vadd.f32 v41, v40  }
0x35c: {  	v43 =	vmul.f32 v23, v23;
	v56 =	vmul.f32 v11, v11;
	[tilespmem:$0x4C60] =	vst v11;
	v24 =	vadd.f32 v51, v40  }
0x35d: {  	v17 =	vor.u32 v19, v17;
	v60 =	vor.u32 v37, v16;
	[tilespmem:$0x4CE0] =	vst v12;
	v52 =	vadd.f32 v49, v44  }
0x35e: {  	v16 =	vor.u32 v19, v16;
	[tilespmem:$0x4C70] =	vst v11;
	v58 =	vadd.f32 v56, v41;
	v54 =	vadd.f32 v24, v43  }
0x35f: {  	[tilespmem:$0x4CF0] =	vst v12;
	v61 =	vadd.f32 v51, v56;
	v46 =	vadd.f32 v43, v44;
	vm9 =	vlt.f32 v52, $7.569000120e-01  }
0x360: {  	[tilespmem:$0x4D70] =	vst v13;
	v57 =	vadd.f32 v49, v24;
	v14 =	vsel vm9, v14, v1;
	vm10 =	vlt.f32 v54, $7.569000120e-01  }
0x361: {  	v59 =	vadd.f32 v58, v43;
	vm7 =	vlt.f32 v46, $7.569000120e-01;
	[tilespmem:$0x4B90] =	vst v14;
	v14 =	vsel vm10, v55, v2  }
0x362: {  	v26 =	vsel vm7, v50, v0;
	vm11 =	vlt.f32 v57, $7.569000120e-01;
	[tilespmem:$0x4BA0] =	vst v14;
	v14 =	vadd.f32 v49, v58  }
0x363: {  	v62 =	vadd.f32 v61, v43;
	vm12 =	vlt.f32 v59, $7.569000120e-01;
	[tilespmem:$0x4B80] =	vst v26;
	v17 =	vsel vm11, v17, v3  }
0x364: {  	[tilespmem:$0x4BB0] =	vst v17;
	v17 =	vsel vm12, v60, v4;
	vm13 =	vlt.f32 v14, $7.569000120e-01;
	v14 =	vadd.f32 v49, v61  }
0x365: {  	v63 =	vor.u32 v37, v15;
	vm14 =	vlt.f32 v62, $7.569000120e-01;
	[tilespmem:$0x4BC0] =	vst v17;
	v16 =	vsel vm13, v16, v5  }
0x366: {  	v15 =	vor.u32 v19, v15;
	[tilespmem:$0x4BD0] =	vst v16;
	v16 =	vsel vm14, v63, v6;
	vm15 =	vlt.f32 v14, $7.569000120e-01  }
0x367: {  	[tilespmem:$0x4BE0] =	vst v16;
	v14 =	vsel vm15, v15, v7  }
0x368: {  	s12 =	simm.s32 $0x4B80;
	[tilespmem:$0x4BF0] =	vst v14  }
0x369: {  	[spmem:s18] =	stream.indirect.scatter.add.f32 [tilespmem:s14], [sflag:$0x2], $0x1, s12, s23, $0xb8;
	[tilespmem:$0x1C800] =	vst v63  }
0x36a: {  	s13 =	simm.s32 $0x4C80  }
0x36b: {  	[spmem:s19] =	stream.indirect.scatter.add.f32 [tilespmem:s13], [sflag:$0x2], $0x1, s12, s23, $0xb8;
	[tilespmem:$0x1C800] =	vst v63  }
0x36c: {  	s15 =	simm.s32 $0x4D00  }
0x36d: {  	[spmem:s4] =	stream.indirect.scatter.add.f32 [tilespmem:s15], [sflag:$0x2], $0x1, s12, s23, $0xb8;
	[tilespmem:$0x1C800] =	vst v63  }
0x36e: {  	s6 =	simm.s32 $0x0;
	s2 =	rddreg [dreg:$0xd]  }
0x36f: {  	[spmem:s5] =	stream.indirect.scatter.add.f32 [tilespmem:s11], [sflag:$0x2], $0x1, s12, s23, $0xb8;
	[tilespmem:$0x1C800] =	vst v63  }
.LBB2_12:
0x370: {  	_ =	swait.ge [sflag:s25], $0x80  }
0x371: {  	[sflag:s25] =	ssyncset.done $0x0  }
0x372: {  	[sflag:s25] =	ssyncadd.s32 $0xFFFFFF80  }
0x373: {  	_ =	swait.ge [sflag:s25], $0x80  }
0x374: {  	[sflag:s25] =	ssyncset.done $0x0  }
0x375: {  	[sflag:s25] =	ssyncadd.s32 $0xFFFFFF80  }
0x376: {  	_ =	swait.ge [sflag:s25], $0x80  }
0x377: {  	[sflag:s25] =	ssyncset.done $0x0  }
0x378: {  	[sflag:s25] =	ssyncadd.s32 $0xFFFFFF80  }
0x379: {  	_ =	swait.ge [sflag:s25], $0x80  }
0x37a: {  	[sflag:s25] =	ssyncset.done $0x0  }
0x37b: {  	s8 =	sshra.s32 s6, $0x2;
	[sflag:s25] =	ssyncadd.s32 $0xFFFFFF80  }
0x37c: {  	v11 =	vld [tilespmem:s8+$0x20]  }
0x37d: {  	v12 =	vld [tilespmem:s8+$0x18A0]  }
0x37e: {  	v13 =	vld [tilespmem:s8+$0x3120];
	_ =	sdelay $0x2  }
0x37f: {  	v11 =	vadd.f32 $5.000000000e-01, v11  }
0x380: {  	v12 =	vadd.f32 $5.000000000e-01, v12  }
0x381: {  	v13 =	vadd.f32 $5.000000000e-01, v13;
	v11 =	vmul.f32 $6.400000000e+01, v11  }
0x382: {  	v12 =	vmul.f32 $6.400000000e+01, v12  }
0x383: {  	v13 =	vmul.f32 $6.400000000e+01, v13;
	v11 =	vadd.f32 $-5.000000000e-01, v11  }
0x384: {  	v12 =	vadd.f32 $-5.000000000e-01, v12  }
0x385: {  	v13 =	vadd.f32 $-5.000000000e-01, v13;
	v14 =	vtrunc.f32 v11  }
0x386: {  	v16 =	vtrunc.f32 v12;
	v15 =	vcvt.f32.s32 v14  }
0x387: {  	v33 =	vtrunc.f32 v13;
	v18 =	vcvt.f32.s32 v16  }
0x388: {  	v20 =	vcvt.f32.s32 v33;
	vm0 =	vgt.s32 v15, $0x0  }
0x389: {  	vm8 =	vgt.s32 v18, $0x0;
	v17 =	vnsel vm0, $0x0, v15  }
0x38a: {  	vm10 =	vgt.s32 v20, $0x0;
	v22 =	vnsel vm8, $0x0, v18;
	v17 =	vmin.u32 v17, $0x3F  }
0x38b: {  	v24 =	vnsel vm10, $0x0, v20;
	v34 =	vmin.u32 v22, $0x3F;
	v21 =	vcvt.s32.f32 v17  }
0x38c: {  	v37 =	vmin.u32 v24, $0x3F;
	v23 =	vcvt.s32.f32 v34  }
0x38d: {  	v39 =	vcvt.s32.f32 v37;
	v21 =	vsub.f32 v11, v21  }
0x38e: {  	v38 =	vsub.f32 v12, v23  }
0x38f: {  	v23 =	vsub.f32 v13, v39;
	[tilespmem:$0x4A00] =	vst v21  }
0x390: {  	[tilespmem:$0x4A80] =	vst v38  }
0x391: {  	vm9 =	vgt.f32 v13, v33;
	[tilespmem:$0x4B00] =	vst v23  }
0x392: {  	v35 =	vsel vm9, $0x1, v10;
	[tilespmem:$0x4A10] =	vst v21  }
0x393: {  	vm7 =	vgt.f32 v12, v16;
	v36 =	vadd.s32 v20, v35;
	[tilespmem:$0x4A90] =	vst v38  }
0x394: {  	v19 =	vsel vm7, $0x1, v10;
	vm11 =	vgt.s32 v36, $0x0;
	[tilespmem:$0x4A20] =	vst v21  }
0x395: {  	v18 =	vadd.s32 v18, v19;
	v19 =	vnsel vm11, $0x0, v36;
	[tilespmem:$0x4B20] =	vst v23  }
0x396: {  	vm13 =	vgt.f32 v11, v14;
	v19 =	vmin.u32 v19, $0x3F;
	[tilespmem:$0x4A30] =	vst v21  }
0x397: {  	v29 =	vsel vm13, $0x1, v10;
	v26 =	vcvt.s32.f32 v19;
	[tilespmem:$0x4AC0] =	vst v38  }
0x398: {  	v15 =	vadd.s32 v15, v29;
	vm12 =	vgt.s32 v18, $0x0;
	[tilespmem:$0x4B40] =	vst v23  }
0x399: {  	vm15 =	vgt.s32 v15, $0x0;
	v18 =	vnsel vm12, $0x0, v18;
	v13 =	vsub.f32 v13, v26;
	[tilespmem:$0x4AD0] =	vst v38  }
0x39a: {  	v17 =	vshll.u32 v17, $0xC;
	v16 =	vshll.u32 v34, $0x6;
	v18 =	vmin.u32 v18, $0x3F;
	[tilespmem:$0x4B60] =	vst v23  }
0x39b: {  	v15 =	vnsel vm15, $0x0, v15;
	v43 =	vor.u32 v17, v16;
	v41 =	vcvt.s32.f32 v18;
	[tilespmem:$0x4B10] =	vst v13  }
0x39c: {  	v15 =	vmin.u32 v15, $0x3F;
	v31 =	vor.u32 v37, v43;
	[tilespmem:$0x4B30] =	vst v13  }
0x39d: {  	v46 =	vcvt.s32.f32 v15;
	v18 =	vshll.u32 v18, $0x6;
	v12 =	vsub.f32 v12, v41;
	[tilespmem:$0x4B50] =	vst v13  }
0x39e: {  	v14 =	vor.u32 v43, v19;
	v15 =	vshll.u32 v15, $0xC;
	v17 =	vor.u32 v17, v18;
	[tilespmem:$0x4B70] =	vst v13  }
0x39f: {  	v40 =	vmul.f32 v21, v21;
	v25 =	vmul.f32 v38, v38;
	v11 =	vsub.f32 v11, v46;
	[tilespmem:$0x4AA0] =	vst v12  }
0x3a0: {  	v16 =	vor.u32 v16, v15;
	v15 =	vor.u32 v15, v18;
	v44 =	vmul.f32 v12, v12;
	[tilespmem:$0x4AB0] =	vst v12  }
0x3a1: {  	v27 =	vmul.f32 v23, v23;
	v30 =	vmul.f32 v13, v13;
	v28 =	vadd.f32 v25, v40;
	[tilespmem:$0x4A40] =	vst v11  }
0x3a2: {  	v48 =	vor.u32 v37, v17;
	v17 =	vor.u32 v19, v17;
	[tilespmem:$0x4A50] =	vst v11;
	v24 =	vadd.f32 v44, v40  }
0x3a3: {  	v53 =	vor.u32 v37, v16;
	v49 =	vmul.f32 v11, v11;
	[tilespmem:$0x4A60] =	vst v11;
	v45 =	vadd.f32 v30, v28  }
0x3a4: {  	v16 =	vor.u32 v19, v16;
	[tilespmem:$0x4AE0] =	vst v12;
	v42 =	vadd.f32 v27, v28;
	v47 =	vadd.f32 v24, v27  }
0x3a5: {  	[tilespmem:$0x4A70] =	vst v11;
	v51 =	vadd.f32 v49, v25;
	v54 =	vadd.f32 v44, v49;
	vm4 =	vlt.f32 v45, $7.569000120e-01  }
0x3a6: {  	[tilespmem:$0x4AF0] =	vst v12;
	v50 =	vadd.f32 v30, v24;
	v14 =	vsel vm4, v14, v1;
	vm5 =	vlt.f32 v47, $7.569000120e-01  }
0x3a7: {  	vm14 =	vlt.f32 v42, $7.569000120e-01;
	v52 =	vadd.f32 v51, v27;
	[tilespmem:$0x4990] =	vst v14;
	v14 =	vsel vm5, v48, v2  }
0x3a8: {  	v26 =	vsel vm14, v31, v0;
	vm6 =	vlt.f32 v50, $7.569000120e-01;
	[tilespmem:$0x49A0] =	vst v14;
	v14 =	vadd.f32 v30, v51  }
0x3a9: {  	v55 =	vadd.f32 v54, v27;
	[tilespmem:$0x4980] =	vst v26;
	vm7 =	vlt.f32 v52, $7.569000120e-01;
	v17 =	vsel vm6, v17, v3  }
0x3aa: {  	[tilespmem:$0x49B0] =	vst v17;
	v17 =	vsel vm7, v53, v4;
	vm8 =	vlt.f32 v14, $7.569000120e-01;
	v14 =	vadd.f32 v30, v54  }
0x3ab: {  	v56 =	vor.u32 v37, v15;
	vm9 =	vlt.f32 v55, $7.569000120e-01;
	[tilespmem:$0x49C0] =	vst v17;
	v16 =	vsel vm8, v16, v5  }
0x3ac: {  	v15 =	vor.u32 v19, v15;
	[tilespmem:$0x49D0] =	vst v16;
	v16 =	vsel vm9, v56, v6;
	vm10 =	vlt.f32 v14, $7.569000120e-01  }
0x3ad: {  	[tilespmem:$0x49E0] =	vst v16;
	v14 =	vsel vm10, v15, v7  }
0x3ae: {  	[tilespmem:$0x49F0] =	vst v14  }
0x3af: {  	[spmem:s18] =	stream.indirect.scatter.add.f32 [tilespmem:s3], [sflag:$0x1], $0x1, s0, s23, $0xb8;
	[tilespmem:$0x1C800] =	vst v63  }
0x3b0: {  	_ = 	snop  }
0x3b1: {  	[spmem:s19] =	stream.indirect.scatter.add.f32 [tilespmem:s9], [sflag:$0x1], $0x1, s0, s23, $0xb8;
	[tilespmem:$0x1C800] =	vst v63  }
0x3b2: {  	_ = 	snop  }
0x3b3: {  	[spmem:s4] =	stream.indirect.scatter.add.f32 [tilespmem:s10], [sflag:$0x1], $0x1, s0, s23, $0xb8;
	[tilespmem:$0x1C800] =	vst v63  }
0x3b4: {  	_ = 	snop  }
0x3b5: {  	[spmem:s5] =	stream.indirect.scatter.add.f32 [tilespmem:s11], [sflag:$0x1], $0x1, s0, s23, $0xb8;
	[tilespmem:$0x1C800] =	vst v63  }
0x3b6: {  	_ =	swait.ge [sflag:s26], $0x80  }
0x3b7: {  	[sflag:s26] =	ssyncset.done $0x0  }
0x3b8: {  	[sflag:s26] =	ssyncadd.s32 $0xFFFFFF80  }
0x3b9: {  	_ =	swait.ge [sflag:s26], $0x80  }
0x3ba: {  	[sflag:s26] =	ssyncset.done $0x0  }
0x3bb: {  	[sflag:s26] =	ssyncadd.s32 $0xFFFFFF80  }
0x3bc: {  	_ =	swait.ge [sflag:s26], $0x80  }
0x3bd: {  	[sflag:s26] =	ssyncset.done $0x0  }
0x3be: {  	[sflag:s26] =	ssyncadd.s32 $0xFFFFFF80  }
0x3bf: {  	_ =	swait.ge [sflag:s26], $0x80  }
0x3c0: {  	[sflag:s26] =	ssyncset.done $0x0  }
0x3c1: {  	[sflag:s26] =	ssyncadd.s32 $0xFFFFFF80  }
0x3c2: {  	v11 =	vld [tilespmem:s8+$0x30]  }
0x3c3: {  	v57 =	vld [tilespmem:s8+$0x18B0]  }
0x3c4: {  	v58 =	vld [tilespmem:s8+$0x3130];
	_ =	sdelay $0x2  }
0x3c5: {  	v11 =	vadd.f32 $5.000000000e-01, v11  }
0x3c6: {  	v12 =	vadd.f32 $5.000000000e-01, v57  }
0x3c7: {  	v13 =	vadd.f32 $5.000000000e-01, v58;
	v11 =	vmul.f32 $6.400000000e+01, v11  }
0x3c8: {  	v12 =	vmul.f32 $6.400000000e+01, v12  }
0x3c9: {  	v13 =	vmul.f32 $6.400000000e+01, v13;
	v11 =	vadd.f32 $-5.000000000e-01, v11  }
0x3ca: {  	v12 =	vadd.f32 $-5.000000000e-01, v12  }
0x3cb: {  	v13 =	vadd.f32 $-5.000000000e-01, v13;
	v59 =	vtrunc.f32 v11  }
0x3cc: {  	v61 =	vtrunc.f32 v12;
	v60 =	vcvt.f32.s32 v59  }
0x3cd: {  	v27 =	vtrunc.f32 v13;
	v63 =	vcvt.f32.s32 v61  }
0x3ce: {  	v29 =	vcvt.f32.s32 v27;
	vm11 =	vgt.s32 v60, $0x0  }
0x3cf: {  	vm13 =	vgt.s32 v63, $0x0;
	v62 =	vnsel vm11, $0x0, v60  }
0x3d0: {  	vm15 =	vgt.s32 v29, $0x0;
	v31 =	vnsel vm13, $0x0, v63;
	v17 =	vmin.u32 v62, $0x3F  }
0x3d1: {  	v35 =	vnsel vm15, $0x0, v29;
	v32 =	vmin.u32 v31, $0x3F;
	v30 =	vcvt.s32.f32 v17  }
0x3d2: {  	v37 =	vmin.u32 v35, $0x3F;
	v34 =	vcvt.s32.f32 v32  }
0x3d3: {  	v39 =	vcvt.s32.f32 v37;
	v21 =	vsub.f32 v11, v30  }
0x3d4: {  	v38 =	vsub.f32 v12, v34  }
0x3d5: {  	v23 =	vsub.f32 v13, v39;
	[tilespmem:$0x4C00] =	vst v21  }
0x3d6: {  	[tilespmem:$0x4C80] =	vst v38  }
0x3d7: {  	vm14 =	vgt.f32 v13, v27;
	[tilespmem:$0x4D00] =	vst v23  }
0x3d8: {  	vm12 =	vgt.f32 v12, v61;
	v33 =	vsel vm14, $0x1, v10;
	[tilespmem:$0x4C10] =	vst v21  }
0x3d9: {  	v28 =	vsel vm12, $0x1, v10;
	v36 =	vadd.s32 v29, v33;
	[tilespmem:$0x4C90] =	vst v38  }
0x3da: {  	v18 =	vadd.s32 v63, v28;
	vm4 =	vgt.s32 v36, $0x0;
	[tilespmem:$0x4C20] =	vst v21  }
0x3db: {  	vm6 =	vgt.f32 v11, v59;
	vm5 =	vgt.s32 v18, $0x0;
	v19 =	vnsel vm4, $0x0, v36;
	[tilespmem:$0x4D20] =	vst v23  }
0x3dc: {  	v47 =	vsel vm6, $0x1, v10;
	v18 =	vnsel vm5, $0x0, v18;
	v19 =	vmin.u32 v19, $0x3F;
	[tilespmem:$0x4C30] =	vst v21  }
0x3dd: {  	v15 =	vadd.s32 v60, v47;
	v18 =	vmin.u32 v18, $0x3F;
	v42 =	vcvt.s32.f32 v19;
	[tilespmem:$0x4CC0] =	vst v38  }
0x3de: {  	vm8 =	vgt.s32 v15, $0x0;
	v45 =	vcvt.s32.f32 v18;
	[tilespmem:$0x4D40] =	vst v23  }
0x3df: {  	v15 =	vnsel vm8, $0x0, v15;
	v13 =	vsub.f32 v13, v42;
	[tilespmem:$0x4CD0] =	vst v38  }
0x3e0: {  	v15 =	vmin.u32 v15, $0x3F;
	v12 =	vsub.f32 v12, v45;
	[tilespmem:$0x4D60] =	vst v23  }
0x3e1: {  	v53 =	vcvt.s32.f32 v15;
	[tilespmem:$0x4D10] =	vst v13  }
0x3e2: {  	v17 =	vshll.u32 v17, $0xC;
	v16 =	vshll.u32 v32, $0x6;
	[tilespmem:$0x4CA0] =	vst v12  }
0x3e3: {  	v48 =	vor.u32 v17, v16;
	v18 =	vshll.u32 v18, $0x6;
	v11 =	vsub.f32 v11, v53;
	[tilespmem:$0x4CB0] =	vst v12  }
0x3e4: {  	v15 =	vshll.u32 v15, $0xC;
	v50 =	vor.u32 v37, v48;
	v14 =	vor.u32 v48, v19;
	[tilespmem:$0x4D30] =	vst v13  }
0x3e5: {  	v17 =	vor.u32 v17, v18;
	v40 =	vmul.f32 v21, v21;
	v41 =	vmul.f32 v38, v38;
	[tilespmem:$0x4C40] =	vst v11  }
0x3e6: {  	v16 =	vor.u32 v16, v15;
	v15 =	vor.u32 v15, v18;
	v51 =	vmul.f32 v12, v12;
	[tilespmem:$0x4C50] =	vst v11  }
0x3e7: {  	v55 =	vor.u32 v37, v17;
	v49 =	vmul.f32 v13, v13;
	[tilespmem:$0x4D50] =	vst v13;
	v44 =	vadd.f32 v41, v40  }
0x3e8: {  	v43 =	vmul.f32 v23, v23;
	v56 =	vmul.f32 v11, v11;
	[tilespmem:$0x4C60] =	vst v11;
	v24 =	vadd.f32 v51, v40  }
0x3e9: {  	v17 =	vor.u32 v19, v17;
	v60 =	vor.u32 v37, v16;
	[tilespmem:$0x4CE0] =	vst v12;
	v52 =	vadd.f32 v49, v44  }
0x3ea: {  	v16 =	vor.u32 v19, v16;
	[tilespmem:$0x4C70] =	vst v11;
	v58 =	vadd.f32 v56, v41;
	v54 =	vadd.f32 v24, v43  }
0x3eb: {  	[tilespmem:$0x4CF0] =	vst v12;
	v61 =	vadd.f32 v51, v56;
	v46 =	vadd.f32 v43, v44;
	vm9 =	vlt.f32 v52, $7.569000120e-01  }
0x3ec: {  	[tilespmem:$0x4D70] =	vst v13;
	v57 =	vadd.f32 v49, v24;
	v14 =	vsel vm9, v14, v1;
	vm10 =	vlt.f32 v54, $7.569000120e-01  }
0x3ed: {  	v59 =	vadd.f32 v58, v43;
	vm7 =	vlt.f32 v46, $7.569000120e-01;
	[tilespmem:$0x4B90] =	vst v14;
	v14 =	vsel vm10, v55, v2  }
0x3ee: {  	v26 =	vsel vm7, v50, v0;
	vm11 =	vlt.f32 v57, $7.569000120e-01;
	[tilespmem:$0x4BA0] =	vst v14;
	v14 =	vadd.f32 v49, v58  }
0x3ef: {  	v62 =	vadd.f32 v61, v43;
	vm12 =	vlt.f32 v59, $7.569000120e-01;
	[tilespmem:$0x4B80] =	vst v26;
	v17 =	vsel vm11, v17, v3  }
0x3f0: {  	[tilespmem:$0x4BB0] =	vst v17;
	v17 =	vsel vm12, v60, v4;
	vm13 =	vlt.f32 v14, $7.569000120e-01;
	v14 =	vadd.f32 v49, v61  }
0x3f1: {  	v63 =	vor.u32 v37, v15;
	vm14 =	vlt.f32 v62, $7.569000120e-01;
	[tilespmem:$0x4BC0] =	vst v17;
	v16 =	vsel vm13, v16, v5  }
0x3f2: {  	v15 =	vor.u32 v19, v15;
	[tilespmem:$0x4BD0] =	vst v16;
	v16 =	vsel vm14, v63, v6;
	vm15 =	vlt.f32 v14, $7.569000120e-01  }
0x3f3: {  	[tilespmem:$0x4BE0] =	vst v16;
	v14 =	vsel vm15, v15, v7  }
0x3f4: {  	[tilespmem:$0x4BF0] =	vst v14  }
0x3f5: {  	[spmem:s18] =	stream.indirect.scatter.add.f32 [tilespmem:s14], [sflag:$0x2], $0x1, s12, s23, $0xb8;
	[tilespmem:$0x1C800] =	vst v63  }
0x3f6: {  	p0 =	sne.s32 s6, $0x6100  }
0x3f7: {  	[spmem:s19] =	stream.indirect.scatter.add.f32 [tilespmem:s13], [sflag:$0x2], $0x1, s12, s23, $0xb8;
	[tilespmem:$0x1C800] =	vst v63  }
.Ltmp5:
0x3f8: {  	_ = 	snop;
	(pc) =	sbr.rel @p0 .LBB2_12-.Ltmp5, $4  }
0x3f9: {  	_ = 	snop  }
0x3fa: {  	[spmem:s4] =	stream.indirect.scatter.add.f32 [tilespmem:s15], [sflag:$0x2], $0x1, s12, s23, $0xb8;
	[tilespmem:$0x1C800] =	vst v63  }
0x3fb: {  	s6 =	sadd.s32 $0x80, s6  }
0x3fc: {  	[spmem:s5] =	stream.indirect.scatter.add.f32 [tilespmem:s11], [sflag:$0x2], $0x1, s12, s23, $0xb8;
	[tilespmem:$0x1C800] =	vst v63  }
0x3fd: {  	_ =	swait.ge [sflag:s25], $0x80  }
0x3fe: {  	[sflag:s25] =	ssyncset.done $0x0  }
0x3ff: {  	[sflag:s25] =	ssyncadd.s32 $0xFFFFFF80  }
0x400: {  	_ =	swait.ge [sflag:s25], $0x80  }
0x401: {  	[sflag:s25] =	ssyncset.done $0x0  }
0x402: {  	[sflag:s25] =	ssyncadd.s32 $0xFFFFFF80  }
0x403: {  	_ =	swait.ge [sflag:s25], $0x80  }
0x404: {  	[sflag:s25] =	ssyncset.done $0x0  }
0x405: {  	[sflag:s25] =	ssyncadd.s32 $0xFFFFFF80  }
0x406: {  	_ =	swait.ge [sflag:s25], $0x80  }
0x407: {  	[sflag:s25] =	ssyncset.done $0x0  }
0x408: {  	[sflag:s25] =	ssyncadd.s32 $0xFFFFFF80  }
0x409: {  	_ =	swait.ge [sflag:s26], $0x80  }
0x40a: {  	[sflag:s26] =	ssyncset.done $0x0  }
0x40b: {  	[sflag:s26] =	ssyncadd.s32 $0xFFFFFF80  }
0x40c: {  	_ =	swait.ge [sflag:s26], $0x80  }
0x40d: {  	[sflag:s26] =	ssyncset.done $0x0  }
0x40e: {  	[sflag:s26] =	ssyncadd.s32 $0xFFFFFF80  }
0x40f: {  	_ =	swait.ge [sflag:s26], $0x80  }
0x410: {  	[sflag:s26] =	ssyncset.done $0x0  }
0x411: {  	[sflag:s26] =	ssyncadd.s32 $0xFFFFFF80  }
0x412: {  	_ =	swait.ge [sflag:s26], $0x80  }
0x413: {  	[sflag:s26] =	ssyncset.done $0x0  }
0x414: {  	[sflag:s26] =	ssyncadd.s32 $0xFFFFFF80  }
0x415: {  	[bflag:$0x0] =	sbarrier.arrive $0xFFFF  }
0x416: {  	s17 =	sld [smem:$0x7FB];
	_ =	sdelay $0x1  }
0x417: {  	s0 =	simm.s32 $0x5600;
	s21 =	sld [smem:$0x7FC]  }
0x418: {  	[tilespmem:s0], [sflag:$0x5] =	stream.linear.gather [spmem:s17], $0x800, $0x38;
	[tilespmem:$0x1C800] =	vst v63  }
0x419: {  	s14 =	simm.s32 $0x5E00;
	s24 =	sld [smem:$0x7FD]  }
0x41a: {  	[tilespmem:s14], [sflag:$0x5] =	stream.linear.gather [spmem:s21], $0x800, $0x38;
	[tilespmem:$0x1C800] =	vst v63  }
0x41b: {  	s15 =	simm.s32 $0x6600;
	s16 =	sld [smem:$0x7F0]  }
0x41c: {  	[tilespmem:s15], [sflag:$0x5] =	stream.linear.gather [spmem:s24], $0x800, $0x38;
	[tilespmem:$0x1C800] =	vst v63  }
0x41d: {  	s3 =	simm.s32 $0x6E00;
	s14 =	rddreg [dreg:$0xe]  }
0x41e: {  	[tilespmem:s3], [sflag:$0x5] =	stream.linear.gather [spmem:s16], $0x800, $0x38;
	[tilespmem:$0x1C800] =	vst v63  }
0x41f: {  	s6 =	simm.s32 $0x0;
	s3 =	rddreg [dreg:$0xf]  }
.LBB2_14:
0x420: {  	_ =	swait.ge [sflag:s28], $0x800  }
0x421: {  	[sflag:s28] =	ssyncset.done $0x0  }
0x422: {  	[sflag:s28] =	ssyncadd.s32 $0xFFFFF800  }
0x423: {  	_ =	swait.ge [sflag:s28], $0x800  }
0x424: {  	[sflag:s28] =	ssyncset.done $0x0  }
0x425: {  	[sflag:s28] =	ssyncadd.s32 $0xFFFFF800  }
0x426: {  	_ =	swait.ge [sflag:s28], $0x800  }
0x427: {  	[sflag:s28] =	ssyncset.done $0x0  }
0x428: {  	[sflag:s28] =	ssyncadd.s32 $0xFFFFF800  }
0x429: {  	_ =	swait.ge [sflag:s28], $0x800  }
0x42a: {  	s0 =	sld [smem:$0x7F4];
	_ =	sdelay $0x1  }
0x42b: {  	s11 =	sshll.u32 s6, $0xC  }
0x42c: {  	[sflag:s28] =	ssyncset.done $0x0;
	s8 =	sadd.s32 s0, s11  }
0x42d: {  	s16 =	simm.s32 $0x8E00;
	[sflag:s28] =	ssyncadd.s32 $0xFFFFF800;
	s9 =	sadd.s32 s8, s18  }
0x42e: {  	[tilespmem:s16], [sflag:$0x6] =	stream.linear.gather [spmem:s9], $0x800, $0x38;
	[tilespmem:$0x1C800] =	vst v63  }
0x42f: {  	s10 =	simm.s32 $0x9600;
	s0 =	sadd.s32 s8, s19  }
0x430: {  	[tilespmem:s10], [sflag:$0x6] =	stream.linear.gather [spmem:s0], $0x800, $0x38;
	[tilespmem:$0x1C800] =	vst v63  }
0x431: {  	s13 =	simm.s32 $0x9E00;
	p0 =	seq.s32 s6, $0x0;
	s12 =	sadd.s32 s8, s4  }
0x432: {  	[tilespmem:s13], [sflag:$0x6] =	stream.linear.gather [spmem:s12], $0x800, $0x38;
	[tilespmem:$0x1C800] =	vst v63  }
0x433: {  	s15 =	sadd.s32 s8, s5;
	s16 =	simm.s32 $0xA600;
	s9 =	simm.s32 @!p0 $0x7  }
0x434: {  	[tilespmem:s16], [sflag:$0x6] =	stream.linear.gather [spmem:s15], $0x800, $0x38;
	[tilespmem:$0x1C800] =	vst v63  }
0x435: {  	_ =	swait.ge @!p0 [sflag:s9], $0x800  }
0x436: {  	[sflag:s9] =	ssyncset.done @!p0 $0x0  }
0x437: {  	[sflag:s9] =	ssyncadd.s32 @!p0 $0xFFFFF800  }
0x438: {  	_ =	swait.ge @!p0 [sflag:s9], $0x800  }
0x439: {  	[sflag:s9] =	ssyncset.done @!p0 $0x0  }
0x43a: {  	[sflag:s9] =	ssyncadd.s32 @!p0 $0xFFFFF800  }
0x43b: {  	_ =	swait.ge @!p0 [sflag:s9], $0x800  }
0x43c: {  	[sflag:s9] =	ssyncset.done @!p0 $0x0  }
0x43d: {  	[sflag:s9] =	ssyncadd.s32 @!p0 $0xFFFFF800;
	s9 =	simm.s32 $0x0  }
0x43e: {  	v11 =	vld [tilespmem:s9+$0x6E00];
	_ =	sdelay $0x4  }
0x43f: {  	s15 =	simm.s32 $0x10;
	v11 =	vmax.f32 v11, $1.000000000e+00  }
0x440: {  	(erf) = vrcp.f32 v11;
	v11 =	vld [tilespmem:s15+$0x6E00];
	_ =	sdelay $0x1  }
0x441: {  	v17 =	vld [tilespmem:s9+$0x5600]  }
0x442: {  	v14 =	vld [tilespmem:s9+$0x5E00]  }
0x443: {  	v19 =	vld [tilespmem:s9+$0x6600]  }
0x444: {  	s13 =	simm.s32 $0x20;
	v15 =	vld [tilespmem:s15+$0x5E00];
	v11 =	vmax.f32 v11, $1.000000000e+00  }
0x445: {  	v16 =	vld [tilespmem:s13+$0x6E00];
	(erf) = vrcp.f32 v11  }
0x446: {  	v11 =	vld [tilespmem:s13+$0x5600]  }
0x447: {  	v13 =	vld [tilespmem:s13+$0x5E00]  }
0x448: {  	v18 =	vpop (erf)  }
0x449: {  	s12 =	sor.u32 s31, s11;
	s16 =	simm.s32 $0xC0;
	v12 =	vld [tilespmem:s15+$0x5600];
	v17 =	vmul.f32 v18, v17;
	v19 =	vmul.f32 v19, v18  }
.LBB2_15:
0x44a: {  	s10 =	sshra.s32 s16, $0x2;
	p0 =	sne.s32 s16, $0x1FC0;
	s16 =	sadd.s32 $0x40, s16;
	v22 =	vmax.f32 v16, $1.000000000e+00;
	v21 =	vld [tilespmem:s15+$0x6600];
	v18 =	vmul.f32 v14, v18;
	v14 =	vmov v15  }
.Ltmp6:
0x44b: {  	v16 =	vld [tilespmem:s10+$0x6E00];
	(erf) = vrcp.f32 v22;
	[tilespmem:s9+$0x8600] =	vst v19;
	v20 =	vmov v11;
	(pc) =	sbr.rel @p0 .LBB2_15-.Ltmp6, $4  }
0x44c: {  	v11 =	vld [tilespmem:s10+$0x5600];
	[tilespmem:s9+$0x7600] =	vst v17;
	v15 =	vmov v13  }
0x44d: {  	v13 =	vld [tilespmem:s10+$0x5E00];
	[tilespmem:s9+$0x7E00] =	vst v18;
	s9 =	smov.u32 s15;
	s15 =	smov.u32 s13;
	s13 =	smov.u32 s10  }
0x44e: {  	v18 =	vpop (erf)  }
0x44f: {  	v17 =	vmul.f32 v18, v12;
	v19 =	vmul.f32 v21, v18;
	v12 =	vmov v20  }
0x450: {  	v16 =	vmax.f32 v16, $1.000000000e+00  }
0x451: {  	(erf) = vrcp.f32 v16;
	v16 =	vld [tilespmem:s15+$0x6600];
	_ =	sdelay $0x1  }
0x452: {  	v14 =	vmul.f32 v14, v18;
	[tilespmem:s9+$0x8600] =	vst v19  }
0x453: {  	[tilespmem:s9+$0x7600] =	vst v17  }
0x454: {  	[tilespmem:s9+$0x7E00] =	vst v14;
	v17 =	vpop (erf)  }
0x455: {  	v14 =	vld [tilespmem:s13+$0x6600];
	v16 =	vmul.f32 v16, v17;
	_ =	sdelay $0x2  }
0x456: {  	v12 =	vmul.f32 v17, v12  }
0x457: {  	v15 =	vmul.f32 v15, v17;
	[tilespmem:s15+$0x8600] =	vst v16;
	v16 =	vpop (erf)  }
0x458: {  	[tilespmem:s15+$0x7600] =	vst v12;
	v12 =	vmul.f32 v14, v16  }
0x459: {  	[tilespmem:s15+$0x7E00] =	vst v15;
	v11 =	vmul.f32 v16, v11  }
0x45a: {  	s0 =	sor.u32 s2, s12;
	v13 =	vmul.f32 v13, v16;
	[tilespmem:s13+$0x8600] =	vst v12  }
0x45b: {  	s9 =	sshrl.u32 s0, $0x3;
	[tilespmem:s13+$0x7600] =	vst v11  }
0x45c: {  	s10 =	sor.u32 s14, s12;
	s0 =	simm.s32 $0x7600;
	s9 =	sadd.s32 s1, s9;
	[tilespmem:s13+$0x7E00] =	vst v13  }
0x45d: {  	[hbm4b:s9+s7] =	stream.linear.scatter [tilespmem:s0], [sflag:$0x7], $0x800, $0x38;
	[tilespmem:$0x1C800] =	vst v63  }
0x45e: {  	s9 =	sshrl.u32 s10, $0x3  }
0x45f: {  	s15 =	sor.u32 s3, s12;
	s13 =	simm.s32 $0x7E00;
	s9 =	sadd.s32 s1, s9  }
0x460: {  	[hbm4b:s9+s7] =	stream.linear.scatter [tilespmem:s13], [sflag:$0x7], $0x800, $0x38;
	[tilespmem:$0x1C800] =	vst v63  }
0x461: {  	s9 =	sshrl.u32 s15, $0x3  }
0x462: {  	s16 =	simm.s32 $0x8600;
	s9 =	sadd.s32 s1, s9  }
0x463: {  	[hbm4b:s9+s7] =	stream.linear.scatter [tilespmem:s16], [sflag:$0x7], $0x800, $0x38;
	[tilespmem:$0x1C800] =	vst v63  }
0x464: {  	_ =	swait.ge [sflag:s22], $0x800  }
0x465: {  	[sflag:s22] =	ssyncset.done $0x0  }
0x466: {  	[sflag:s22] =	ssyncadd.s32 $0xFFFFF800  }
0x467: {  	_ =	swait.ge [sflag:s22], $0x800  }
0x468: {  	[sflag:s22] =	ssyncset.done $0x0  }
0x469: {  	[sflag:s22] =	ssyncadd.s32 $0xFFFFF800  }
0x46a: {  	_ =	swait.ge [sflag:s22], $0x800  }
0x46b: {  	[sflag:s22] =	ssyncset.done $0x0  }
0x46c: {  	[sflag:s22] =	ssyncadd.s32 $0xFFFFF800  }
0x46d: {  	_ =	swait.ge [sflag:s22], $0x800  }
0x46e: {  	s0 =	sld [smem:$0x7F9];
	_ =	sdelay $0x1  }
0x46f: {  	p0 =	seq.s32 s6, $0x3  }
0x470: {  	[sflag:s22] =	ssyncset.done $0x0;
	s9 =	sadd.s32 @!p0 s11, s0  }
0x471: {  	[sflag:s22] =	ssyncadd.s32 $0xFFFFF800;
	s11 =	simm.s32 @!p0 $0x5600;
	s10 =	sadd.s32 @!p0 s9, s18  }
0x472: {  	[tilespmem:s11], [sflag:$0x5] =	stream.linear.gather @!p0 [spmem:s10], $0x800, $0x38;
	[tilespmem:$0x1C800] =	vst v63  }
0x473: {  	s10 =	sadd.s32 @!p0 s9, s19;
	s11 =	simm.s32 @!p0 $0x5E00  }
0x474: {  	[tilespmem:s11], [sflag:$0x5] =	stream.linear.gather @!p0 [spmem:s10], $0x800, $0x38;
	[tilespmem:$0x1C800] =	vst v63  }
0x475: {  	s10 =	sadd.s32 @!p0 s9, s4;
	s11 =	simm.s32 @!p0 $0x6600  }
0x476: {  	[tilespmem:s11], [sflag:$0x5] =	stream.linear.gather @!p0 [spmem:s10], $0x800, $0x38;
	[tilespmem:$0x1C800] =	vst v63  }
0x477: {  	p1 =	seq.s32 @!p0 s6, $0x0;
	s9 =	sadd.s32 @!p0 s9, s5;
	s10 =	simm.s32 @!p0 $0x6E00  }
0x478: {  	[tilespmem:s10], [sflag:$0x5] =	stream.linear.gather @!p0 [spmem:s9], $0x800, $0x38;
	[tilespmem:$0x1C800] =	vst v63  }
0x479: {  	p0 =	por p0, !p1  }
0x47a: {  	s0 =	simm.s32 @p0 $0x8  }
0x47b: {  	_ =	swait.ge @p0 [sflag:s0], $0x800  }
0x47c: {  	[sflag:s0] =	ssyncset.done @p0 $0x0  }
0x47d: {  	[sflag:s0] =	ssyncadd.s32 @p0 $0xFFFFF800  }
0x47e: {  	_ =	swait.ge @p0 [sflag:s0], $0x800  }
0x47f: {  	[sflag:s0] =	ssyncset.done @p0 $0x0  }
0x480: {  	[sflag:s0] =	ssyncadd.s32 @p0 $0xFFFFF800  }
0x481: {  	_ =	swait.ge @p0 [sflag:s0], $0x800  }
0x482: {  	[sflag:s0] =	ssyncset.done @p0 $0x0  }
0x483: {  	s12 =	simm.s32 $0x0;
	[sflag:s0] =	ssyncadd.s32 @p0 $0xFFFFF800  }
0x484: {  	v11 =	vld [tilespmem:s12+$0xA600];
	_ =	sdelay $0x4  }
0x485: {  	s9 =	simm.s32 $0x10;
	v11 =	vmax.f32 v11, $1.000000000e+00  }
0x486: {  	(erf) = vrcp.f32 v11;
	v11 =	vld [tilespmem:s9+$0xA600];
	_ =	sdelay $0x1  }
0x487: {  	v17 =	vld [tilespmem:s12+$0x8E00]  }
0x488: {  	v14 =	vld [tilespmem:s12+$0x9600]  }
0x489: {  	v19 =	vld [tilespmem:s12+$0x9E00]  }
0x48a: {  	s11 =	simm.s32 $0x20;
	v15 =	vld [tilespmem:s9+$0x9600];
	v11 =	vmax.f32 v11, $1.000000000e+00  }
0x48b: {  	v16 =	vld [tilespmem:s11+$0xA600];
	(erf) = vrcp.f32 v11  }
0x48c: {  	v11 =	vld [tilespmem:s11+$0x8E00]  }
0x48d: {  	v13 =	vld [tilespmem:s11+$0x9600]  }
0x48e: {  	v18 =	vpop (erf)  }
0x48f: {  	s13 =	simm.s32 $0xC0;
	s15 =	simm.s32 $0x4D80;
	s16 =	simm.s32 $0x4B80;
	v12 =	vld [tilespmem:s9+$0x8E00];
	v17 =	vmul.f32 v18, v17;
	v19 =	vmul.f32 v19, v18  }
.LBB2_17:
0x490: {  	s10 =	sshra.s32 s13, $0x2;
	p0 =	sne.s32 s13, $0x1FC0;
	s13 =	sadd.s32 $0x40, s13;
	v22 =	vmax.f32 v16, $1.000000000e+00;
	v21 =	vld [tilespmem:s9+$0x9E00];
	v18 =	vmul.f32 v14, v18;
	v14 =	vmov v15  }
.Ltmp7:
0x491: {  	v16 =	vld [tilespmem:s10+$0xA600];
	(erf) = vrcp.f32 v22;
	[tilespmem:s12+$0xBE00] =	vst v19;
	v20 =	vmov v11;
	(pc) =	sbr.rel @p0 .LBB2_17-.Ltmp7, $4  }
0x492: {  	v11 =	vld [tilespmem:s10+$0x8E00];
	[tilespmem:s12+$0xAE00] =	vst v17;
	v15 =	vmov v13  }
0x493: {  	v13 =	vld [tilespmem:s10+$0x9600];
	[tilespmem:s12+$0xB600] =	vst v18;
	s12 =	smov.u32 s9;
	s9 =	smov.u32 s11;
	s11 =	smov.u32 s10  }
0x494: {  	v18 =	vpop (erf)  }
0x495: {  	v17 =	vmul.f32 v18, v12;
	v19 =	vmul.f32 v21, v18;
	v12 =	vmov v20  }
0x496: {  	v16 =	vmax.f32 v16, $1.000000000e+00  }
0x497: {  	(erf) = vrcp.f32 v16;
	_ =	sdelay $0x1  }
0x498: {  	v60 =	vld [tilespmem:s9+$0x9E00];
	v14 =	vmul.f32 v14, v18;
	[tilespmem:s12+$0xBE00] =	vst v19  }
0x499: {  	[tilespmem:s12+$0xAE00] =	vst v17  }
0x49a: {  	[tilespmem:s12+$0xB600] =	vst v14  }
0x49b: {  	v14 =	vld [tilespmem:s11+$0x9E00]  }
0x49c: {  	v61 =	vpop (erf)  }
0x49d: {  	v16 =	vmul.f32 v60, v61  }
0x49e: {  	v12 =	vmul.f32 v61, v12  }
0x49f: {  	v15 =	vmul.f32 v15, v61;
	[tilespmem:s9+$0xBE00] =	vst v16;
	v62 =	vpop (erf)  }
0x4a0: {  	[tilespmem:s9+$0xAE00] =	vst v12;
	v63 =	vmul.f32 v14, v62  }
0x4a1: {  	[tilespmem:s9+$0xB600] =	vst v15;
	v11 =	vmul.f32 v62, v11  }
0x4a2: {  	s0 =	sor.u32 s2, s8;
	v13 =	vmul.f32 v13, v62;
	[tilespmem:s11+$0xBE00] =	vst v63  }
0x4a3: {  	s10 =	sor.u32 s14, s8;
	s6 =	sadd.s32 $0x1, s6;
	s9 =	sshrl.u32 s0, $0x3;
	[tilespmem:s11+$0xAE00] =	vst v11  }
0x4a4: {  	p0 =	sne.s32 s6, $0x4;
	s0 =	simm.s32 $0xAE00;
	s9 =	sadd.s32 s1, s9;
	[tilespmem:s11+$0xB600] =	vst v13  }
0x4a5: {  	[hbm4b:s9+s7] =	stream.linear.scatter [tilespmem:s0], [sflag:$0x8], $0x800, $0x38;
	[tilespmem:$0x1C800] =	vst v63  }
.Ltmp8:
0x4a6: {  	s12 =	sor.u32 s3, s8;
	s9 =	sshrl.u32 s10, $0x3;
	(pc) =	sbr.rel @p0 .LBB2_14-.Ltmp8, $4  }
0x4a7: {  	s8 =	sshrl.u32 s12, $0x3;
	s11 =	simm.s32 $0xB600;
	s9 =	sadd.s32 s1, s9  }
0x4a8: {  	[hbm4b:s9+s7] =	stream.linear.scatter [tilespmem:s11], [sflag:$0x8], $0x800, $0x38;
	[tilespmem:$0x1C800] =	vst v63  }
0x4a9: {  	s13 =	simm.s32 $0xBE00;
	s8 =	sadd.s32 s1, s8  }
0x4aa: {  	[hbm4b:s8+s7] =	stream.linear.scatter [tilespmem:s13], [sflag:$0x8], $0x800, $0x38;
	[tilespmem:$0x1C800] =	vst v63  }
0x4ab: {  	s0 =	simm.s32 $0x7  }
0x4ac: {  	_ =	swait.ge [sflag:s0], $0x800  }
0x4ad: {  	[sflag:s0] =	ssyncset.done $0x0  }
0x4ae: {  	[sflag:s0] =	ssyncadd.s32 $0xFFFFF800  }
0x4af: {  	_ =	swait.ge [sflag:s0], $0x800  }
0x4b0: {  	[sflag:s0] =	ssyncset.done $0x0  }
0x4b1: {  	[sflag:s0] =	ssyncadd.s32 $0xFFFFF800  }
0x4b2: {  	_ =	swait.ge [sflag:s0], $0x800  }
0x4b3: {  	[sflag:s0] =	ssyncset.done $0x0  }
0x4b4: {  	s6 =	simm.s32 $0x8;
	[sflag:s0] =	ssyncadd.s32 $0xFFFFF800  }
0x4b5: {  	_ =	swait.ge [sflag:s6], $0x800  }
0x4b6: {  	[sflag:s6] =	ssyncset.done $0x0  }
0x4b7: {  	[sflag:s6] =	ssyncadd.s32 $0xFFFFF800  }
0x4b8: {  	_ =	swait.ge [sflag:s6], $0x800  }
0x4b9: {  	[sflag:s6] =	ssyncset.done $0x0  }
0x4ba: {  	[sflag:s6] =	ssyncadd.s32 $0xFFFFF800  }
0x4bb: {  	_ =	swait.ge [sflag:s6], $0x800  }
0x4bc: {  	s8 =	sld [smem:$0x7EA];
	_ =	sdelay $0x2  }
0x4bd: {  	s14 =	rddreg [dreg:$0x10];
	s8 =	sadd.s32 $0x1, s8  }
0x4be: {  	p0 =	sne.s32 s8, s14  }
.Ltmp9:
0x4bf: {  	_ = 	snop;
	(pc) =	sbr.rel @p0 .LBB2_1-.Ltmp9, $4  }
0x4c0: {  	_ = 	snop  }
0x4c1: {  	s7 =	simm.s32 $0x1880;
	s9 =	simm.s32 $0x3100  }
0x4c2: {  	s10 =	simm.s32 $0x4980;
	s11 =	simm.s32 $0x4A00;
	[sflag:s6] =	ssyncset.done $0x0  }
0x4c3: {  	s12 =	simm.s32 $0x4A80;
	s13 =	simm.s32 $0x4B00;
	[sflag:s6] =	ssyncadd.s32 $0xFFFFF800  }
0x4c4: {  	_ =	sfence.sel $0x180000  }
0x4c5: {  	[bflag:$0x0] =	sbarrier.arrive $0xFFFF  }
0x4c6: {  	_ =	strace $0x90000047  }
0x4c7: {  	s0 =	stileid.u32;
	[bflag:$0x2] =	sbarrier.arrive $0xFFFF  }
0x4c8: {  	p0 =	sne.s32 s0, $0x0;
	s0 =	rddreg [dreg:$0x6]  }
0x4c9: {  	s0 =	sadd.s32 @!p0 $0x100000, s0  }
0x4ca: {  	[sflag:s0] =	ssyncadd.tile.s32 @!p0 $0x1;
	_ =	shalt  }
.Lfunc_end2:
_tile_overlayer_lowered:
.L_overlay_start_2:
0x4cb: {  	(tag) =	ssettag $0x2  }
0x4cc: {  	s0 =	rddreg [dreg:$0x0];
	s2 =	stileid.u32  }
0x4cd: {  	s1 =	rddreg [dreg:$0x1];
	p0 =	sne.s32 s2, $0x0  }
0x4ce: {  	s3 =	rddreg [dreg:$0x2];
	[bflag:$0x3] =	sbarrier.arrive $0xFFFF;
	s2 =	simm.s32 @!p0 $0x1C09  }
0x4cf: {  	[timem:s3], [sflag:s2] =	dma.local @!p0 [hbm:s0], s1  }
0x4d0: {  	s0 =	simm.s32 @!p0 $0x9  }
0x4d1: {  	_ =	swait.ge @!p0 [sflag:s0], s1  }
0x4d2: {  	s1 =	ssub.s32 @!p0 $0x0, s1;
	[sflag:s0] =	ssyncset.done @!p0 $0x0  }
0x4d3: {  	[sflag:s0] =	ssyncadd.s32 @!p0 s1  }
0x4d4: {  	[bflag:$0x3] =	sbarrier.arrive $0xFFFF  }
0x4d5: {  	_ =	shalt  }

</sc_bundles>
